<compile_context>
chip_gen: v7x
topology: tpu7x:2x2x1
jax: 0.10.2.dev20260603
libtpu: 0.0.44.dev20260713+nightly
codegen_flags: <defaults>
</compile_context>

<pallas_src>
import jax
import jax.numpy as jnp
from jax import lax
from jax.experimental import pallas as pl
from jax.experimental.pallas import tpu as pltpu
from jax.experimental.pallas import tpu_sc as plsc

B = 4096
S = 200
D = 64
NC = 2
NS = 16
NW = NC * NS
BT = B // NW
ST = S // 8
DT = D // 8
NBUF = 4
LANES = 16


def _body(idx_hbm, table_hbm, pos_hbm, out_hbm, idx_v, pos_v, *bufs):
    rows = bufs[0:NBUF]
    tbufs = bufs[NBUF:2 * NBUF]
    gsems = bufs[2 * NBUF:3 * NBUF]
    wsems = bufs[3 * NBUF:4 * NBUF]

    wid = lax.axis_index("s") * NC + lax.axis_index("c")
    pltpu.sync_copy(pos_hbm.at[pl.ds(0, S)], pos_v)
    pltpu.sync_copy(idx_hbm.at[:, wid], idx_v)

    def wait_gather(b):
        pltpu.make_async_copy(table_hbm.at[pl.ds(0, BT)], rows[b],
                              gsems[b]).wait()

    def wait_write(b):
        pltpu.make_async_copy(tbufs[b].at[:, :, pl.ds(0, 128)],
                              out_hbm.at[0, :, 0], wsems[b]).wait()

    def start_gather(b, s):
        pltpu.async_copy(table_hbm.at[idx_v.at[s // 8, s % 8]],
                         rows[b], gsems[b])

    for b in range(NBUF):
        start_gather(b, b)

    iota = lax.iota(jnp.int32, LANES)
    zerov = iota * 0
    dts = [(iota + c * LANES) // 8 for c in range(D // LANES)]
    dls = [(iota + c * LANES) % 8 for c in range(D // LANES)]

    @pl.loop(0, S, step=NBUF)
    def _grp(s0):
        for b in range(NBUF):
            s = s0 + b
            wait_gather(b)

            pv = [pos_v[s, pl.ds(c * LANES, LANES)] for c in range(D // LANES)]

            @plsc.parallel_loop(0, BT, unroll=16)
            def _r(r):
                bl = zerov + r
                for c in range(D // LANES):
                    v = rows[b][r, pl.ds(c * LANES, LANES)]
                    plsc.store_scatter(tbufs[b], [dts[c], dls[c], bl],
                                       v + pv[c])

            pltpu.async_copy(tbufs[b].at[:, :, pl.ds(0, 128)],
                             out_hbm.at[s, :, wid], wsems[b])

            @pl.when(s + NBUF < S)
            def _():
                wait_write(b)
                start_gather(b, s + NBUF)

    for b in range(NBUF):
        wait_write(b)


@jax.jit
def kernel(x, table, pos_encoding):
    idx4 = x.astype(jnp.int32).reshape(NW, BT, ST, 8).transpose(2, 0, 3, 1)
    mesh = plsc.VectorSubcoreMesh(core_axis_name="c", subcore_axis_name="s")
    y = pl.kernel(
        _body,
        out_type=jax.ShapeDtypeStruct((S, DT, NW, 8, 128), jnp.float32),
        mesh=mesh,
        compiler_params=pltpu.CompilerParams(use_tc_tiling_on_sc=False,
                                             needs_layout_passes=False),
        scratch_types=[
            pltpu.VMEM((ST, 8, 128), jnp.int32),
            pltpu.VMEM((S, D), jnp.float32),
        ] + [pltpu.VMEM((BT, D), jnp.float32) for _ in range(NBUF)]
          + [pltpu.VMEM((DT, 8, 129), jnp.float32) for _ in range(NBUF)]
          + [pltpu.SemaphoreType.DMA for _ in range(2 * NBUF)],
    )(idx4, table, pos_encoding)
    return y.transpose(2, 4, 0, 1, 3).reshape(B, S, D)

# --- scband reference (transcript-rebuilt; emitter-appended) ---
"""Pipeline reference for scband-transformer-embedding-18150531793343 (READ-ONLY COPY).

The authoritative reference and input builder live on the scoring server;
editing this copy changes nothing except your own understanding.
"""

import jax, jax.numpy as jnp
import numpy as np

VOCAB = 100000
DIM = 64
MAX_LEN = 512
BATCH = 4096
SEQ = 200


def _positional_encoding(max_len, dim):
    position = np.arange(max_len, dtype=np.float32)[:, None]
    _2i = np.arange(0, dim, 2, dtype=np.float32)
    enc = np.zeros((max_len, dim), dtype=np.float32)
    enc[:, 0::2] = np.sin(position / np.power(10000.0, _2i / dim))
    enc[:, 1::2] = np.cos(position / np.power(10000.0, _2i / dim))
    return jnp.asarray(enc)


def setup_inputs(seed: int = 0) -> dict:
    key = jax.random.key(seed)
    k1, k2 = jax.random.split(key)
    x = jax.random.randint(k1, (BATCH, SEQ), 0, VOCAB)
    # token embedding table; padding_idx=0 row is zeroed as in nn.Embedding(padding_idx=0)
    table = jax.random.normal(k2, (VOCAB, DIM), dtype=jnp.float32)
    table = table.at[0].set(0.0)
    pos_encoding = _positional_encoding(MAX_LEN, DIM)
    return {"x": x, "table": table, "pos_encoding": pos_encoding}


def reference(x, table, pos_encoding):
    # TokenEmbedding: gather rows from the table
    tok = jnp.take(table, x, axis=0)  # [B, S, D]
    # PositionalEmbedding: sinusoidal encoding sliced to seq_len, broadcast over batch
    seq_len = x.shape[1]
    pos = pos_encoding[:seq_len, :]  # [S, D]
    return tok + pos

if __name__ == "__main__":
    import jax
    _d = setup_inputs()
    print(jax.jit(kernel)(*tuple(_d.values())))

</pallas_src>

<mosaic_0001>
#map = affine_map<(d0, d1) -> (0, 0, 0, 0)>
#map1 = affine_map<(d0, d1) -> (0, 0)>
#map2 = affine_map<(d0, d1) -> (0, 0, 0, 0, 0)>
module attributes {stable_mosaic.version = 14 : i64} {
  func.func @_body(%arg0: i32, %arg1: i32, %arg2: memref<25x32x8x128xi32, #tpu.memory_space<hbm>>, %arg3: memref<100000x64xf32, #tpu.memory_space<hbm>>, %arg4: memref<512x64xf32, #tpu.memory_space<hbm>>, %arg5: memref<200x8x32x8x128xf32, #tpu.memory_space<hbm>>, %arg6: memref<25x8x128xi32, #tpu.memory_space<vmem>>, %arg7: memref<200x64xf32, #tpu.memory_space<vmem>>, %arg8: memref<128x64xf32, #tpu.memory_space<vmem>>, %arg9: memref<128x64xf32, #tpu.memory_space<vmem>>, %arg10: memref<128x64xf32, #tpu.memory_space<vmem>>, %arg11: memref<128x64xf32, #tpu.memory_space<vmem>>, %arg12: memref<8x8x129xf32, #tpu.memory_space<vmem>>, %arg13: memref<8x8x129xf32, #tpu.memory_space<vmem>>, %arg14: memref<8x8x129xf32, #tpu.memory_space<vmem>>, %arg15: memref<8x8x129xf32, #tpu.memory_space<vmem>>, %arg16: memref<!tpu.dma_semaphore, #tpu.memory_space<semaphore_mem>>, %arg17: memref<!tpu.dma_semaphore, #tpu.memory_space<semaphore_mem>>, %arg18: memref<!tpu.dma_semaphore, #tpu.memory_space<semaphore_mem>>, %arg19: memref<!tpu.dma_semaphore, #tpu.memory_space<semaphore_mem>>, %arg20: memref<!tpu.dma_semaphore, #tpu.memory_space<semaphore_mem>>, %arg21: memref<!tpu.dma_semaphore, #tpu.memory_space<semaphore_mem>>, %arg22: memref<!tpu.dma_semaphore, #tpu.memory_space<semaphore_mem>>, %arg23: memref<!tpu.dma_semaphore, #tpu.memory_space<semaphore_mem>>) attributes {dimension_semantics = [#tpu.dimension_semantics<core_parallel>, #tpu.dimension_semantics<subcore_parallel>], iteration_bounds = array<i64: 2, 16>, scalar_prefetch = 0 : i64, scratch_operands = 18 : i64, tpu.core_type = #tpu.core_type<sc_vector_subcore>, window_params = [{transform_indices = #map}, {transform_indices = #map1}, {transform_indices = #map1}, {transform_indices = #map2}]} {
    %mul3A = arith.constant 2 : i32
    %mul3A_0 = arith.muli %arg1, %mul3A : i32
    %add3A = arith.addi %mul3A_0, %arg0 : i32
    "tpu.region"() ({
      %run_scoped3A = tpu.sem_alloc : memref<!tpu.dma_semaphore, #tpu.memory_space<semaphore_mem>>
      %dma_start3A_344 = arith.constant 0 : i32
      %dma_start3A_345 = arith.constant 0 : i32
      %dma_start3A_346 = tpu.memref_slice %arg4[%dma_start3A_344, %dma_start3A_345] : memref<512x64xf32, #tpu.memory_space<hbm>> -> memref<200x64xf32, #tpu.memory_space<hbm>>
      %dma_start3A_347 = arith.constant 0 : i32
      %dma_start3A_348 = arith.constant 0 : i32
      %dma_start3A_349 = tpu.memref_slice %arg4[%dma_start3A_347, %dma_start3A_348] : memref<512x64xf32, #tpu.memory_space<hbm>> -> memref<200x64xf32, #tpu.memory_space<hbm>>
      tpu.enqueue_dma source(%dma_start3A_349 : memref<200x64xf32, #tpu.memory_space<hbm>>) target(%arg7 : memref<200x64xf32, #tpu.memory_space<vmem>>) target_semaphore(%run_scoped3A : memref<!tpu.dma_semaphore, #tpu.memory_space<semaphore_mem>>)
      %dma_wait3A_350 = arith.constant 0 : i32
      %dma_wait3A_351 = arith.constant 0 : i32
      %dma_wait3A_352 = tpu.memref_slice %arg4[%dma_wait3A_350, %dma_wait3A_351] : memref<512x64xf32, #tpu.memory_space<hbm>> -> memref<200x64xf32, #tpu.memory_space<hbm>>
      %dma_wait3A_353 = arith.constant 0 : i32
      %dma_wait3A_354 = arith.constant 0 : i32
      %dma_wait3A_355 = tpu.memref_slice %arg4[%dma_wait3A_353, %dma_wait3A_354] : memref<512x64xf32, #tpu.memory_space<hbm>> -> memref<200x64xf32, #tpu.memory_space<hbm>>
      tpu.wait_dma2 semaphore(%run_scoped3A : memref<!tpu.dma_semaphore, #tpu.memory_space<semaphore_mem>>) src(%dma_wait3A_355 : memref<200x64xf32, #tpu.memory_space<hbm>>) dst(%arg7 : memref<200x64xf32, #tpu.memory_space<vmem>>)
      tpu.yield
    }) : () -> ()
    "tpu.region"() ({
      %run_scoped3A = tpu.sem_alloc : memref<!tpu.dma_semaphore, #tpu.memory_space<semaphore_mem>>
      %dma_start3A_344 = arith.constant 0 : i32
      %dma_start3A_345 = arith.constant 0 : i32
      %dma_start3A_346 = arith.constant 0 : i32
      %dma_start3A_347 = tpu.memref_slice %arg2[%dma_start3A_344, %add3A, %dma_start3A_345, %dma_start3A_346] : memref<25x32x8x128xi32, #tpu.memory_space<hbm>> -> memref<25x1x8x128xi32, #tpu.memory_space<hbm>>
      %dma_start3A_348 = tpu.memref_squeeze %dma_start3A_347 : memref<25x1x8x128xi32, #tpu.memory_space<hbm>> -> memref<25x8x128xi32, #tpu.memory_space<hbm>>
      %dma_start3A_349 = arith.constant 0 : i32
      %dma_start3A_350 = arith.constant 0 : i32
      %dma_start3A_351 = arith.constant 0 : i32
      %dma_start3A_352 = tpu.memref_slice %arg2[%dma_start3A_349, %add3A, %dma_start3A_350, %dma_start3A_351] : memref<25x32x8x128xi32, #tpu.memory_space<hbm>> -> memref<25x1x8x128xi32, #tpu.memory_space<hbm>>
      %dma_start3A_353 = tpu.memref_squeeze %dma_start3A_352 : memref<25x1x8x128xi32, #tpu.memory_space<hbm>> -> memref<25x8x128xi32, #tpu.memory_space<hbm>>
      tpu.enqueue_dma source(%dma_start3A_353 : memref<25x8x128xi32, #tpu.memory_space<hbm>>) target(%arg6 : memref<25x8x128xi32, #tpu.memory_space<vmem>>) target_semaphore(%run_scoped3A : memref<!tpu.dma_semaphore, #tpu.memory_space<semaphore_mem>>)
      %dma_wait3A_354 = arith.constant 0 : i32
      %dma_wait3A_355 = arith.constant 0 : i32
      %dma_wait3A_356 = arith.constant 0 : i32
      %dma_wait3A_357 = tpu.memref_slice %arg2[%dma_wait3A_354, %add3A, %dma_wait3A_355, %dma_wait3A_356] : memref<25x32x8x128xi32, #tpu.memory_space<hbm>> -> memref<25x1x8x128xi32, #tpu.memory_space<hbm>>
      %dma_wait3A_358 = tpu.memref_squeeze %dma_wait3A_357 : memref<25x1x8x128xi32, #tpu.memory_space<hbm>> -> memref<25x8x128xi32, #tpu.memory_space<hbm>>
      %dma_wait3A_359 = arith.constant 0 : i32
      %dma_wait3A_360 = arith.constant 0 : i32
      %dma_wait3A_361 = arith.constant 0 : i32
      %dma_wait3A_362 = tpu.memref_slice %arg2[%dma_wait3A_359, %add3A, %dma_wait3A_360, %dma_wait3A_361] : memref<25x32x8x128xi32, #tpu.memory_space<hbm>> -> memref<25x1x8x128xi32, #tpu.memory_space<hbm>>
      %dma_wait3A_363 = tpu.memref_squeeze %dma_wait3A_362 : memref<25x1x8x128xi32, #tpu.memory_space<hbm>> -> memref<25x8x128xi32, #tpu.memory_space<hbm>>
      tpu.wait_dma2 semaphore(%run_scoped3A : memref<!tpu.dma_semaphore, #tpu.memory_space<semaphore_mem>>) src(%dma_wait3A_363 : memref<25x8x128xi32, #tpu.memory_space<hbm>>) dst(%arg6 : memref<25x8x128xi32, #tpu.memory_space<vmem>>)
      tpu.yield
    }) : () -> ()
    %dma_start3A = arith.constant 0 : i32
    %dma_start3A_1 = arith.constant 0 : i32
    %dma_start3A_2 = arith.constant 0 : i32
    %dma_start3A_3 = tpu.memref_slice %arg6[%dma_start3A, %dma_start3A_1, %dma_start3A_2] : memref<25x8x128xi32, #tpu.memory_space<vmem>> -> memref<1x1x128xi32, #tpu.memory_space<vmem>>
    %dma_start3A_4 = tpu.memref_squeeze %dma_start3A_3 : memref<1x1x128xi32, #tpu.memory_space<vmem>> -> memref<128xi32, #tpu.memory_space<vmem>>
    %dma_start3A_5 = arith.constant 0 : i32
    %dma_start3A_6 = arith.constant 0 : i32
    %dma_start3A_7 = tpu.memref_slice %arg3[%dma_start3A_5, %dma_start3A_6] : memref<100000x64xf32, #tpu.memory_space<hbm>> -> memref<100000x64xf32, #tpu.memory_space<hbm>>
    tpu.enqueue_indirect_dma source(%dma_start3A_7 : memref<100000x64xf32, #tpu.memory_space<hbm>>) target(%arg8 : memref<128x64xf32, #tpu.memory_space<vmem>>) offsets(%dma_start3A_4 : memref<128xi32, #tpu.memory_space<vmem>>) semaphore(%arg16 : memref<!tpu.dma_semaphore, #tpu.memory_space<semaphore_mem>>)
    %dma_start3A_8 = arith.constant 0 : i32
    %dma_start3A_9 = arith.constant 1 : i32
    %dma_start3A_10 = arith.constant 0 : i32
    %dma_start3A_11 = tpu.memref_slice %arg6[%dma_start3A_8, %dma_start3A_9, %dma_start3A_10] : memref<25x8x128xi32, #tpu.memory_space<vmem>> -> memref<1x1x128xi32, #tpu.memory_space<vmem>>
    %dma_start3A_12 = tpu.memref_squeeze %dma_start3A_11 : memref<1x1x128xi32, #tpu.memory_space<vmem>> -> memref<128xi32, #tpu.memory_space<vmem>>
    %dma_start3A_13 = arith.constant 0 : i32
    %dma_start3A_14 = arith.constant 0 : i32
    %dma_start3A_15 = tpu.memref_slice %arg3[%dma_start3A_13, %dma_start3A_14] : memref<100000x64xf32, #tpu.memory_space<hbm>> -> memref<100000x64xf32, #tpu.memory_space<hbm>>
    tpu.enqueue_indirect_dma source(%dma_start3A_15 : memref<100000x64xf32, #tpu.memory_space<hbm>>) target(%arg9 : memref<128x64xf32, #tpu.memory_space<vmem>>) offsets(%dma_start3A_12 : memref<128xi32, #tpu.memory_space<vmem>>) semaphore(%arg17 : memref<!tpu.dma_semaphore, #tpu.memory_space<semaphore_mem>>)
    %dma_start3A_16 = arith.constant 0 : i32
    %dma_start3A_17 = arith.constant 2 : i32
    %dma_start3A_18 = arith.constant 0 : i32
    %dma_start3A_19 = tpu.memref_slice %arg6[%dma_start3A_16, %dma_start3A_17, %dma_start3A_18] : memref<25x8x128xi32, #tpu.memory_space<vmem>> -> memref<1x1x128xi32, #tpu.memory_space<vmem>>
    %dma_start3A_20 = tpu.memref_squeeze %dma_start3A_19 : memref<1x1x128xi32, #tpu.memory_space<vmem>> -> memref<128xi32, #tpu.memory_space<vmem>>
    %dma_start3A_21 = arith.constant 0 : i32
    %dma_start3A_22 = arith.constant 0 : i32
    %dma_start3A_23 = tpu.memref_slice %arg3[%dma_start3A_21, %dma_start3A_22] : memref<100000x64xf32, #tpu.memory_space<hbm>> -> memref<100000x64xf32, #tpu.memory_space<hbm>>
    tpu.enqueue_indirect_dma source(%dma_start3A_23 : memref<100000x64xf32, #tpu.memory_space<hbm>>) target(%arg10 : memref<128x64xf32, #tpu.memory_space<vmem>>) offsets(%dma_start3A_20 : memref<128xi32, #tpu.memory_space<vmem>>) semaphore(%arg18 : memref<!tpu.dma_semaphore, #tpu.memory_space<semaphore_mem>>)
    %dma_start3A_24 = arith.constant 0 : i32
    %dma_start3A_25 = arith.constant 3 : i32
    %dma_start3A_26 = arith.constant 0 : i32
    %dma_start3A_27 = tpu.memref_slice %arg6[%dma_start3A_24, %dma_start3A_25, %dma_start3A_26] : memref<25x8x128xi32, #tpu.memory_space<vmem>> -> memref<1x1x128xi32, #tpu.memory_space<vmem>>
    %dma_start3A_28 = tpu.memref_squeeze %dma_start3A_27 : memref<1x1x128xi32, #tpu.memory_space<vmem>> -> memref<128xi32, #tpu.memory_space<vmem>>
    %dma_start3A_29 = arith.constant 0 : i32
    %dma_start3A_30 = arith.constant 0 : i32
    %dma_start3A_31 = tpu.memref_slice %arg3[%dma_start3A_29, %dma_start3A_30] : memref<100000x64xf32, #tpu.memory_space<hbm>> -> memref<100000x64xf32, #tpu.memory_space<hbm>>
    tpu.enqueue_indirect_dma source(%dma_start3A_31 : memref<100000x64xf32, #tpu.memory_space<hbm>>) target(%arg11 : memref<128x64xf32, #tpu.memory_space<vmem>>) offsets(%dma_start3A_28 : memref<128xi32, #tpu.memory_space<vmem>>) semaphore(%arg19 : memref<!tpu.dma_semaphore, #tpu.memory_space<semaphore_mem>>)
    %iota3A = tpu.iota {dimensions = array<i32: 0>} : vector<16xi32>
    %mul3A_32 = arith.constant 0 : i32
    %mul3A_33 = vector.broadcast %mul3A_32 : i32 to vector<16xi32>
    %mul3A_34 = arith.muli %iota3A, %mul3A_33 : vector<16xi32>
    %add3A_35 = arith.constant 0 : i32
    %add3A_36 = vector.broadcast %add3A_35 : i32 to vector<16xi32>
    %add3A_37 = arith.addi %iota3A, %add3A_36 : vector<16xi32>
    %jit3A = arith.constant 8 : i32
    %div3A = vector.broadcast %jit3A : i32 to vector<16xi32>
    %div3A_38 = arith.divsi %add3A_37, %div3A : vector<16xi32>
    %sign3A = arith.constant 0 : i32
    %sign3A_39 = vector.broadcast %sign3A : i32 to vector<16xi32>
    %sign3A_40 = arith.cmpi sgt, %add3A_37, %sign3A_39 : vector<16xi32>
    %sign3A_41 = arith.extui %sign3A_40 : vector<16xi1> to vector<16xi32>
    %sign3A_42 = arith.constant 0 : i32
    %sign3A_43 = vector.broadcast %sign3A_42 : i32 to vector<16xi32>
    %sign3A_44 = arith.cmpi slt, %add3A_37, %sign3A_43 : vector<16xi32>
    %sign3A_45 = arith.extui %sign3A_44 : vector<16xi1> to vector<16xi32>
    %sign3A_46 = arith.subi %sign3A_41, %sign3A_45 : vector<16xi32>
    %sign3A_47 = arith.constant 0 : i32
    %sign3A_48 = arith.cmpi sgt, %jit3A, %sign3A_47 : i32
    %sign3A_49 = arith.extui %sign3A_48 : i1 to i32
    %sign3A_50 = arith.constant 0 : i32
    %sign3A_51 = arith.cmpi slt, %jit3A, %sign3A_50 : i32
    %sign3A_52 = arith.extui %sign3A_51 : i1 to i32
    %sign3A_53 = arith.subi %sign3A_49, %sign3A_52 : i32
    %ne3A = vector.broadcast %sign3A_53 : i32 to vector<16xi32>
    %ne3A_54 = arith.cmpi ne, %sign3A_46, %ne3A : vector<16xi32>
    %rem3A = vector.broadcast %jit3A : i32 to vector<16xi32>
    %rem3A_55 = arith.remsi %add3A_37, %rem3A : vector<16xi32>
    %ne3A_56 = arith.constant 0 : i32
    %ne3A_57 = vector.broadcast %ne3A_56 : i32 to vector<16xi32>
    %ne3A_58 = arith.cmpi ne, %rem3A_55, %ne3A_57 : vector<16xi32>
    %and3A = arith.andi %ne3A_54, %ne3A_58 : vector<16xi1>
    %sub3A = arith.constant 1 : i32
    %sub3A_59 = vector.broadcast %sub3A : i32 to vector<16xi32>
    %sub3A_60 = arith.subi %div3A_38, %sub3A_59 : vector<16xi32>
    %select_n3A = arith.select %and3A, %sub3A_60, %div3A_38 : vector<16xi1>, vector<16xi32>
    %add3A_61 = arith.constant 16 : i32
    %add3A_62 = vector.broadcast %add3A_61 : i32 to vector<16xi32>
    %add3A_63 = arith.addi %iota3A, %add3A_62 : vector<16xi32>
    %jit3A_64 = arith.constant 8 : i32
    %div3A_65 = vector.broadcast %jit3A_64 : i32 to vector<16xi32>
    %div3A_66 = arith.divsi %add3A_63, %div3A_65 : vector<16xi32>
    %sign3A_67 = arith.constant 0 : i32
    %sign3A_68 = vector.broadcast %sign3A_67 : i32 to vector<16xi32>
    %sign3A_69 = arith.cmpi sgt, %add3A_63, %sign3A_68 : vector<16xi32>
    %sign3A_70 = arith.extui %sign3A_69 : vector<16xi1> to vector<16xi32>
    %sign3A_71 = arith.constant 0 : i32
    %sign3A_72 = vector.broadcast %sign3A_71 : i32 to vector<16xi32>
    %sign3A_73 = arith.cmpi slt, %add3A_63, %sign3A_72 : vector<16xi32>
    %sign3A_74 = arith.extui %sign3A_73 : vector<16xi1> to vector<16xi32>
    %sign3A_75 = arith.subi %sign3A_70, %sign3A_74 : vector<16xi32>
    %sign3A_76 = arith.constant 0 : i32
    %sign3A_77 = arith.cmpi sgt, %jit3A_64, %sign3A_76 : i32
    %sign3A_78 = arith.extui %sign3A_77 : i1 to i32
    %sign3A_79 = arith.constant 0 : i32
    %sign3A_80 = arith.cmpi slt, %jit3A_64, %sign3A_79 : i32
    %sign3A_81 = arith.extui %sign3A_80 : i1 to i32
    %sign3A_82 = arith.subi %sign3A_78, %sign3A_81 : i32
    %ne3A_83 = vector.broadcast %sign3A_82 : i32 to vector<16xi32>
    %ne3A_84 = arith.cmpi ne, %sign3A_75, %ne3A_83 : vector<16xi32>
    %rem3A_85 = vector.broadcast %jit3A_64 : i32 to vector<16xi32>
    %rem3A_86 = arith.remsi %add3A_63, %rem3A_85 : vector<16xi32>
    %ne3A_87 = arith.constant 0 : i32
    %ne3A_88 = vector.broadcast %ne3A_87 : i32 to vector<16xi32>
    %ne3A_89 = arith.cmpi ne, %rem3A_86, %ne3A_88 : vector<16xi32>
    %and3A_90 = arith.andi %ne3A_84, %ne3A_89 : vector<16xi1>
    %sub3A_91 = arith.constant 1 : i32
    %sub3A_92 = vector.broadcast %sub3A_91 : i32 to vector<16xi32>
    %sub3A_93 = arith.subi %div3A_66, %sub3A_92 : vector<16xi32>
    %select_n3A_94 = arith.select %and3A_90, %sub3A_93, %div3A_66 : vector<16xi1>, vector<16xi32>
    %add3A_95 = arith.constant 32 : i32
    %add3A_96 = vector.broadcast %add3A_95 : i32 to vector<16xi32>
    %add3A_97 = arith.addi %iota3A, %add3A_96 : vector<16xi32>
    %jit3A_98 = arith.constant 8 : i32
    %div3A_99 = vector.broadcast %jit3A_98 : i32 to vector<16xi32>
    %div3A_100 = arith.divsi %add3A_97, %div3A_99 : vector<16xi32>
    %sign3A_101 = arith.constant 0 : i32
    %sign3A_102 = vector.broadcast %sign3A_101 : i32 to vector<16xi32>
    %sign3A_103 = arith.cmpi sgt, %add3A_97, %sign3A_102 : vector<16xi32>
    %sign3A_104 = arith.extui %sign3A_103 : vector<16xi1> to vector<16xi32>
    %sign3A_105 = arith.constant 0 : i32
    %sign3A_106 = vector.broadcast %sign3A_105 : i32 to vector<16xi32>
    %sign3A_107 = arith.cmpi slt, %add3A_97, %sign3A_106 : vector<16xi32>
    %sign3A_108 = arith.extui %sign3A_107 : vector<16xi1> to vector<16xi32>
    %sign3A_109 = arith.subi %sign3A_104, %sign3A_108 : vector<16xi32>
    %sign3A_110 = arith.constant 0 : i32
    %sign3A_111 = arith.cmpi sgt, %jit3A_98, %sign3A_110 : i32
    %sign3A_112 = arith.extui %sign3A_111 : i1 to i32
    %sign3A_113 = arith.constant 0 : i32
    %sign3A_114 = arith.cmpi slt, %jit3A_98, %sign3A_113 : i32
    %sign3A_115 = arith.extui %sign3A_114 : i1 to i32
    %sign3A_116 = arith.subi %sign3A_112, %sign3A_115 : i32
    %ne3A_117 = vector.broadcast %sign3A_116 : i32 to vector<16xi32>
    %ne3A_118 = arith.cmpi ne, %sign3A_109, %ne3A_117 : vector<16xi32>
    %rem3A_119 = vector.broadcast %jit3A_98 : i32 to vector<16xi32>
    %rem3A_120 = arith.remsi %add3A_97, %rem3A_119 : vector<16xi32>
    %ne3A_121 = arith.constant 0 : i32
    %ne3A_122 = vector.broadcast %ne3A_121 : i32 to vector<16xi32>
    %ne3A_123 = arith.cmpi ne, %rem3A_120, %ne3A_122 : vector<16xi32>
    %and3A_124 = arith.andi %ne3A_118, %ne3A_123 : vector<16xi1>
    %sub3A_125 = arith.constant 1 : i32
    %sub3A_126 = vector.broadcast %sub3A_125 : i32 to vector<16xi32>
    %sub3A_127 = arith.subi %div3A_100, %sub3A_126 : vector<16xi32>
    %select_n3A_128 = arith.select %and3A_124, %sub3A_127, %div3A_100 : vector<16xi1>, vector<16xi32>
    %add3A_129 = arith.constant 48 : i32
    %add3A_130 = vector.broadcast %add3A_129 : i32 to vector<16xi32>
    %add3A_131 = arith.addi %iota3A, %add3A_130 : vector<16xi32>
    %jit3A_132 = arith.constant 8 : i32
    %div3A_133 = vector.broadcast %jit3A_132 : i32 to vector<16xi32>
    %div3A_134 = arith.divsi %add3A_131, %div3A_133 : vector<16xi32>
    %sign3A_135 = arith.constant 0 : i32
    %sign3A_136 = vector.broadcast %sign3A_135 : i32 to vector<16xi32>
    %sign3A_137 = arith.cmpi sgt, %add3A_131, %sign3A_136 : vector<16xi32>
    %sign3A_138 = arith.extui %sign3A_137 : vector<16xi1> to vector<16xi32>
    %sign3A_139 = arith.constant 0 : i32
    %sign3A_140 = vector.broadcast %sign3A_139 : i32 to vector<16xi32>
    %sign3A_141 = arith.cmpi slt, %add3A_131, %sign3A_140 : vector<16xi32>
    %sign3A_142 = arith.extui %sign3A_141 : vector<16xi1> to vector<16xi32>
    %sign3A_143 = arith.subi %sign3A_138, %sign3A_142 : vector<16xi32>
    %sign3A_144 = arith.constant 0 : i32
    %sign3A_145 = arith.cmpi sgt, %jit3A_132, %sign3A_144 : i32
    %sign3A_146 = arith.extui %sign3A_145 : i1 to i32
    %sign3A_147 = arith.constant 0 : i32
    %sign3A_148 = arith.cmpi slt, %jit3A_132, %sign3A_147 : i32
    %sign3A_149 = arith.extui %sign3A_148 : i1 to i32
    %sign3A_150 = arith.subi %sign3A_146, %sign3A_149 : i32
    %ne3A_151 = vector.broadcast %sign3A_150 : i32 to vector<16xi32>
    %ne3A_152 = arith.cmpi ne, %sign3A_143, %ne3A_151 : vector<16xi32>
    %rem3A_153 = vector.broadcast %jit3A_132 : i32 to vector<16xi32>
    %rem3A_154 = arith.remsi %add3A_131, %rem3A_153 : vector<16xi32>
    %ne3A_155 = arith.constant 0 : i32
    %ne3A_156 = vector.broadcast %ne3A_155 : i32 to vector<16xi32>
    %ne3A_157 = arith.cmpi ne, %rem3A_154, %ne3A_156 : vector<16xi32>
    %and3A_158 = arith.andi %ne3A_152, %ne3A_157 : vector<16xi1>
    %sub3A_159 = arith.constant 1 : i32
    %sub3A_160 = vector.broadcast %sub3A_159 : i32 to vector<16xi32>
    %sub3A_161 = arith.subi %div3A_134, %sub3A_160 : vector<16xi32>
    %select_n3A_162 = arith.select %and3A_158, %sub3A_161, %div3A_134 : vector<16xi1>, vector<16xi32>
    %add3A_163 = arith.constant 0 : i32
    %add3A_164 = vector.broadcast %add3A_163 : i32 to vector<16xi32>
    %add3A_165 = arith.addi %iota3A, %add3A_164 : vector<16xi32>
    %jit3A_166 = arith.constant 8 : i32
    %eq3A = arith.constant 0 : i32
    %eq3A_167 = arith.cmpi eq, %jit3A_166, %eq3A : i32
    %jit3A_168 = arith.constant 1 : i32
    %select_n3A_169 = arith.select %eq3A_167, %jit3A_168, %jit3A_166 : i32
    %rem3A_170 = vector.broadcast %select_n3A_169 : i32 to vector<16xi32>
    %rem3A_171 = arith.remsi %add3A_165, %rem3A_170 : vector<16xi32>
    %ne3A_172 = arith.constant 0 : i32
    %ne3A_173 = vector.broadcast %ne3A_172 : i32 to vector<16xi32>
    %ne3A_174 = arith.cmpi ne, %rem3A_171, %ne3A_173 : vector<16xi32>
    %lt3A = arith.constant 0 : i32
    %lt3A_175 = vector.broadcast %lt3A : i32 to vector<16xi32>
    %lt3A_176 = arith.cmpi slt, %rem3A_171, %lt3A_175 : vector<16xi32>
    %lt3A_177 = arith.constant 0 : i32
    %lt3A_178 = arith.cmpi slt, %select_n3A_169, %lt3A_177 : i32
    %ne3A_179 = vector.broadcast %lt3A_178 : i1 to vector<16xi1>
    %ne3A_180 = vector.broadcast %ne3A_179 : vector<16xi1> to vector<16xi1>
    %ne3A_181 = arith.xori %lt3A_176, %ne3A_180 : vector<16xi1>
    %and3A_182 = arith.andi %ne3A_181, %ne3A_174 : vector<16xi1>
    %add3A_183 = vector.broadcast %select_n3A_169 : i32 to vector<16xi32>
    %add3A_184 = arith.addi %rem3A_171, %add3A_183 : vector<16xi32>
    %select_n3A_185 = arith.select %and3A_182, %add3A_184, %rem3A_171 : vector<16xi1>, vector<16xi32>
    %add3A_186 = arith.constant 16 : i32
    %add3A_187 = vector.broadcast %add3A_186 : i32 to vector<16xi32>
    %add3A_188 = arith.addi %iota3A, %add3A_187 : vector<16xi32>
    %jit3A_189 = arith.constant 8 : i32
    %eq3A_190 = arith.constant 0 : i32
    %eq3A_191 = arith.cmpi eq, %jit3A_189, %eq3A_190 : i32
    %jit3A_192 = arith.constant 1 : i32
    %select_n3A_193 = arith.select %eq3A_191, %jit3A_192, %jit3A_189 : i32
    %rem3A_194 = vector.broadcast %select_n3A_193 : i32 to vector<16xi32>
    %rem3A_195 = arith.remsi %add3A_188, %rem3A_194 : vector<16xi32>
    %ne3A_196 = arith.constant 0 : i32
    %ne3A_197 = vector.broadcast %ne3A_196 : i32 to vector<16xi32>
    %ne3A_198 = arith.cmpi ne, %rem3A_195, %ne3A_197 : vector<16xi32>
    %lt3A_199 = arith.constant 0 : i32
    %lt3A_200 = vector.broadcast %lt3A_199 : i32 to vector<16xi32>
    %lt3A_201 = arith.cmpi slt, %rem3A_195, %lt3A_200 : vector<16xi32>
    %lt3A_202 = arith.constant 0 : i32
    %lt3A_203 = arith.cmpi slt, %select_n3A_193, %lt3A_202 : i32
    %ne3A_204 = vector.broadcast %lt3A_203 : i1 to vector<16xi1>
    %ne3A_205 = vector.broadcast %ne3A_204 : vector<16xi1> to vector<16xi1>
    %ne3A_206 = arith.xori %lt3A_201, %ne3A_205 : vector<16xi1>
    %and3A_207 = arith.andi %ne3A_206, %ne3A_198 : vector<16xi1>
    %add3A_208 = vector.broadcast %select_n3A_193 : i32 to vector<16xi32>
    %add3A_209 = arith.addi %rem3A_195, %add3A_208 : vector<16xi32>
    %select_n3A_210 = arith.select %and3A_207, %add3A_209, %rem3A_195 : vector<16xi1>, vector<16xi32>
    %add3A_211 = arith.constant 32 : i32
    %add3A_212 = vector.broadcast %add3A_211 : i32 to vector<16xi32>
    %add3A_213 = arith.addi %iota3A, %add3A_212 : vector<16xi32>
    %jit3A_214 = arith.constant 8 : i32
    %eq3A_215 = arith.constant 0 : i32
    %eq3A_216 = arith.cmpi eq, %jit3A_214, %eq3A_215 : i32
    %jit3A_217 = arith.constant 1 : i32
    %select_n3A_218 = arith.select %eq3A_216, %jit3A_217, %jit3A_214 : i32
    %rem3A_219 = vector.broadcast %select_n3A_218 : i32 to vector<16xi32>
    %rem3A_220 = arith.remsi %add3A_213, %rem3A_219 : vector<16xi32>
    %ne3A_221 = arith.constant 0 : i32
    %ne3A_222 = vector.broadcast %ne3A_221 : i32 to vector<16xi32>
    %ne3A_223 = arith.cmpi ne, %rem3A_220, %ne3A_222 : vector<16xi32>
    %lt3A_224 = arith.constant 0 : i32
    %lt3A_225 = vector.broadcast %lt3A_224 : i32 to vector<16xi32>
    %lt3A_226 = arith.cmpi slt, %rem3A_220, %lt3A_225 : vector<16xi32>
    %lt3A_227 = arith.constant 0 : i32
    %lt3A_228 = arith.cmpi slt, %select_n3A_218, %lt3A_227 : i32
    %ne3A_229 = vector.broadcast %lt3A_228 : i1 to vector<16xi1>
    %ne3A_230 = vector.broadcast %ne3A_229 : vector<16xi1> to vector<16xi1>
    %ne3A_231 = arith.xori %lt3A_226, %ne3A_230 : vector<16xi1>
    %and3A_232 = arith.andi %ne3A_231, %ne3A_223 : vector<16xi1>
    %add3A_233 = vector.broadcast %select_n3A_218 : i32 to vector<16xi32>
    %add3A_234 = arith.addi %rem3A_220, %add3A_233 : vector<16xi32>
    %select_n3A_235 = arith.select %and3A_232, %add3A_234, %rem3A_220 : vector<16xi1>, vector<16xi32>
    %add3A_236 = arith.constant 48 : i32
    %add3A_237 = vector.broadcast %add3A_236 : i32 to vector<16xi32>
    %add3A_238 = arith.addi %iota3A, %add3A_237 : vector<16xi32>
    %jit3A_239 = arith.constant 8 : i32
    %eq3A_240 = arith.constant 0 : i32
    %eq3A_241 = arith.cmpi eq, %jit3A_239, %eq3A_240 : i32
    %jit3A_242 = arith.constant 1 : i32
    %select_n3A_243 = arith.select %eq3A_241, %jit3A_242, %jit3A_239 : i32
    %rem3A_244 = vector.broadcast %select_n3A_243 : i32 to vector<16xi32>
    %rem3A_245 = arith.remsi %add3A_238, %rem3A_244 : vector<16xi32>
    %ne3A_246 = arith.constant 0 : i32
    %ne3A_247 = vector.broadcast %ne3A_246 : i32 to vector<16xi32>
    %ne3A_248 = arith.cmpi ne, %rem3A_245, %ne3A_247 : vector<16xi32>
    %lt3A_249 = arith.constant 0 : i32
    %lt3A_250 = vector.broadcast %lt3A_249 : i32 to vector<16xi32>
    %lt3A_251 = arith.cmpi slt, %rem3A_245, %lt3A_250 : vector<16xi32>
    %lt3A_252 = arith.constant 0 : i32
    %lt3A_253 = arith.cmpi slt, %select_n3A_243, %lt3A_252 : i32
    %ne3A_254 = vector.broadcast %lt3A_253 : i1 to vector<16xi1>
    %ne3A_255 = vector.broadcast %ne3A_254 : vector<16xi1> to vector<16xi1>
    %ne3A_256 = arith.xori %lt3A_251, %ne3A_255 : vector<16xi1>
    %and3A_257 = arith.andi %ne3A_256, %ne3A_248 : vector<16xi1>
    %add3A_258 = vector.broadcast %select_n3A_243 : i32 to vector<16xi32>
    %add3A_259 = arith.addi %rem3A_245, %add3A_258 : vector<16xi32>
    %select_n3A_260 = arith.select %and3A_257, %add3A_259, %rem3A_245 : vector<16xi1>, vector<16xi32>
    %scan3A = arith.constant 0 : i32
    %scan3A_261 = arith.constant 50 : i32
    %scan3A_262 = arith.addi %scan3A, %scan3A_261 : i32
    %scan3A_263 = arith.constant 1 : i32
    scf.for %scan3A_344 = %scan3A to %scan3A_262 step %scan3A_263  : i32 {
      %mul3A_345 = arith.constant 4 : i32
      %mul3A_346 = arith.muli %scan3A_344, %mul3A_345 : i32
      %add3A_347 = arith.constant 0 : i32
      %add3A_348 = arith.addi %add3A_347, %mul3A_346 : i32
      %add3A_349 = arith.constant 0 : i32
      %add3A_350 = arith.addi %add3A_348, %add3A_349 : i32
      %dma_wait3A_351 = arith.constant 0 : i32
      %dma_wait3A_352 = arith.constant 0 : i32
      %dma_wait3A_353 = tpu.memref_slice %arg3[%dma_wait3A_351, %dma_wait3A_352] : memref<100000x64xf32, #tpu.memory_space<hbm>> -> memref<128x64xf32, #tpu.memory_space<hbm>>
      %dma_wait3A_354 = arith.constant 0 : i32
      %dma_wait3A_355 = arith.constant 0 : i32
      %dma_wait3A_356 = tpu.memref_slice %arg3[%dma_wait3A_354, %dma_wait3A_355] : memref<100000x64xf32, #tpu.memory_space<hbm>> -> memref<128x64xf32, #tpu.memory_space<hbm>>
      tpu.wait_dma2 semaphore(%arg16 : memref<!tpu.dma_semaphore, #tpu.memory_space<semaphore_mem>>) src(%dma_wait3A_356 : memref<128x64xf32, #tpu.memory_space<hbm>>) dst(%arg8 : memref<128x64xf32, #tpu.memory_space<vmem>>)
      %get3A = arith.index_cast %add3A_350 : i32 to index
      %get3A_357 = arith.constant 0 : index
      %get3A_358 = tpu.vector_load %arg7[%get3A, %get3A_357] {strides = array<i32>} : memref<200x64xf32, #tpu.memory_space<vmem>>, vector<16xf32>,
      %get3A_359 = arith.index_cast %add3A_350 : i32 to index
      %get3A_360 = arith.constant 16 : index
      %get3A_361 = tpu.vector_load %arg7[%get3A_359, %get3A_360] {strides = array<i32>} : memref<200x64xf32, #tpu.memory_space<vmem>>, vector<16xf32>,
      %get3A_362 = arith.index_cast %add3A_350 : i32 to index
      %get3A_363 = arith.constant 32 : index
      %get3A_364 = tpu.vector_load %arg7[%get3A_362, %get3A_363] {strides = array<i32>} : memref<200x64xf32, #tpu.memory_space<vmem>>, vector<16xf32>,
      %get3A_365 = arith.index_cast %add3A_350 : i32 to index
      %get3A_366 = arith.constant 48 : index
      %get3A_367 = tpu.vector_load %arg7[%get3A_365, %get3A_366] {strides = array<i32>} : memref<200x64xf32, #tpu.memory_space<vmem>>, vector<16xf32>,
      %parallel_loop3A = arith.constant 0 : i32
      %parallel_loop3A_368 = arith.constant 128 : i32
      %parallel_loop3A_369 = arith.constant 1 : i32
      scf.for %parallel_loop3A_537 = %parallel_loop3A to %parallel_loop3A_368 step %parallel_loop3A_369  : i32 {
        %parallel_loop3A_538 = vector.broadcast %parallel_loop3A_537 : i32 to vector<16xi32>
        %parallel_loop3A_539 = arith.addi %mul3A_34, %parallel_loop3A_538 : vector<16xi32>
        %parallel_loop3A_540 = arith.index_cast %parallel_loop3A_537 : i32 to index
        %parallel_loop3A_541 = arith.constant 0 : index
        %parallel_loop3A_542 = tpu.vector_load %arg8[%parallel_loop3A_540, %parallel_loop3A_541] {strides = array<i32>} : memref<128x64xf32, #tpu.memory_space<vmem>>, vector<16xf32>,
        %parallel_loop3A_543 = arith.addf %parallel_loop3A_542, %get3A_358 : vector<16xf32>
        tpu.vector_store_idx %arg12[%select_n3A, %select_n3A_185, %parallel_loop3A_539], %parallel_loop3A_543 : memref<8x8x129xf32, #tpu.memory_space<vmem>>[vector<16xi32>, vector<16xi32>, vector<16xi32>], vector<16xf32>,
        %parallel_loop3A_544 = arith.index_cast %parallel_loop3A_537 : i32 to index
        %parallel_loop3A_545 = arith.constant 16 : index
        %parallel_loop3A_546 = tpu.vector_load %arg8[%parallel_loop3A_544, %parallel_loop3A_545] {strides = array<i32>} : memref<128x64xf32, #tpu.memory_space<vmem>>, vector<16xf32>,
        %parallel_loop3A_547 = arith.addf %parallel_loop3A_546, %get3A_361 : vector<16xf32>
        tpu.vector_store_idx %arg12[%select_n3A_94, %select_n3A_210, %parallel_loop3A_539], %parallel_loop3A_547 : memref<8x8x129xf32, #tpu.memory_space<vmem>>[vector<16xi32>, vector<16xi32>, vector<16xi32>], vector<16xf32>,
        %parallel_loop3A_548 = arith.index_cast %parallel_loop3A_537 : i32 to index
        %parallel_loop3A_549 = arith.constant 32 : index
        %parallel_loop3A_550 = tpu.vector_load %arg8[%parallel_loop3A_548, %parallel_loop3A_549] {strides = array<i32>} : memref<128x64xf32, #tpu.memory_space<vmem>>, vector<16xf32>,
        %parallel_loop3A_551 = arith.addf %parallel_loop3A_550, %get3A_364 : vector<16xf32>
        tpu.vector_store_idx %arg12[%select_n3A_128, %select_n3A_235, %parallel_loop3A_539], %parallel_loop3A_551 : memref<8x8x129xf32, #tpu.memory_space<vmem>>[vector<16xi32>, vector<16xi32>, vector<16xi32>], vector<16xf32>,
        %parallel_loop3A_552 = arith.index_cast %parallel_loop3A_537 : i32 to index
        %parallel_loop3A_553 = arith.constant 48 : index
        %parallel_loop3A_554 = tpu.vector_load %arg8[%parallel_loop3A_552, %parallel_loop3A_553] {strides = array<i32>} : memref<128x64xf32, #tpu.memory_space<vmem>>, vector<16xf32>,
        %parallel_loop3A_555 = arith.addf %parallel_loop3A_554, %get3A_367 : vector<16xf32>
        tpu.vector_store_idx %arg12[%select_n3A_162, %select_n3A_260, %parallel_loop3A_539], %parallel_loop3A_555 : memref<8x8x129xf32, #tpu.memory_space<vmem>>[vector<16xi32>, vector<16xi32>, vector<16xi32>], vector<16xf32>,
      } {sc.loop_unroll_factor = 16 : i64, sc.parallel_access}
      %dma_start3A_370 = arith.constant 0 : i32
      %dma_start3A_371 = arith.constant 0 : i32
      %dma_start3A_372 = arith.constant 0 : i32
      %dma_start3A_373 = tpu.memref_slice %arg12[%dma_start3A_370, %dma_start3A_371, %dma_start3A_372] : memref<8x8x129xf32, #tpu.memory_space<vmem>> -> memref<8x8x128xf32, #tpu.memory_space<vmem>>
      %dma_start3A_374 = arith.constant 0 : i32
      %dma_start3A_375 = arith.constant 0 : i32
      %dma_start3A_376 = arith.constant 0 : i32
      %dma_start3A_377 = tpu.memref_slice %arg5[%add3A_350, %dma_start3A_374, %add3A, %dma_start3A_375, %dma_start3A_376] : memref<200x8x32x8x128xf32, #tpu.memory_space<hbm>> -> memref<1x8x1x8x128xf32, #tpu.memory_space<hbm>>
      %dma_start3A_378 = tpu.memref_squeeze %dma_start3A_377 : memref<1x8x1x8x128xf32, #tpu.memory_space<hbm>> -> memref<8x8x128xf32, #tpu.memory_space<hbm>>
      %dma_start3A_379 = arith.constant 0 : i32
      %dma_start3A_380 = arith.constant 0 : i32
      %dma_start3A_381 = arith.constant 0 : i32
      %dma_start3A_382 = tpu.memref_slice %arg5[%add3A_350, %dma_start3A_379, %add3A, %dma_start3A_380, %dma_start3A_381] : memref<200x8x32x8x128xf32, #tpu.memory_space<hbm>> -> memref<1x8x1x8x128xf32, #tpu.memory_space<hbm>>
      %dma_start3A_383 = tpu.memref_squeeze %dma_start3A_382 : memref<1x8x1x8x128xf32, #tpu.memory_space<hbm>> -> memref<8x8x128xf32, #tpu.memory_space<hbm>>
      %dma_start3A_384 = arith.constant 0 : i32
      %dma_start3A_385 = arith.constant 0 : i32
      %dma_start3A_386 = arith.constant 0 : i32
      %dma_start3A_387 = tpu.memref_slice %arg12[%dma_start3A_384, %dma_start3A_385, %dma_start3A_386] : memref<8x8x129xf32, #tpu.memory_space<vmem>> -> memref<8x8x128xf32, #tpu.memory_space<vmem>>
      tpu.enqueue_dma source(%dma_start3A_387 : memref<8x8x128xf32, #tpu.memory_space<vmem>>) target(%dma_start3A_383 : memref<8x8x128xf32, #tpu.memory_space<hbm>>) target_semaphore(%arg20 : memref<!tpu.dma_semaphore, #tpu.memory_space<semaphore_mem>>)
      %add3A_388 = arith.constant 4 : i32
      %add3A_389 = arith.addi %add3A_350, %add3A_388 : i32
      %lt3A_390 = arith.constant 200 : i32
      %lt3A_391 = arith.cmpi slt, %add3A_389, %lt3A_390 : i32
      %convert_element_type3A = arith.extui %lt3A_391 : i1 to i32
      %cond3A = arith.constant 0 : i32
      %cond3A_392 = arith.cmpi ne, %convert_element_type3A, %cond3A : i32
      scf.if %cond3A_392 {
        %dma_wait3A_537 = arith.constant 0 : i32
        %dma_wait3A_538 = arith.constant 0 : i32
        %dma_wait3A_539 = arith.constant 0 : i32
        %dma_wait3A_540 = arith.constant 0 : i32
        %dma_wait3A_541 = arith.constant 0 : i32
        %dma_wait3A_542 = tpu.memref_slice %arg12[%dma_wait3A_539, %dma_wait3A_540, %dma_wait3A_541] : memref<8x8x129xf32, #tpu.memory_space<vmem>> -> memref<8x8x128xf32, #tpu.memory_space<vmem>>
        %dma_wait3A_543 = arith.constant 0 : i32
        %dma_wait3A_544 = arith.constant 0 : i32
        %dma_wait3A_545 = arith.constant 0 : i32
        %dma_wait3A_546 = tpu.memref_slice %arg5[%dma_wait3A_537, %dma_wait3A_543, %dma_wait3A_538, %dma_wait3A_544, %dma_wait3A_545] : memref<200x8x32x8x128xf32, #tpu.memory_space<hbm>> -> memref<1x8x1x8x128xf32, #tpu.memory_space<hbm>>
        %dma_wait3A_547 = tpu.memref_squeeze %dma_wait3A_546 : memref<1x8x1x8x128xf32, #tpu.memory_space<hbm>> -> memref<8x8x128xf32, #tpu.memory_space<hbm>>
        %dma_wait3A_548 = arith.constant 0 : i32
        %dma_wait3A_549 = arith.constant 0 : i32
        %dma_wait3A_550 = arith.constant 0 : i32
        %dma_wait3A_551 = tpu.memref_slice %arg5[%dma_wait3A_537, %dma_wait3A_548, %dma_wait3A_538, %dma_wait3A_549, %dma_wait3A_550] : memref<200x8x32x8x128xf32, #tpu.memory_space<hbm>> -> memref<1x8x1x8x128xf32, #tpu.memory_space<hbm>>
        %dma_wait3A_552 = tpu.memref_squeeze %dma_wait3A_551 : memref<1x8x1x8x128xf32, #tpu.memory_space<hbm>> -> memref<8x8x128xf32, #tpu.memory_space<hbm>>
        %dma_wait3A_553 = arith.constant 0 : i32
        %dma_wait3A_554 = arith.constant 0 : i32
        %dma_wait3A_555 = arith.constant 0 : i32
        %dma_wait3A_556 = tpu.memref_slice %arg12[%dma_wait3A_553, %dma_wait3A_554, %dma_wait3A_555] : memref<8x8x129xf32, #tpu.memory_space<vmem>> -> memref<8x8x128xf32, #tpu.memory_space<vmem>>
        tpu.wait_dma2 semaphore(%arg20 : memref<!tpu.dma_semaphore, #tpu.memory_space<semaphore_mem>>) src(%dma_wait3A_556 : memref<8x8x128xf32, #tpu.memory_space<vmem>>) dst(%dma_wait3A_552 : memref<8x8x128xf32, #tpu.memory_space<hbm>>)
        %add3A_557 = arith.constant 4 : i32
        %add3A_558 = arith.addi %add3A_350, %add3A_557 : i32
        %jit3A_559 = arith.constant 8 : i32
        %div3A_560 = arith.divsi %add3A_558, %jit3A_559 : i32
        %sign3A_561 = arith.constant 0 : i32
        %sign3A_562 = arith.cmpi sgt, %add3A_558, %sign3A_561 : i32
        %sign3A_563 = arith.extui %sign3A_562 : i1 to i32
        %sign3A_564 = arith.constant 0 : i32
        %sign3A_565 = arith.cmpi slt, %add3A_558, %sign3A_564 : i32
        %sign3A_566 = arith.extui %sign3A_565 : i1 to i32
        %sign3A_567 = arith.subi %sign3A_563, %sign3A_566 : i32
        %sign3A_568 = arith.constant 0 : i32
        %sign3A_569 = arith.cmpi sgt, %jit3A_559, %sign3A_568 : i32
        %sign3A_570 = arith.extui %sign3A_569 : i1 to i32
        %sign3A_571 = arith.constant 0 : i32
        %sign3A_572 = arith.cmpi slt, %jit3A_559, %sign3A_571 : i32
        %sign3A_573 = arith.extui %sign3A_572 : i1 to i32
        %sign3A_574 = arith.subi %sign3A_570, %sign3A_573 : i32
        %ne3A_575 = arith.cmpi ne, %sign3A_567, %sign3A_574 : i32
        %rem3A_576 = arith.remsi %add3A_558, %jit3A_559 : i32
        %ne3A_577 = arith.constant 0 : i32
        %ne3A_578 = arith.cmpi ne, %rem3A_576, %ne3A_577 : i32
        %and3A_579 = arith.andi %ne3A_575, %ne3A_578 : i1
        %sub3A_580 = arith.constant 1 : i32
        %sub3A_581 = arith.subi %div3A_560, %sub3A_580 : i32
        %select_n3A_582 = arith.select %and3A_579, %sub3A_581, %div3A_560 : i32
        %jit3A_583 = arith.constant 8 : i32
        %eq3A_584 = arith.constant 0 : i32
        %eq3A_585 = arith.cmpi eq, %jit3A_583, %eq3A_584 : i32
        %jit3A_586 = arith.constant 1 : i32
        %select_n3A_587 = arith.select %eq3A_585, %jit3A_586, %jit3A_583 : i32
        %rem3A_588 = arith.remsi %add3A_558, %select_n3A_587 : i32
        %ne3A_589 = arith.constant 0 : i32
        %ne3A_590 = arith.cmpi ne, %rem3A_588, %ne3A_589 : i32
        %lt3A_591 = arith.constant 0 : i32
        %lt3A_592 = arith.cmpi slt, %rem3A_588, %lt3A_591 : i32
        %lt3A_593 = arith.constant 0 : i32
        %lt3A_594 = arith.cmpi slt, %select_n3A_587, %lt3A_593 : i32
        %ne3A_595 = arith.xori %lt3A_592, %lt3A_594 : i1
        %and3A_596 = arith.andi %ne3A_595, %ne3A_590 : i1
        %add3A_597 = arith.addi %rem3A_588, %select_n3A_587 : i32
        %select_n3A_598 = arith.select %and3A_596, %add3A_597, %rem3A_588 : i32
        %dma_start3A_599 = arith.constant 0 : i32
        %dma_start3A_600 = tpu.memref_slice %arg6[%select_n3A_582, %select_n3A_598, %dma_start3A_599] : memref<25x8x128xi32, #tpu.memory_space<vmem>> -> memref<1x1x128xi32, #tpu.memory_space<vmem>>
        %dma_start3A_601 = tpu.memref_squeeze %dma_start3A_600 : memref<1x1x128xi32, #tpu.memory_space<vmem>> -> memref<128xi32, #tpu.memory_space<vmem>>
        %dma_start3A_602 = arith.constant 0 : i32
        %dma_start3A_603 = arith.constant 0 : i32
        %dma_start3A_604 = tpu.memref_slice %arg3[%dma_start3A_602, %dma_start3A_603] : memref<100000x64xf32, #tpu.memory_space<hbm>> -> memref<100000x64xf32, #tpu.memory_space<hbm>>
        tpu.enqueue_indirect_dma source(%dma_start3A_604 : memref<100000x64xf32, #tpu.memory_space<hbm>>) target(%arg8 : memref<128x64xf32, #tpu.memory_space<vmem>>) offsets(%dma_start3A_601 : memref<128xi32, #tpu.memory_space<vmem>>) semaphore(%arg16 : memref<!tpu.dma_semaphore, #tpu.memory_space<semaphore_mem>>)
      } else {
      }
      %add3A_393 = arith.constant 1 : i32
      %add3A_394 = arith.addi %add3A_348, %add3A_393 : i32
      %dma_wait3A_395 = arith.constant 0 : i32
      %dma_wait3A_396 = arith.constant 0 : i32
      %dma_wait3A_397 = tpu.memref_slice %arg3[%dma_wait3A_395, %dma_wait3A_396] : memref<100000x64xf32, #tpu.memory_space<hbm>> -> memref<128x64xf32, #tpu.memory_space<hbm>>
      %dma_wait3A_398 = arith.constant 0 : i32
      %dma_wait3A_399 = arith.constant 0 : i32
      %dma_wait3A_400 = tpu.memref_slice %arg3[%dma_wait3A_398, %dma_wait3A_399] : memref<100000x64xf32, #tpu.memory_space<hbm>> -> memref<128x64xf32, #tpu.memory_space<hbm>>
      tpu.wait_dma2 semaphore(%arg17 : memref<!tpu.dma_semaphore, #tpu.memory_space<semaphore_mem>>) src(%dma_wait3A_400 : memref<128x64xf32, #tpu.memory_space<hbm>>) dst(%arg9 : memref<128x64xf32, #tpu.memory_space<vmem>>)
      %get3A_401 = arith.index_cast %add3A_394 : i32 to index
      %get3A_402 = arith.constant 0 : index
      %get3A_403 = tpu.vector_load %arg7[%get3A_401, %get3A_402] {strides = array<i32>} : memref<200x64xf32, #tpu.memory_space<vmem>>, vector<16xf32>,
      %get3A_404 = arith.index_cast %add3A_394 : i32 to index
      %get3A_405 = arith.constant 16 : index
      %get3A_406 = tpu.vector_load %arg7[%get3A_404, %get3A_405] {strides = array<i32>} : memref<200x64xf32, #tpu.memory_space<vmem>>, vector<16xf32>,
      %get3A_407 = arith.index_cast %add3A_394 : i32 to index
      %get3A_408 = arith.constant 32 : index
      %get3A_409 = tpu.vector_load %arg7[%get3A_407, %get3A_408] {strides = array<i32>} : memref<200x64xf32, #tpu.memory_space<vmem>>, vector<16xf32>,
      %get3A_410 = arith.index_cast %add3A_394 : i32 to index
      %get3A_411 = arith.constant 48 : index
      %get3A_412 = tpu.vector_load %arg7[%get3A_410, %get3A_411] {strides = array<i32>} : memref<200x64xf32, #tpu.memory_space<vmem>>, vector<16xf32>,
      %parallel_loop3A_413 = arith.constant 0 : i32
      %parallel_loop3A_414 = arith.constant 128 : i32
      %parallel_loop3A_415 = arith.constant 1 : i32
      scf.for %parallel_loop3A_537 = %parallel_loop3A_413 to %parallel_loop3A_414 step %parallel_loop3A_415  : i32 {
        %parallel_loop3A_538 = vector.broadcast %parallel_loop3A_537 : i32 to vector<16xi32>
        %parallel_loop3A_539 = arith.addi %mul3A_34, %parallel_loop3A_538 : vector<16xi32>
        %parallel_loop3A_540 = arith.index_cast %parallel_loop3A_537 : i32 to index
        %parallel_loop3A_541 = arith.constant 0 : index
        %parallel_loop3A_542 = tpu.vector_load %arg9[%parallel_loop3A_540, %parallel_loop3A_541] {strides = array<i32>} : memref<128x64xf32, #tpu.memory_space<vmem>>, vector<16xf32>,
        %parallel_loop3A_543 = arith.addf %parallel_loop3A_542, %get3A_403 : vector<16xf32>
        tpu.vector_store_idx %arg13[%select_n3A, %select_n3A_185, %parallel_loop3A_539], %parallel_loop3A_543 : memref<8x8x129xf32, #tpu.memory_space<vmem>>[vector<16xi32>, vector<16xi32>, vector<16xi32>], vector<16xf32>,
        %parallel_loop3A_544 = arith.index_cast %parallel_loop3A_537 : i32 to index
        %parallel_loop3A_545 = arith.constant 16 : index
        %parallel_loop3A_546 = tpu.vector_load %arg9[%parallel_loop3A_544, %parallel_loop3A_545] {strides = array<i32>} : memref<128x64xf32, #tpu.memory_space<vmem>>, vector<16xf32>,
        %parallel_loop3A_547 = arith.addf %parallel_loop3A_546, %get3A_406 : vector<16xf32>
        tpu.vector_store_idx %arg13[%select_n3A_94, %select_n3A_210, %parallel_loop3A_539], %parallel_loop3A_547 : memref<8x8x129xf32, #tpu.memory_space<vmem>>[vector<16xi32>, vector<16xi32>, vector<16xi32>], vector<16xf32>,
        %parallel_loop3A_548 = arith.index_cast %parallel_loop3A_537 : i32 to index
        %parallel_loop3A_549 = arith.constant 32 : index
        %parallel_loop3A_550 = tpu.vector_load %arg9[%parallel_loop3A_548, %parallel_loop3A_549] {strides = array<i32>} : memref<128x64xf32, #tpu.memory_space<vmem>>, vector<16xf32>,
        %parallel_loop3A_551 = arith.addf %parallel_loop3A_550, %get3A_409 : vector<16xf32>
        tpu.vector_store_idx %arg13[%select_n3A_128, %select_n3A_235, %parallel_loop3A_539], %parallel_loop3A_551 : memref<8x8x129xf32, #tpu.memory_space<vmem>>[vector<16xi32>, vector<16xi32>, vector<16xi32>], vector<16xf32>,
        %parallel_loop3A_552 = arith.index_cast %parallel_loop3A_537 : i32 to index
        %parallel_loop3A_553 = arith.constant 48 : index
        %parallel_loop3A_554 = tpu.vector_load %arg9[%parallel_loop3A_552, %parallel_loop3A_553] {strides = array<i32>} : memref<128x64xf32, #tpu.memory_space<vmem>>, vector<16xf32>,
        %parallel_loop3A_555 = arith.addf %parallel_loop3A_554, %get3A_412 : vector<16xf32>
        tpu.vector_store_idx %arg13[%select_n3A_162, %select_n3A_260, %parallel_loop3A_539], %parallel_loop3A_555 : memref<8x8x129xf32, #tpu.memory_space<vmem>>[vector<16xi32>, vector<16xi32>, vector<16xi32>], vector<16xf32>,
      } {sc.loop_unroll_factor = 16 : i64, sc.parallel_access}
      %dma_start3A_416 = arith.constant 0 : i32
      %dma_start3A_417 = arith.constant 0 : i32
      %dma_start3A_418 = arith.constant 0 : i32
      %dma_start3A_419 = tpu.memref_slice %arg13[%dma_start3A_416, %dma_start3A_417, %dma_start3A_418] : memref<8x8x129xf32, #tpu.memory_space<vmem>> -> memref<8x8x128xf32, #tpu.memory_space<vmem>>
      %dma_start3A_420 = arith.constant 0 : i32
      %dma_start3A_421 = arith.constant 0 : i32
      %dma_start3A_422 = arith.constant 0 : i32
      %dma_start3A_423 = tpu.memref_slice %arg5[%add3A_394, %dma_start3A_420, %add3A, %dma_start3A_421, %dma_start3A_422] : memref<200x8x32x8x128xf32, #tpu.memory_space<hbm>> -> memref<1x8x1x8x128xf32, #tpu.memory_space<hbm>>
      %dma_start3A_424 = tpu.memref_squeeze %dma_start3A_423 : memref<1x8x1x8x128xf32, #tpu.memory_space<hbm>> -> memref<8x8x128xf32, #tpu.memory_space<hbm>>
      %dma_start3A_425 = arith.constant 0 : i32
      %dma_start3A_426 = arith.constant 0 : i32
      %dma_start3A_427 = arith.constant 0 : i32
      %dma_start3A_428 = tpu.memref_slice %arg5[%add3A_394, %dma_start3A_425, %add3A, %dma_start3A_426, %dma_start3A_427] : memref<200x8x32x8x128xf32, #tpu.memory_space<hbm>> -> memref<1x8x1x8x128xf32, #tpu.memory_space<hbm>>
      %dma_start3A_429 = tpu.memref_squeeze %dma_start3A_428 : memref<1x8x1x8x128xf32, #tpu.memory_space<hbm>> -> memref<8x8x128xf32, #tpu.memory_space<hbm>>
      %dma_start3A_430 = arith.constant 0 : i32
      %dma_start3A_431 = arith.constant 0 : i32
      %dma_start3A_432 = arith.constant 0 : i32
      %dma_start3A_433 = tpu.memref_slice %arg13[%dma_start3A_430, %dma_start3A_431, %dma_start3A_432] : memref<8x8x129xf32, #tpu.memory_space<vmem>> -> memref<8x8x128xf32, #tpu.memory_space<vmem>>
      tpu.enqueue_dma source(%dma_start3A_433 : memref<8x8x128xf32, #tpu.memory_space<vmem>>) target(%dma_start3A_429 : memref<8x8x128xf32, #tpu.memory_space<hbm>>) target_semaphore(%arg21 : memref<!tpu.dma_semaphore, #tpu.memory_space<semaphore_mem>>)
      %add3A_434 = arith.constant 4 : i32
      %add3A_435 = arith.addi %add3A_394, %add3A_434 : i32
      %lt3A_436 = arith.constant 200 : i32
      %lt3A_437 = arith.cmpi slt, %add3A_435, %lt3A_436 : i32
      %convert_element_type3A_438 = arith.extui %lt3A_437 : i1 to i32
      %cond3A_439 = arith.constant 0 : i32
      %cond3A_440 = arith.cmpi ne, %convert_element_type3A_438, %cond3A_439 : i32
      scf.if %cond3A_440 {
        %dma_wait3A_537 = arith.constant 0 : i32
        %dma_wait3A_538 = arith.constant 0 : i32
        %dma_wait3A_539 = arith.constant 0 : i32
        %dma_wait3A_540 = arith.constant 0 : i32
        %dma_wait3A_541 = arith.constant 0 : i32
        %dma_wait3A_542 = tpu.memref_slice %arg13[%dma_wait3A_539, %dma_wait3A_540, %dma_wait3A_541] : memref<8x8x129xf32, #tpu.memory_space<vmem>> -> memref<8x8x128xf32, #tpu.memory_space<vmem>>
        %dma_wait3A_543 = arith.constant 0 : i32
        %dma_wait3A_544 = arith.constant 0 : i32
        %dma_wait3A_545 = arith.constant 0 : i32
        %dma_wait3A_546 = tpu.memref_slice %arg5[%dma_wait3A_537, %dma_wait3A_543, %dma_wait3A_538, %dma_wait3A_544, %dma_wait3A_545] : memref<200x8x32x8x128xf32, #tpu.memory_space<hbm>> -> memref<1x8x1x8x128xf32, #tpu.memory_space<hbm>>
        %dma_wait3A_547 = tpu.memref_squeeze %dma_wait3A_546 : memref<1x8x1x8x128xf32, #tpu.memory_space<hbm>> -> memref<8x8x128xf32, #tpu.memory_space<hbm>>
        %dma_wait3A_548 = arith.constant 0 : i32
        %dma_wait3A_549 = arith.constant 0 : i32
        %dma_wait3A_550 = arith.constant 0 : i32
        %dma_wait3A_551 = tpu.memref_slice %arg5[%dma_wait3A_537, %dma_wait3A_548, %dma_wait3A_538, %dma_wait3A_549, %dma_wait3A_550] : memref<200x8x32x8x128xf32, #tpu.memory_space<hbm>> -> memref<1x8x1x8x128xf32, #tpu.memory_space<hbm>>
        %dma_wait3A_552 = tpu.memref_squeeze %dma_wait3A_551 : memref<1x8x1x8x128xf32, #tpu.memory_space<hbm>> -> memref<8x8x128xf32, #tpu.memory_space<hbm>>
        %dma_wait3A_553 = arith.constant 0 : i32
        %dma_wait3A_554 = arith.constant 0 : i32
        %dma_wait3A_555 = arith.constant 0 : i32
        %dma_wait3A_556 = tpu.memref_slice %arg13[%dma_wait3A_553, %dma_wait3A_554, %dma_wait3A_555] : memref<8x8x129xf32, #tpu.memory_space<vmem>> -> memref<8x8x128xf32, #tpu.memory_space<vmem>>
        tpu.wait_dma2 semaphore(%arg21 : memref<!tpu.dma_semaphore, #tpu.memory_space<semaphore_mem>>) src(%dma_wait3A_556 : memref<8x8x128xf32, #tpu.memory_space<vmem>>) dst(%dma_wait3A_552 : memref<8x8x128xf32, #tpu.memory_space<hbm>>)
        %add3A_557 = arith.constant 4 : i32
        %add3A_558 = arith.addi %add3A_394, %add3A_557 : i32
        %jit3A_559 = arith.constant 8 : i32
        %div3A_560 = arith.divsi %add3A_558, %jit3A_559 : i32
        %sign3A_561 = arith.constant 0 : i32
        %sign3A_562 = arith.cmpi sgt, %add3A_558, %sign3A_561 : i32
        %sign3A_563 = arith.extui %sign3A_562 : i1 to i32
        %sign3A_564 = arith.constant 0 : i32
        %sign3A_565 = arith.cmpi slt, %add3A_558, %sign3A_564 : i32
        %sign3A_566 = arith.extui %sign3A_565 : i1 to i32
        %sign3A_567 = arith.subi %sign3A_563, %sign3A_566 : i32
        %sign3A_568 = arith.constant 0 : i32
        %sign3A_569 = arith.cmpi sgt, %jit3A_559, %sign3A_568 : i32
        %sign3A_570 = arith.extui %sign3A_569 : i1 to i32
        %sign3A_571 = arith.constant 0 : i32
        %sign3A_572 = arith.cmpi slt, %jit3A_559, %sign3A_571 : i32
        %sign3A_573 = arith.extui %sign3A_572 : i1 to i32
        %sign3A_574 = arith.subi %sign3A_570, %sign3A_573 : i32
        %ne3A_575 = arith.cmpi ne, %sign3A_567, %sign3A_574 : i32
        %rem3A_576 = arith.remsi %add3A_558, %jit3A_559 : i32
        %ne3A_577 = arith.constant 0 : i32
        %ne3A_578 = arith.cmpi ne, %rem3A_576, %ne3A_577 : i32
        %and3A_579 = arith.andi %ne3A_575, %ne3A_578 : i1
        %sub3A_580 = arith.constant 1 : i32
        %sub3A_581 = arith.subi %div3A_560, %sub3A_580 : i32
        %select_n3A_582 = arith.select %and3A_579, %sub3A_581, %div3A_560 : i32
        %jit3A_583 = arith.constant 8 : i32
        %eq3A_584 = arith.constant 0 : i32
        %eq3A_585 = arith.cmpi eq, %jit3A_583, %eq3A_584 : i32
        %jit3A_586 = arith.constant 1 : i32
        %select_n3A_587 = arith.select %eq3A_585, %jit3A_586, %jit3A_583 : i32
        %rem3A_588 = arith.remsi %add3A_558, %select_n3A_587 : i32
        %ne3A_589 = arith.constant 0 : i32
        %ne3A_590 = arith.cmpi ne, %rem3A_588, %ne3A_589 : i32
        %lt3A_591 = arith.constant 0 : i32
        %lt3A_592 = arith.cmpi slt, %rem3A_588, %lt3A_591 : i32
        %lt3A_593 = arith.constant 0 : i32
        %lt3A_594 = arith.cmpi slt, %select_n3A_587, %lt3A_593 : i32
        %ne3A_595 = arith.xori %lt3A_592, %lt3A_594 : i1
        %and3A_596 = arith.andi %ne3A_595, %ne3A_590 : i1
        %add3A_597 = arith.addi %rem3A_588, %select_n3A_587 : i32
        %select_n3A_598 = arith.select %and3A_596, %add3A_597, %rem3A_588 : i32
        %dma_start3A_599 = arith.constant 0 : i32
        %dma_start3A_600 = tpu.memref_slice %arg6[%select_n3A_582, %select_n3A_598, %dma_start3A_599] : memref<25x8x128xi32, #tpu.memory_space<vmem>> -> memref<1x1x128xi32, #tpu.memory_space<vmem>>
        %dma_start3A_601 = tpu.memref_squeeze %dma_start3A_600 : memref<1x1x128xi32, #tpu.memory_space<vmem>> -> memref<128xi32, #tpu.memory_space<vmem>>
        %dma_start3A_602 = arith.constant 0 : i32
        %dma_start3A_603 = arith.constant 0 : i32
        %dma_start3A_604 = tpu.memref_slice %arg3[%dma_start3A_602, %dma_start3A_603] : memref<100000x64xf32, #tpu.memory_space<hbm>> -> memref<100000x64xf32, #tpu.memory_space<hbm>>
        tpu.enqueue_indirect_dma source(%dma_start3A_604 : memref<100000x64xf32, #tpu.memory_space<hbm>>) target(%arg9 : memref<128x64xf32, #tpu.memory_space<vmem>>) offsets(%dma_start3A_601 : memref<128xi32, #tpu.memory_space<vmem>>) semaphore(%arg17 : memref<!tpu.dma_semaphore, #tpu.memory_space<semaphore_mem>>)
      } else {
      }
      %add3A_441 = arith.constant 2 : i32
      %add3A_442 = arith.addi %add3A_348, %add3A_441 : i32
      %dma_wait3A_443 = arith.constant 0 : i32
      %dma_wait3A_444 = arith.constant 0 : i32
      %dma_wait3A_445 = tpu.memref_slice %arg3[%dma_wait3A_443, %dma_wait3A_444] : memref<100000x64xf32, #tpu.memory_space<hbm>> -> memref<128x64xf32, #tpu.memory_space<hbm>>
      %dma_wait3A_446 = arith.constant 0 : i32
      %dma_wait3A_447 = arith.constant 0 : i32
      %dma_wait3A_448 = tpu.memref_slice %arg3[%dma_wait3A_446, %dma_wait3A_447] : memref<100000x64xf32, #tpu.memory_space<hbm>> -> memref<128x64xf32, #tpu.memory_space<hbm>>
      tpu.wait_dma2 semaphore(%arg18 : memref<!tpu.dma_semaphore, #tpu.memory_space<semaphore_mem>>) src(%dma_wait3A_448 : memref<128x64xf32, #tpu.memory_space<hbm>>) dst(%arg10 : memref<128x64xf32, #tpu.memory_space<vmem>>)
      %get3A_449 = arith.index_cast %add3A_442 : i32 to index
      %get3A_450 = arith.constant 0 : index
      %get3A_451 = tpu.vector_load %arg7[%get3A_449, %get3A_450] {strides = array<i32>} : memref<200x64xf32, #tpu.memory_space<vmem>>, vector<16xf32>,
      %get3A_452 = arith.index_cast %add3A_442 : i32 to index
      %get3A_453 = arith.constant 16 : index
      %get3A_454 = tpu.vector_load %arg7[%get3A_452, %get3A_453] {strides = array<i32>} : memref<200x64xf32, #tpu.memory_space<vmem>>, vector<16xf32>,
      %get3A_455 = arith.index_cast %add3A_442 : i32 to index
      %get3A_456 = arith.constant 32 : index
      %get3A_457 = tpu.vector_load %arg7[%get3A_455, %get3A_456] {strides = array<i32>} : memref<200x64xf32, #tpu.memory_space<vmem>>, vector<16xf32>,
      %get3A_458 = arith.index_cast %add3A_442 : i32 to index
      %get3A_459 = arith.constant 48 : index
      %get3A_460 = tpu.vector_load %arg7[%get3A_458, %get3A_459] {strides = array<i32>} : memref<200x64xf32, #tpu.memory_space<vmem>>, vector<16xf32>,
      %parallel_loop3A_461 = arith.constant 0 : i32
      %parallel_loop3A_462 = arith.constant 128 : i32
      %parallel_loop3A_463 = arith.constant 1 : i32
      scf.for %parallel_loop3A_537 = %parallel_loop3A_461 to %parallel_loop3A_462 step %parallel_loop3A_463  : i32 {
        %parallel_loop3A_538 = vector.broadcast %parallel_loop3A_537 : i32 to vector<16xi32>
        %parallel_loop3A_539 = arith.addi %mul3A_34, %parallel_loop3A_538 : vector<16xi32>
        %parallel_loop3A_540 = arith.index_cast %parallel_loop3A_537 : i32 to index
        %parallel_loop3A_541 = arith.constant 0 : index
        %parallel_loop3A_542 = tpu.vector_load %arg10[%parallel_loop3A_540, %parallel_loop3A_541] {strides = array<i32>} : memref<128x64xf32, #tpu.memory_space<vmem>>, vector<16xf32>,
        %parallel_loop3A_543 = arith.addf %parallel_loop3A_542, %get3A_451 : vector<16xf32>
        tpu.vector_store_idx %arg14[%select_n3A, %select_n3A_185, %parallel_loop3A_539], %parallel_loop3A_543 : memref<8x8x129xf32, #tpu.memory_space<vmem>>[vector<16xi32>, vector<16xi32>, vector<16xi32>], vector<16xf32>,
        %parallel_loop3A_544 = arith.index_cast %parallel_loop3A_537 : i32 to index
        %parallel_loop3A_545 = arith.constant 16 : index
        %parallel_loop3A_546 = tpu.vector_load %arg10[%parallel_loop3A_544, %parallel_loop3A_545] {strides = array<i32>} : memref<128x64xf32, #tpu.memory_space<vmem>>, vector<16xf32>,
        %parallel_loop3A_547 = arith.addf %parallel_loop3A_546, %get3A_454 : vector<16xf32>
        tpu.vector_store_idx %arg14[%select_n3A_94, %select_n3A_210, %parallel_loop3A_539], %parallel_loop3A_547 : memref<8x8x129xf32, #tpu.memory_space<vmem>>[vector<16xi32>, vector<16xi32>, vector<16xi32>], vector<16xf32>,
        %parallel_loop3A_548 = arith.index_cast %parallel_loop3A_537 : i32 to index
        %parallel_loop3A_549 = arith.constant 32 : index
        %parallel_loop3A_550 = tpu.vector_load %arg10[%parallel_loop3A_548, %parallel_loop3A_549] {strides = array<i32>} : memref<128x64xf32, #tpu.memory_space<vmem>>, vector<16xf32>,
        %parallel_loop3A_551 = arith.addf %parallel_loop3A_550, %get3A_457 : vector<16xf32>
        tpu.vector_store_idx %arg14[%select_n3A_128, %select_n3A_235, %parallel_loop3A_539], %parallel_loop3A_551 : memref<8x8x129xf32, #tpu.memory_space<vmem>>[vector<16xi32>, vector<16xi32>, vector<16xi32>], vector<16xf32>,
        %parallel_loop3A_552 = arith.index_cast %parallel_loop3A_537 : i32 to index
        %parallel_loop3A_553 = arith.constant 48 : index
        %parallel_loop3A_554 = tpu.vector_load %arg10[%parallel_loop3A_552, %parallel_loop3A_553] {strides = array<i32>} : memref<128x64xf32, #tpu.memory_space<vmem>>, vector<16xf32>,
        %parallel_loop3A_555 = arith.addf %parallel_loop3A_554, %get3A_460 : vector<16xf32>
        tpu.vector_store_idx %arg14[%select_n3A_162, %select_n3A_260, %parallel_loop3A_539], %parallel_loop3A_555 : memref<8x8x129xf32, #tpu.memory_space<vmem>>[vector<16xi32>, vector<16xi32>, vector<16xi32>], vector<16xf32>,
      } {sc.loop_unroll_factor = 16 : i64, sc.parallel_access}
      %dma_start3A_464 = arith.constant 0 : i32
      %dma_start3A_465 = arith.constant 0 : i32
      %dma_start3A_466 = arith.constant 0 : i32
      %dma_start3A_467 = tpu.memref_slice %arg14[%dma_start3A_464, %dma_start3A_465, %dma_start3A_466] : memref<8x8x129xf32, #tpu.memory_space<vmem>> -> memref<8x8x128xf32, #tpu.memory_space<vmem>>
      %dma_start3A_468 = arith.constant 0 : i32
      %dma_start3A_469 = arith.constant 0 : i32
      %dma_start3A_470 = arith.constant 0 : i32
      %dma_start3A_471 = tpu.memref_slice %arg5[%add3A_442, %dma_start3A_468, %add3A, %dma_start3A_469, %dma_start3A_470] : memref<200x8x32x8x128xf32, #tpu.memory_space<hbm>> -> memref<1x8x1x8x128xf32, #tpu.memory_space<hbm>>
      %dma_start3A_472 = tpu.memref_squeeze %dma_start3A_471 : memref<1x8x1x8x128xf32, #tpu.memory_space<hbm>> -> memref<8x8x128xf32, #tpu.memory_space<hbm>>
      %dma_start3A_473 = arith.constant 0 : i32
      %dma_start3A_474 = arith.constant 0 : i32
      %dma_start3A_475 = arith.constant 0 : i32
      %dma_start3A_476 = tpu.memref_slice %arg5[%add3A_442, %dma_start3A_473, %add3A, %dma_start3A_474, %dma_start3A_475] : memref<200x8x32x8x128xf32, #tpu.memory_space<hbm>> -> memref<1x8x1x8x128xf32, #tpu.memory_space<hbm>>
      %dma_start3A_477 = tpu.memref_squeeze %dma_start3A_476 : memref<1x8x1x8x128xf32, #tpu.memory_space<hbm>> -> memref<8x8x128xf32, #tpu.memory_space<hbm>>
      %dma_start3A_478 = arith.constant 0 : i32
      %dma_start3A_479 = arith.constant 0 : i32
      %dma_start3A_480 = arith.constant 0 : i32
      %dma_start3A_481 = tpu.memref_slice %arg14[%dma_start3A_478, %dma_start3A_479, %dma_start3A_480] : memref<8x8x129xf32, #tpu.memory_space<vmem>> -> memref<8x8x128xf32, #tpu.memory_space<vmem>>
      tpu.enqueue_dma source(%dma_start3A_481 : memref<8x8x128xf32, #tpu.memory_space<vmem>>) target(%dma_start3A_477 : memref<8x8x128xf32, #tpu.memory_space<hbm>>) target_semaphore(%arg22 : memref<!tpu.dma_semaphore, #tpu.memory_space<semaphore_mem>>)
      %add3A_482 = arith.constant 4 : i32
      %add3A_483 = arith.addi %add3A_442, %add3A_482 : i32
      %lt3A_484 = arith.constant 200 : i32
      %lt3A_485 = arith.cmpi slt, %add3A_483, %lt3A_484 : i32
      %convert_element_type3A_486 = arith.extui %lt3A_485 : i1 to i32
      %cond3A_487 = arith.constant 0 : i32
      %cond3A_488 = arith.cmpi ne, %convert_element_type3A_486, %cond3A_487 : i32
      scf.if %cond3A_488 {
        %dma_wait3A_537 = arith.constant 0 : i32
        %dma_wait3A_538 = arith.constant 0 : i32
        %dma_wait3A_539 = arith.constant 0 : i32
        %dma_wait3A_540 = arith.constant 0 : i32
        %dma_wait3A_541 = arith.constant 0 : i32
        %dma_wait3A_542 = tpu.memref_slice %arg14[%dma_wait3A_539, %dma_wait3A_540, %dma_wait3A_541] : memref<8x8x129xf32, #tpu.memory_space<vmem>> -> memref<8x8x128xf32, #tpu.memory_space<vmem>>
        %dma_wait3A_543 = arith.constant 0 : i32
        %dma_wait3A_544 = arith.constant 0 : i32
        %dma_wait3A_545 = arith.constant 0 : i32
        %dma_wait3A_546 = tpu.memref_slice %arg5[%dma_wait3A_537, %dma_wait3A_543, %dma_wait3A_538, %dma_wait3A_544, %dma_wait3A_545] : memref<200x8x32x8x128xf32, #tpu.memory_space<hbm>> -> memref<1x8x1x8x128xf32, #tpu.memory_space<hbm>>
        %dma_wait3A_547 = tpu.memref_squeeze %dma_wait3A_546 : memref<1x8x1x8x128xf32, #tpu.memory_space<hbm>> -> memref<8x8x128xf32, #tpu.memory_space<hbm>>
        %dma_wait3A_548 = arith.constant 0 : i32
        %dma_wait3A_549 = arith.constant 0 : i32
        %dma_wait3A_550 = arith.constant 0 : i32
        %dma_wait3A_551 = tpu.memref_slice %arg5[%dma_wait3A_537, %dma_wait3A_548, %dma_wait3A_538, %dma_wait3A_549, %dma_wait3A_550] : memref<200x8x32x8x128xf32, #tpu.memory_space<hbm>> -> memref<1x8x1x8x128xf32, #tpu.memory_space<hbm>>
        %dma_wait3A_552 = tpu.memref_squeeze %dma_wait3A_551 : memref<1x8x1x8x128xf32, #tpu.memory_space<hbm>> -> memref<8x8x128xf32, #tpu.memory_space<hbm>>
        %dma_wait3A_553 = arith.constant 0 : i32
        %dma_wait3A_554 = arith.constant 0 : i32
        %dma_wait3A_555 = arith.constant 0 : i32
        %dma_wait3A_556 = tpu.memref_slice %arg14[%dma_wait3A_553, %dma_wait3A_554, %dma_wait3A_555] : memref<8x8x129xf32, #tpu.memory_space<vmem>> -> memref<8x8x128xf32, #tpu.memory_space<vmem>>
        tpu.wait_dma2 semaphore(%arg22 : memref<!tpu.dma_semaphore, #tpu.memory_space<semaphore_mem>>) src(%dma_wait3A_556 : memref<8x8x128xf32, #tpu.memory_space<vmem>>) dst(%dma_wait3A_552 : memref<8x8x128xf32, #tpu.memory_space<hbm>>)
        %add3A_557 = arith.constant 4 : i32
        %add3A_558 = arith.addi %add3A_442, %add3A_557 : i32
        %jit3A_559 = arith.constant 8 : i32
        %div3A_560 = arith.divsi %add3A_558, %jit3A_559 : i32
        %sign3A_561 = arith.constant 0 : i32
        %sign3A_562 = arith.cmpi sgt, %add3A_558, %sign3A_561 : i32
        %sign3A_563 = arith.extui %sign3A_562 : i1 to i32
        %sign3A_564 = arith.constant 0 : i32
        %sign3A_565 = arith.cmpi slt, %add3A_558, %sign3A_564 : i32
        %sign3A_566 = arith.extui %sign3A_565 : i1 to i32
        %sign3A_567 = arith.subi %sign3A_563, %sign3A_566 : i32
        %sign3A_568 = arith.constant 0 : i32
        %sign3A_569 = arith.cmpi sgt, %jit3A_559, %sign3A_568 : i32
        %sign3A_570 = arith.extui %sign3A_569 : i1 to i32
        %sign3A_571 = arith.constant 0 : i32
        %sign3A_572 = arith.cmpi slt, %jit3A_559, %sign3A_571 : i32
        %sign3A_573 = arith.extui %sign3A_572 : i1 to i32
        %sign3A_574 = arith.subi %sign3A_570, %sign3A_573 : i32
        %ne3A_575 = arith.cmpi ne, %sign3A_567, %sign3A_574 : i32
        %rem3A_576 = arith.remsi %add3A_558, %jit3A_559 : i32
        %ne3A_577 = arith.constant 0 : i32
        %ne3A_578 = arith.cmpi ne, %rem3A_576, %ne3A_577 : i32
        %and3A_579 = arith.andi %ne3A_575, %ne3A_578 : i1
        %sub3A_580 = arith.constant 1 : i32
        %sub3A_581 = arith.subi %div3A_560, %sub3A_580 : i32
        %select_n3A_582 = arith.select %and3A_579, %sub3A_581, %div3A_560 : i32
        %jit3A_583 = arith.constant 8 : i32
        %eq3A_584 = arith.constant 0 : i32
        %eq3A_585 = arith.cmpi eq, %jit3A_583, %eq3A_584 : i32
        %jit3A_586 = arith.constant 1 : i32
        %select_n3A_587 = arith.select %eq3A_585, %jit3A_586, %jit3A_583 : i32
        %rem3A_588 = arith.remsi %add3A_558, %select_n3A_587 : i32
        %ne3A_589 = arith.constant 0 : i32
        %ne3A_590 = arith.cmpi ne, %rem3A_588, %ne3A_589 : i32
        %lt3A_591 = arith.constant 0 : i32
        %lt3A_592 = arith.cmpi slt, %rem3A_588, %lt3A_591 : i32
        %lt3A_593 = arith.constant 0 : i32
        %lt3A_594 = arith.cmpi slt, %select_n3A_587, %lt3A_593 : i32
        %ne3A_595 = arith.xori %lt3A_592, %lt3A_594 : i1
        %and3A_596 = arith.andi %ne3A_595, %ne3A_590 : i1
        %add3A_597 = arith.addi %rem3A_588, %select_n3A_587 : i32
        %select_n3A_598 = arith.select %and3A_596, %add3A_597, %rem3A_588 : i32
        %dma_start3A_599 = arith.constant 0 : i32
        %dma_start3A_600 = tpu.memref_slice %arg6[%select_n3A_582, %select_n3A_598, %dma_start3A_599] : memref<25x8x128xi32, #tpu.memory_space<vmem>> -> memref<1x1x128xi32, #tpu.memory_space<vmem>>
        %dma_start3A_601 = tpu.memref_squeeze %dma_start3A_600 : memref<1x1x128xi32, #tpu.memory_space<vmem>> -> memref<128xi32, #tpu.memory_space<vmem>>
        %dma_start3A_602 = arith.constant 0 : i32
        %dma_start3A_603 = arith.constant 0 : i32
        %dma_start3A_604 = tpu.memref_slice %arg3[%dma_start3A_602, %dma_start3A_603] : memref<100000x64xf32, #tpu.memory_space<hbm>> -> memref<100000x64xf32, #tpu.memory_space<hbm>>
        tpu.enqueue_indirect_dma source(%dma_start3A_604 : memref<100000x64xf32, #tpu.memory_space<hbm>>) target(%arg10 : memref<128x64xf32, #tpu.memory_space<vmem>>) offsets(%dma_start3A_601 : memref<128xi32, #tpu.memory_space<vmem>>) semaphore(%arg18 : memref<!tpu.dma_semaphore, #tpu.memory_space<semaphore_mem>>)
      } else {
      }
      %add3A_489 = arith.constant 3 : i32
      %add3A_490 = arith.addi %add3A_348, %add3A_489 : i32
      %dma_wait3A_491 = arith.constant 0 : i32
      %dma_wait3A_492 = arith.constant 0 : i32
      %dma_wait3A_493 = tpu.memref_slice %arg3[%dma_wait3A_491, %dma_wait3A_492] : memref<100000x64xf32, #tpu.memory_space<hbm>> -> memref<128x64xf32, #tpu.memory_space<hbm>>
      %dma_wait3A_494 = arith.constant 0 : i32
      %dma_wait3A_495 = arith.constant 0 : i32
      %dma_wait3A_496 = tpu.memref_slice %arg3[%dma_wait3A_494, %dma_wait3A_495] : memref<100000x64xf32, #tpu.memory_space<hbm>> -> memref<128x64xf32, #tpu.memory_space<hbm>>
      tpu.wait_dma2 semaphore(%arg19 : memref<!tpu.dma_semaphore, #tpu.memory_space<semaphore_mem>>) src(%dma_wait3A_496 : memref<128x64xf32, #tpu.memory_space<hbm>>) dst(%arg11 : memref<128x64xf32, #tpu.memory_space<vmem>>)
      %get3A_497 = arith.index_cast %add3A_490 : i32 to index
      %get3A_498 = arith.constant 0 : index
      %get3A_499 = tpu.vector_load %arg7[%get3A_497, %get3A_498] {strides = array<i32>} : memref<200x64xf32, #tpu.memory_space<vmem>>, vector<16xf32>,
      %get3A_500 = arith.index_cast %add3A_490 : i32 to index
      %get3A_501 = arith.constant 16 : index
      %get3A_502 = tpu.vector_load %arg7[%get3A_500, %get3A_501] {strides = array<i32>} : memref<200x64xf32, #tpu.memory_space<vmem>>, vector<16xf32>,
      %get3A_503 = arith.index_cast %add3A_490 : i32 to index
      %get3A_504 = arith.constant 32 : index
      %get3A_505 = tpu.vector_load %arg7[%get3A_503, %get3A_504] {strides = array<i32>} : memref<200x64xf32, #tpu.memory_space<vmem>>, vector<16xf32>,
      %get3A_506 = arith.index_cast %add3A_490 : i32 to index
      %get3A_507 = arith.constant 48 : index
      %get3A_508 = tpu.vector_load %arg7[%get3A_506, %get3A_507] {strides = array<i32>} : memref<200x64xf32, #tpu.memory_space<vmem>>, vector<16xf32>,
      %parallel_loop3A_509 = arith.constant 0 : i32
      %parallel_loop3A_510 = arith.constant 128 : i32
      %parallel_loop3A_511 = arith.constant 1 : i32
      scf.for %parallel_loop3A_537 = %parallel_loop3A_509 to %parallel_loop3A_510 step %parallel_loop3A_511  : i32 {
        %parallel_loop3A_538 = vector.broadcast %parallel_loop3A_537 : i32 to vector<16xi32>
        %parallel_loop3A_539 = arith.addi %mul3A_34, %parallel_loop3A_538 : vector<16xi32>
        %parallel_loop3A_540 = arith.index_cast %parallel_loop3A_537 : i32 to index
        %parallel_loop3A_541 = arith.constant 0 : index
        %parallel_loop3A_542 = tpu.vector_load %arg11[%parallel_loop3A_540, %parallel_loop3A_541] {strides = array<i32>} : memref<128x64xf32, #tpu.memory_space<vmem>>, vector<16xf32>,
        %parallel_loop3A_543 = arith.addf %parallel_loop3A_542, %get3A_499 : vector<16xf32>
        tpu.vector_store_idx %arg15[%select_n3A, %select_n3A_185, %parallel_loop3A_539], %parallel_loop3A_543 : memref<8x8x129xf32, #tpu.memory_space<vmem>>[vector<16xi32>, vector<16xi32>, vector<16xi32>], vector<16xf32>,
        %parallel_loop3A_544 = arith.index_cast %parallel_loop3A_537 : i32 to index
        %parallel_loop3A_545 = arith.constant 16 : index
        %parallel_loop3A_546 = tpu.vector_load %arg11[%parallel_loop3A_544, %parallel_loop3A_545] {strides = array<i32>} : memref<128x64xf32, #tpu.memory_space<vmem>>, vector<16xf32>,
        %parallel_loop3A_547 = arith.addf %parallel_loop3A_546, %get3A_502 : vector<16xf32>
        tpu.vector_store_idx %arg15[%select_n3A_94, %select_n3A_210, %parallel_loop3A_539], %parallel_loop3A_547 : memref<8x8x129xf32, #tpu.memory_space<vmem>>[vector<16xi32>, vector<16xi32>, vector<16xi32>], vector<16xf32>,
        %parallel_loop3A_548 = arith.index_cast %parallel_loop3A_537 : i32 to index
        %parallel_loop3A_549 = arith.constant 32 : index
        %parallel_loop3A_550 = tpu.vector_load %arg11[%parallel_loop3A_548, %parallel_loop3A_549] {strides = array<i32>} : memref<128x64xf32, #tpu.memory_space<vmem>>, vector<16xf32>,
        %parallel_loop3A_551 = arith.addf %parallel_loop3A_550, %get3A_505 : vector<16xf32>
        tpu.vector_store_idx %arg15[%select_n3A_128, %select_n3A_235, %parallel_loop3A_539], %parallel_loop3A_551 : memref<8x8x129xf32, #tpu.memory_space<vmem>>[vector<16xi32>, vector<16xi32>, vector<16xi32>], vector<16xf32>,
        %parallel_loop3A_552 = arith.index_cast %parallel_loop3A_537 : i32 to index
        %parallel_loop3A_553 = arith.constant 48 : index
        %parallel_loop3A_554 = tpu.vector_load %arg11[%parallel_loop3A_552, %parallel_loop3A_553] {strides = array<i32>} : memref<128x64xf32, #tpu.memory_space<vmem>>, vector<16xf32>,
        %parallel_loop3A_555 = arith.addf %parallel_loop3A_554, %get3A_508 : vector<16xf32>
        tpu.vector_store_idx %arg15[%select_n3A_162, %select_n3A_260, %parallel_loop3A_539], %parallel_loop3A_555 : memref<8x8x129xf32, #tpu.memory_space<vmem>>[vector<16xi32>, vector<16xi32>, vector<16xi32>], vector<16xf32>,
      } {sc.loop_unroll_factor = 16 : i64, sc.parallel_access}
      %dma_start3A_512 = arith.constant 0 : i32
      %dma_start3A_513 = arith.constant 0 : i32
      %dma_start3A_514 = arith.constant 0 : i32
      %dma_start3A_515 = tpu.memref_slice %arg15[%dma_start3A_512, %dma_start3A_513, %dma_start3A_514] : memref<8x8x129xf32, #tpu.memory_space<vmem>> -> memref<8x8x128xf32, #tpu.memory_space<vmem>>
      %dma_start3A_516 = arith.constant 0 : i32
      %dma_start3A_517 = arith.constant 0 : i32
      %dma_start3A_518 = arith.constant 0 : i32
      %dma_start3A_519 = tpu.memref_slice %arg5[%add3A_490, %dma_start3A_516, %add3A, %dma_start3A_517, %dma_start3A_518] : memref<200x8x32x8x128xf32, #tpu.memory_space<hbm>> -> memref<1x8x1x8x128xf32, #tpu.memory_space<hbm>>
      %dma_start3A_520 = tpu.memref_squeeze %dma_start3A_519 : memref<1x8x1x8x128xf32, #tpu.memory_space<hbm>> -> memref<8x8x128xf32, #tpu.memory_space<hbm>>
      %dma_start3A_521 = arith.constant 0 : i32
      %dma_start3A_522 = arith.constant 0 : i32
      %dma_start3A_523 = arith.constant 0 : i32
      %dma_start3A_524 = tpu.memref_slice %arg5[%add3A_490, %dma_start3A_521, %add3A, %dma_start3A_522, %dma_start3A_523] : memref<200x8x32x8x128xf32, #tpu.memory_space<hbm>> -> memref<1x8x1x8x128xf32, #tpu.memory_space<hbm>>
      %dma_start3A_525 = tpu.memref_squeeze %dma_start3A_524 : memref<1x8x1x8x128xf32, #tpu.memory_space<hbm>> -> memref<8x8x128xf32, #tpu.memory_space<hbm>>
      %dma_start3A_526 = arith.constant 0 : i32
      %dma_start3A_527 = arith.constant 0 : i32
      %dma_start3A_528 = arith.constant 0 : i32
      %dma_start3A_529 = tpu.memref_slice %arg15[%dma_start3A_526, %dma_start3A_527, %dma_start3A_528] : memref<8x8x129xf32, #tpu.memory_space<vmem>> -> memref<8x8x128xf32, #tpu.memory_space<vmem>>
      tpu.enqueue_dma source(%dma_start3A_529 : memref<8x8x128xf32, #tpu.memory_space<vmem>>) target(%dma_start3A_525 : memref<8x8x128xf32, #tpu.memory_space<hbm>>) target_semaphore(%arg23 : memref<!tpu.dma_semaphore, #tpu.memory_space<semaphore_mem>>)
      %add3A_530 = arith.constant 4 : i32
      %add3A_531 = arith.addi %add3A_490, %add3A_530 : i32
      %lt3A_532 = arith.constant 200 : i32
      %lt3A_533 = arith.cmpi slt, %add3A_531, %lt3A_532 : i32
      %convert_element_type3A_534 = arith.extui %lt3A_533 : i1 to i32
      %cond3A_535 = arith.constant 0 : i32
      %cond3A_536 = arith.cmpi ne, %convert_element_type3A_534, %cond3A_535 : i32
      scf.if %cond3A_536 {
        %dma_wait3A_537 = arith.constant 0 : i32
        %dma_wait3A_538 = arith.constant 0 : i32
        %dma_wait3A_539 = arith.constant 0 : i32
        %dma_wait3A_540 = arith.constant 0 : i32
        %dma_wait3A_541 = arith.constant 0 : i32
        %dma_wait3A_542 = tpu.memref_slice %arg15[%dma_wait3A_539, %dma_wait3A_540, %dma_wait3A_541] : memref<8x8x129xf32, #tpu.memory_space<vmem>> -> memref<8x8x128xf32, #tpu.memory_space<vmem>>
        %dma_wait3A_543 = arith.constant 0 : i32
        %dma_wait3A_544 = arith.constant 0 : i32
        %dma_wait3A_545 = arith.constant 0 : i32
        %dma_wait3A_546 = tpu.memref_slice %arg5[%dma_wait3A_537, %dma_wait3A_543, %dma_wait3A_538, %dma_wait3A_544, %dma_wait3A_545] : memref<200x8x32x8x128xf32, #tpu.memory_space<hbm>> -> memref<1x8x1x8x128xf32, #tpu.memory_space<hbm>>
        %dma_wait3A_547 = tpu.memref_squeeze %dma_wait3A_546 : memref<1x8x1x8x128xf32, #tpu.memory_space<hbm>> -> memref<8x8x128xf32, #tpu.memory_space<hbm>>
        %dma_wait3A_548 = arith.constant 0 : i32
        %dma_wait3A_549 = arith.constant 0 : i32
        %dma_wait3A_550 = arith.constant 0 : i32
        %dma_wait3A_551 = tpu.memref_slice %arg5[%dma_wait3A_537, %dma_wait3A_548, %dma_wait3A_538, %dma_wait3A_549, %dma_wait3A_550] : memref<200x8x32x8x128xf32, #tpu.memory_space<hbm>> -> memref<1x8x1x8x128xf32, #tpu.memory_space<hbm>>
        %dma_wait3A_552 = tpu.memref_squeeze %dma_wait3A_551 : memref<1x8x1x8x128xf32, #tpu.memory_space<hbm>> -> memref<8x8x128xf32, #tpu.memory_space<hbm>>
        %dma_wait3A_553 = arith.constant 0 : i32
        %dma_wait3A_554 = arith.constant 0 : i32
        %dma_wait3A_555 = arith.constant 0 : i32
        %dma_wait3A_556 = tpu.memref_slice %arg15[%dma_wait3A_553, %dma_wait3A_554, %dma_wait3A_555] : memref<8x8x129xf32, #tpu.memory_space<vmem>> -> memref<8x8x128xf32, #tpu.memory_space<vmem>>
        tpu.wait_dma2 semaphore(%arg23 : memref<!tpu.dma_semaphore, #tpu.memory_space<semaphore_mem>>) src(%dma_wait3A_556 : memref<8x8x128xf32, #tpu.memory_space<vmem>>) dst(%dma_wait3A_552 : memref<8x8x128xf32, #tpu.memory_space<hbm>>)
        %add3A_557 = arith.constant 4 : i32
        %add3A_558 = arith.addi %add3A_490, %add3A_557 : i32
        %jit3A_559 = arith.constant 8 : i32
        %div3A_560 = arith.divsi %add3A_558, %jit3A_559 : i32
        %sign3A_561 = arith.constant 0 : i32
        %sign3A_562 = arith.cmpi sgt, %add3A_558, %sign3A_561 : i32
        %sign3A_563 = arith.extui %sign3A_562 : i1 to i32
        %sign3A_564 = arith.constant 0 : i32
        %sign3A_565 = arith.cmpi slt, %add3A_558, %sign3A_564 : i32
        %sign3A_566 = arith.extui %sign3A_565 : i1 to i32
        %sign3A_567 = arith.subi %sign3A_563, %sign3A_566 : i32
        %sign3A_568 = arith.constant 0 : i32
        %sign3A_569 = arith.cmpi sgt, %jit3A_559, %sign3A_568 : i32
        %sign3A_570 = arith.extui %sign3A_569 : i1 to i32
        %sign3A_571 = arith.constant 0 : i32
        %sign3A_572 = arith.cmpi slt, %jit3A_559, %sign3A_571 : i32
        %sign3A_573 = arith.extui %sign3A_572 : i1 to i32
        %sign3A_574 = arith.subi %sign3A_570, %sign3A_573 : i32
        %ne3A_575 = arith.cmpi ne, %sign3A_567, %sign3A_574 : i32
        %rem3A_576 = arith.remsi %add3A_558, %jit3A_559 : i32
        %ne3A_577 = arith.constant 0 : i32
        %ne3A_578 = arith.cmpi ne, %rem3A_576, %ne3A_577 : i32
        %and3A_579 = arith.andi %ne3A_575, %ne3A_578 : i1
        %sub3A_580 = arith.constant 1 : i32
        %sub3A_581 = arith.subi %div3A_560, %sub3A_580 : i32
        %select_n3A_582 = arith.select %and3A_579, %sub3A_581, %div3A_560 : i32
        %jit3A_583 = arith.constant 8 : i32
        %eq3A_584 = arith.constant 0 : i32
        %eq3A_585 = arith.cmpi eq, %jit3A_583, %eq3A_584 : i32
        %jit3A_586 = arith.constant 1 : i32
        %select_n3A_587 = arith.select %eq3A_585, %jit3A_586, %jit3A_583 : i32
        %rem3A_588 = arith.remsi %add3A_558, %select_n3A_587 : i32
        %ne3A_589 = arith.constant 0 : i32
        %ne3A_590 = arith.cmpi ne, %rem3A_588, %ne3A_589 : i32
        %lt3A_591 = arith.constant 0 : i32
        %lt3A_592 = arith.cmpi slt, %rem3A_588, %lt3A_591 : i32
        %lt3A_593 = arith.constant 0 : i32
        %lt3A_594 = arith.cmpi slt, %select_n3A_587, %lt3A_593 : i32
        %ne3A_595 = arith.xori %lt3A_592, %lt3A_594 : i1
        %and3A_596 = arith.andi %ne3A_595, %ne3A_590 : i1
        %add3A_597 = arith.addi %rem3A_588, %select_n3A_587 : i32
        %select_n3A_598 = arith.select %and3A_596, %add3A_597, %rem3A_588 : i32
        %dma_start3A_599 = arith.constant 0 : i32
        %dma_start3A_600 = tpu.memref_slice %arg6[%select_n3A_582, %select_n3A_598, %dma_start3A_599] : memref<25x8x128xi32, #tpu.memory_space<vmem>> -> memref<1x1x128xi32, #tpu.memory_space<vmem>>
        %dma_start3A_601 = tpu.memref_squeeze %dma_start3A_600 : memref<1x1x128xi32, #tpu.memory_space<vmem>> -> memref<128xi32, #tpu.memory_space<vmem>>
        %dma_start3A_602 = arith.constant 0 : i32
        %dma_start3A_603 = arith.constant 0 : i32
        %dma_start3A_604 = tpu.memref_slice %arg3[%dma_start3A_602, %dma_start3A_603] : memref<100000x64xf32, #tpu.memory_space<hbm>> -> memref<100000x64xf32, #tpu.memory_space<hbm>>
        tpu.enqueue_indirect_dma source(%dma_start3A_604 : memref<100000x64xf32, #tpu.memory_space<hbm>>) target(%arg11 : memref<128x64xf32, #tpu.memory_space<vmem>>) offsets(%dma_start3A_601 : memref<128xi32, #tpu.memory_space<vmem>>) semaphore(%arg19 : memref<!tpu.dma_semaphore, #tpu.memory_space<semaphore_mem>>)
      } else {
      }
    }
    %scan3A_264 = arith.constant 50 : i32
    %dma_wait3A = arith.constant 0 : i32
    %dma_wait3A_265 = arith.constant 0 : i32
    %dma_wait3A_266 = arith.constant 0 : i32
    %dma_wait3A_267 = arith.constant 0 : i32
    %dma_wait3A_268 = arith.constant 0 : i32
    %dma_wait3A_269 = tpu.memref_slice %arg12[%dma_wait3A_266, %dma_wait3A_267, %dma_wait3A_268] : memref<8x8x129xf32, #tpu.memory_space<vmem>> -> memref<8x8x128xf32, #tpu.memory_space<vmem>>
    %dma_wait3A_270 = arith.constant 0 : i32
    %dma_wait3A_271 = arith.constant 0 : i32
    %dma_wait3A_272 = arith.constant 0 : i32
    %dma_wait3A_273 = tpu.memref_slice %arg5[%dma_wait3A, %dma_wait3A_270, %dma_wait3A_265, %dma_wait3A_271, %dma_wait3A_272] : memref<200x8x32x8x128xf32, #tpu.memory_space<hbm>> -> memref<1x8x1x8x128xf32, #tpu.memory_space<hbm>>
    %dma_wait3A_274 = tpu.memref_squeeze %dma_wait3A_273 : memref<1x8x1x8x128xf32, #tpu.memory_space<hbm>> -> memref<8x8x128xf32, #tpu.memory_space<hbm>>
    %dma_wait3A_275 = arith.constant 0 : i32
    %dma_wait3A_276 = arith.constant 0 : i32
    %dma_wait3A_277 = arith.constant 0 : i32
    %dma_wait3A_278 = tpu.memref_slice %arg5[%dma_wait3A, %dma_wait3A_275, %dma_wait3A_265, %dma_wait3A_276, %dma_wait3A_277] : memref<200x8x32x8x128xf32, #tpu.memory_space<hbm>> -> memref<1x8x1x8x128xf32, #tpu.memory_space<hbm>>
    %dma_wait3A_279 = tpu.memref_squeeze %dma_wait3A_278 : memref<1x8x1x8x128xf32, #tpu.memory_space<hbm>> -> memref<8x8x128xf32, #tpu.memory_space<hbm>>
    %dma_wait3A_280 = arith.constant 0 : i32
    %dma_wait3A_281 = arith.constant 0 : i32
    %dma_wait3A_282 = arith.constant 0 : i32
    %dma_wait3A_283 = tpu.memref_slice %arg12[%dma_wait3A_280, %dma_wait3A_281, %dma_wait3A_282] : memref<8x8x129xf32, #tpu.memory_space<vmem>> -> memref<8x8x128xf32, #tpu.memory_space<vmem>>
    tpu.wait_dma2 semaphore(%arg20 : memref<!tpu.dma_semaphore, #tpu.memory_space<semaphore_mem>>) src(%dma_wait3A_283 : memref<8x8x128xf32, #tpu.memory_space<vmem>>) dst(%dma_wait3A_279 : memref<8x8x128xf32, #tpu.memory_space<hbm>>)
    %dma_wait3A_284 = arith.constant 0 : i32
    %dma_wait3A_285 = arith.constant 0 : i32
    %dma_wait3A_286 = arith.constant 0 : i32
    %dma_wait3A_287 = arith.constant 0 : i32
    %dma_wait3A_288 = arith.constant 0 : i32
    %dma_wait3A_289 = tpu.memref_slice %arg13[%dma_wait3A_286, %dma_wait3A_287, %dma_wait3A_288] : memref<8x8x129xf32, #tpu.memory_space<vmem>> -> memref<8x8x128xf32, #tpu.memory_space<vmem>>
    %dma_wait3A_290 = arith.constant 0 : i32
    %dma_wait3A_291 = arith.constant 0 : i32
    %dma_wait3A_292 = arith.constant 0 : i32
    %dma_wait3A_293 = tpu.memref_slice %arg5[%dma_wait3A_284, %dma_wait3A_290, %dma_wait3A_285, %dma_wait3A_291, %dma_wait3A_292] : memref<200x8x32x8x128xf32, #tpu.memory_space<hbm>> -> memref<1x8x1x8x128xf32, #tpu.memory_space<hbm>>
    %dma_wait3A_294 = tpu.memref_squeeze %dma_wait3A_293 : memref<1x8x1x8x128xf32, #tpu.memory_space<hbm>> -> memref<8x8x128xf32, #tpu.memory_space<hbm>>
    %dma_wait3A_295 = arith.constant 0 : i32
    %dma_wait3A_296 = arith.constant 0 : i32
    %dma_wait3A_297 = arith.constant 0 : i32
    %dma_wait3A_298 = tpu.memref_slice %arg5[%dma_wait3A_284, %dma_wait3A_295, %dma_wait3A_285, %dma_wait3A_296, %dma_wait3A_297] : memref<200x8x32x8x128xf32, #tpu.memory_space<hbm>> -> memref<1x8x1x8x128xf32, #tpu.memory_space<hbm>>
    %dma_wait3A_299 = tpu.memref_squeeze %dma_wait3A_298 : memref<1x8x1x8x128xf32, #tpu.memory_space<hbm>> -> memref<8x8x128xf32, #tpu.memory_space<hbm>>
    %dma_wait3A_300 = arith.constant 0 : i32
    %dma_wait3A_301 = arith.constant 0 : i32
    %dma_wait3A_302 = arith.constant 0 : i32
    %dma_wait3A_303 = tpu.memref_slice %arg13[%dma_wait3A_300, %dma_wait3A_301, %dma_wait3A_302] : memref<8x8x129xf32, #tpu.memory_space<vmem>> -> memref<8x8x128xf32, #tpu.memory_space<vmem>>
    tpu.wait_dma2 semaphore(%arg21 : memref<!tpu.dma_semaphore, #tpu.memory_space<semaphore_mem>>) src(%dma_wait3A_303 : memref<8x8x128xf32, #tpu.memory_space<vmem>>) dst(%dma_wait3A_299 : memref<8x8x128xf32, #tpu.memory_space<hbm>>)
    %dma_wait3A_304 = arith.constant 0 : i32
    %dma_wait3A_305 = arith.constant 0 : i32
    %dma_wait3A_306 = arith.constant 0 : i32
    %dma_wait3A_307 = arith.constant 0 : i32
    %dma_wait3A_308 = arith.constant 0 : i32
    %dma_wait3A_309 = tpu.memref_slice %arg14[%dma_wait3A_306, %dma_wait3A_307, %dma_wait3A_308] : memref<8x8x129xf32, #tpu.memory_space<vmem>> -> memref<8x8x128xf32, #tpu.memory_space<vmem>>
    %dma_wait3A_310 = arith.constant 0 : i32
    %dma_wait3A_311 = arith.constant 0 : i32
    %dma_wait3A_312 = arith.constant 0 : i32
    %dma_wait3A_313 = tpu.memref_slice %arg5[%dma_wait3A_304, %dma_wait3A_310, %dma_wait3A_305, %dma_wait3A_311, %dma_wait3A_312] : memref<200x8x32x8x128xf32, #tpu.memory_space<hbm>> -> memref<1x8x1x8x128xf32, #tpu.memory_space<hbm>>
    %dma_wait3A_314 = tpu.memref_squeeze %dma_wait3A_313 : memref<1x8x1x8x128xf32, #tpu.memory_space<hbm>> -> memref<8x8x128xf32, #tpu.memory_space<hbm>>
    %dma_wait3A_315 = arith.constant 0 : i32
    %dma_wait3A_316 = arith.constant 0 : i32
    %dma_wait3A_317 = arith.constant 0 : i32
    %dma_wait3A_318 = tpu.memref_slice %arg5[%dma_wait3A_304, %dma_wait3A_315, %dma_wait3A_305, %dma_wait3A_316, %dma_wait3A_317] : memref<200x8x32x8x128xf32, #tpu.memory_space<hbm>> -> memref<1x8x1x8x128xf32, #tpu.memory_space<hbm>>
    %dma_wait3A_319 = tpu.memref_squeeze %dma_wait3A_318 : memref<1x8x1x8x128xf32, #tpu.memory_space<hbm>> -> memref<8x8x128xf32, #tpu.memory_space<hbm>>
    %dma_wait3A_320 = arith.constant 0 : i32
    %dma_wait3A_321 = arith.constant 0 : i32
    %dma_wait3A_322 = arith.constant 0 : i32
    %dma_wait3A_323 = tpu.memref_slice %arg14[%dma_wait3A_320, %dma_wait3A_321, %dma_wait3A_322] : memref<8x8x129xf32, #tpu.memory_space<vmem>> -> memref<8x8x128xf32, #tpu.memory_space<vmem>>
    tpu.wait_dma2 semaphore(%arg22 : memref<!tpu.dma_semaphore, #tpu.memory_space<semaphore_mem>>) src(%dma_wait3A_323 : memref<8x8x128xf32, #tpu.memory_space<vmem>>) dst(%dma_wait3A_319 : memref<8x8x128xf32, #tpu.memory_space<hbm>>)
    %dma_wait3A_324 = arith.constant 0 : i32
    %dma_wait3A_325 = arith.constant 0 : i32
    %dma_wait3A_326 = arith.constant 0 : i32
    %dma_wait3A_327 = arith.constant 0 : i32
    %dma_wait3A_328 = arith.constant 0 : i32
    %dma_wait3A_329 = tpu.memref_slice %arg15[%dma_wait3A_326, %dma_wait3A_327, %dma_wait3A_328] : memref<8x8x129xf32, #tpu.memory_space<vmem>> -> memref<8x8x128xf32, #tpu.memory_space<vmem>>
    %dma_wait3A_330 = arith.constant 0 : i32
    %dma_wait3A_331 = arith.constant 0 : i32
    %dma_wait3A_332 = arith.constant 0 : i32
    %dma_wait3A_333 = tpu.memref_slice %arg5[%dma_wait3A_324, %dma_wait3A_330, %dma_wait3A_325, %dma_wait3A_331, %dma_wait3A_332] : memref<200x8x32x8x128xf32, #tpu.memory_space<hbm>> -> memref<1x8x1x8x128xf32, #tpu.memory_space<hbm>>
    %dma_wait3A_334 = tpu.memref_squeeze %dma_wait3A_333 : memref<1x8x1x8x128xf32, #tpu.memory_space<hbm>> -> memref<8x8x128xf32, #tpu.memory_space<hbm>>
    %dma_wait3A_335 = arith.constant 0 : i32
    %dma_wait3A_336 = arith.constant 0 : i32
    %dma_wait3A_337 = arith.constant 0 : i32
    %dma_wait3A_338 = tpu.memref_slice %arg5[%dma_wait3A_324, %dma_wait3A_335, %dma_wait3A_325, %dma_wait3A_336, %dma_wait3A_337] : memref<200x8x32x8x128xf32, #tpu.memory_space<hbm>> -> memref<1x8x1x8x128xf32, #tpu.memory_space<hbm>>
    %dma_wait3A_339 = tpu.memref_squeeze %dma_wait3A_338 : memref<1x8x1x8x128xf32, #tpu.memory_space<hbm>> -> memref<8x8x128xf32, #tpu.memory_space<hbm>>
    %dma_wait3A_340 = arith.constant 0 : i32
    %dma_wait3A_341 = arith.constant 0 : i32
    %dma_wait3A_342 = arith.constant 0 : i32
    %dma_wait3A_343 = tpu.memref_slice %arg15[%dma_wait3A_340, %dma_wait3A_341, %dma_wait3A_342] : memref<8x8x129xf32, #tpu.memory_space<vmem>> -> memref<8x8x128xf32, #tpu.memory_space<vmem>>
    tpu.wait_dma2 semaphore(%arg23 : memref<!tpu.dma_semaphore, #tpu.memory_space<semaphore_mem>>) src(%dma_wait3A_343 : memref<8x8x128xf32, #tpu.memory_space<vmem>>) dst(%dma_wait3A_339 : memref<8x8x128xf32, #tpu.memory_space<hbm>>)
    return
  }
}

</mosaic_0001>

<sc_bundles>
// kernel: kernel.3.cloned.1.call-start
scs
__scs_entry_jumppad:
0x0: {  	(pc) =	sbr.rel $0x88, $3  }
0x1: {  	(tag) =	ssettag $0x0;
	lr =	simm.s32 $0x1  }
0x2: {  	[smem:$0x3F9E] =	sst lr;
	_ =	strace $0xD0000000  }
0x3: {  	_ = 	snop  }
0x4: {  	_ = 	snop  }
0x5: {  	_ = 	snop  }
0x6: {  	_ = 	snop  }
0x7: {  	_ = 	snop  }
__scs_overlays_trampoline_lowered:
0x8: {  	[smem:$0x3FAD] =	sst s0  }
0x9: {  	[smem:$0x3FAE] =	sst s1  }
0xa: {  	[smem:$0x3FAF] =	sst s2  }
0xb: {  	[smem:$0x3FB0] =	sst s3  }
0xc: {  	[smem:$0x3FB1] =	sst s4  }
0xd: {  	[smem:$0x3FB2] =	sst s5  }
0xe: {  	[smem:$0x3FB3] =	sst s6  }
0xf: {  	[smem:$0x3FB4] =	sst s7  }
0x10: {  	[smem:$0x3FB5] =	sst s8  }
0x11: {  	[smem:$0x3FB6] =	sst s9;
	s0 =	simm.s32 @!p0 $0x0  }
0x12: {  	s1 =	sld [smem:$0x3F9C];
	s0 =	simm.s32 @p0 $0x1  }
0x13: {  	[smem:$0x3FB7] =	sst s0;
	s0 =	simm.s32 @!p1 $0x0  }
0x14: {  	s2 =	sld [smem:$0x3F9B];
	s0 =	simm.s32 @p1 $0x1  }
0x15: {  	[smem:$0x3FB8] =	sst s0;
	s0 =	simm.s32 @!p2 $0x0  }
0x16: {  	s3 =	sld [smem:$0x3FDB];
	s0 =	simm.s32 @p2 $0x1  }
0x17: {  	s4 =	simm.s32 $0x1BF5;
	[smem:$0x3FBA] =	sst s0  }
0x18: {  	s0 =	sld [smem:$0x3F9D];
	_ =	swait.ge [sflag:s4], $0x0  }
0x19: {  	s7 =	sld [smem:$0x3F9E]  }
0x1a: {  	s8 =	sadd.s32 $0xFFFFE003, lr  }
0x1b: {  	s9 =	sadd.s32 $0xFFFFFEF7, lr;
	s5 =	simm.s32 $0xFFFFFFFF;
	p2 =	slt.u32 s8, $0xFFFFF086  }
0x1c: {  	p1 =	slt.u32 s9, $0xF7A;
	s5 =	simm.s32 @!p2 $0x0  }
0x1d: {  	s5 =	simm.s32 @p1 $0x1;
	p0 =	seq.s32 s7, s2  }
0x1e: {  	s7 =	smul.u32 @!p0 $0xF7A, s2;
	p2 =	seq.s32 @!p0 s5, $0x0  }
0x1f: {  	s9 =	smul.u32 $0xF7A, s1;
	s8 =	simm.s32 @!p0 $0x1BF5;
	p2 =	por !p2, p0  }
0x20: {  	[sflag:s8] =	ssyncset.s32 @!p0 $0xFFFFF086;
	s6 =	sadd.s32 @!p0 s3, s7;
	s7 =	simm.s32 @!p0 $0x108  }
0x21: {  	s3 =	sadd.s32 s3, s9;
	s6 =	sadd.s32 @!p0 $0x88, s6;
	s7 =	simm.s32 @p2 $0x1082  }
0x22: {  	[simem:s7], [sflag:s8] =	dma.local @!p0 [hbm:s6], $0xF7A  }
0x23: {  	s9 =	sor.u32 $0xD0000000, s2;
	s6 =	simm.s32 $0x108;
	_ =	swait.ge @!p0 [sflag:s8], $0x0  }
0x24: {  	s3 =	sadd.s32 $0x88, s3;
	s6 =	simm.s32 @!p1 $0x1082;
	[sflag:s4] =	ssyncset.s32 $0xFFFFF086  }
0x25: {  	[simem:s6], [sflag:s4] =	dma.local [hbm:s3], $0xF7A  }
0x26: {  	[smem:$0x3F9E] =	sst s1;
	(tag) =	ssettag s2;
	_ =	strace s9  }
0x27: {  	s1 =	sld [smem:$0x3FAE]  }
0x28: {  	s2 =	sld [smem:$0x3FAF]  }
0x29: {  	s4 =	sld [smem:$0x3FB1]  }
0x2a: {  	p0 =	seq.s32 s5, $0x0;
	s5 =	sld [smem:$0x3FB2]  }
0x2b: {  	s6 =	sld [smem:$0x3FB3]  }
0x2c: {  	s7 =	sld [smem:$0x3FB4]  }
0x2d: {  	s3 =	simm.s32 $0x108;
	s8 =	sld [smem:$0x3FB5]  }
0x2e: {  	s3 =	simm.s32 @!p0 $0x1082;
	s9 =	sld [smem:$0x3FB6]  }
0x2f: {  	lr =	sadd.s32 s0, s3;
	s0 =	sld [smem:$0x3FAD]  }
0x30: {  	s3 =	sld [smem:$0x3FB0]  }
0x31: {  	[smem:$0x3FB9] =	sst s10  }
0x32: {  	s10 =	sld [smem:$0x3FB7];
	_ =	sdelay $0x3  }
0x33: {  	p0 =	seq.s32 s10, $0x1;
	s10 =	sld [smem:$0x3FB9];
	_ =	sdelay $0x3  }
0x34: {  	[smem:$0x3FB9] =	sst s10  }
0x35: {  	s10 =	sld [smem:$0x3FB8];
	_ =	sdelay $0x3  }
0x36: {  	p1 =	seq.s32 s10, $0x1;
	s10 =	sld [smem:$0x3FB9];
	_ =	sdelay $0x3  }
0x37: {  	[smem:$0x3FB9] =	sst s10  }
0x38: {  	s10 =	sld [smem:$0x3FBA]  }
0x39: {  	_ = 	snop;
	(pc) =	sbr.ind lr, $3  }
0x3a: {  	_ = 	snop  }
0x3b: {  	_ = 	snop  }
0x3c: {  	p2 =	seq.s32 s10, $0x1;
	s10 =	sld [smem:$0x3FB9]  }
0x3d: {  	_ =	shalt  }
0x3e: {  	_ =	shalt  }
0x3f: {  	_ =	shalt  }
0x40: {  	_ =	shalt  }
0x41: {  	_ =	shalt  }
0x42: {  	_ =	shalt  }
0x43: {  	_ =	shalt  }
0x44: {  	_ =	shalt  }
0x45: {  	_ =	shalt  }
0x46: {  	_ =	shalt  }
0x47: {  	_ =	shalt  }
0x48: {  	_ =	shalt  }
0x49: {  	_ =	shalt  }
0x4a: {  	_ =	shalt  }
0x4b: {  	_ =	shalt  }
0x4c: {  	_ =	shalt  }
0x4d: {  	_ =	shalt  }
0x4e: {  	_ =	shalt  }
0x4f: {  	_ =	shalt  }
0x50: {  	_ =	shalt  }
0x51: {  	_ =	shalt  }
0x52: {  	_ =	shalt  }
0x53: {  	_ =	shalt  }
0x54: {  	_ =	shalt  }
0x55: {  	_ =	shalt  }
0x56: {  	_ =	shalt  }
0x57: {  	_ =	shalt  }
0x58: {  	_ =	shalt  }
0x59: {  	_ =	shalt  }
0x5a: {  	_ =	shalt  }
0x5b: {  	_ =	shalt  }
0x5c: {  	_ =	shalt  }
0x5d: {  	_ =	shalt  }
0x5e: {  	_ =	shalt  }
0x5f: {  	_ =	shalt  }
0x60: {  	_ =	shalt  }
0x61: {  	_ =	shalt  }
0x62: {  	_ =	shalt  }
0x63: {  	_ =	shalt  }
0x64: {  	_ =	shalt  }
0x65: {  	_ =	shalt  }
0x66: {  	_ =	shalt  }
0x67: {  	_ =	shalt  }
0x68: {  	_ =	shalt  }
0x69: {  	_ =	shalt  }
0x6a: {  	_ =	shalt  }
0x6b: {  	_ =	shalt  }
0x6c: {  	_ =	shalt  }
0x6d: {  	_ =	shalt  }
0x6e: {  	_ =	shalt  }
0x6f: {  	_ =	shalt  }
0x70: {  	_ =	shalt  }
0x71: {  	_ =	shalt  }
0x72: {  	_ =	shalt  }
0x73: {  	_ =	shalt  }
0x74: {  	_ =	shalt  }
0x75: {  	_ =	shalt  }
0x76: {  	_ =	shalt  }
0x77: {  	_ =	shalt  }
0x78: {  	_ =	shalt  }
0x79: {  	_ =	shalt  }
0x7a: {  	_ =	shalt  }
0x7b: {  	_ =	shalt  }
0x7c: {  	_ =	shalt  }
0x7d: {  	_ =	shalt  }
0x7e: {  	_ =	shalt  }
0x7f: {  	_ =	shalt  }
0x80: {  	_ =	shalt  }
0x81: {  	_ =	shalt  }
0x82: {  	_ =	shalt  }
0x83: {  	_ =	shalt  }
0x84: {  	_ =	shalt  }
0x85: {  	_ =	shalt  }
0x86: {  	_ =	shalt  }
0x87: {  	_ =	shalt  }
.Lfunc_end0:
.L_simem_size_0:
called_computation_lowered:
.L_overlay_start_0:
0x88: {  	s2 =	sld [smem:$0x3FD9]  }
0x89: {  	s3 =	sld [smem:$0x3FFE];
	_ =	sdelay $0x1  }
0x8a: {  	s1 =	srdreg.scid  }
0x8b: {  	s0 =	sand.u32 $0x1, s1  }
0x8c: {  	s17 =	sshll.u32 s0, $0xA;
	s2 =	sadd.s32 s3, s2  }
0x8d: {  	s2 =	sadd.s32 s2, s17  }
0x8e: {  	[smem:$0x3FC5] =	sst s2  }
0x8f: {  	_ = 	snop  }
0x90: {  	s2 =	sld [smem:$0x3FC9]  }
0x91: {  	s18 =	sld [smem:$0x3FD0];
	(tm) =	ssettm $0x1  }
0x92: {  	s4 =	sld [smem:$0x3FFB];
	_ =	sdelay $0x3  }
0x93: {  	_ =	strace s4  }
0x94: {  	s4 =	sld [smem:$0x3FFC];
	_ =	sdelay $0x3  }
0x95: {  	_ =	strace s4  }
0x96: {  	s4 =	sld [smem:$0x3FFD];
	_ =	sdelay $0x3  }
0x97: {  	_ =	strace s4  }
0x98: {  	_ =	strace $0x8FFFFFFF  }
0x99: {  	s19 =	sld [smem:$0x3FDB];
	_ =	sdelay $0x1  }
0x9a: {  	s5 =	simm.s32 $_scs_section_size  }
0x9b: {  	s6 =	simm.s32 $_size__tile_overlayer_lowered;
	s7 =	simm.s32 $_tile_overlayer_lowered  }
0x9c: {  	s22 =	simm.s32 $0x1BFF;
	s21 =	sshll.u32 s7, $0x1;
	s4 =	sadd.s32 s5, s19  }
0x9d: {  	s8 =	simm.s32 $0x0;
	s20 =	sshll.u32 s6, $0x1;
	s6 =	sadd.s32 s21, s4  }
0x9e: {  	[timem:s8], [sflag:s22] =	dma.local [hbm:s6], s20  }
0x9f: {  	_ =	swait.ge [sflag:s22], s20  }
0xa0: {  	s5 =	ssub.s32 $0x0, s20;
	[sflag:s22] =	ssyncset.done $0x0  }
0xa1: {  	[sflag:s22] =	ssyncadd.s32 s5;
	_ =	sdelay $0x1  }
0xa2: {  	s23 =	simm.s32 $0x1B8B  }
0xa3: {  	_ =	swait.ge [sflag:s23], $0x1  }
0xa4: {  	[sflag:s23] =	ssyncset.done $0x0  }
0xa5: {  	s25 =	simm.s32 $0x1B8E;
	s24 =	sld [smem:$0x3FFE];
	[sflag:s23] =	ssyncadd.s32 $0xFFFFFFFF  }
0xa6: {  	s26 =	simm.s32 $execute0_lowered;
	[smem:$0x3FD2] =	sst s25  }
0xa7: {  	s6 =	sshll.u32 s26, $0x1;
	_ =	strace $0x80000046;
	[dreg:$0x1] =	wrdreg $0xFFFFFFFF  }
0xa8: {  	s28 =	simm.s32 $_size_execute0_lowered;
	s4 =	sadd.s32 s4, s6;
	[dreg:$0x0] =	wrdreg $0x0  }
0xa9: {  	s6 =	sshll.u32 s28, $0x1;
	[dreg:$0x2] =	wrdreg s4  }
0xaa: {  	[dreg:$0x3] =	wrdreg s6  }
0xab: {  	[dreg:$0x4] =	wrdreg $0xC0  }
0xac: {  	_ =	task [dreg:s8], $0x5FFFF  }
0xad: {  	[dreg:$0x1] =	wrdreg $0xFFFFFFFF  }
0xae: {  	[dreg:$0x0] =	wrdreg $0x60  }
0xaf: {  	[dreg:$0x2] =	wrdreg s2  }
0xb0: {  	[dreg:$0x3] =	wrdreg s24  }
0xb1: {  	[dreg:$0x4] =	wrdreg s18  }
0xb2: {  	[dreg:$0x5] =	wrdreg $0x9  }
0xb3: {  	_ =	task.clear_ibuf [dreg:s8], $0x6FFFF;
	_ =	strace $0x90000046  }
0xb4: {  	s29 =	simm.s32 $0x9;
	_ =	strace $0x80000048  }
0xb5: {  	_ =	swait.ge [sflag:s29], $0x1  }
0xb6: {  	[sflag:s29] =	ssyncadd.s32 $0xFFFFFFFF  }
0xb7: {  	_ =	strace $0x90000048  }
0xb8: {  	_ =	sfence  }
0xb9: {  	s30 =	sld [smem:$0x0];
	_ =	sdelay $0x2  }
0xba: {  	s31 =	sshll.u32 s1, $0xD;
	s1 =	sshrl.u32 s1, $0x2  }
0xbb: {  	s3 =	sand.u32 $0x4000, s31;
	s1 =	sadd.s32 s1, s30  }
0xbc: {  	s0 =	sor.u32 s3, s0;
	s1 =	sshll.u32 s1, $0x11  }
0xbd: {  	s0 =	sor.u32 s1, s0  }
0xbe: {  	s0 =	sadd.s32 $0x8F2B, s0  }
0xbf: {  	[sflag:s0] =	ssyncadd.remote.s32 $0x1  }
0xc0: {  	_ =	sfence.sel $0xFFFF  }
0xc1: {  	[dreg:$0x0] =	wrdreg $0xFFFFFFFF;
	(pc) =	sbr.abs _section_cstart, $3  }
0xc2: {  	[dreg:$0x1] =	wrdreg $0xFFFFFFFF  }
0xc3: {  	_ =	task.clear_ibuf [dreg:s8], $0x2FFFF;
	_ =	strace $0x9FFFFFFF  }
0xc4: {  	(tm) =	ssettm $0x7FFFFFFF  }
0xc5: {  	_ =	shalt  }
tec
execute0_lowered:
.L_overlay_start_1:
0x0: {  	(tag) =	ssettag $0x1  }
0x1: {  	s0 =	rddreg [dreg:$0x0];
	v0 =	vlaneseq.u32  }
0x2: {  	s2 =	rddreg [dreg:$0x1];
	s3 =	simm.s32 $0x0;
	v63 =	vmul.u32 $0x88, v0  }
0x3: {  	[smem:$0x7FF] =	sst s3  }
0x4: {  	s1 =	rddreg [dreg:$0x2];
	_ =	strace $0x80000047;
	v2 =	vadd.s32 $0x887, v63;
	[tilespmem:$0x1FE20] =	vst v63  }
0x5: {  	v8 =	vadd.s32 $0x880, v63;
	[tilespmem:$0x1FE00] =	vst v2  }
0x6: {  	v3 =	vadd.s32 $0x1100, v63;
	[tilespmem:$0x1FE30] =	vst v8  }
0x7: {  	v10 =	vadd.s32 $0x1980, v63;
	[tilespmem:$0x1FE40] =	vst v3  }
0x8: {  	v11 =	vor.u32 $0x1, v63;
	[tilespmem:$0x1FE50] =	vst v10  }
0x9: {  	v12 =	vadd.s32 $0x881, v63;
	[tilespmem:$0x1FE60] =	vst v11  }
0xa: {  	v4 =	vadd.s32 $0x1101, v63;
	[tilespmem:$0x1FE70] =	vst v12  }
0xb: {  	v14 =	vadd.s32 $0x1981, v63;
	[tilespmem:$0x1FE80] =	vst v4  }
0xc: {  	v7 =	vor.u32 $0x2, v63;
	[tilespmem:$0x1FE90] =	vst v14  }
0xd: {  	v16 =	vadd.s32 $0x882, v63;
	[tilespmem:$0x1FEA0] =	vst v7  }
0xe: {  	v0 =	vadd.s32 $0x1102, v63;
	[tilespmem:$0x1FEB0] =	vst v16  }
0xf: {  	v17 =	vadd.s32 $0x1982, v63;
	[tilespmem:$0x1FEC0] =	vst v0  }
0x10: {  	v18 =	vor.u32 $0x3, v63;
	[tilespmem:$0x1FED0] =	vst v17  }
0x11: {  	v19 =	vadd.s32 $0x883, v63;
	[tilespmem:$0x1FEE0] =	vst v18  }
0x12: {  	v20 =	vadd.s32 $0x1103, v63;
	[tilespmem:$0x1FEF0] =	vst v19  }
0x13: {  	v21 =	vadd.s32 $0x1983, v63;
	[tilespmem:$0x1FF00] =	vst v20  }
0x14: {  	v22 =	vor.u32 $0x4, v63;
	[tilespmem:$0x1FF10] =	vst v21  }
0x15: {  	v23 =	vadd.s32 $0x884, v63;
	[tilespmem:$0x1FF20] =	vst v22  }
0x16: {  	v24 =	vadd.s32 $0x1104, v63;
	[tilespmem:$0x1FF30] =	vst v23  }
0x17: {  	v25 =	vadd.s32 $0x1984, v63;
	[tilespmem:$0x1FF40] =	vst v24  }
0x18: {  	v26 =	vor.u32 $0x5, v63;
	[tilespmem:$0x1FF50] =	vst v25  }
0x19: {  	s4 =	srdreg.scid;
	s5 =	stileid.u32;
	s10 =	simm.s32 $0x9;
	v27 =	vadd.s32 $0x885, v63;
	[tilespmem:$0x1FF60] =	vst v26  }
0x1a: {  	s13 =	simm.s32 $0x80;
	s19 =	simm.s32 $0xF600;
	s20 =	simm.s32 $0x1;
	v28 =	vadd.s32 $0x1105, v63;
	[tilespmem:$0x1FF70] =	vst v27  }
0x1b: {  	s21 =	simm.s32 $0x11600;
	s22 =	simm.s32 $0x2;
	s23 =	simm.s32 $0x13800;
	v30 =	vadd.s32 $0x1985, v63;
	[tilespmem:$0x1FF80] =	vst v28  }
0x1c: {  	s24 =	simm.s32 $0x3;
	s25 =	simm.s32 $0x15A00;
	s28 =	simm.s32 $0x17C00;
	v31 =	vor.u32 $0x6, v63;
	[tilespmem:$0x1FF90] =	vst v30  }
0x1d: {  	s29 =	simm.s32 $0x5;
	s30 =	simm.s32 $0x6;
	s4 =	sand.u32 $0x1, s4;
	v6 =	vadd.s32 $0x886, v63;
	[tilespmem:$0x1FFA0] =	vst v31  }
0x1e: {  	s31 =	simm.s32 $0x7;
	s5 =	sshll.u32 s5, $0xB;
	s6 =	ssub.s32 $0x2, s4;
	v15 =	vor.u32 $0x7, v63;
	[tilespmem:$0x1FFB0] =	vst v6  }
.Ltmp0:
0x1f: {  	s4 =	sshll.u32 s4, $0xA;
	s7 =	sshrl.u32 s6, $0x1;
	v13 =	vadd.s32 $0x1106, v63;
	[tilespmem:$0x1FFC0] =	vst v15;
	(pc) =	sbr.rel .LBB2_1-.Ltmp0, $4  }
0x20: {  	s4 =	sor.u32 s4, s5;
	s5 =	sadd.s32 $0x1400, s2;
	s2 =	sadd.s32 $0x400, s2;
	v32 =	vadd.s32 $0x1986, v63;
	[tilespmem:$0x1FFD0] =	vst v13  }
0x21: {  	v9 =	vadd.s32 $0x1987, v63;
	s8 =	ssub.s32 s6, s7;
	s26 =	sshrl.u32 s4, $0x3;
	[dreg:$0x4] =	wrdreg s2;
	[tilespmem:$0x1FFE0] =	vst v32  }
0x22: {  	v1 =	vimm.s32 $0x0;
	vm0 =	vcmask $0x300;
	v2 =	vadd.s32 $0x1107, v63;
	s2 =	simm.s32 $0x0;
	[tilespmem:$0x1FFF0] =	vst v9;
	s0 =	sadd.s32 s0, s26;
	s8 =	smax.u32 s8, $0x1  }
0x23: {  	v1 =	vsel vm0, $0x3, v1;
	s26 =	simm.s32 $0x4;
	[tilespmem:$0x1FE10] =	vst v2;
	[dreg:$0x5] =	wrdreg s0;
	s0 =	simm.s32 $0x8  }
.LBB2_20:
0x24: {  	_ =	swait.ge [sflag:s29], $0x2000  }
0x25: {  	[sflag:s29] =	ssyncset.done $0x0  }
0x26: {  	[sflag:s29] =	ssyncadd.s32 $0xFFFFE000  }
0x27: {  	_ =	swait.ge [sflag:s30], $0x2000  }
0x28: {  	[sflag:s30] =	ssyncset.done $0x0  }
0x29: {  	[sflag:s30] =	ssyncadd.s32 $0xFFFFE000  }
0x2a: {  	_ =	swait.ge [sflag:s31], $0x2000  }
0x2b: {  	[sflag:s31] =	ssyncset.done $0x0  }
0x2c: {  	[sflag:s31] =	ssyncadd.s32 $0xFFFFE000  }
0x2d: {  	_ =	swait.ge [sflag:s0], $0x2000  }
0x2e: {  	v3 =	vld [tilespmem:$0x1FE40]  }
0x2f: {  	v10 =	vld [tilespmem:$0x1FE50]  }
0x30: {  	v11 =	vld [tilespmem:$0x1FE60]  }
0x31: {  	v12 =	vld [tilespmem:$0x1FE70]  }
0x32: {  	v4 =	vld [tilespmem:$0x1FE80]  }
0x33: {  	v14 =	vld [tilespmem:$0x1FE90]  }
0x34: {  	v7 =	vld [tilespmem:$0x1FEA0]  }
0x35: {  	v16 =	vld [tilespmem:$0x1FEB0]  }
0x36: {  	v17 =	vld [tilespmem:$0x1FED0]  }
0x37: {  	v18 =	vld [tilespmem:$0x1FEE0]  }
0x38: {  	v19 =	vld [tilespmem:$0x1FEF0]  }
0x39: {  	v20 =	vld [tilespmem:$0x1FF00]  }
0x3a: {  	v21 =	vld [tilespmem:$0x1FF10]  }
0x3b: {  	v22 =	vld [tilespmem:$0x1FF20]  }
0x3c: {  	v23 =	vld [tilespmem:$0x1FF30]  }
0x3d: {  	v24 =	vld [tilespmem:$0x1FF40]  }
0x3e: {  	v25 =	vld [tilespmem:$0x1FF50]  }
0x3f: {  	v26 =	vld [tilespmem:$0x1FF60]  }
0x40: {  	v27 =	vld [tilespmem:$0x1FF70]  }
0x41: {  	v28 =	vld [tilespmem:$0x1FF80]  }
0x42: {  	s2 =	sadd.s32 $0x1, s2;
	v30 =	vld [tilespmem:$0x1FF90]  }
0x43: {  	p0 =	sne.s32 s2, s8;
	v31 =	vld [tilespmem:$0x1FFA0]  }
.Ltmp1:
0x44: {  	v6 =	vld [tilespmem:$0x1FFB0];
	(pc) =	sbr.rel @!p0 .LBB2_21-.Ltmp1, $4  }
0x45: {  	v15 =	vld [tilespmem:$0x1FFC0]  }
0x46: {  	v13 =	vld [tilespmem:$0x1FFD0]  }
0x47: {  	[sflag:s0] =	ssyncset.done $0x0;
	v32 =	vld [tilespmem:$0x1FFE0]  }
0x48: {  	v9 =	vld [tilespmem:$0x1FFF0];
	[sflag:s0] =	ssyncadd.s32 $0xFFFFE000  }
.LBB2_1:
0x49: {  	s6 =	rddreg [dreg:$0x4];
	s7 =	simm.s32 $0x6400  }
0x4a: {  	[tilespmem:s7], [sflag:$0x9] =	stream.linear.gather [hbm4b:s6+s3], $0x3200, $0x38;
	[tilespmem:$0x19E00] =	vst v63  }
0x4b: {  	_ =	swait.ge [sflag:s10], $0x3200  }
0x4c: {  	s12 =	simm.s32 $0x400;
	[sflag:s10] =	ssyncset.done $0x0  }
0x4d: {  	s9 =	simm.s32 $0x8000;
	s11 =	rddreg [dreg:$0x5];
	[sflag:s10] =	ssyncadd.s32 $0xFFFFCE00  }
0x4e: {  	[tilespmem:s3], [sflag:$0x9] =	stream.strided.gather [hbm4b:s11+s12], $0x6400, s9, s12, $0x38;
	[tilespmem:$0x19E00] =	vst v63  }
0x4f: {  	_ =	swait.ge [sflag:s10], $0x6400  }
0x50: {  	[sflag:s10] =	ssyncset.done $0x0  }
0x51: {  	s14 =	simm.s32 $0x9600;
	[sflag:s10] =	ssyncadd.s32 $0xFFFF9C00  }
0x52: {  	[tilespmem:s14], [sflag:$0x1] =	stream.indirect.gather [hbm4b:s5+s13], $0x40, s3, s13, $0xb8;
	[tilespmem:$0x19E00] =	vst v63  }
0x53: {  	s15 =	simm.s32 $0xB600  }
0x54: {  	[tilespmem:s15], [sflag:$0x2] =	stream.indirect.gather [hbm4b:s5+s13], $0x40, s13, s13, $0xb8;
	[tilespmem:$0x19E00] =	vst v63  }
0x55: {  	s16 =	simm.s32 $0x100;
	s17 =	simm.s32 $0xD600  }
0x56: {  	[tilespmem:s17], [sflag:$0x3] =	stream.indirect.gather [hbm4b:s5+s13], $0x40, s16, s13, $0xb8;
	[tilespmem:$0x19E00] =	vst v63  }
0x57: {  	s18 =	simm.s32 $0x180;
	s9 =	simm.s32 $0x0  }
0x58: {  	v0 =	vmovc v6;
	v8 =	vmovc v3;
	v6 =	vmov v13;
	v13 =	vmov v12;
	v12 =	vmov v4;
	[tilespmem:s19], [sflag:$0x4] =	stream.indirect.gather [hbm4b:s5+s13], $0x40, s18, s13, $0xb8;
	[tilespmem:$0x19E00] =	vst v63  }
.LBB2_2:
0x59: {  	s11 =	simm.s32 $0x0;
	s17 =	simm.s32 $0x1  }
0x5a: {  	s12 =	simm.s32 $0x2;
	s14 =	simm.s32 $0x3;
	s18 =	simm.s32 $0x4;
	v33 =	vmov s11;
	v34 =	vmov s17  }
0x5b: {  	s6 =	simm.s32 $0x5;
	s7 =	simm.s32 $0x6;
	s15 =	simm.s32 $0x7;
	v35 =	vmov s12;
	v36 =	vmov s14;
	v37 =	vmov s18  }
0x5c: {  	s16 =	simm.s32 $0x8;
	_ =	swait.ge [sflag:s20], $0x2000;
	v38 =	vmov s6;
	v39 =	vmov s7;
	s17 =	simm.s32 $0x9;
	v40 =	vmov s15  }
0x5d: {  	v41 =	vmov s16;
	s18 =	simm.s32 $0xA;
	s7 =	simm.s32 $0xC;
	s14 =	simm.s32 $0xD;
	v33 =	vshrl.u32 v33, $0x3;
	v42 =	vmov s17  }
0x5e: {  	s15 =	simm.s32 $0xE;
	[sflag:s20] =	ssyncset.done $0x0;
	s16 =	sshll.u32 s9, $0x8;
	v43 =	vmov s18;
	v45 =	vmov s7;
	v46 =	vmov s14  }
0x5f: {  	v47 =	vmov s15;
	v34 =	vshrl.u32 v34, $0x3;
	v48 =	vshrl.u32 v35, $0x3;
	[sflag:s20] =	ssyncadd.s32 $0xFFFFE000;
	s11 =	sand.u32 $0x3FFFFF00, s16  }
0x60: {  	v49 =	vshrl.u32 v36, $0x3;
	v50 =	vshrl.u32 v37, $0x3;
	v38 =	vshrl.u32 v38, $0x3;
	v36 =	vld [tilespmem:s11+$0x6400]  }
0x61: {  	v39 =	vshrl.u32 v39, $0x3;
	v41 =	vshrl.u32 v41, $0x3;
	s17 =	simm.s32 $0xF;
	v33 =	vshll.u32 v33, v1;
	v35 =	vld [tilespmem:s11+$0x6410]  }
0x62: {  	v45 =	vshrl.u32 v45, $0x3;
	v51 =	vshll.u32 v34, v1;
	v61 =	vmov s17;
	v34 =	vld [tilespmem:s11+$0x6420]  }
0x63: {  	v46 =	vshrl.u32 v46, $0x3;
	v29 =	vbroadcast v33, $0x0;
	v62 =	vshrl.u32 v61, $0x3;
	v33 =	vld [tilespmem:s11+$0x6430];
	s11 =	simm.s32 $0x9800  }
0x64: {  	v37 =	vshrl.u32 v47, $0x3;
	v52 =	vshll.u32 v50, v1;
	v50 =	vshll.u32 v62, v1;
	v55 =	vld [tilespmem:s11+$0xFFFFFE00]  }
0x65: {  	v48 =	vshll.u32 v48, v1;
	v58 =	vshll.u32 v41, v1;
	v41 =	vld [tilespmem:s11+$0x1C0];
	v54 =	vbroadcast v50, $0x0  }
0x66: {  	v49 =	vshll.u32 v49, v1;
	v5 =	vbroadcast v51, $0x0;
	v57 =	vld [tilespmem:s11+$0xFFFFFE40];
	v59 =	vadd.s32 v63, v29  }
0x67: {  	v51 =	vbroadcast v48, $0x0;
	v60 =	vld [tilespmem:s11+$0xFFFFFE80];
	v50 =	vshll.u32 v45, v1;
	v45 =	vadd.s32 v15, v54  }
0x68: {  	v47 =	vshll.u32 v38, v1;
	v61 =	vshll.u32 v46, v1;
	v46 =	vadd.s32 v11, v5  }
0x69: {  	v4 =	vmovc v63;
	v53 =	vshll.u32 v39, v1;
	v63 =	vadd.s32 v7, v51;
	v55 =	vadd.f32 v55, v36  }
0x6a: {  	v2 =	vmovc v15;
	v49 =	vbroadcast v49, $0x0;
	v48 =	vld [tilespmem:s11+$0xFFFFFEC0];
	v15 =	vbroadcast v52, $0x0;
	v52 =	vadd.f32 v41, v36  }
0x6b: {  	v40 =	vshrl.u32 v40, $0x3;
	v62 =	vshll.u32 v37, v1;
	v39 =	vld [tilespmem:s11+$0xFFFFFF00];
	v37 =	vadd.f32 v57, v36;
	[tilespmem:v59+s21+$0x0] =	vst.idx.msk $0xffff, v55  }
0x6c: {  	v47 =	vbroadcast v47, $0x0;
	v38 =	vld [tilespmem:s11+$0xFFFFFF40];
	v41 =	vadd.s32 v18, v49;
	[tilespmem:v45+s21+$0x0] =	vst.idx.msk $0xffff, v52;
	v45 =	vadd.f32 v60, v36  }
0x6d: {  	v42 =	vshrl.u32 v42, $0x3;
	v56 =	vshll.u32 v40, v1;
	v40 =	vld [tilespmem:s11+$0xFFFFFF80];
	v57 =	vadd.s32 v22, v15;
	[tilespmem:v46+s21+$0x0] =	vst.idx.msk $0xffff, v37  }
0x6e: {  	v43 =	vshrl.u32 v43, $0x3;
	v53 =	vbroadcast v53, $0x0;
	v52 =	vadd.s32 v26, v47;
	v60 =	vld [tilespmem:s11+$0xFFFFFFC0];
	[tilespmem:v63+s21+$0x0] =	vst.idx.msk $0xffff, v45  }
0x6f: {  	v42 =	vshll.u32 v42, v1;
	v37 =	vadd.f32 v48, v36;
	v48 =	vbroadcast v56, $0x0;
	v3 =	vld [tilespmem:$0x1FE00]  }
0x70: {  	v39 =	vadd.f32 v39, v36;
	v59 =	vadd.s32 v31, v53;
	v56 =	vld [tilespmem:s11+$0x0];
	v45 =	vbroadcast v58, $0x0  }
0x71: {  	v46 =	vbroadcast v42, $0x0;
	v63 =	vld [tilespmem:s11+$0x40];
	[tilespmem:v41+s21+$0x0] =	vst.idx.msk $0xffff, v37;
	v37 =	vadd.f32 v38, v36;
	v41 =	vadd.s32 v2, v48  }
0x72: {  	v43 =	vshll.u32 v43, v1;
	v55 =	vld [tilespmem:s11+$0x1D0];
	[tilespmem:v57+s21+$0x0] =	vst.idx.msk $0xffff, v39;
	v57 =	vadd.s32 v4, v45  }
0x73: {  	s6 =	simm.s32 $0xB;
	v42 =	vbroadcast v43, $0x0;
	v38 =	vadd.f32 v40, v36;
	[tilespmem:v52+s21+$0x0] =	vst.idx.msk $0xffff, v37;
	v52 =	vadd.s32 v11, v46  }
0x74: {  	v44 =	vmov s6;
	v40 =	vadd.f32 v60, v36;
	v58 =	vadd.s32 v3, v54  }
0x75: {  	[tilespmem:v59+s21+$0x0] =	vst.idx.msk $0xffff, v38;
	v59 =	vadd.s32 v7, v42;
	v7 =	vbroadcast v50, $0x0;
	v50 =	vadd.f32 v56, v36  }
0x76: {  	v44 =	vshrl.u32 v44, $0x3;
	[tilespmem:v41+s21+$0x0] =	vst.idx.msk $0xffff, v40;
	v41 =	vadd.f32 v63, v36  }
0x77: {  	v44 =	vshll.u32 v44, v1;
	v39 =	vld [tilespmem:s11+$0x80];
	v43 =	vadd.f32 v55, v35;
	[tilespmem:v57+s21+$0x0] =	vst.idx.msk $0xffff, v50  }
0x78: {  	v44 =	vbroadcast v44, $0x0;
	v37 =	vld [tilespmem:s11+$0xC0];
	[tilespmem:v52+s21+$0x0] =	vst.idx.msk $0xffff, v41  }
0x79: {  	v38 =	vld [tilespmem:s11+$0x140];
	[tilespmem:v58+s21+$0x0] =	vst.idx.msk $0xffff, v43  }
0x7a: {  	v61 =	vbroadcast v61, $0x0;
	v56 =	vadd.s32 v18, v44;
	v4 =	vld [tilespmem:$0x1FE10]  }
0x7b: {  	v60 =	vld [tilespmem:s11+$0x100]  }
0x7c: {  	v39 =	vadd.f32 v39, v36;
	v50 =	vadd.s32 v26, v61;
	v57 =	vld [tilespmem:s11+$0x180];
	v43 =	vbroadcast v62, $0x0  }
0x7d: {  	v55 =	vadd.s32 v22, v7;
	v37 =	vadd.f32 v37, v36;
	v58 =	vld [tilespmem:s11+$0x1E0]  }
0x7e: {  	v62 =	vld [tilespmem:s11+$0xFFFFFE50];
	[tilespmem:v59+s21+$0x0] =	vst.idx.msk $0xffff, v39;
	v59 =	vadd.s32 v31, v43  }
0x7f: {  	v52 =	vld [tilespmem:s11+$0xFFFFFE90];
	[tilespmem:v56+s21+$0x0] =	vst.idx.msk $0xffff, v37;
	v37 =	vadd.f32 v38, v36;
	v41 =	vadd.s32 v4, v54  }
0x80: {  	v63 =	vld [tilespmem:s11+$0xFFFFFED0];
	v39 =	vadd.f32 v60, v36;
	v60 =	vadd.s32 v13, v5  }
0x81: {  	v38 =	vadd.s32 v16, v51;
	v56 =	vld [tilespmem:s11+$0xFFFFFF10];
	[tilespmem:v50+s21+$0x0] =	vst.idx.msk $0xffff, v37;
	v37 =	vadd.f32 v57, v36  }
0x82: {  	[tilespmem:v55+s21+$0x0] =	vst.idx.msk $0xffff, v39;
	v55 =	vadd.s32 v19, v49;
	v39 =	vadd.f32 v58, v34  }
0x83: {  	v57 =	vadd.s32 v23, v15;
	v50 =	vadd.f32 v62, v35;
	[tilespmem:v59+s21+$0x0] =	vst.idx.msk $0xffff, v37  }
0x84: {  	[tilespmem:v41+s21+$0x0] =	vst.idx.msk $0xffff, v39;
	v39 =	vadd.f32 v52, v35  }
0x85: {  	v62 =	vld [tilespmem:s11+$0xFFFFFF90];
	[tilespmem:v60+s21+$0x0] =	vst.idx.msk $0xffff, v50;
	v60 =	vadd.f32 v63, v35  }
0x86: {  	v58 =	vld [tilespmem:s11+$0xFFFFFF50];
	[tilespmem:v38+s21+$0x0] =	vst.idx.msk $0xffff, v39;
	v38 =	vadd.f32 v56, v35  }
0x87: {  	v59 =	vld [tilespmem:s11+$0xFFFFFFD0];
	[tilespmem:v55+s21+$0x0] =	vst.idx.msk $0xffff, v60  }
0x88: {  	v63 =	vld [tilespmem:s11+$0x10];
	v41 =	vadd.s32 v27, v47;
	[tilespmem:v57+s21+$0x0] =	vst.idx.msk $0xffff, v38  }
0x89: {  	v55 =	vadd.s32 v3, v48;
	v3 =	vld [tilespmem:$0x1FE30]  }
0x8a: {  	v52 =	vadd.s32 v0, v53;
	v37 =	vld [tilespmem:s11+$0x1F0]  }
0x8b: {  	v60 =	vadd.f32 v58, v35;
	v56 =	vld [tilespmem:s11+$0x50]  }
0x8c: {  	v54 =	vadd.s32 v9, v54  }
0x8d: {  	v50 =	vld [tilespmem:s11+$0xD0];
	v62 =	vadd.f32 v62, v35;
	[tilespmem:v41+s21+$0x0] =	vst.idx.msk $0xffff, v60;
	v41 =	vadd.s32 v13, v46  }
0x8e: {  	v58 =	vld [tilespmem:s11+$0x90];
	v39 =	vadd.f32 v63, v35;
	v38 =	vadd.f32 v59, v35;
	v57 =	vadd.s32 v3, v45  }
0x8f: {  	[tilespmem:v52+s21+$0x0] =	vst.idx.msk $0xffff, v62;
	v60 =	vadd.s32 v19, v44;
	v62 =	vld [tilespmem:s11+$0x150];
	v37 =	vadd.f32 v37, v33  }
0x90: {  	v59 =	vld [tilespmem:s11+$0x110];
	v52 =	vadd.s32 v16, v42;
	[tilespmem:v55+s21+$0x0] =	vst.idx.msk $0xffff, v38;
	v63 =	vadd.f32 v56, v35  }
0x91: {  	v55 =	vld [tilespmem:s11+$0xFFFFFE10];
	[tilespmem:v54+s21+$0x0] =	vst.idx.msk $0xffff, v37  }
0x92: {  	v38 =	vadd.s32 v23, v7;
	v54 =	vld [tilespmem:s11+$0x190];
	[tilespmem:v41+s21+$0x0] =	vst.idx.msk $0xffff, v63;
	v63 =	vadd.f32 v50, v35  }
0x93: {  	v56 =	vadd.s32 v27, v61;
	[tilespmem:v57+s21+$0x0] =	vst.idx.msk $0xffff, v39;
	v39 =	vadd.f32 v58, v35;
	v57 =	vld [tilespmem:s11+$0xFFFFFE60]  }
0x94: {  	v41 =	vadd.s32 v0, v43;
	v37 =	vadd.f32 v62, v35;
	v62 =	vld [tilespmem:s11+$0xFFFFFF20];
	[tilespmem:v60+s21+$0x0] =	vst.idx.msk $0xffff, v63  }
0x95: {  	[tilespmem:v52+s21+$0x0] =	vst.idx.msk $0xffff, v39;
	v39 =	vadd.f32 v59, v35;
	v52 =	vadd.s32 v12, v5;
	v59 =	vld [tilespmem:s11+$0xFFFFFEE0]  }
0x96: {  	v2 =	vld [tilespmem:$0x1FEC0]  }
0x97: {  	v58 =	vld [tilespmem:s11+$0xFFFFFEA0];
	[tilespmem:v38+s21+$0x0] =	vst.idx.msk $0xffff, v39;
	v38 =	vadd.f32 v54, v35;
	v54 =	vadd.s32 v20, v49  }
0x98: {  	[tilespmem:v56+s21+$0x0] =	vst.idx.msk $0xffff, v37;
	v56 =	vadd.s32 v24, v15;
	v63 =	vadd.f32 v57, v34;
	v57 =	vld [tilespmem:s11+$0xFFFFFFA0]  }
0x99: {  	v50 =	vadd.s32 v3, v29;
	[tilespmem:v41+s21+$0x0] =	vst.idx.msk $0xffff, v38;
	v41 =	vld [tilespmem:s11+$0xFFFFFFE0]  }
0x9a: {  	[tilespmem:v52+s21+$0x0] =	vst.idx.msk $0xffff, v63;
	v63 =	vadd.f32 v59, v34;
	v52 =	vld [tilespmem:s11+$0x20]  }
0x9b: {  	v40 =	vadd.f32 v62, v34;
	v59 =	vld [tilespmem:s11+$0x60];
	v60 =	vadd.s32 v2, v51  }
0x9c: {  	v39 =	vadd.f32 v55, v35;
	v55 =	vld [tilespmem:s11+$0xFFFFFF60];
	[tilespmem:v54+s21+$0x0] =	vst.idx.msk $0xffff, v63;
	v54 =	vadd.s32 v8, v45  }
0x9d: {  	[tilespmem:v56+s21+$0x0] =	vst.idx.msk $0xffff, v40;
	v56 =	vadd.s32 v12, v46  }
0x9e: {  	v58 =	vadd.f32 v58, v34;
	[tilespmem:v50+s21+$0x0] =	vst.idx.msk $0xffff, v39;
	v39 =	vadd.s32 v28, v47  }
0x9f: {  	v50 =	vadd.s32 v6, v53;
	v62 =	vadd.f32 v57, v34;
	v57 =	vld [tilespmem:s11+$0xE0];
	v38 =	vadd.f32 v52, v34  }
0xa0: {  	v63 =	vadd.f32 v41, v34;
	v41 =	vld [tilespmem:s11+$0x160];
	v40 =	vadd.f32 v59, v34;
	[tilespmem:v60+s21+$0x0] =	vst.idx.msk $0xffff, v58  }
0xa1: {  	v52 =	vld [tilespmem:s11+$0x1A0];
	v58 =	vadd.s32 v4, v48;
	v60 =	vadd.f32 v55, v34;
	[tilespmem:v54+s21+$0x0] =	vst.idx.msk $0xffff, v38  }
0xa2: {  	v55 =	vld [tilespmem:s11+$0xA0];
	v54 =	vadd.s32 v28, v61;
	[tilespmem:v56+s21+$0x0] =	vst.idx.msk $0xffff, v40  }
0xa3: {  	v56 =	vadd.s32 v6, v43;
	[tilespmem:v39+s21+$0x0] =	vst.idx.msk $0xffff, v60;
	v39 =	vld [tilespmem:s11+$0x120]  }
0xa4: {  	v49 =	vadd.s32 v21, v49;
	[tilespmem:v50+s21+$0x0] =	vst.idx.msk $0xffff, v62;
	v50 =	vadd.s32 v2, v42;
	v62 =	vld [tilespmem:s11+$0xFFFFFEB0]  }
0xa5: {  	v47 =	vadd.s32 v30, v47;
	v59 =	vadd.s32 v24, v7;
	v41 =	vadd.f32 v41, v34  }
0xa6: {  	v60 =	vld [tilespmem:s11+$0xFFFFFE20];
	v52 =	vadd.f32 v52, v34;
	[tilespmem:v58+s21+$0x0] =	vst.idx.msk $0xffff, v63;
	v58 =	vadd.s32 v20, v44  }
0xa7: {  	v37 =	vadd.f32 v57, v34;
	v38 =	vadd.f32 v55, v34;
	v55 =	vld [tilespmem:s11+$0xFFFFFE70];
	[tilespmem:v54+s21+$0x0] =	vst.idx.msk $0xffff, v41  }
0xa8: {  	v40 =	vld [tilespmem:s11+$0xFFFFFEF0];
	v57 =	vadd.s32 v8, v29;
	[tilespmem:v56+s21+$0x0] =	vst.idx.msk $0xffff, v52;
	v39 =	vadd.f32 v39, v34  }
0xa9: {  	s18 =	simm.s32 $0x10;
	v63 =	vadd.s32 v14, v5;
	v54 =	vadd.f32 v62, v33;
	v62 =	vld [tilespmem:s11+$0xFFFFFFF0];
	[tilespmem:v50+s21+$0x0] =	vst.idx.msk $0xffff, v38  }
0xaa: {  	s14 =	simm.s32 $0x13;
	v53 =	vadd.s32 v32, v53;
	v38 =	vmov s18;
	v50 =	vadd.s32 v17, v51;
	v51 =	vld [tilespmem:s11+$0xFFFFFF30];
	[tilespmem:v59+s21+$0x0] =	vst.idx.msk $0xffff, v39  }
0xab: {  	v56 =	vmov s14;
	v4 =	vshrl.u32 v38, $0x3;
	v38 =	vadd.f32 v60, v34;
	v60 =	vld [tilespmem:s11+$0xFFFFFFB0];
	[tilespmem:v58+s21+$0x0] =	vst.idx.msk $0xffff, v37  }
0xac: {  	v46 =	vadd.s32 v14, v46;
	v59 =	vadd.s32 v25, v15;
	v58 =	vld [tilespmem:s11+$0xFFFFFF70];
	v55 =	vadd.f32 v55, v33;
	[tilespmem:$0x1FDF0] =	vst v56  }
0xad: {  	v42 =	vadd.s32 v17, v42;
	v48 =	vadd.s32 v9, v48;
	[tilespmem:v57+s21+$0x0] =	vst.idx.msk $0xffff, v38  }
0xae: {  	v61 =	vadd.s32 v30, v61;
	v40 =	vadd.f32 v40, v33;
	v56 =	vld [tilespmem:s11+$0x30];
	[tilespmem:v63+s21+$0x0] =	vst.idx.msk $0xffff, v55  }
0xaf: {  	v43 =	vadd.s32 v32, v43;
	v51 =	vadd.f32 v51, v33;
	v57 =	vld [tilespmem:s11+$0x70];
	[tilespmem:v50+s21+$0x0] =	vst.idx.msk $0xffff, v54  }
0xb0: {  	s6 =	simm.s32 $0x11;
	s15 =	simm.s32 $0x14;
	v37 =	vadd.s32 v10, v45;
	v63 =	vld [tilespmem:s11+$0xB0];
	[tilespmem:v49+s21+$0x0] =	vst.idx.msk $0xffff, v40;
	v49 =	vadd.f32 v62, v33  }
0xb1: {  	v5 =	vmov s6;
	v52 =	vmov s15;
	s18 =	simm.s32 $0x17;
	v38 =	vadd.f32 v60, v33;
	v60 =	vld [tilespmem:s11+$0xF0];
	[tilespmem:v59+s21+$0x0] =	vst.idx.msk $0xffff, v51  }
0xb2: {  	s7 =	simm.s32 $0x12;
	v41 =	vmov s18;
	v39 =	vadd.s32 v10, v29;
	v62 =	vld [tilespmem:s11+$0x130];
	[tilespmem:v48+s21+$0x0] =	vst.idx.msk $0xffff, v49;
	v58 =	vadd.f32 v58, v33  }
0xb3: {  	s16 =	simm.s32 $0x15;
	v15 =	vmov s7;
	v45 =	vld [tilespmem:s11+$0x1B0];
	[tilespmem:v53+s21+$0x0] =	vst.idx.msk $0xffff, v38;
	v51 =	vadd.f32 v56, v33;
	v56 =	vadd.s32 v21, v44  }
0xb4: {  	s17 =	simm.s32 $0x16;
	s18 =	simm.s32 $0x1E;
	v55 =	vmov s16;
	v38 =	vld [tilespmem:s11+$0xFFFFFE30];
	[tilespmem:v47+s21+$0x0] =	vst.idx.msk $0xffff, v58;
	v47 =	vadd.f32 v57, v33;
	v57 =	vadd.s32 v25, v7  }
0xb5: {  	s6 =	simm.s32 $0x18;
	v54 =	vmov s17;
	v40 =	vmov s18;
	v44 =	vld [tilespmem:s11+$0x170];
	v50 =	vadd.f32 v63, v33;
	[tilespmem:v37+s21+$0x0] =	vst.idx.msk $0xffff, v51  }
0xb6: {  	s14 =	simm.s32 $0x1A;
	s7 =	simm.s32 $0x19;
	v40 =	vshrl.u32 v40, $0x3;
	v59 =	vmov s6;
	v48 =	vadd.f32 v60, v33;
	[tilespmem:v46+s21+$0x0] =	vst.idx.msk $0xffff, v47  }
0xb7: {  	s15 =	simm.s32 $0x1B;
	s17 =	simm.s32 $0x1D;
	v53 =	vmov s14;
	v58 =	vmov s7;
	v49 =	vadd.f32 v62, v33;
	[tilespmem:v42+s21+$0x0] =	vst.idx.msk $0xffff, v50  }
0xb8: {  	s16 =	simm.s32 $0x1C;
	v63 =	vmov s15;
	v62 =	vmov s17;
	v42 =	vadd.f32 v45, v33;
	[tilespmem:v56+s21+$0x0] =	vst.idx.msk $0xffff, v48  }
0xb9: {  	v60 =	vmov s16;
	v37 =	vshll.u32 v4, v1;
	v32 =	vadd.f32 v38, v33;
	v4 =	vld [tilespmem:$0x1FDF0];
	[tilespmem:v57+s21+$0x0] =	vst.idx.msk $0xffff, v49  }
0xba: {  	v50 =	vshrl.u32 v15, $0x3;
	v51 =	vshrl.u32 v52, $0x3;
	v46 =	vadd.f32 v44, v33;
	[tilespmem:v43+s21+$0x0] =	vst.idx.msk $0xffff, v42  }
0xbb: {  	v30 =	vmovc v31;
	v31 =	vmovc v0;
	v47 =	vshrl.u32 v59, $0x3;
	v38 =	vshrl.u32 v58, $0x3;
	v37 =	vbroadcast v37, $0x0;
	[tilespmem:v39+s21+$0x0] =	vst.idx.msk $0xffff, v32  }
0xbc: {  	v10 =	vmovc v11;
	v11 =	vmovc v13;
	v44 =	vshrl.u32 v5, $0x3;
	v48 =	vshrl.u32 v55, $0x3;
	v49 =	vshrl.u32 v54, $0x3;
	[tilespmem:v61+s21+$0x0] =	vst.idx.msk $0xffff, v46  }
0xbd: {  	v13 =	vmovc v14;
	v7 =	vmovc v3;
	v42 =	vshrl.u32 v53, $0x3;
	v43 =	vshrl.u32 v63, $0x3;
	v39 =	vshrl.u32 v62, $0x3;
	v14 =	vld [tilespmem:$0x1FEA0]  }
0xbe: {  	s12 =	simm.s32 $0x20;
	s14 =	simm.s32 $0x1F;
	v15 =	vmovc v16;
	v16 =	vmovc v2;
	v46 =	vshrl.u32 v41, $0x3;
	v41 =	vshrl.u32 v60, $0x3;
	v32 =	vld [tilespmem:$0x1FFC0];
	v45 =	vshrl.u32 v4, $0x3  }
.LBB2_3:
0xbf: {  	v63 =	vmov s14  }
0xc0: {  	v53 =	vshll.u32 v50, v1;
	v50 =	vshrl.u32 v63, $0x3  }
0xc1: {  	v44 =	vshll.u32 v44, v1;
	s11 =	sadd.s32 $0x400, s11;
	v29 =	vld [tilespmem:$0x1FE20];
	v52 =	vshll.u32 v50, v1  }
0xc2: {  	v45 =	vshll.u32 v45, v1;
	v54 =	vshll.u32 v51, v1;
	v57 =	vld [tilespmem:s11+$0x1C0];
	v52 =	vbroadcast v52, $0x0  }
0xc3: {  	v48 =	vshll.u32 v48, v1;
	v60 =	vshll.u32 v43, v1;
	v43 =	vld [tilespmem:s11+$0xFFFFFE40];
	v50 =	vbroadcast v44, $0x0  }
0xc4: {  	v55 =	vshll.u32 v49, v1;
	v62 =	vld [tilespmem:s11+$0xFFFFFE80];
	v51 =	vbroadcast v53, $0x0;
	v44 =	vadd.s32 v32, v52  }
0xc5: {  	v56 =	vshll.u32 v47, v1;
	v2 =	vshll.u32 v40, v1;
	v58 =	vld [tilespmem:s11+$0xFFFFFE00];
	v63 =	vadd.s32 v10, v50  }
0xc6: {  	v49 =	vbroadcast v45, $0x0;
	v45 =	vld [tilespmem:s11+$0xFFFFFF00];
	v47 =	vbroadcast v54, $0x0;
	v40 =	vadd.s32 v14, v51  }
0xc7: {  	v46 =	vshll.u32 v46, v1;
	v59 =	vshll.u32 v42, v1;
	v0 =	vld [tilespmem:s11+$0xFFFFFEC0];
	v54 =	vadd.f32 v57, v36  }
0xc8: {  	v53 =	vshll.u32 v39, v1;
	v5 =	vld [tilespmem:s11+$0xFFFFFF80];
	v4 =	vadd.s32 v22, v47;
	v43 =	vadd.f32 v43, v36  }
0xc9: {  	v3 =	vld [tilespmem:s11+$0xFFFFFF40];
	v61 =	vadd.s32 v29, v37;
	[tilespmem:v44+s21+$0x0] =	vst.idx.msk $0xffff, v54;
	v44 =	vadd.f32 v62, v36  }
0xca: {  	v42 =	vbroadcast v48, $0x0;
	v57 =	vadd.f32 v58, v36;
	v58 =	vadd.s32 v18, v49;
	[tilespmem:v63+s21+$0x0] =	vst.idx.msk $0xffff, v43;
	v63 =	vld [tilespmem:$0x1FE00]  }
0xcb: {  	v48 =	vbroadcast v46, $0x0;
	v46 =	vld [tilespmem:s11+$0x0];
	[tilespmem:v40+s21+$0x0] =	vst.idx.msk $0xffff, v44;
	v40 =	vadd.f32 v45, v36;
	v44 =	vbroadcast v56, $0x0  }
0xcc: {  	v39 =	vbroadcast v55, $0x0;
	v0 =	vadd.f32 v0, v36;
	v54 =	vadd.s32 v26, v42;
	v62 =	vld [tilespmem:s11+$0x80]  }
0xcd: {  	v55 =	vld [tilespmem:s11+$0x1D0];
	[tilespmem:v4+s21+$0x0] =	vst.idx.msk $0xffff, v40;
	v4 =	vadd.f32 v5, v36;
	v5 =	vadd.s32 v29, v44  }
0xce: {  	v38 =	vshll.u32 v38, v1;
	v43 =	vbroadcast v59, $0x0;
	[tilespmem:v61+s21+$0x0] =	vst.idx.msk $0xffff, v57;
	v57 =	vadd.s32 v30, v39;
	v61 =	vld [tilespmem:s11+$0xFFFFFFC0]  }
0xcf: {  	v59 =	vld [tilespmem:s11+$0x100];
	[tilespmem:v58+s21+$0x0] =	vst.idx.msk $0xffff, v0;
	v0 =	vadd.f32 v3, v36;
	v45 =	vbroadcast v38, $0x0;
	v56 =	vadd.s32 v63, v52  }
0xd0: {  	v46 =	vadd.f32 v46, v36;
	v3 =	vadd.s32 v32, v48;
	v58 =	vld [tilespmem:s11+$0x40]  }
0xd1: {  	v41 =	vshll.u32 v41, v1;
	[tilespmem:v54+s21+$0x0] =	vst.idx.msk $0xffff, v0;
	v0 =	vadd.s32 v10, v45;
	v54 =	vld [tilespmem:s11+$0xC0]  }
0xd2: {  	v40 =	vbroadcast v60, $0x0;
	v55 =	vadd.f32 v55, v35;
	[tilespmem:v5+s21+$0x0] =	vst.idx.msk $0xffff, v46;
	v5 =	vadd.f32 v62, v36;
	v62 =	vld [tilespmem:$0x1FE10]  }
0xd3: {  	v41 =	vbroadcast v41, $0x0;
	v29 =	vld [tilespmem:$0x1FE50];
	[tilespmem:v57+s21+$0x0] =	vst.idx.msk $0xffff, v4;
	v4 =	vadd.f32 v61, v36;
	v57 =	vadd.s32 v14, v43  }
0xd4: {  	v38 =	vbroadcast v53, $0x0;
	v60 =	vadd.s32 v18, v40;
	v61 =	vld [tilespmem:s11+$0x140];
	[tilespmem:v56+s21+$0x0] =	vst.idx.msk $0xffff, v55  }
0xd5: {  	[tilespmem:v3+s21+$0x0] =	vst.idx.msk $0xffff, v4;
	v3 =	vadd.f32 v58, v36;
	v4 =	vadd.s32 v22, v41;
	v53 =	vld [tilespmem:s11+$0x1E0]  }
0xd6: {  	v55 =	vadd.s32 v26, v38;
	v56 =	vld [tilespmem:s11+$0x180];
	v46 =	vbroadcast v2, $0x0  }
0xd7: {  	v2 =	vld [tilespmem:s11+$0xFFFFFE50];
	[tilespmem:v0+s21+$0x0] =	vst.idx.msk $0xffff, v3;
	v0 =	vadd.f32 v54, v36;
	v3 =	vadd.s32 v62, v52  }
0xd8: {  	v54 =	vld [tilespmem:s11+$0xFFFFFE90];
	[tilespmem:v57+s21+$0x0] =	vst.idx.msk $0xffff, v5;
	v5 =	vadd.f32 v59, v36;
	v57 =	vadd.s32 v30, v46  }
0xd9: {  	v58 =	vadd.s32 v11, v50;
	v59 =	vld [tilespmem:s11+$0xFFFFFED0];
	[tilespmem:v60+s21+$0x0] =	vst.idx.msk $0xffff, v0;
	v0 =	vadd.f32 v61, v36  }
0xda: {  	v60 =	vadd.s32 v15, v51;
	v61 =	vld [tilespmem:s11+$0xFFFFFF10];
	[tilespmem:v4+s21+$0x0] =	vst.idx.msk $0xffff, v5;
	v4 =	vadd.f32 v53, v34  }
0xdb: {  	v5 =	vadd.s32 v19, v49;
	[tilespmem:v55+s21+$0x0] =	vst.idx.msk $0xffff, v0;
	v0 =	vadd.f32 v56, v36;
	v53 =	vld [tilespmem:s11+$0xFFFFFF50]  }
0xdc: {  	v2 =	vadd.f32 v2, v35;
	v55 =	vadd.s32 v23, v47;
	v56 =	vld [tilespmem:s11+$0xFFFFFF90];
	[tilespmem:v3+s21+$0x0] =	vst.idx.msk $0xffff, v4  }
0xdd: {  	[tilespmem:v57+s21+$0x0] =	vst.idx.msk $0xffff, v0;
	v3 =	vadd.f32 v54, v35;
	v4 =	vadd.s32 v27, v42;
	v0 =	vld [tilespmem:s11+$0x1F0]  }
0xde: {  	[tilespmem:v58+s21+$0x0] =	vst.idx.msk $0xffff, v2;
	v2 =	vadd.f32 v59, v35;
	v57 =	vld [tilespmem:s11+$0xFFFFFFD0];
	v54 =	vadd.s32 v31, v39  }
0xdf: {  	v52 =	vadd.s32 v9, v52;
	[tilespmem:v60+s21+$0x0] =	vst.idx.msk $0xffff, v3;
	v3 =	vadd.f32 v61, v35;
	v60 =	vld [tilespmem:s11+$0x10]  }
0xe0: {  	[tilespmem:v5+s21+$0x0] =	vst.idx.msk $0xffff, v2;
	v5 =	vadd.s32 v63, v48;
	v2 =	vadd.f32 v53, v35;
	v53 =	vld [tilespmem:s11+$0x50]  }
0xe1: {  	[tilespmem:v55+s21+$0x0] =	vst.idx.msk $0xffff, v3;
	v3 =	vadd.f32 v56, v35;
	v55 =	vadd.s32 v7, v44;
	v56 =	vld [tilespmem:s11+$0x90]  }
0xe2: {  	[tilespmem:v4+s21+$0x0] =	vst.idx.msk $0xffff, v2;
	v2 =	vadd.s32 v11, v45;
	v4 =	vld [tilespmem:s11+$0xD0];
	v0 =	vadd.f32 v0, v33  }
0xe3: {  	[tilespmem:v54+s21+$0x0] =	vst.idx.msk $0xffff, v3;
	v3 =	vadd.f32 v57, v35;
	v54 =	vadd.s32 v15, v43;
	v57 =	vld [tilespmem:s11+$0x110]  }
0xe4: {  	v59 =	vadd.s32 v19, v40;
	v58 =	vadd.f32 v60, v35;
	v60 =	vld [tilespmem:s11+$0x150];
	[tilespmem:v52+s21+$0x0] =	vst.idx.msk $0xffff, v0  }
0xe5: {  	[tilespmem:v5+s21+$0x0] =	vst.idx.msk $0xffff, v3;
	v0 =	vadd.f32 v53, v35;
	v3 =	vadd.s32 v23, v41;
	v5 =	vld [tilespmem:s11+$0x190]  }
0xe6: {  	v52 =	vld [tilespmem:s11+$0xFFFFFE10];
	[tilespmem:v55+s21+$0x0] =	vst.idx.msk $0xffff, v58;
	v61 =	vadd.f32 v56, v35;
	v55 =	vadd.s32 v27, v38  }
0xe7: {  	v56 =	vld [tilespmem:s11+$0xFFFFFE60];
	[tilespmem:v2+s21+$0x0] =	vst.idx.msk $0xffff, v0;
	v0 =	vadd.f32 v4, v35;
	v2 =	vadd.s32 v31, v46  }
0xe8: {  	v58 =	vld [tilespmem:s11+$0xFFFFFEA0];
	v4 =	vadd.s32 v7, v37;
	[tilespmem:v54+s21+$0x0] =	vst.idx.msk $0xffff, v61;
	v53 =	vadd.f32 v57, v35  }
0xe9: {  	v54 =	vadd.s32 v12, v50;
	v57 =	vld [tilespmem:s11+$0xFFFFFEE0];
	[tilespmem:v59+s21+$0x0] =	vst.idx.msk $0xffff, v0;
	v0 =	vadd.f32 v60, v35  }
0xea: {  	v63 =	vld [tilespmem:s11+$0xFFFFFF60];
	v59 =	vadd.s32 v16, v51;
	[tilespmem:v3+s21+$0x0] =	vst.idx.msk $0xffff, v53;
	v3 =	vadd.f32 v5, v35  }
0xeb: {  	v61 =	vld [tilespmem:s11+$0xFFFFFFA0];
	v5 =	vadd.f32 v52, v35;
	v52 =	vadd.s32 v20, v49;
	[tilespmem:v55+s21+$0x0] =	vst.idx.msk $0xffff, v0  }
0xec: {  	v60 =	vld [tilespmem:s11+$0xFFFFFF20];
	v0 =	vadd.f32 v56, v34;
	[tilespmem:v2+s21+$0x0] =	vst.idx.msk $0xffff, v3  }
0xed: {  	[tilespmem:v4+s21+$0x0] =	vst.idx.msk $0xffff, v5;
	v2 =	vadd.f32 v58, v34;
	v3 =	vadd.s32 v28, v42;
	v4 =	vld [tilespmem:s11+$0xFFFFFFE0]  }
0xee: {  	v55 =	vadd.s32 v24, v47;
	v58 =	vld [tilespmem:s11+$0x60];
	[tilespmem:v54+s21+$0x0] =	vst.idx.msk $0xffff, v0;
	v0 =	vadd.f32 v57, v34  }
0xef: {  	v49 =	vadd.s32 v21, v49;
	v54 =	vld [tilespmem:s11+$0x20];
	v57 =	vadd.s32 v62, v48;
	[tilespmem:v59+s21+$0x0] =	vst.idx.msk $0xffff, v2  }
0xf0: {  	v5 =	vadd.s32 v6, v39;
	v59 =	vld [tilespmem:s11+$0xFFFFFE20];
	[tilespmem:v52+s21+$0x0] =	vst.idx.msk $0xffff, v0;
	v0 =	vadd.f32 v63, v34  }
0xf1: {  	v56 =	vadd.s32 v8, v37;
	v2 =	vadd.f32 v60, v34;
	v60 =	vadd.s32 v12, v45;
	v53 =	vld [tilespmem:s11+$0xFFFFFE70]  }
0xf2: {  	v62 =	vadd.s32 v8, v44;
	v63 =	vld [tilespmem:s11+$0xA0];
	[tilespmem:v3+s21+$0x0] =	vst.idx.msk $0xffff, v0;
	v0 =	vadd.f32 v4, v34  }
0xf3: {  	v47 =	vadd.s32 v25, v47;
	[tilespmem:v55+s21+$0x0] =	vst.idx.msk $0xffff, v2;
	v2 =	vadd.f32 v61, v34;
	v61 =	vld [tilespmem:s11+$0xE0]  }
0xf4: {  	v3 =	vadd.s32 v16, v43;
	v4 =	vld [tilespmem:s11+$0x120];
	[tilespmem:v57+s21+$0x0] =	vst.idx.msk $0xffff, v0;
	v0 =	vadd.f32 v58, v34  }
0xf5: {  	[tilespmem:v5+s21+$0x0] =	vst.idx.msk $0xffff, v2;
	v2 =	vadd.f32 v54, v34;
	v5 =	vadd.s32 v20, v40;
	v54 =	vld [tilespmem:s11+$0x160]  }
0xf6: {  	v37 =	vadd.s32 v29, v37;
	v48 =	vadd.s32 v9, v48;
	[tilespmem:v60+s21+$0x0] =	vst.idx.msk $0xffff, v0;
	v60 =	vld [tilespmem:s11+$0xFFFFFEB0]  }
0xf7: {  	v52 =	vadd.s32 v28, v38;
	v58 =	vld [tilespmem:s11+$0x1A0];
	[tilespmem:v62+s21+$0x0] =	vst.idx.msk $0xffff, v2;
	v2 =	vadd.f32 v63, v34  }
0xf8: {  	v57 =	vadd.s32 v24, v41;
	v62 =	vadd.f32 v59, v34;
	v0 =	vadd.f32 v61, v34;
	v61 =	vld [tilespmem:$0x1FFE0]  }
0xf9: {  	[tilespmem:v3+s21+$0x0] =	vst.idx.msk $0xffff, v2;
	v2 =	vadd.f32 v4, v34;
	v3 =	vadd.s32 v13, v50;
	v4 =	vld [tilespmem:s11+$0xFFFFFEF0]  }
0xfa: {  	v50 =	vadd.s32 v17, v51;
	v51 =	vld [tilespmem:s11+$0xFFFFFF30];
	[tilespmem:v5+s21+$0x0] =	vst.idx.msk $0xffff, v0;
	v0 =	vadd.f32 v54, v34  }
0xfb: {  	v55 =	vadd.s32 v6, v46;
	[tilespmem:v56+s21+$0x0] =	vst.idx.msk $0xffff, v62;
	v54 =	vadd.f32 v60, v33;
	v60 =	vld [tilespmem:$0x1FF90]  }
0xfc: {  	v44 =	vadd.s32 v29, v44;
	[tilespmem:v52+s21+$0x0] =	vst.idx.msk $0xffff, v0;
	v52 =	vadd.f32 v53, v33  }
0xfd: {  	s7 =	sadd.s32 $0x3, s12;
	v45 =	vadd.s32 v13, v45;
	v41 =	vadd.s32 v25, v41;
	v5 =	vmov s12;
	[tilespmem:v57+s21+$0x0] =	vst.idx.msk $0xffff, v2;
	v53 =	vld [tilespmem:s11+$0xFFFFFFB0]  }
0xfe: {  	v56 =	vmov s7;
	v2 =	vadd.f32 v58, v34;
	v5 =	vshrl.u32 v5, $0x3;
	v57 =	vld [tilespmem:s11+$0xFFFFFF70];
	[tilespmem:v3+s21+$0x0] =	vst.idx.msk $0xffff, v52  }
0xff: {  	s18 =	sadd.s32 $0x1, s12;
	s7 =	sadd.s32 $0x9, s12;
	v3 =	vadd.f32 v4, v33;
	v4 =	vadd.s32 v61, v39;
	v39 =	vld [tilespmem:s11+$0x30];
	v63 =	vadd.f32 v51, v33  }
0x100: {  	s6 =	sadd.s32 $0x2, s12;
	v58 =	vmov s7;
	v0 =	vmov s18;
	[tilespmem:v55+s21+$0x0] =	vst.idx.msk $0xffff, v2;
	v55 =	vld [tilespmem:s11+$0xFFFFFFF0];
	v42 =	vadd.s32 v60, v42  }
0x101: {  	s15 =	sadd.s32 $0x4, s12;
	s16 =	sadd.s32 $0x5, s12;
	v5 =	vshll.u32 v5, v1;
	v2 =	vmov s6;
	v46 =	vadd.s32 v61, v46;
	[tilespmem:v47+s21+$0x0] =	vst.idx.msk $0xffff, v63;
	v47 =	vld [tilespmem:s11+$0x1B0]  }
0x102: {  	s17 =	sadd.s32 $0x6, s12;
	v52 =	vmov s15;
	v51 =	vld [tilespmem:s11+$0x70];
	s15 =	sadd.s32 $0xA, s12;
	[tilespmem:v50+s21+$0x0] =	vst.idx.msk $0xffff, v54;
	v54 =	vmov s16;
	v63 =	vadd.f32 v53, v33  }
0x103: {  	v62 =	vld [tilespmem:s11+$0xB0];
	s18 =	sadd.s32 $0x7, s12;
	v59 =	vmov s15;
	[tilespmem:v49+s21+$0x0] =	vst.idx.msk $0xffff, v3;
	v3 =	vadd.f32 v57, v33;
	v57 =	vmov s17;
	s17 =	sadd.s32 $0xC, s12  }
0x104: {  	v50 =	vld [tilespmem:s11+$0xF0];
	v53 =	vmov s18;
	v61 =	vmov s17;
	[tilespmem:v4+s21+$0x0] =	vst.idx.msk $0xffff, v63;
	v4 =	vadd.f32 v39, v33  }
0x105: {  	v49 =	vshrl.u32 v57, $0x3;
	[tilespmem:v42+s21+$0x0] =	vst.idx.msk $0xffff, v3;
	v3 =	vadd.f32 v55, v33;
	v42 =	vadd.s32 v17, v43;
	v43 =	vld [tilespmem:s11+$0x130]  }
0x106: {  	s16 =	sadd.s32 $0xB, s12;
	v39 =	vadd.s32 v21, v40;
	v40 =	vld [tilespmem:s11+$0x170];
	[tilespmem:v44+s21+$0x0] =	vst.idx.msk $0xffff, v4;
	v44 =	vshrl.u32 v0, $0x3;
	v0 =	vadd.f32 v47, v33  }
0x107: {  	s15 =	sadd.s32 $0xE, s12;
	s18 =	sadd.s32 $0xD, s12;
	v38 =	vadd.s32 v60, v38;
	v60 =	vmov s16;
	[tilespmem:v48+s21+$0x0] =	vst.idx.msk $0xffff, v3;
	v3 =	vadd.f32 v51, v33;
	v48 =	vld [tilespmem:s11+$0xFFFFFE30]  }
0x108: {  	s6 =	sadd.s32 $0x8, s12;
	v63 =	vmov s15;
	v4 =	vadd.f32 v62, v33;
	v62 =	vmov s18;
	[tilespmem:v46+s21+$0x0] =	vst.idx.msk $0xffff, v0  }
0x109: {  	p0 =	slt.u32 s12, $0x70;
	v55 =	vmov s6;
	v46 =	vshrl.u32 v53, $0x3;
	[tilespmem:v45+s21+$0x0] =	vst.idx.msk $0xffff, v3;
	v3 =	vadd.f32 v50, v33  }
.Ltmp2:
0x10a: {  	v47 =	vshrl.u32 v55, $0x3;
	v51 =	vshrl.u32 v52, $0x3;
	[tilespmem:v42+s21+$0x0] =	vst.idx.msk $0xffff, v4;
	v4 =	vadd.f32 v43, v33;
	(pc) =	sbr.rel @p0 .LBB2_3-.Ltmp2, $4  }
0x10b: {  	v50 =	vshrl.u32 v2, $0x3;
	v45 =	vshrl.u32 v56, $0x3;
	[tilespmem:v39+s21+$0x0] =	vst.idx.msk $0xffff, v3;
	v3 =	vadd.f32 v40, v33  }
0x10c: {  	v42 =	vshrl.u32 v59, $0x3;
	v43 =	vshrl.u32 v60, $0x3;
	[tilespmem:v41+s21+$0x0] =	vst.idx.msk $0xffff, v4;
	v2 =	vadd.f32 v48, v33  }
0x10d: {  	v39 =	vshrl.u32 v62, $0x3;
	v40 =	vshrl.u32 v63, $0x3;
	v48 =	vshrl.u32 v54, $0x3;
	[tilespmem:v38+s21+$0x0] =	vst.idx.msk $0xffff, v3  }
0x10e: {  	s14 =	sadd.s32 $0xF, s12;
	s12 =	sadd.s32 $0x10, s12;
	v41 =	vshrl.u32 v61, $0x3;
	v38 =	vshrl.u32 v58, $0x3;
	[tilespmem:v37+s21+$0x0] =	vst.idx.msk $0xffff, v2;
	v37 =	vbroadcast v5, $0x0  }
0x10f: {  	v0 =	vshll.u32 v44, v1;
	s11 =	sadd.s32 $0x400, s11;
	v29 =	vld [tilespmem:$0x1FE20]  }
0x110: {  	v2 =	vshll.u32 v50, v1;
	v3 =	vmov s14;
	v50 =	vshll.u32 v38, v1;
	v63 =	vld [tilespmem:s11+$0x1C0]  }
0x111: {  	v52 =	vshll.u32 v43, v1;
	v3 =	vshrl.u32 v3, $0x3;
	v43 =	vld [tilespmem:s11+$0xFFFFFE40];
	v38 =	vbroadcast v0, $0x0  }
0x112: {  	v0 =	vshll.u32 v41, v1;
	v55 =	vld [tilespmem:s11+$0xFFFFFE80];
	v41 =	vbroadcast v2, $0x0;
	v3 =	vshll.u32 v3, v1  }
0x113: {  	v4 =	vshll.u32 v45, v1;
	v60 =	vld [tilespmem:s11+$0xFFFFFE00];
	v3 =	vbroadcast v3, $0x0;
	v56 =	vadd.s32 v10, v38  }
0x114: {  	v5 =	vshll.u32 v51, v1;
	v44 =	vshll.u32 v48, v1;
	v58 =	vadd.s32 v14, v41  }
0x115: {  	v2 =	vshll.u32 v39, v1;
	v57 =	vld [tilespmem:s11+$0xFFFFFEC0];
	v39 =	vbroadcast v4, $0x0;
	v53 =	vadd.s32 v32, v3  }
0x116: {  	v45 =	vshll.u32 v49, v1;
	v54 =	vadd.s32 v29, v37;
	v61 =	vadd.f32 v43, v36  }
0x117: {  	v4 =	vshll.u32 v40, v1;
	v49 =	vadd.s32 v18, v39;
	v62 =	vadd.f32 v55, v36  }
0x118: {  	v40 =	vbroadcast v5, $0x0;
	v5 =	vadd.f32 v63, v36;
	v48 =	vadd.f32 v60, v36;
	v60 =	vld [tilespmem:s11+$0xFFFFFF40];
	[tilespmem:v56+s21+$0x0] =	vst.idx.msk $0xffff, v61  }
0x119: {  	v59 =	vld [tilespmem:s11+$0xFFFFFF00];
	[tilespmem:v58+s21+$0x0] =	vst.idx.msk $0xffff, v62  }
0x11a: {  	v55 =	vadd.f32 v57, v36;
	v57 =	vld [tilespmem:s11+$0xFFFFFFC0];
	[tilespmem:v53+s21+$0x0] =	vst.idx.msk $0xffff, v5  }
0x11b: {  	v46 =	vshll.u32 v46, v1;
	v51 =	vshll.u32 v42, v1;
	v42 =	vbroadcast v44, $0x0;
	v53 =	vld [tilespmem:s11+$0xFFFFFF80];
	[tilespmem:v54+s21+$0x0] =	vst.idx.msk $0xffff, v48  }
0x11c: {  	v44 =	vbroadcast v46, $0x0;
	v43 =	vbroadcast v45, $0x0;
	v5 =	vadd.s32 v22, v40;
	v63 =	vld [tilespmem:$0x1FE00]  }
0x11d: {  	v46 =	vbroadcast v50, $0x0;
	v48 =	vadd.s32 v26, v42;
	[tilespmem:v49+s21+$0x0] =	vst.idx.msk $0xffff, v55;
	v49 =	vadd.f32 v60, v36;
	v60 =	vld [tilespmem:s11+$0x40]  }
0x11e: {  	v47 =	vshll.u32 v47, v1;
	v56 =	vadd.s32 v30, v43;
	v58 =	vadd.f32 v59, v36;
	v59 =	vld [tilespmem:s11+$0x0]  }
0x11f: {  	v45 =	vbroadcast v47, $0x0;
	v62 =	vadd.s32 v10, v46;
	v54 =	vld [tilespmem:s11+$0x1D0]  }
0x120: {  	v55 =	vadd.s32 v32, v44  }
0x121: {  	v47 =	vbroadcast v51, $0x0;
	[tilespmem:v5+s21+$0x0] =	vst.idx.msk $0xffff, v58;
	v32 =	vadd.f32 v53, v36;
	v53 =	vadd.s32 v29, v45  }
0x122: {  	v50 =	vbroadcast v2, $0x0;
	v58 =	vld [tilespmem:s11+$0x80];
	[tilespmem:v48+s21+$0x0] =	vst.idx.msk $0xffff, v49;
	v61 =	vadd.s32 v63, v3;
	v2 =	vadd.f32 v60, v36  }
0x123: {  	v48 =	vbroadcast v52, $0x0;
	v52 =	vadd.s32 v14, v47;
	v63 =	vld [tilespmem:s11+$0xC0];
	[tilespmem:v56+s21+$0x0] =	vst.idx.msk $0xffff, v32;
	v32 =	vadd.f32 v57, v36  }
0x124: {  	v49 =	vbroadcast v0, $0x0;
	v0 =	vadd.f32 v59, v36;
	v29 =	vadd.f32 v54, v35;
	v54 =	vld [tilespmem:s11+$0x100];
	[tilespmem:v62+s21+$0x0] =	vst.idx.msk $0xffff, v2  }
0x125: {  	v10 =	vadd.s32 v18, v48;
	v57 =	vld [tilespmem:s11+$0x140];
	[tilespmem:v55+s21+$0x0] =	vst.idx.msk $0xffff, v32  }
0x126: {  	v5 =	vadd.s32 v22, v49;
	v2 =	vld [tilespmem:s11+$0xFFFFFE50];
	[tilespmem:v53+s21+$0x0] =	vst.idx.msk $0xffff, v0  }
0x127: {  	v51 =	vbroadcast v4, $0x0;
	v32 =	vld [tilespmem:s11+$0x180];
	v0 =	vadd.f32 v58, v36;
	[tilespmem:v61+s21+$0x0] =	vst.idx.msk $0xffff, v29;
	v29 =	vadd.s32 v26, v50  }
0x128: {  	v60 =	vadd.f32 v63, v36;
	v14 =	vld [tilespmem:$0x1FE10]  }
0x129: {  	v62 =	vadd.f32 v54, v36;
	v63 =	vadd.s32 v30, v51;
	[tilespmem:v52+s21+$0x0] =	vst.idx.msk $0xffff, v0;
	v0 =	vld [tilespmem:s11+$0xFFFFFE90]  }
0x12a: {  	v22 =	vld [tilespmem:s11+$0xFFFFFED0];
	v57 =	vadd.f32 v57, v36;
	[tilespmem:v10+s21+$0x0] =	vst.idx.msk $0xffff, v60;
	v10 =	vadd.s32 v11, v38  }
0x12b: {  	v55 =	vld [tilespmem:s11+$0x1E0];
	[tilespmem:v5+s21+$0x0] =	vst.idx.msk $0xffff, v62;
	v5 =	vadd.s32 v15, v41  }
0x12c: {  	v30 =	vadd.f32 v32, v36;
	[tilespmem:v29+s21+$0x0] =	vst.idx.msk $0xffff, v57;
	v29 =	vadd.s32 v19, v39  }
0x12d: {  	v2 =	vadd.f32 v2, v35;
	v61 =	vadd.s32 v14, v3  }
0x12e: {  	[tilespmem:v63+s21+$0x0] =	vst.idx.msk $0xffff, v30;
	v0 =	vadd.f32 v0, v35  }
0x12f: {  	[tilespmem:v10+s21+$0x0] =	vst.idx.msk $0xffff, v2;
	v2 =	vadd.f32 v22, v35  }
0x130: {  	v26 =	vld [tilespmem:s11+$0xFFFFFF10];
	v55 =	vadd.f32 v55, v34;
	[tilespmem:v5+s21+$0x0] =	vst.idx.msk $0xffff, v0  }
0x131: {  	v32 =	vld [tilespmem:s11+$0xFFFFFF50];
	[tilespmem:v29+s21+$0x0] =	vst.idx.msk $0xffff, v2  }
0x132: {  	v60 =	vadd.s32 v23, v40;
	v30 =	vld [tilespmem:s11+$0x50];
	[tilespmem:v61+s21+$0x0] =	vst.idx.msk $0xffff, v55  }
0x133: {  	v62 =	vadd.s32 v27, v42;
	v18 =	vld [tilespmem:$0x1FE00]  }
0x134: {  	v61 =	vld [tilespmem:s11+$0xFFFFFF90]  }
0x135: {  	v0 =	vadd.f32 v26, v35;
	v63 =	vld [tilespmem:s11+$0x1F0]  }
0x136: {  	v10 =	vadd.s32 v31, v43;
	v22 =	vld [tilespmem:s11+$0xFFFFFFD0];
	v2 =	vadd.f32 v32, v35  }
0x137: {  	v3 =	vadd.s32 v9, v3;
	v26 =	vld [tilespmem:s11+$0x10];
	[tilespmem:v60+s21+$0x0] =	vst.idx.msk $0xffff, v0  }
0x138: {  	v32 =	vadd.s32 v7, v45;
	v60 =	vld [tilespmem:s11+$0x90];
	[tilespmem:v62+s21+$0x0] =	vst.idx.msk $0xffff, v2;
	v29 =	vadd.s32 v18, v44  }
0x139: {  	v2 =	vadd.s32 v11, v46;
	v11 =	vadd.s32 v23, v49;
	v23 =	vld [tilespmem:s11+$0xFFFFFE10];
	v0 =	vadd.f32 v61, v35  }
0x13a: {  	v61 =	vld [tilespmem:s11+$0xD0];
	v54 =	vadd.f32 v63, v33  }
0x13b: {  	v62 =	vadd.s32 v15, v47;
	v63 =	vld [tilespmem:s11+$0x110];
	[tilespmem:v10+s21+$0x0] =	vst.idx.msk $0xffff, v0;
	v0 =	vadd.f32 v22, v35  }
0x13c: {  	v5 =	vadd.f32 v26, v35;
	v10 =	vld [tilespmem:s11+$0x150];
	[tilespmem:v3+s21+$0x0] =	vst.idx.msk $0xffff, v54;
	v3 =	vadd.s32 v19, v48  }
0x13d: {  	v27 =	vadd.s32 v27, v50;
	v22 =	vld [tilespmem:s11+$0x190];
	[tilespmem:v29+s21+$0x0] =	vst.idx.msk $0xffff, v0;
	v0 =	vadd.f32 v30, v35  }
0x13e: {  	[tilespmem:v32+s21+$0x0] =	vst.idx.msk $0xffff, v5;
	v26 =	vadd.f32 v60, v35;
	v29 =	vadd.s32 v31, v51;
	v31 =	vld [tilespmem:s11+$0xFFFFFEA0]  }
0x13f: {  	v60 =	vadd.s32 v16, v41;
	[tilespmem:v2+s21+$0x0] =	vst.idx.msk $0xffff, v0;
	v0 =	vld [tilespmem:s11+$0xFFFFFE60];
	v2 =	vadd.f32 v61, v35  }
0x140: {  	[tilespmem:v62+s21+$0x0] =	vst.idx.msk $0xffff, v26;
	v30 =	vadd.s32 v7, v37;
	v56 =	vadd.f32 v63, v35;
	v63 =	vld [tilespmem:s11+$0xFFFFFF60]  }
0x141: {  	v54 =	vadd.f32 v10, v35;
	[tilespmem:v3+s21+$0x0] =	vst.idx.msk $0xffff, v2;
	v2 =	vadd.s32 v12, v38;
	v3 =	vld [tilespmem:s11+$0xFFFFFEE0]  }
0x142: {  	v5 =	vadd.f32 v23, v35;
	v53 =	vadd.f32 v22, v35;
	[tilespmem:v11+s21+$0x0] =	vst.idx.msk $0xffff, v56;
	v61 =	vld [tilespmem:s11+$0xFFFFFF20]  }
0x143: {  	v23 =	vadd.s32 v28, v42;
	v62 =	vadd.s32 v20, v39;
	v11 =	vld [tilespmem:s11+$0xFFFFFFA0];
	[tilespmem:v27+s21+$0x0] =	vst.idx.msk $0xffff, v54  }
0x144: {  	v10 =	vadd.s32 v24, v40;
	[tilespmem:v29+s21+$0x0] =	vst.idx.msk $0xffff, v53;
	v0 =	vadd.f32 v0, v34  }
0x145: {  	v26 =	vld [tilespmem:s11+$0xFFFFFFE0];
	[tilespmem:v30+s21+$0x0] =	vst.idx.msk $0xffff, v5;
	v22 =	vadd.f32 v31, v34;
	v29 =	vadd.s32 v14, v44  }
0x146: {  	[tilespmem:v2+s21+$0x0] =	vst.idx.msk $0xffff, v0;
	v0 =	vadd.f32 v3, v34;
	v2 =	vadd.s32 v6, v43;
	v3 =	vld [tilespmem:s11+$0x20]  }
0x147: {  	v30 =	vld [tilespmem:s11+$0x60];
	v31 =	vadd.s32 v8, v45;
	[tilespmem:v60+s21+$0x0] =	vst.idx.msk $0xffff, v22;
	v27 =	vadd.f32 v61, v34  }
0x148: {  	v61 =	vadd.f32 v11, v34;
	v22 =	vld [tilespmem:s11+$0x160];
	[tilespmem:v62+s21+$0x0] =	vst.idx.msk $0xffff, v0;
	v0 =	vadd.f32 v63, v34  }
0x149: {  	[tilespmem:v10+s21+$0x0] =	vst.idx.msk $0xffff, v27;
	v10 =	vadd.s32 v16, v47;
	v62 =	vadd.s32 v12, v46;
	v63 =	vld [tilespmem:s11+$0xE0]  }
0x14a: {  	v60 =	vld [tilespmem:s11+$0xA0];
	v27 =	vadd.s32 v28, v50;
	[tilespmem:v23+s21+$0x0] =	vst.idx.msk $0xffff, v0;
	v0 =	vadd.f32 v26, v34  }
0x14b: {  	v11 =	vld [tilespmem:s11+$0x120];
	[tilespmem:v2+s21+$0x0] =	vst.idx.msk $0xffff, v61;
	v2 =	vadd.f32 v3, v34;
	v3 =	vadd.s32 v20, v48  }
0x14c: {  	v23 =	vadd.s32 v24, v49;
	v24 =	vld [tilespmem:s11+$0x1A0];
	[tilespmem:v29+s21+$0x0] =	vst.idx.msk $0xffff, v0;
	v0 =	vadd.f32 v30, v34  }
0x14d: {  	v4 =	vadd.f32 v22, v34;
	[tilespmem:v31+s21+$0x0] =	vst.idx.msk $0xffff, v2;
	v2 =	vld [tilespmem:s11+$0xFFFFFE20]  }
0x14e: {  	v29 =	vadd.s32 v6, v51;
	v28 =	vadd.f32 v63, v34;
	[tilespmem:v62+s21+$0x0] =	vst.idx.msk $0xffff, v0;
	v0 =	vld [tilespmem:s11+$0xFFFFFE70]  }
0x14f: {  	v26 =	vadd.f32 v60, v34;
	[tilespmem:v27+s21+$0x0] =	vst.idx.msk $0xffff, v4;
	v30 =	vadd.s32 v8, v37;
	v31 =	vld [tilespmem:s11+$0xFFFFFEB0]  }
0x150: {  	v55 =	vadd.f32 v11, v34;
	v57 =	vld [tilespmem:s11+$0xFFFFFEF0];
	[tilespmem:v3+s21+$0x0] =	vst.idx.msk $0xffff, v28;
	v3 =	vadd.s32 v13, v38  }
0x151: {  	v58 =	vadd.s32 v17, v41;
	[tilespmem:v10+s21+$0x0] =	vst.idx.msk $0xffff, v26;
	v60 =	vadd.f32 v24, v34  }
0x152: {  	v61 =	vadd.s32 v21, v39;
	[tilespmem:v23+s21+$0x0] =	vst.idx.msk $0xffff, v55;
	v2 =	vadd.f32 v2, v34  }
0x153: {  	[tilespmem:v29+s21+$0x0] =	vst.idx.msk $0xffff, v60;
	v0 =	vadd.f32 v0, v33  }
0x154: {  	v59 =	vld [tilespmem:s11+$0xFFFFFF30];
	[tilespmem:v30+s21+$0x0] =	vst.idx.msk $0xffff, v2;
	v2 =	vadd.f32 v31, v33  }
0x155: {  	v23 =	vld [tilespmem:$0x1FF90];
	[tilespmem:v3+s21+$0x0] =	vst.idx.msk $0xffff, v0;
	v0 =	vadd.f32 v57, v33  }
0x156: {  	v27 =	vld [tilespmem:$0x1FFE0];
	[tilespmem:v58+s21+$0x0] =	vst.idx.msk $0xffff, v2  }
0x157: {  	v62 =	vld [tilespmem:s11+$0xFFFFFF70];
	[tilespmem:v61+s21+$0x0] =	vst.idx.msk $0xffff, v0  }
0x158: {  	v31 =	vld [tilespmem:$0x1FE50]  }
0x159: {  	v22 =	vld [tilespmem:s11+$0xFFFFFFB0];
	v63 =	vadd.s32 v25, v40  }
0x15a: {  	v26 =	vld [tilespmem:s11+$0xFFFFFFF0];
	v24 =	vadd.s32 v23, v42  }
0x15b: {  	v28 =	vld [tilespmem:s11+$0x30];
	v3 =	vadd.s32 v27, v43  }
0x15c: {  	v29 =	vadd.s32 v9, v44;
	v30 =	vld [tilespmem:s11+$0x70];
	v2 =	vadd.f32 v59, v33  }
0x15d: {  	v55 =	vld [tilespmem:s11+$0x130];
	v0 =	vadd.f32 v62, v33;
	v44 =	vadd.s32 v31, v45  }
0x15e: {  	v52 =	vadd.s32 v13, v46;
	v53 =	vld [tilespmem:s11+$0xF0];
	[tilespmem:v63+s21+$0x0] =	vst.idx.msk $0xffff, v2;
	v2 =	vadd.f32 v22, v33  }
0x15f: {  	v57 =	vadd.s32 v25, v49;
	v45 =	vld [tilespmem:s11+$0xB0];
	[tilespmem:v24+s21+$0x0] =	vst.idx.msk $0xffff, v0;
	v0 =	vadd.f32 v26, v33  }
0x160: {  	v56 =	vld [tilespmem:s11+$0x170];
	[tilespmem:v3+s21+$0x0] =	vst.idx.msk $0xffff, v2;
	v2 =	vadd.f32 v28, v33;
	v3 =	vadd.s32 v21, v48  }
0x161: {  	v54 =	vadd.s32 v17, v47;
	v58 =	vld [tilespmem:s11+$0x1B0];
	[tilespmem:v29+s21+$0x0] =	vst.idx.msk $0xffff, v0;
	v0 =	vadd.f32 v30, v33  }
0x162: {  	v63 =	vadd.f32 v55, v33;
	v60 =	vadd.s32 v23, v50;
	[tilespmem:v44+s21+$0x0] =	vst.idx.msk $0xffff, v2;
	v2 =	vld [tilespmem:s11+$0xFFFFFE30]  }
0x163: {  	v61 =	vadd.s32 v27, v51;
	[tilespmem:v52+s21+$0x0] =	vst.idx.msk $0xffff, v0;
	v0 =	vadd.f32 v53, v33  }
0x164: {  	[tilespmem:v57+s21+$0x0] =	vst.idx.msk $0xffff, v63;
	v62 =	vadd.s32 v31, v37;
	v59 =	vadd.f32 v45, v33  }
0x165: {  	[tilespmem:v3+s21+$0x0] =	vst.idx.msk $0xffff, v0;
	v0 =	vadd.f32 v56, v33  }
0x166: {  	s17 =	sshll.u32 s9, $0x14;
	[tilespmem:v54+s21+$0x0] =	vst.idx.msk $0xffff, v59;
	v3 =	vadd.f32 v58, v33  }
0x167: {  	s11 =	sor.u32 s4, s17;
	[tilespmem:v60+s21+$0x0] =	vst.idx.msk $0xffff, v0;
	v0 =	vadd.f32 v2, v33  }
0x168: {  	s11 =	sshrl.u32 s11, $0x3;
	[tilespmem:v61+s21+$0x0] =	vst.idx.msk $0xffff, v3  }
0x169: {  	s18 =	simm.s32 $0x11600;
	s12 =	sadd.s32 s1, s11;
	[tilespmem:v62+s21+$0x0] =	vst.idx.msk $0xffff, v0  }
0x16a: {  	[hbm4b:s12+s3] =	stream.linear.scatter [tilespmem:s18], [sflag:$0x5], $0x80, $0x38;
	[tilespmem:$0x19E00] =	vst v63  }
0x16b: {  	s6 =	simm.s32 $0x11688;
	s7 =	sadd.s32 $0x10, s12  }
0x16c: {  	[hbm4b:s7+s3] =	stream.linear.scatter [tilespmem:s6], [sflag:$0x5], $0x80, $0x38;
	[tilespmem:$0x19E00] =	vst v63  }
0x16d: {  	s15 =	simm.s32 $0x11710;
	s14 =	simm.s32 $0x2200;
	s16 =	sadd.s32 $0x20, s12  }
0x16e: {  	[hbm4b:s16+s3] =	stream.linear.scatter [tilespmem:s15], [sflag:$0x5], $0x80, $0x38;
	[tilespmem:$0x19E00] =	vst v63  }
0x16f: {  	s17 =	simm.s32 $0x11798;
	s11 =	simm.s32 $0x440;
	s18 =	sadd.s32 $0x30, s12  }
0x170: {  	[hbm4b:s18+s3] =	stream.linear.scatter [tilespmem:s17], [sflag:$0x5], $0x80, $0x38;
	[tilespmem:$0x19E00] =	vst v63  }
0x171: {  	s6 =	simm.s32 $0x11820;
	s7 =	sadd.s32 $0x40, s12;
	s15 =	simm.s32 $0x118A8  }
0x172: {  	[hbm4b:s7+s3] =	stream.linear.scatter [tilespmem:s6], [sflag:$0x5], $0x80, $0x38;
	[tilespmem:$0x19E00] =	vst v63  }
0x173: {  	s16 =	sadd.s32 $0x50, s12;
	s17 =	simm.s32 $0x11930;
	s18 =	sadd.s32 $0x60, s12  }
0x174: {  	[hbm4b:s16+s3] =	stream.linear.scatter [tilespmem:s15], [sflag:$0x5], $0x80, $0x38;
	[tilespmem:$0x19E00] =	vst v63  }
0x175: {  	s15 =	simm.s32 $0x119B8;
	s16 =	sadd.s32 $0x70, s12;
	s12 =	sadd.s32 $0x1000, s12  }
0x176: {  	[hbm4b:s18+s3] =	stream.linear.scatter [tilespmem:s17], [sflag:$0x5], $0x80, $0x38;
	[tilespmem:$0x19E00] =	vst v63  }
.LBB2_5:
0x177: {  	[hbm4b:s16+s3] =	stream.linear.scatter [tilespmem:s15], [sflag:$0x5], $0x80, $0x38;
	[tilespmem:$0x19E00] =	vst v63  }
0x178: {  	s15 =	smov.u32 s11;
	s11 =	smov.u32 s14  }
0x179: {  	s17 =	sadd.s32 $0x1100, s14;
	s11 =	sshra.s32 s11, $0x2;
	s16 =	sadd.s32 $0x11600, s15  }
0x17a: {  	[hbm4b:s12+s3] =	stream.linear.scatter [tilespmem:s16], [sflag:$0x5], $0x80, $0x38;
	[tilespmem:$0x19E00] =	vst v63  }
0x17b: {  	p0 =	sne.s32 s14, $0x7700;
	s14 =	sadd.s32 $0x11688, s15;
	s16 =	sadd.s32 $0x10, s12  }
0x17c: {  	[hbm4b:s16+s3] =	stream.linear.scatter [tilespmem:s14], [sflag:$0x5], $0x80, $0x38;
	[tilespmem:$0x19E00] =	vst v63  }
0x17d: {  	s14 =	sadd.s32 $0x11710, s15;
	s16 =	sadd.s32 $0x20, s12  }
0x17e: {  	[hbm4b:s16+s3] =	stream.linear.scatter [tilespmem:s14], [sflag:$0x5], $0x80, $0x38;
	[tilespmem:$0x19E00] =	vst v63  }
0x17f: {  	s14 =	sadd.s32 $0x11798, s15;
	s16 =	sadd.s32 $0x30, s12  }
0x180: {  	[hbm4b:s16+s3] =	stream.linear.scatter [tilespmem:s14], [sflag:$0x5], $0x80, $0x38;
	[tilespmem:$0x19E00] =	vst v63  }
0x181: {  	s14 =	sadd.s32 $0x11820, s15;
	s16 =	sadd.s32 $0x40, s12  }
0x182: {  	[hbm4b:s16+s3] =	stream.linear.scatter [tilespmem:s14], [sflag:$0x5], $0x80, $0x38;
	[tilespmem:$0x19E00] =	vst v63  }
.Ltmp3:
0x183: {  	s14 =	sadd.s32 $0x118A8, s15;
	s16 =	sadd.s32 $0x50, s12;
	(pc) =	sbr.rel @p0 .LBB2_5-.Ltmp3, $4  }
0x184: {  	[hbm4b:s16+s3] =	stream.linear.scatter [tilespmem:s14], [sflag:$0x5], $0x80, $0x38;
	[tilespmem:$0x19E00] =	vst v63  }
0x185: {  	s14 =	sadd.s32 $0x11930, s15;
	s16 =	sadd.s32 $0x60, s12;
	s15 =	sadd.s32 $0x119B8, s15  }
0x186: {  	[hbm4b:s16+s3] =	stream.linear.scatter [tilespmem:s14], [sflag:$0x5], $0x80, $0x38;
	[tilespmem:$0x19E00] =	vst v63  }
0x187: {  	s16 =	sadd.s32 $0x70, s12;
	s12 =	sadd.s32 $0x1000, s12;
	s14 =	smov.u32 s17  }
0x188: {  	[hbm4b:s16+s3] =	stream.linear.scatter [tilespmem:s15], [sflag:$0x5], $0x80, $0x38;
	[tilespmem:$0x19E00] =	vst v63  }
0x189: {  	s14 =	sadd.s32 $0x11600, s11  }
0x18a: {  	[hbm4b:s12+s3] =	stream.linear.scatter [tilespmem:s14], [sflag:$0x5], $0x80, $0x38;
	[tilespmem:$0x19E00] =	vst v63  }
0x18b: {  	s15 =	sadd.s32 $0x11688, s11;
	s16 =	sadd.s32 $0x10, s12;
	s17 =	sadd.s32 $0x11710, s11  }
0x18c: {  	[hbm4b:s16+s3] =	stream.linear.scatter [tilespmem:s15], [sflag:$0x5], $0x80, $0x38;
	[tilespmem:$0x19E00] =	vst v63  }
0x18d: {  	s18 =	sadd.s32 $0x20, s12;
	s6 =	sadd.s32 $0x11798, s11;
	p0 =	seq.s32 s9, $0x31  }
0x18e: {  	[hbm4b:s18+s3] =	stream.linear.scatter [tilespmem:s17], [sflag:$0x5], $0x80, $0x38;
	[tilespmem:$0x19E00] =	vst v63  }
0x18f: {  	s7 =	sadd.s32 $0x30, s12;
	s14 =	simm.s32 @!p0 $0x5;
	s15 =	sadd.s32 $0x11820, s11  }
0x190: {  	[hbm4b:s7+s3] =	stream.linear.scatter [tilespmem:s6], [sflag:$0x5], $0x80, $0x38;
	[tilespmem:$0x19E00] =	vst v63  }
0x191: {  	s16 =	sadd.s32 $0x40, s12;
	s17 =	sadd.s32 $0x118A8, s11;
	s18 =	sadd.s32 $0x50, s12  }
0x192: {  	[hbm4b:s16+s3] =	stream.linear.scatter [tilespmem:s15], [sflag:$0x5], $0x80, $0x38;
	[tilespmem:$0x19E00] =	vst v63  }
0x193: {  	s6 =	sadd.s32 $0x11930, s11;
	s7 =	sadd.s32 $0x60, s12;
	s15 =	sadd.s32 $0x119B8, s11  }
0x194: {  	[hbm4b:s18+s3] =	stream.linear.scatter [tilespmem:s17], [sflag:$0x5], $0x80, $0x38;
	[tilespmem:$0x19E00] =	vst v63  }
0x195: {  	s16 =	sadd.s32 $0x70, s12;
	s11 =	sshll.u32 s9, $0x2;
	s17 =	simm.s32 $0x0  }
0x196: {  	[hbm4b:s7+s3] =	stream.linear.scatter [tilespmem:s6], [sflag:$0x5], $0x80, $0x38;
	[tilespmem:$0x19E00] =	vst v63  }
0x197: {  	s12 =	sshll.u32 @!p0 s11, $0x7;
	s18 =	simm.s32 $0x1;
	v0 =	vmov s17;
	s17 =	simm.s32 $0x6  }
0x198: {  	[hbm4b:s16+s3] =	stream.linear.scatter [tilespmem:s15], [sflag:$0x5], $0x80, $0x38;
	[tilespmem:$0x19E00] =	vst v63  }
0x199: {  	v2 =	vmov s18;
	s18 =	simm.s32 $0x7;
	s6 =	simm.s32 $0x2;
	s16 =	simm.s32 $0x5  }
0x19a: {  	v34 =	vmov s17;
	s17 =	sadd.s32 @!p0 $0x200, s12;
	_ =	swait.ge @!p0 [sflag:s14], $0x2000;
	v33 =	vmov s16;
	s16 =	simm.s32 $0xB  }
0x19b: {  	s7 =	simm.s32 $0x3;
	[sflag:s14] =	ssyncset.done @!p0 $0x0;
	v39 =	vmov s16;
	s16 =	sand.u32 @!p0 $0xFE00, s17  }
0x19c: {  	s17 =	simm.s32 @!p0 $0x80;
	[sflag:s14] =	ssyncadd.s32 @!p0 $0xFFFFE000;
	s14 =	simm.s32 @!p0 $0x9600  }
0x19d: {  	[tilespmem:s14], [sflag:$0x1] =	stream.indirect.gather @!p0 [hbm4b:s5+s17], $0x40, s16, s17, $0xb8;
	[tilespmem:$0x19E00] =	vst v63  }
0x19e: {  	v35 =	vmov s18;
	s18 =	simm.s32 $0xC;
	v3 =	vmov s6;
	s6 =	simm.s32 $0x8;
	_ =	swait.ge [sflag:s22], $0x2000  }
0x19f: {  	v0 =	vshrl.u32 v0, $0x3;
	v4 =	vmov s7;
	s7 =	simm.s32 $0x9;
	v40 =	vmov s18;
	s15 =	simm.s32 $0x4;
	s14 =	sor.u32 $0x1, s11;
	v13 =	vld [tilespmem:$0x1FFC0]  }
0x1a0: {  	v0 =	vshll.u32 v0, v1;
	v44 =	vshrl.u32 v34, $0x3;
	v5 =	vmov s15;
	s15 =	simm.s32 $0xA;
	s18 =	sshll.u32 s14, $0x6;
	[sflag:s22] =	ssyncset.done $0x0;
	v6 =	vld [tilespmem:$0x1FE20]  }
0x1a1: {  	v45 =	vshrl.u32 v35, $0x3;
	v36 =	vmov s6;
	s6 =	simm.s32 $0xD;
	v38 =	vmov s15;
	s15 =	sand.u32 $0x3FFFFFC0, s18;
	v12 =	vld [tilespmem:$0x1FE60];
	[sflag:s22] =	ssyncadd.s32 $0xFFFFE000  }
0x1a2: {  	v37 =	vmov s7;
	s7 =	simm.s32 $0xE;
	v41 =	vmov s6;
	v46 =	vshrl.u32 v36, $0x3;
	s6 =	simm.s32 $0xF;
	v36 =	vld [tilespmem:s15+$0x6400]  }
0x1a3: {  	v42 =	vmov s7;
	v47 =	vshrl.u32 v37, $0x3;
	v60 =	vmov s6;
	v35 =	vld [tilespmem:s15+$0x6410]  }
0x1a4: {  	v37 =	vbroadcast v0, $0x0;
	v43 =	vshrl.u32 v33, $0x3;
	v61 =	vshrl.u32 v60, $0x3;
	v34 =	vld [tilespmem:s15+$0x6420]  }
0x1a5: {  	v0 =	vshrl.u32 v41, $0x3;
	v41 =	vshrl.u32 v42, $0x3;
	v42 =	vshll.u32 v61, v1;
	v33 =	vld [tilespmem:s15+$0x6430];
	s15 =	simm.s32 $0xB800  }
0x1a6: {  	v2 =	vshrl.u32 v2, $0x3;
	v52 =	vbroadcast v42, $0x0;
	v62 =	vld [tilespmem:s15+$0x1C0]  }
0x1a7: {  	v2 =	vshll.u32 v2, v1;
	v3 =	vshrl.u32 v3, $0x3;
	v40 =	vshrl.u32 v40, $0x3;
	v63 =	vld [tilespmem:s15+$0xFFFFFE00]  }
0x1a8: {  	v50 =	vbroadcast v2, $0x0;
	v2 =	vshll.u32 v40, v1;
	v54 =	vld [tilespmem:s15+$0xFFFFFE40];
	v40 =	vadd.s32 v13, v52  }
0x1a9: {  	v3 =	vshll.u32 v3, v1;
	v5 =	vshrl.u32 v5, $0x3;
	v9 =	vld [tilespmem:$0x1FEA0];
	v55 =	vadd.s32 v6, v37  }
0x1aa: {  	v51 =	vbroadcast v3, $0x0;
	v5 =	vshll.u32 v5, v1;
	v10 =	vld [tilespmem:$0x1FEE0];
	v3 =	vadd.s32 v12, v50  }
0x1ab: {  	v53 =	vshll.u32 v47, v1;
	v47 =	vbroadcast v5, $0x0;
	v8 =	vld [tilespmem:$0x1FF20];
	v5 =	vadd.f32 v62, v36  }
0x1ac: {  	v48 =	vshll.u32 v44, v1;
	v56 =	vld [tilespmem:s15+$0xFFFFFE80];
	v42 =	vadd.f32 v63, v36  }
0x1ad: {  	v4 =	vshrl.u32 v4, $0x3;
	v45 =	vshll.u32 v45, v1;
	v57 =	vld [tilespmem:s15+$0xFFFFFEC0];
	v32 =	vadd.f32 v54, v36;
	[tilespmem:v40+s23+$0x0] =	vst.idx.msk $0xffff, v5  }
0x1ae: {  	v4 =	vshll.u32 v4, v1;
	v59 =	vld [tilespmem:s15+$0xFFFFFF00];
	v58 =	vadd.s32 v9, v51;
	[tilespmem:v55+s23+$0x0] =	vst.idx.msk $0xffff, v42  }
0x1af: {  	v46 =	vshll.u32 v46, v1;
	v49 =	vbroadcast v4, $0x0;
	v38 =	vshrl.u32 v38, $0x3;
	v11 =	vld [tilespmem:$0x1FF60];
	[tilespmem:v3+s23+$0x0] =	vst.idx.msk $0xffff, v32  }
0x1b0: {  	v39 =	vshrl.u32 v39, $0x3;
	v43 =	vshll.u32 v43, v1;
	v4 =	vshll.u32 v41, v1;
	v7 =	vld [tilespmem:$0x1FFA0]  }
0x1b1: {  	v41 =	vbroadcast v48, $0x0;
	v54 =	vadd.s32 v8, v47;
	v5 =	vadd.f32 v56, v36;
	v55 =	vld [tilespmem:s15+$0x1D0]  }
0x1b2: {  	v48 =	vbroadcast v45, $0x0;
	v44 =	vbroadcast v43, $0x0;
	v61 =	vld [tilespmem:s15+$0xFFFFFF40];
	v60 =	vadd.s32 v10, v49  }
0x1b3: {  	v45 =	vbroadcast v46, $0x0;
	v46 =	vbroadcast v53, $0x0;
	v62 =	vld [tilespmem:s15+$0xFFFFFF80];
	[tilespmem:v58+s23+$0x0] =	vst.idx.msk $0xffff, v5;
	v58 =	vadd.s32 v18, v52  }
0x1b4: {  	v3 =	vadd.f32 v57, v36;
	v57 =	vld [tilespmem:s15+$0x0];
	v5 =	vadd.f32 v59, v36;
	v40 =	vadd.s32 v11, v44  }
0x1b5: {  	v38 =	vshll.u32 v38, v1;
	v39 =	vshll.u32 v39, v1;
	v32 =	vld [tilespmem:s15+$0xFFFFFFC0];
	v43 =	vadd.s32 v7, v41  }
0x1b6: {  	v53 =	vadd.s32 v6, v45;
	v42 =	vbroadcast v38, $0x0;
	[tilespmem:v54+s23+$0x0] =	vst.idx.msk $0xffff, v5;
	v54 =	vld [tilespmem:s15+$0x80];
	v55 =	vadd.f32 v55, v35  }
0x1b7: {  	v59 =	vadd.s32 v13, v48;
	[tilespmem:v60+s23+$0x0] =	vst.idx.msk $0xffff, v3;
	v3 =	vadd.f32 v61, v36;
	v60 =	vld [tilespmem:s15+$0x40]  }
0x1b8: {  	v39 =	vbroadcast v39, $0x0;
	v56 =	vadd.s32 v9, v42;
	v5 =	vadd.f32 v62, v36;
	[tilespmem:v58+s23+$0x0] =	vst.idx.msk $0xffff, v55  }
0x1b9: {  	v61 =	vld [tilespmem:s15+$0xC0];
	[tilespmem:v40+s23+$0x0] =	vst.idx.msk $0xffff, v3;
	v3 =	vadd.s32 v12, v46;
	v40 =	vbroadcast v2, $0x0;
	v2 =	vadd.f32 v57, v36  }
0x1ba: {  	v0 =	vshll.u32 v0, v1;
	[tilespmem:v43+s23+$0x0] =	vst.idx.msk $0xffff, v5;
	v5 =	vadd.f32 v32, v36;
	v32 =	vld [tilespmem:s15+$0x100]  }
0x1bb: {  	v63 =	vld [tilespmem:s15+$0x140];
	v38 =	vbroadcast v0, $0x0;
	v57 =	vadd.s32 v10, v39;
	[tilespmem:v53+s23+$0x0] =	vst.idx.msk $0xffff, v2;
	v2 =	vadd.f32 v54, v36  }
0x1bc: {  	v0 =	vadd.f32 v60, v36;
	[tilespmem:v59+s23+$0x0] =	vst.idx.msk $0xffff, v5;
	v5 =	vadd.s32 v8, v40  }
0x1bd: {  	v55 =	vld [tilespmem:s15+$0x1E0];
	v53 =	vadd.s32 v11, v38;
	[tilespmem:v56+s23+$0x0] =	vst.idx.msk $0xffff, v2  }
0x1be: {  	v43 =	vbroadcast v4, $0x0;
	v4 =	vld [tilespmem:s15+$0xFFFFFE50];
	[tilespmem:v3+s23+$0x0] =	vst.idx.msk $0xffff, v0;
	v0 =	vadd.f32 v61, v36  }
0x1bf: {  	v2 =	vadd.f32 v32, v36;
	v11 =	vld [tilespmem:$0x1FE70]  }
0x1c0: {  	v54 =	vld [tilespmem:s15+$0x180];
	[tilespmem:v57+s23+$0x0] =	vst.idx.msk $0xffff, v0;
	v0 =	vadd.f32 v63, v36  }
0x1c1: {  	v10 =	vld [tilespmem:$0x1FEB0];
	[tilespmem:v5+s23+$0x0] =	vst.idx.msk $0xffff, v2  }
0x1c2: {  	v3 =	vadd.s32 v14, v52;
	v8 =	vld [tilespmem:$0x1FEF0];
	[tilespmem:v53+s23+$0x0] =	vst.idx.msk $0xffff, v0  }
0x1c3: {  	v56 =	vadd.s32 v7, v43;
	v23 =	vld [tilespmem:$0x1FF30]  }
0x1c4: {  	v58 =	vld [tilespmem:s15+$0xFFFFFE90];
	v59 =	vadd.s32 v11, v50  }
0x1c5: {  	v32 =	vld [tilespmem:s15+$0xFFFFFED0];
	v2 =	vadd.f32 v55, v34  }
0x1c6: {  	v61 =	vld [tilespmem:s15+$0xFFFFFF10];
	v0 =	vadd.f32 v54, v36;
	v57 =	vadd.s32 v10, v51  }
0x1c7: {  	v4 =	vadd.f32 v4, v35;
	v54 =	vld [tilespmem:s15+$0xFFFFFF90];
	[tilespmem:v3+s23+$0x0] =	vst.idx.msk $0xffff, v2;
	v5 =	vadd.s32 v8, v49  }
0x1c8: {  	v9 =	vld [tilespmem:$0x1FF70];
	[tilespmem:v56+s23+$0x0] =	vst.idx.msk $0xffff, v0;
	v53 =	vadd.s32 v23, v47  }
0x1c9: {  	v62 =	vld [tilespmem:s15+$0x10];
	v2 =	vadd.f32 v58, v35;
	[tilespmem:v59+s23+$0x0] =	vst.idx.msk $0xffff, v4  }
0x1ca: {  	v4 =	vadd.f32 v32, v35;
	v31 =	vld [tilespmem:$0x1FFB0]  }
0x1cb: {  	v55 =	vld [tilespmem:s15+$0xFFFFFF50];
	[tilespmem:v57+s23+$0x0] =	vst.idx.msk $0xffff, v2;
	v2 =	vadd.f32 v61, v35  }
0x1cc: {  	v63 =	vmov v6;
	v6 =	vld [tilespmem:$0x1FFF0];
	[tilespmem:v5+s23+$0x0] =	vst.idx.msk $0xffff, v4  }
0x1cd: {  	[tilespmem:v53+s23+$0x0] =	vst.idx.msk $0xffff, v2;
	v2 =	vadd.f32 v54, v35;
	v54 =	vld [tilespmem:s15+$0x90]  }
0x1ce: {  	v3 =	vadd.s32 v9, v44;
	v7 =	vld [tilespmem:$0x1FE30]  }
0x1cf: {  	v0 =	vld [tilespmem:s15+$0x1F0];
	v32 =	vadd.s32 v31, v41  }
0x1d0: {  	v60 =	vld [tilespmem:s15+$0xFFFFFFD0];
	v56 =	vadd.s32 v10, v42  }
0x1d1: {  	v4 =	vadd.f32 v55, v35;
	v52 =	vadd.s32 v6, v52  }
0x1d2: {  	v57 =	vadd.f32 v62, v35;
	v5 =	vadd.s32 v18, v48;
	v55 =	vld [tilespmem:s15+$0x50]  }
0x1d3: {  	[tilespmem:v3+s23+$0x0] =	vst.idx.msk $0xffff, v4;
	v62 =	vadd.f32 v54, v35;
	v53 =	vadd.s32 v7, v45  }
0x1d4: {  	v0 =	vadd.f32 v0, v33;
	v3 =	vadd.s32 v11, v46;
	v4 =	vld [tilespmem:s15+$0xD0];
	[tilespmem:v32+s23+$0x0] =	vst.idx.msk $0xffff, v2  }
0x1d5: {  	v2 =	vadd.f32 v60, v35;
	v32 =	vld [tilespmem:s15+$0x110];
	[tilespmem:v56+s23+$0x0] =	vst.idx.msk $0xffff, v62  }
0x1d6: {  	v59 =	vadd.s32 v8, v39;
	[tilespmem:v52+s23+$0x0] =	vst.idx.msk $0xffff, v0  }
0x1d7: {  	v60 =	vld [tilespmem:s15+$0x150];
	[tilespmem:v5+s23+$0x0] =	vst.idx.msk $0xffff, v2;
	v0 =	vadd.f32 v55, v35;
	v2 =	vadd.s32 v23, v40  }
0x1d8: {  	v5 =	vld [tilespmem:s15+$0x190];
	[tilespmem:v53+s23+$0x0] =	vst.idx.msk $0xffff, v57  }
0x1d9: {  	v52 =	vld [tilespmem:s15+$0xFFFFFE10];
	[tilespmem:v3+s23+$0x0] =	vst.idx.msk $0xffff, v0;
	v0 =	vadd.f32 v4, v35  }
0x1da: {  	v53 =	vadd.f32 v32, v35;
	v12 =	vld [tilespmem:$0x1FE80]  }
0x1db: {  	v55 =	vld [tilespmem:s15+$0xFFFFFE60];
	[tilespmem:v59+s23+$0x0] =	vst.idx.msk $0xffff, v0  }
0x1dc: {  	v54 =	vadd.s32 v9, v38;
	v16 =	vld [tilespmem:$0x1FEC0];
	[tilespmem:v2+s23+$0x0] =	vst.idx.msk $0xffff, v53  }
0x1dd: {  	v3 =	vadd.s32 v31, v43;
	v20 =	vld [tilespmem:$0x1FF00]  }
0x1de: {  	v4 =	vadd.s32 v7, v37  }
0x1df: {  	v57 =	vld [tilespmem:s15+$0xFFFFFEA0];
	v0 =	vadd.f32 v60, v35;
	v56 =	vadd.s32 v12, v50  }
0x1e0: {  	v32 =	vld [tilespmem:s15+$0xFFFFFEE0];
	v2 =	vadd.f32 v5, v35  }
0x1e1: {  	v62 =	vld [tilespmem:s15+$0xFFFFFFA0];
	v5 =	vadd.f32 v52, v35;
	[tilespmem:v54+s23+$0x0] =	vst.idx.msk $0xffff, v0;
	v59 =	vadd.s32 v16, v51  }
0x1e2: {  	v0 =	vadd.f32 v55, v34;
	v24 =	vld [tilespmem:$0x1FF40];
	[tilespmem:v3+s23+$0x0] =	vst.idx.msk $0xffff, v2;
	v52 =	vadd.s32 v20, v49  }
0x1e3: {  	v58 =	vld [tilespmem:s15+$0x60];
	[tilespmem:v4+s23+$0x0] =	vst.idx.msk $0xffff, v5  }
0x1e4: {  	v2 =	vadd.f32 v57, v34;
	v28 =	vld [tilespmem:$0x1FF80];
	[tilespmem:v56+s23+$0x0] =	vst.idx.msk $0xffff, v0  }
0x1e5: {  	v0 =	vadd.f32 v32, v34;
	v30 =	vld [tilespmem:$0x1FFD0]  }
0x1e6: {  	v60 =	vld [tilespmem:s15+$0xFFFFFF20];
	[tilespmem:v59+s23+$0x0] =	vst.idx.msk $0xffff, v2  }
0x1e7: {  	v53 =	vld [tilespmem:s15+$0xFFFFFF60];
	[tilespmem:v52+s23+$0x0] =	vst.idx.msk $0xffff, v0  }
0x1e8: {  	v61 =	vadd.s32 v24, v47;
	v8 =	vld [tilespmem:$0x1FE40]  }
0x1e9: {  	v4 =	vld [tilespmem:s15+$0xFFFFFFE0];
	v3 =	vadd.s32 v28, v44  }
0x1ea: {  	v56 =	vld [tilespmem:s15+$0x20];
	v5 =	vadd.s32 v30, v41  }
0x1eb: {  	v2 =	vadd.f32 v60, v34;
	v60 =	vld [tilespmem:s15+$0xA0]  }
0x1ec: {  	v57 =	vadd.s32 v14, v48;
	v59 =	vld [tilespmem:s15+$0xFFFFFE20];
	v0 =	vadd.f32 v53, v34  }
0x1ed: {  	v53 =	vld [tilespmem:s15+$0xFFFFFE70];
	[tilespmem:v61+s23+$0x0] =	vst.idx.msk $0xffff, v2;
	v2 =	vadd.f32 v62, v34;
	v32 =	vadd.s32 v8, v45  }
0x1ee: {  	v61 =	vadd.s32 v12, v46;
	v62 =	vld [tilespmem:s15+$0xE0];
	[tilespmem:v3+s23+$0x0] =	vst.idx.msk $0xffff, v0  }
0x1ef: {  	v0 =	vadd.f32 v4, v34;
	v3 =	vld [tilespmem:s15+$0x120];
	[tilespmem:v5+s23+$0x0] =	vst.idx.msk $0xffff, v2;
	v5 =	vadd.s32 v16, v42  }
0x1f0: {  	v4 =	vld [tilespmem:s15+$0x160];
	v2 =	vadd.f32 v56, v34  }
0x1f1: {  	[tilespmem:v57+s23+$0x0] =	vst.idx.msk $0xffff, v0;
	v0 =	vadd.f32 v58, v34;
	v57 =	vadd.s32 v20, v39;
	v56 =	vld [tilespmem:s15+$0x1A0]  }
0x1f2: {  	[tilespmem:v32+s23+$0x0] =	vst.idx.msk $0xffff, v2;
	v2 =	vadd.f32 v60, v34;
	v60 =	vld [tilespmem:s15+$0xFFFFFEB0]  }
0x1f3: {  	v58 =	vadd.s32 v24, v40;
	[tilespmem:v61+s23+$0x0] =	vst.idx.msk $0xffff, v0;
	v32 =	vld [tilespmem:s15+$0xFFFFFEF0]  }
0x1f4: {  	v52 =	vadd.s32 v28, v38;
	v0 =	vadd.f32 v62, v34;
	v13 =	vld [tilespmem:$0x1FE90];
	[tilespmem:v5+s23+$0x0] =	vst.idx.msk $0xffff, v2  }
0x1f5: {  	v17 =	vld [tilespmem:$0x1FED0]  }
0x1f6: {  	v54 =	vadd.s32 v30, v43;
	v3 =	vadd.f32 v3, v34;
	[tilespmem:v57+s23+$0x0] =	vst.idx.msk $0xffff, v0;
	v57 =	vld [tilespmem:s15+$0xFFFFFF70]  }
0x1f7: {  	v4 =	vadd.f32 v4, v34;
	v21 =	vld [tilespmem:$0x1FF10]  }
0x1f8: {  	v55 =	vadd.s32 v8, v37;
	[tilespmem:v58+s23+$0x0] =	vst.idx.msk $0xffff, v3;
	v58 =	vld [tilespmem:s15+$0xFFFFFFB0]  }
0x1f9: {  	s7 =	simm.s32 $0x10;
	v56 =	vadd.f32 v56, v34;
	v25 =	vld [tilespmem:$0x1FF50];
	[tilespmem:v52+s23+$0x0] =	vst.idx.msk $0xffff, v4  }
0x1fa: {  	v2 =	vmov s7;
	v29 =	vld [tilespmem:$0x1FF90]  }
0x1fb: {  	v0 =	vshrl.u32 v2, $0x3;
	v2 =	vadd.f32 v59, v34;
	[tilespmem:v54+s23+$0x0] =	vst.idx.msk $0xffff, v56;
	v56 =	vadd.f32 v32, v33;
	v32 =	vld [tilespmem:s15+$0x30]  }
0x1fc: {  	s17 =	simm.s32 $0x11;
	v48 =	vadd.s32 v6, v48;
	v50 =	vadd.s32 v13, v50;
	v22 =	vld [tilespmem:$0x1FFE0]  }
0x1fd: {  	v53 =	vadd.f32 v53, v33;
	v3 =	vmov s17;
	[tilespmem:v55+s23+$0x0] =	vst.idx.msk $0xffff, v2;
	v55 =	vld [tilespmem:s15+$0x70];
	v5 =	vadd.s32 v17, v51  }
0x1fe: {  	v0 =	vshll.u32 v0, v1;
	v52 =	vadd.f32 v60, v33;
	v51 =	vld [tilespmem:s15+$0xFFFFFF30];
	v49 =	vadd.s32 v21, v49  }
0x1ff: {  	v46 =	vadd.s32 v13, v46;
	v60 =	vld [tilespmem:s15+$0x170];
	v42 =	vadd.s32 v17, v42;
	v39 =	vadd.s32 v21, v39  }
0x200: {  	s18 =	simm.s32 $0x12;
	v59 =	vld [tilespmem:s15+$0xFFFFFFF0];
	v47 =	vadd.s32 v25, v47;
	v40 =	vadd.s32 v25, v40;
	v44 =	vadd.s32 v29, v44  }
0x201: {  	s6 =	simm.s32 $0x13;
	v4 =	vmov s18;
	[tilespmem:v50+s23+$0x0] =	vst.idx.msk $0xffff, v53;
	v50 =	vadd.f32 v57, v33;
	v57 =	vld [tilespmem:s15+$0xB0];
	v32 =	vadd.f32 v32, v33  }
0x202: {  	s7 =	simm.s32 $0x14;
	v54 =	vmov s6;
	v38 =	vadd.s32 v29, v38;
	v9 =	vld [tilespmem:$0x1FE50];
	v62 =	vadd.f32 v55, v33;
	[tilespmem:v5+s23+$0x0] =	vst.idx.msk $0xffff, v52  }
0x203: {  	s17 =	simm.s32 $0x15;
	v2 =	vmov s7;
	v41 =	vadd.s32 v22, v41;
	v51 =	vadd.f32 v51, v33;
	[tilespmem:v49+s23+$0x0] =	vst.idx.msk $0xffff, v56  }
0x204: {  	v53 =	vmov s17;
	s17 =	simm.s32 $0x19;
	v60 =	vadd.f32 v60, v33;
	v52 =	vadd.f32 v58, v33;
	v58 =	vld [tilespmem:s15+$0xF0];
	[tilespmem:v46+s23+$0x0] =	vst.idx.msk $0xffff, v62  }
0x205: {  	s18 =	simm.s32 $0x16;
	s6 =	simm.s32 $0x17;
	s7 =	simm.s32 $0x18;
	v61 =	vmov s17;
	v43 =	vadd.s32 v22, v43;
	v49 =	vadd.f32 v59, v33;
	v59 =	vld [tilespmem:s15+$0x130];
	[tilespmem:v47+s23+$0x0] =	vst.idx.msk $0xffff, v51  }
0x206: {  	v5 =	vmov s18;
	v56 =	vmov s6;
	v47 =	vmov s7;
	[tilespmem:v44+s23+$0x0] =	vst.idx.msk $0xffff, v50  }
0x207: {  	s6 =	simm.s32 $0x1B;
	v51 =	vshrl.u32 v2, $0x3;
	v46 =	vshrl.u32 v56, $0x3;
	v50 =	vld [tilespmem:s15+$0x1B0];
	v55 =	vadd.f32 v57, v33;
	[tilespmem:v48+s23+$0x0] =	vst.idx.msk $0xffff, v49  }
0x208: {  	v57 =	vmov s6;
	v44 =	vshrl.u32 v3, $0x3;
	v45 =	vadd.s32 v9, v45;
	[tilespmem:v41+s23+$0x0] =	vst.idx.msk $0xffff, v52;
	v52 =	vld [tilespmem:s15+$0xFFFFFE30]  }
0x209: {  	s18 =	simm.s32 $0x1A;
	[tilespmem:v38+s23+$0x0] =	vst.idx.msk $0xffff, v60;
	v47 =	vshrl.u32 v47, $0x3;
	v38 =	vshrl.u32 v61, $0x3;
	v48 =	vadd.f32 v58, v33  }
0x20a: {  	s17 =	simm.s32 $0x1D;
	s7 =	simm.s32 $0x1C;
	v41 =	vmov s18;
	v37 =	vadd.s32 v9, v37;
	[tilespmem:v42+s23+$0x0] =	vst.idx.msk $0xffff, v55;
	v49 =	vadd.f32 v59, v33  }
0x20b: {  	v58 =	vmov s7;
	v42 =	vshrl.u32 v41, $0x3;
	v59 =	vmov s17;
	[tilespmem:v39+s23+$0x0] =	vst.idx.msk $0xffff, v48  }
0x20c: {  	v41 =	vshrl.u32 v58, $0x3;
	v48 =	vshrl.u32 v53, $0x3;
	v3 =	vadd.f32 v50, v33;
	[tilespmem:v40+s23+$0x0] =	vst.idx.msk $0xffff, v49  }
0x20d: {  	s18 =	simm.s32 $0x1E;
	v39 =	vshrl.u32 v59, $0x3;
	v50 =	vshrl.u32 v4, $0x3;
	[tilespmem:v45+s23+$0x0] =	vst.idx.msk $0xffff, v32;
	v4 =	vadd.f32 v52, v33  }
0x20e: {  	v49 =	vshrl.u32 v5, $0x3;
	v32 =	vmov s18;
	v45 =	vshrl.u32 v54, $0x3;
	[tilespmem:v43+s23+$0x0] =	vst.idx.msk $0xffff, v3  }
0x20f: {  	s16 =	simm.s32 $0x20;
	s17 =	simm.s32 $0x1F;
	v43 =	vshrl.u32 v57, $0x3;
	v40 =	vshrl.u32 v32, $0x3;
	[tilespmem:v37+s23+$0x0] =	vst.idx.msk $0xffff, v4;
	v37 =	vbroadcast v0, $0x0  }
.LBB2_7:
0x210: {  	v11 =	vld [tilespmem:$0x1FFC0]  }
0x211: {  	v15 =	vld [tilespmem:$0x1FE60]  }
0x212: {  	v19 =	vld [tilespmem:$0x1FEA0]  }
0x213: {  	v27 =	vld [tilespmem:$0x1FEE0]  }
0x214: {  	v10 =	vld [tilespmem:$0x1FF20]  }
0x215: {  	v3 =	vmov s17;
	s15 =	sadd.s32 $0x400, s15;
	v26 =	vld [tilespmem:$0x1FFA0]  }
0x216: {  	v0 =	vshll.u32 v44, v1;
	v44 =	vshll.u32 v48, v1;
	v3 =	vshrl.u32 v3, $0x3;
	v48 =	vld [tilespmem:s15+$0x1C0]  }
0x217: {  	v55 =	vshll.u32 v43, v1;
	v43 =	vld [tilespmem:s15+$0xFFFFFE40];
	v3 =	vshll.u32 v3, v1  }
0x218: {  	v2 =	vshll.u32 v50, v1;
	v57 =	vld [tilespmem:s15+$0xFFFFFE80];
	v52 =	vbroadcast v3, $0x0  }
0x219: {  	v4 =	vshll.u32 v45, v1;
	v5 =	vshll.u32 v51, v1;
	v45 =	vshll.u32 v49, v1;
	v3 =	vld [tilespmem:s15+$0xFFFFFE00]  }
0x21a: {  	v46 =	vshll.u32 v46, v1;
	v50 =	vbroadcast v0, $0x0;
	v59 =	vld [tilespmem:s15+$0xFFFFFEC0];
	v32 =	vadd.s32 v11, v52  }
0x21b: {  	v53 =	vshll.u32 v47, v1;
	v56 =	vadd.s32 v63, v37;
	v51 =	vbroadcast v2, $0x0;
	v60 =	vld [tilespmem:s15+$0xFFFFFF00]  }
0x21c: {  	v49 =	vbroadcast v4, $0x0;
	v4 =	vshll.u32 v40, v1;
	v62 =	vld [tilespmem:s15+$0xFFFFFF40];
	v58 =	vadd.s32 v15, v50  }
0x21d: {  	v47 =	vbroadcast v5, $0x0;
	v6 =	vld [tilespmem:s15+$0xFFFFFF80];
	v40 =	vadd.s32 v19, v51;
	v5 =	vadd.f32 v48, v36  }
0x21e: {  	v2 =	vshll.u32 v39, v1;
	v48 =	vbroadcast v46, $0x0;
	v46 =	vld [tilespmem:s15+$0x0];
	v3 =	vadd.f32 v3, v36  }
0x21f: {  	v39 =	vbroadcast v45, $0x0;
	v63 =	vadd.s32 v10, v47;
	v43 =	vadd.f32 v43, v36;
	[tilespmem:v32+s23+$0x0] =	vst.idx.msk $0xffff, v5;
	v32 =	vld [tilespmem:$0x1FF60]  }
0x220: {  	v61 =	vadd.s32 v27, v49;
	[tilespmem:v56+s23+$0x0] =	vst.idx.msk $0xffff, v3;
	v3 =	vadd.f32 v57, v36;
	v57 =	vld [tilespmem:s15+$0xFFFFFFC0]  }
0x221: {  	[tilespmem:v58+s23+$0x0] =	vst.idx.msk $0xffff, v43;
	v43 =	vadd.f32 v59, v36;
	v56 =	vadd.s32 v26, v39;
	v59 =	vld [tilespmem:s15+$0x40]  }
0x222: {  	v58 =	vadd.s32 v11, v48;
	v11 =	vld [tilespmem:$0x1FEB0];
	[tilespmem:v40+s23+$0x0] =	vst.idx.msk $0xffff, v3;
	v3 =	vadd.f32 v60, v36  }
0x223: {  	v54 =	vshll.u32 v42, v1;
	v0 =	vshll.u32 v41, v1;
	v42 =	vbroadcast v44, $0x0;
	v41 =	vld [tilespmem:s15+$0x1D0]  }
0x224: {  	[tilespmem:v63+s23+$0x0] =	vst.idx.msk $0xffff, v3;
	v63 =	vld [tilespmem:$0x1FE20]  }
0x225: {  	v38 =	vshll.u32 v38, v1;
	v60 =	vld [tilespmem:s15+$0x80];
	v3 =	vadd.f32 v6, v36;
	v5 =	vadd.s32 v32, v42  }
0x226: {  	v44 =	vbroadcast v53, $0x0;
	v53 =	vadd.s32 v18, v52;
	[tilespmem:v61+s23+$0x0] =	vst.idx.msk $0xffff, v43;
	v43 =	vbroadcast v54, $0x0;
	v54 =	vld [tilespmem:s15+$0xC0]  }
0x227: {  	v40 =	vadd.f32 v62, v36;
	v62 =	vld [tilespmem:s15+$0x140];
	[tilespmem:v56+s23+$0x0] =	vst.idx.msk $0xffff, v3;
	v3 =	vadd.f32 v57, v36  }
0x228: {  	v45 =	vbroadcast v38, $0x0;
	v57 =	vld [tilespmem:s15+$0x100]  }
0x229: {  	v56 =	vadd.s32 v19, v43;
	v19 =	vld [tilespmem:$0x1FE70];
	[tilespmem:v58+s23+$0x0] =	vst.idx.msk $0xffff, v3;
	v6 =	vadd.s32 v63, v44  }
0x22a: {  	v58 =	vld [tilespmem:s15+$0xFFFFFED0];
	[tilespmem:v5+s23+$0x0] =	vst.idx.msk $0xffff, v40;
	v5 =	vadd.s32 v15, v45;
	v40 =	vbroadcast v55, $0x0;
	v55 =	vadd.f32 v41, v35  }
0x22b: {  	v41 =	vbroadcast v0, $0x0;
	v0 =	vadd.f32 v46, v36;
	v46 =	vbroadcast v4, $0x0;
	v4 =	vld [tilespmem:s15+$0xFFFFFE50]  }
0x22c: {  	v38 =	vbroadcast v2, $0x0;
	v61 =	vadd.s32 v27, v40;
	[tilespmem:v53+s23+$0x0] =	vst.idx.msk $0xffff, v55;
	v55 =	vld [tilespmem:s15+$0x180]  }
0x22d: {  	v2 =	vadd.f32 v59, v36;
	v3 =	vadd.s32 v10, v41;
	v53 =	vld [tilespmem:s15+$0x1E0]  }
0x22e: {  	v10 =	vld [tilespmem:$0x1FEF0];
	[tilespmem:v6+s23+$0x0] =	vst.idx.msk $0xffff, v0;
	v0 =	vadd.f32 v60, v36;
	v6 =	vadd.s32 v32, v38  }
0x22f: {  	v15 =	vld [tilespmem:$0x1FF70];
	[tilespmem:v5+s23+$0x0] =	vst.idx.msk $0xffff, v2;
	v2 =	vadd.f32 v54, v36;
	v5 =	vadd.s32 v14, v52  }
0x230: {  	v54 =	vld [tilespmem:s15+$0xFFFFFE90];
	[tilespmem:v56+s23+$0x0] =	vst.idx.msk $0xffff, v0;
	v0 =	vadd.f32 v57, v36;
	v56 =	vadd.s32 v26, v46  }
0x231: {  	v32 =	vld [tilespmem:s15+$0xFFFFFF10];
	v57 =	vadd.s32 v19, v50;
	[tilespmem:v61+s23+$0x0] =	vst.idx.msk $0xffff, v2;
	v2 =	vadd.f32 v62, v36  }
0x232: {  	v59 =	vadd.s32 v11, v51;
	v60 =	vld [tilespmem:$0x1FFF0];
	[tilespmem:v3+s23+$0x0] =	vst.idx.msk $0xffff, v0;
	v0 =	vadd.f32 v53, v34  }
0x233: {  	v3 =	vadd.s32 v10, v49;
	v53 =	vld [tilespmem:s15+$0xFFFFFF50];
	[tilespmem:v6+s23+$0x0] =	vst.idx.msk $0xffff, v2;
	v2 =	vadd.f32 v55, v36  }
0x234: {  	v4 =	vadd.f32 v4, v35;
	v6 =	vadd.s32 v23, v47;
	v55 =	vld [tilespmem:s15+$0xFFFFFF90];
	[tilespmem:v5+s23+$0x0] =	vst.idx.msk $0xffff, v0  }
0x235: {  	v0 =	vadd.f32 v54, v35;
	v5 =	vadd.s32 v15, v42;
	[tilespmem:v56+s23+$0x0] =	vst.idx.msk $0xffff, v2;
	v2 =	vld [tilespmem:s15+$0x1F0]  }
0x236: {  	v54 =	vadd.s32 v31, v39;
	[tilespmem:v57+s23+$0x0] =	vst.idx.msk $0xffff, v4;
	v4 =	vadd.f32 v58, v35;
	v56 =	vld [tilespmem:s15+$0xFFFFFFD0]  }
0x237: {  	v52 =	vadd.s32 v60, v52;
	[tilespmem:v59+s23+$0x0] =	vst.idx.msk $0xffff, v0;
	v0 =	vadd.f32 v32, v35;
	v32 =	vld [tilespmem:s15+$0x10]  }
0x238: {  	v61 =	vld [tilespmem:s15+$0x50];
	[tilespmem:v3+s23+$0x0] =	vst.idx.msk $0xffff, v4;
	v3 =	vadd.f32 v53, v35;
	v4 =	vadd.s32 v18, v48  }
0x239: {  	[tilespmem:v6+s23+$0x0] =	vst.idx.msk $0xffff, v0;
	v0 =	vadd.f32 v55, v35;
	v6 =	vadd.s32 v7, v44  }
0x23a: {  	v62 =	vld [tilespmem:s15+$0x90];
	[tilespmem:v5+s23+$0x0] =	vst.idx.msk $0xffff, v3;
	v3 =	vadd.s32 v19, v45;
	v2 =	vadd.f32 v2, v33  }
0x23b: {  	v5 =	vld [tilespmem:s15+$0xD0];
	[tilespmem:v54+s23+$0x0] =	vst.idx.msk $0xffff, v0;
	v0 =	vadd.f32 v56, v35  }
0x23c: {  	v54 =	vadd.s32 v11, v43;
	v56 =	vld [tilespmem:s15+$0x110];
	v57 =	vadd.f32 v32, v35;
	[tilespmem:v52+s23+$0x0] =	vst.idx.msk $0xffff, v2  }
0x23d: {  	v58 =	vadd.s32 v10, v40;
	v32 =	vld [tilespmem:s15+$0x150];
	[tilespmem:v4+s23+$0x0] =	vst.idx.msk $0xffff, v0;
	v0 =	vadd.f32 v61, v35  }
0x23e: {  	v53 =	vadd.s32 v15, v38;
	v2 =	vadd.s32 v23, v41;
	v4 =	vld [tilespmem:s15+$0x190];
	[tilespmem:v6+s23+$0x0] =	vst.idx.msk $0xffff, v57  }
0x23f: {  	v55 =	vadd.s32 v8, v37;
	v61 =	vld [tilespmem:s15+$0xFFFFFE10];
	v6 =	vadd.f32 v62, v35;
	[tilespmem:v3+s23+$0x0] =	vst.idx.msk $0xffff, v0  }
0x240: {  	v62 =	vld [tilespmem:s15+$0xFFFFFE60];
	v0 =	vadd.f32 v5, v35;
	v3 =	vadd.s32 v31, v46;
	v5 =	vadd.s32 v7, v37  }
0x241: {  	v37 =	vadd.s32 v9, v37;
	[tilespmem:v54+s23+$0x0] =	vst.idx.msk $0xffff, v6;
	v6 =	vadd.f32 v56, v35  }
0x242: {  	v57 =	vld [tilespmem:s15+$0xFFFFFEA0];
	v54 =	vadd.s32 v12, v50;
	[tilespmem:v58+s23+$0x0] =	vst.idx.msk $0xffff, v0;
	v0 =	vadd.f32 v32, v35  }
0x243: {  	v56 =	vld [tilespmem:s15+$0xFFFFFEE0];
	v58 =	vadd.s32 v16, v51;
	[tilespmem:v2+s23+$0x0] =	vst.idx.msk $0xffff, v6;
	v2 =	vadd.f32 v4, v35  }
0x244: {  	v32 =	vld [tilespmem:s15+$0xFFFFFF20];
	v4 =	vadd.f32 v61, v35;
	v6 =	vadd.s32 v20, v49;
	[tilespmem:v53+s23+$0x0] =	vst.idx.msk $0xffff, v0  }
0x245: {  	v61 =	vld [tilespmem:s15+$0xFFFFFF60];
	v49 =	vadd.s32 v21, v49;
	v0 =	vadd.f32 v62, v34;
	[tilespmem:v3+s23+$0x0] =	vst.idx.msk $0xffff, v2  }
0x246: {  	v53 =	vadd.s32 v24, v47;
	v47 =	vadd.s32 v25, v47;
	[tilespmem:v5+s23+$0x0] =	vst.idx.msk $0xffff, v4  }
0x247: {  	v62 =	vld [tilespmem:s15+$0xFFFFFFA0];
	v2 =	vadd.f32 v57, v34;
	v3 =	vadd.s32 v28, v42;
	v5 =	vadd.s32 v30, v39  }
0x248: {  	v4 =	vld [tilespmem:s15+$0xFFFFFFE0];
	v42 =	vadd.s32 v29, v42;
	[tilespmem:v54+s23+$0x0] =	vst.idx.msk $0xffff, v0;
	v0 =	vadd.f32 v56, v34  }
0x249: {  	v54 =	vld [tilespmem:s15+$0x20];
	v56 =	vadd.s32 v14, v48;
	[tilespmem:v58+s23+$0x0] =	vst.idx.msk $0xffff, v2;
	v2 =	vadd.f32 v32, v34  }
0x24a: {  	v48 =	vadd.s32 v60, v48;
	v32 =	vld [tilespmem:s15+$0x60];
	[tilespmem:v6+s23+$0x0] =	vst.idx.msk $0xffff, v0;
	v0 =	vadd.f32 v61, v34  }
0x24b: {  	v6 =	vadd.s32 v8, v44;
	v61 =	vld [tilespmem:s15+$0xA0];
	v44 =	vadd.s32 v9, v44;
	[tilespmem:v53+s23+$0x0] =	vst.idx.msk $0xffff, v2  }
0x24c: {  	v2 =	vadd.f32 v62, v34;
	v53 =	vadd.s32 v12, v45;
	v62 =	vld [tilespmem:s15+$0xE0];
	v45 =	vadd.s32 v13, v45  }
0x24d: {  	[tilespmem:v3+s23+$0x0] =	vst.idx.msk $0xffff, v0;
	v0 =	vadd.f32 v4, v34;
	v3 =	vadd.s32 v16, v43;
	v4 =	vld [tilespmem:s15+$0x120]  }
0x24e: {  	[tilespmem:v5+s23+$0x0] =	vst.idx.msk $0xffff, v2;
	v2 =	vadd.f32 v54, v34;
	v5 =	vadd.s32 v20, v40;
	v54 =	vld [tilespmem:s15+$0x160]  }
0x24f: {  	v57 =	vld [tilespmem:s15+$0x1A0];
	[tilespmem:v56+s23+$0x0] =	vst.idx.msk $0xffff, v0;
	v0 =	vadd.f32 v32, v34;
	v56 =	vadd.s32 v24, v41  }
0x250: {  	v32 =	vld [tilespmem:s15+$0xFFFFFE20];
	[tilespmem:v6+s23+$0x0] =	vst.idx.msk $0xffff, v2;
	v2 =	vadd.f32 v61, v34;
	v6 =	vadd.s32 v28, v38  }
0x251: {  	v61 =	vld [tilespmem:s15+$0xFFFFFE70];
	[tilespmem:v53+s23+$0x0] =	vst.idx.msk $0xffff, v0;
	v0 =	vadd.f32 v62, v34;
	v53 =	vadd.s32 v30, v46  }
0x252: {  	v41 =	vadd.s32 v25, v41;
	v62 =	vld [tilespmem:s15+$0xFFFFFEB0];
	[tilespmem:v3+s23+$0x0] =	vst.idx.msk $0xffff, v2;
	v2 =	vadd.f32 v4, v34  }
0x253: {  	v3 =	vadd.s32 v13, v50;
	v4 =	vld [tilespmem:s15+$0xFFFFFEF0];
	[tilespmem:v5+s23+$0x0] =	vst.idx.msk $0xffff, v0;
	v0 =	vadd.f32 v54, v34  }
0x254: {  	v50 =	vadd.s32 v17, v51;
	v51 =	vld [tilespmem:s15+$0xFFFFFF30];
	[tilespmem:v56+s23+$0x0] =	vst.idx.msk $0xffff, v2;
	v2 =	vadd.f32 v57, v34  }
0x255: {  	v38 =	vadd.s32 v29, v38;
	v5 =	vmov s16;
	v32 =	vadd.f32 v32, v34;
	v56 =	vld [tilespmem:s15+$0xFFFFFF70];
	[tilespmem:v6+s23+$0x0] =	vst.idx.msk $0xffff, v0  }
0x256: {  	v46 =	vadd.s32 v22, v46;
	v5 =	vshrl.u32 v5, $0x3;
	v6 =	vadd.f32 v61, v33;
	v61 =	vld [tilespmem:s15+$0xFFFFFFB0];
	[tilespmem:v53+s23+$0x0] =	vst.idx.msk $0xffff, v2  }
0x257: {  	s7 =	sadd.s32 $0x1, s16;
	v54 =	vld [tilespmem:s15+$0xFFFFFFF0];
	v5 =	vshll.u32 v5, v1;
	[tilespmem:v55+s23+$0x0] =	vst.idx.msk $0xffff, v32;
	v62 =	vadd.f32 v62, v33  }
0x258: {  	s18 =	sadd.s32 $0x2, s16;
	s6 =	sadd.s32 $0x3, s16;
	v0 =	vmov s7;
	[tilespmem:v3+s23+$0x0] =	vst.idx.msk $0xffff, v6;
	v3 =	vadd.f32 v4, v33;
	v4 =	vadd.s32 v22, v39;
	v6 =	vld [tilespmem:s15+$0x30]  }
0x259: {  	s7 =	sadd.s32 $0x4, s16;
	v2 =	vmov s18;
	v55 =	vmov s6;
	s18 =	sadd.s32 $0x5, s16;
	v32 =	vadd.f32 v51, v33;
	v51 =	vld [tilespmem:s15+$0x70];
	[tilespmem:v50+s23+$0x0] =	vst.idx.msk $0xffff, v62  }
0x25a: {  	v60 =	vld [tilespmem:s15+$0xB0];
	v39 =	vmov s7;
	v53 =	vmov s18;
	s7 =	sadd.s32 $0x7, s16;
	[tilespmem:v49+s23+$0x0] =	vst.idx.msk $0xffff, v3;
	v3 =	vadd.f32 v56, v33  }
0x25b: {  	s6 =	sadd.s32 $0x6, s16;
	v52 =	vmov s7;
	v50 =	vshrl.u32 v2, $0x3;
	[tilespmem:v47+s23+$0x0] =	vst.idx.msk $0xffff, v32;
	v47 =	vld [tilespmem:s15+$0x1B0];
	v61 =	vadd.f32 v61, v33  }
0x25c: {  	v62 =	vld [tilespmem:s15+$0xF0];
	s7 =	sadd.s32 $0xA, s16;
	v56 =	vmov s6;
	s6 =	sadd.s32 $0x9, s16;
	[tilespmem:v42+s23+$0x0] =	vst.idx.msk $0xffff, v3;
	v3 =	vadd.f32 v54, v33;
	v42 =	vadd.s32 v17, v43  }
0x25d: {  	s18 =	sadd.s32 $0x8, s16;
	v32 =	vld [tilespmem:s15+$0x130];
	v58 =	vmov s7;
	v57 =	vmov s6;
	[tilespmem:v4+s23+$0x0] =	vst.idx.msk $0xffff, v61;
	v4 =	vadd.f32 v6, v33  }
0x25e: {  	v54 =	vmov s18;
	s18 =	sadd.s32 $0xB, s16;
	v6 =	vadd.s32 v21, v40;
	v40 =	vld [tilespmem:s15+$0x170];
	[tilespmem:v48+s23+$0x0] =	vst.idx.msk $0xffff, v3;
	v3 =	vadd.f32 v51, v33  }
0x25f: {  	s7 =	sadd.s32 $0xD, s16;
	v49 =	vshrl.u32 v56, $0x3;
	v59 =	vmov s18;
	v48 =	vld [tilespmem:s15+$0xFFFFFE30];
	[tilespmem:v44+s23+$0x0] =	vst.idx.msk $0xffff, v4;
	v4 =	vadd.f32 v60, v33  }
0x260: {  	v61 =	vmov s7;
	v44 =	vshrl.u32 v0, $0x3;
	v0 =	vadd.f32 v47, v33;
	[tilespmem:v45+s23+$0x0] =	vst.idx.msk $0xffff, v3  }
0x261: {  	p1 =	slt.u32 s16, $0x70;
	s6 =	sadd.s32 $0xC, s16;
	v51 =	vshrl.u32 v39, $0x3;
	v43 =	vshrl.u32 v59, $0x3;
	v3 =	vadd.f32 v62, v33;
	[tilespmem:v42+s23+$0x0] =	vst.idx.msk $0xffff, v4  }
.Ltmp4:
0x262: {  	v39 =	vshrl.u32 v61, $0x3;
	v60 =	vmov s6;
	v4 =	vadd.f32 v32, v33;
	[tilespmem:v46+s23+$0x0] =	vst.idx.msk $0xffff, v0;
	(pc) =	sbr.rel @p1 .LBB2_7-.Ltmp4, $4  }
0x263: {  	s18 =	sadd.s32 $0xE, s16;
	v47 =	vshrl.u32 v54, $0x3;
	v45 =	vshrl.u32 v55, $0x3;
	[tilespmem:v6+s23+$0x0] =	vst.idx.msk $0xffff, v3;
	v3 =	vadd.f32 v40, v33  }
0x264: {  	v32 =	vmov s18;
	v46 =	vshrl.u32 v52, $0x3;
	[tilespmem:v41+s23+$0x0] =	vst.idx.msk $0xffff, v4;
	v2 =	vadd.f32 v48, v33  }
0x265: {  	v42 =	vshrl.u32 v58, $0x3;
	v40 =	vshrl.u32 v32, $0x3;
	v48 =	vshrl.u32 v53, $0x3;
	[tilespmem:v38+s23+$0x0] =	vst.idx.msk $0xffff, v3  }
0x266: {  	s17 =	sadd.s32 $0xF, s16;
	s16 =	sadd.s32 $0x10, s16;
	v41 =	vshrl.u32 v60, $0x3;
	v38 =	vshrl.u32 v57, $0x3;
	[tilespmem:v37+s23+$0x0] =	vst.idx.msk $0xffff, v2;
	v37 =	vbroadcast v5, $0x0  }
0x267: {  	v3 =	vmov s17;
	v11 =	vld [tilespmem:$0x1FFC0]  }
0x268: {  	v3 =	vshrl.u32 v3, $0x3  }
0x269: {  	s15 =	sadd.s32 $0x400, s15;
	v15 =	vld [tilespmem:$0x1FE60];
	v3 =	vshll.u32 v3, v1  }
0x26a: {  	v60 =	vld [tilespmem:s15+$0x1C0];
	v3 =	vbroadcast v3, $0x0  }
0x26b: {  	v0 =	vshll.u32 v44, v1;
	v44 =	vshll.u32 v49, v1;
	v61 =	vld [tilespmem:s15+$0xFFFFFE00]  }
0x26c: {  	v49 =	vshll.u32 v38, v1;
	v62 =	vld [tilespmem:s15+$0xFFFFFE40];
	v38 =	vbroadcast v0, $0x0;
	v52 =	vadd.s32 v11, v3  }
0x26d: {  	v53 =	vadd.s32 v63, v37  }
0x26e: {  	v19 =	vld [tilespmem:$0x1FEA0];
	v55 =	vadd.s32 v15, v38  }
0x26f: {  	v27 =	vld [tilespmem:$0x1FEE0];
	v10 =	vadd.f32 v60, v36  }
0x270: {  	v54 =	vld [tilespmem:s15+$0xFFFFFE80];
	v32 =	vadd.f32 v61, v36  }
0x271: {  	v2 =	vshll.u32 v50, v1;
	v56 =	vld [tilespmem:s15+$0xFFFFFEC0];
	v60 =	vadd.f32 v62, v36;
	[tilespmem:v52+s23+$0x0] =	vst.idx.msk $0xffff, v10  }
0x272: {  	v4 =	vshll.u32 v45, v1;
	v5 =	vshll.u32 v51, v1;
	v10 =	vld [tilespmem:$0x1FF20];
	[tilespmem:v53+s23+$0x0] =	vst.idx.msk $0xffff, v32  }
0x273: {  	v6 =	vshll.u32 v48, v1;
	v0 =	vshll.u32 v41, v1;
	v41 =	vbroadcast v2, $0x0;
	v32 =	vld [tilespmem:$0x1FF60];
	[tilespmem:v55+s23+$0x0] =	vst.idx.msk $0xffff, v60  }
0x274: {  	v45 =	vshll.u32 v46, v1;
	v2 =	vshll.u32 v39, v1;
	v39 =	vbroadcast v4, $0x0;
	v26 =	vld [tilespmem:$0x1FFA0]  }
0x275: {  	v4 =	vshll.u32 v40, v1;
	v58 =	vld [tilespmem:s15+$0xFFFFFF00];
	v40 =	vbroadcast v5, $0x0;
	v57 =	vadd.s32 v19, v41  }
0x276: {  	v50 =	vshll.u32 v42, v1;
	v59 =	vld [tilespmem:s15+$0xFFFFFF40];
	v42 =	vbroadcast v6, $0x0;
	v48 =	vadd.s32 v27, v39  }
0x277: {  	v51 =	vshll.u32 v43, v1;
	v43 =	vbroadcast v44, $0x0;
	v52 =	vld [tilespmem:s15+$0xFFFFFF80];
	v5 =	vadd.s32 v10, v40  }
0x278: {  	v46 =	vshll.u32 v47, v1;
	v61 =	vadd.f32 v54, v36;
	v54 =	vld [tilespmem:s15+$0x1D0];
	v53 =	vadd.s32 v32, v42  }
0x279: {  	v44 =	vbroadcast v45, $0x0;
	v62 =	vadd.f32 v56, v36;
	v56 =	vld [tilespmem:s15+$0xFFFFFFC0];
	v55 =	vadd.s32 v26, v43  }
0x27a: {  	v45 =	vbroadcast v46, $0x0;
	v47 =	vadd.f32 v58, v36;
	v58 =	vadd.s32 v18, v3;
	[tilespmem:v57+s23+$0x0] =	vst.idx.msk $0xffff, v61;
	v57 =	vld [tilespmem:s15+$0x0]  }
0x27b: {  	v46 =	vbroadcast v49, $0x0;
	v60 =	vld [tilespmem:s15+$0x40];
	[tilespmem:v48+s23+$0x0] =	vst.idx.msk $0xffff, v62;
	v48 =	vadd.f32 v59, v36;
	v59 =	vadd.s32 v11, v44  }
0x27c: {  	v61 =	vld [tilespmem:s15+$0x80];
	v11 =	vadd.f32 v52, v36;
	v52 =	vadd.s32 v63, v45;
	[tilespmem:v5+s23+$0x0] =	vst.idx.msk $0xffff, v47;
	v47 =	vbroadcast v50, $0x0  }
0x27d: {  	v6 =	vadd.s32 v15, v46;
	v62 =	vadd.f32 v54, v35;
	[tilespmem:v53+s23+$0x0] =	vst.idx.msk $0xffff, v48;
	v53 =	vld [tilespmem:s15+$0xC0];
	v48 =	vbroadcast v51, $0x0  }
0x27e: {  	v49 =	vbroadcast v0, $0x0;
	[tilespmem:v55+s23+$0x0] =	vst.idx.msk $0xffff, v11;
	v11 =	vadd.f32 v56, v36;
	v15 =	vadd.s32 v19, v47;
	v19 =	vld [tilespmem:s15+$0x100]  }
0x27f: {  	v0 =	vadd.f32 v57, v36;
	[tilespmem:v58+s23+$0x0] =	vst.idx.msk $0xffff, v62;
	v27 =	vadd.s32 v27, v48  }
0x280: {  	v50 =	vbroadcast v2, $0x0;
	v2 =	vadd.f32 v60, v36;
	[tilespmem:v59+s23+$0x0] =	vst.idx.msk $0xffff, v11;
	v11 =	vadd.s32 v10, v49  }
0x281: {  	[tilespmem:v52+s23+$0x0] =	vst.idx.msk $0xffff, v0;
	v0 =	vadd.f32 v61, v36  }
0x282: {  	[tilespmem:v6+s23+$0x0] =	vst.idx.msk $0xffff, v2;
	v60 =	vadd.f32 v53, v36  }
0x283: {  	v62 =	vld [tilespmem:s15+$0x140];
	v51 =	vbroadcast v4, $0x0;
	[tilespmem:v15+s23+$0x0] =	vst.idx.msk $0xffff, v0;
	v15 =	vadd.f32 v19, v36  }
0x284: {  	v58 =	vld [tilespmem:s15+$0x1E0];
	[tilespmem:v27+s23+$0x0] =	vst.idx.msk $0xffff, v60  }
0x285: {  	v19 =	vadd.s32 v26, v51;
	v26 =	vld [tilespmem:$0x1FE70];
	[tilespmem:v11+s23+$0x0] =	vst.idx.msk $0xffff, v15  }
0x286: {  	v11 =	vld [tilespmem:$0x1FEB0]  }
0x287: {  	v52 =	vadd.s32 v32, v50;
	v32 =	vld [tilespmem:s15+$0x180]  }
0x288: {  	v61 =	vadd.s32 v14, v3;
	v2 =	vld [tilespmem:s15+$0xFFFFFE50]  }
0x289: {  	v0 =	vld [tilespmem:s15+$0xFFFFFE90]  }
0x28a: {  	v62 =	vadd.f32 v62, v36;
	v4 =	vadd.s32 v26, v38  }
0x28b: {  	v27 =	vadd.f32 v58, v34;
	v5 =	vadd.s32 v11, v41  }
0x28c: {  	v10 =	vld [tilespmem:s15+$0xFFFFFF10];
	v32 =	vadd.f32 v32, v36;
	[tilespmem:v52+s23+$0x0] =	vst.idx.msk $0xffff, v62  }
0x28d: {  	v2 =	vadd.f32 v2, v35;
	v15 =	vld [tilespmem:$0x1FEF0];
	[tilespmem:v61+s23+$0x0] =	vst.idx.msk $0xffff, v27  }
0x28e: {  	v55 =	vld [tilespmem:s15+$0xFFFFFED0];
	v0 =	vadd.f32 v0, v35;
	[tilespmem:v19+s23+$0x0] =	vst.idx.msk $0xffff, v32  }
0x28f: {  	v19 =	vld [tilespmem:$0x1FF70];
	[tilespmem:v4+s23+$0x0] =	vst.idx.msk $0xffff, v2  }
0x290: {  	v60 =	vld [tilespmem:s15+$0xFFFFFF50];
	[tilespmem:v5+s23+$0x0] =	vst.idx.msk $0xffff, v0  }
0x291: {  	v0 =	vadd.f32 v10, v35;
	v10 =	vld [tilespmem:$0x1FFF0]  }
0x292: {  	v62 =	vld [tilespmem:s15+$0xFFFFFF90];
	v52 =	vadd.s32 v15, v39  }
0x293: {  	v61 =	vadd.s32 v23, v40;
	v27 =	vld [tilespmem:s15+$0x10]  }
0x294: {  	v54 =	vld [tilespmem:s15+$0x1F0];
	v36 =	vadd.s32 v19, v42  }
0x295: {  	v2 =	vadd.f32 v55, v35;
	v4 =	vadd.s32 v31, v43;
	v55 =	vld [tilespmem:s15+$0xFFFFFFD0]  }
0x296: {  	v32 =	vadd.s32 v18, v44;
	v3 =	vadd.s32 v10, v3  }
0x297: {  	v18 =	vadd.s32 v11, v47;
	[tilespmem:v52+s23+$0x0] =	vst.idx.msk $0xffff, v2;
	v2 =	vadd.f32 v60, v35;
	v60 =	vld [tilespmem:s15+$0x50]  }
0x298: {  	[tilespmem:v61+s23+$0x0] =	vst.idx.msk $0xffff, v0;
	v0 =	vadd.f32 v62, v35;
	v61 =	vadd.s32 v7, v45;
	v62 =	vld [tilespmem:s15+$0x90]  }
0x299: {  	v54 =	vadd.f32 v54, v33;
	[tilespmem:v36+s23+$0x0] =	vst.idx.msk $0xffff, v2;
	v2 =	vadd.s32 v26, v46;
	v36 =	vld [tilespmem:s15+$0xD0]  }
0x29a: {  	v5 =	vadd.f32 v27, v35;
	[tilespmem:v4+s23+$0x0] =	vst.idx.msk $0xffff, v0;
	v0 =	vadd.f32 v55, v35;
	v55 =	vld [tilespmem:s15+$0x110]  }
0x29b: {  	v27 =	vadd.s32 v23, v49;
	v23 =	vld [tilespmem:s15+$0xFFFFFF20];
	[tilespmem:v3+s23+$0x0] =	vst.idx.msk $0xffff, v54;
	v3 =	vadd.s32 v15, v48  }
0x29c: {  	v11 =	vadd.s32 v31, v51;
	v26 =	vld [tilespmem:s15+$0x150];
	[tilespmem:v32+s23+$0x0] =	vst.idx.msk $0xffff, v0;
	v0 =	vadd.f32 v60, v35  }
0x29d: {  	v31 =	vadd.s32 v24, v40;
	v32 =	vld [tilespmem:s15+$0x190];
	[tilespmem:v61+s23+$0x0] =	vst.idx.msk $0xffff, v5;
	v61 =	vadd.f32 v62, v35  }
0x29e: {  	v62 =	vadd.s32 v19, v50;
	[tilespmem:v2+s23+$0x0] =	vst.idx.msk $0xffff, v0;
	v0 =	vld [tilespmem:s15+$0xFFFFFE60];
	v2 =	vadd.f32 v36, v35  }
0x29f: {  	v60 =	vld [tilespmem:s15+$0xFFFFFE10];
	[tilespmem:v18+s23+$0x0] =	vst.idx.msk $0xffff, v61;
	v55 =	vadd.f32 v55, v35  }
0x2a0: {  	v61 =	vadd.f32 v23, v34;
	[tilespmem:v3+s23+$0x0] =	vst.idx.msk $0xffff, v2;
	v2 =	vadd.s32 v12, v38;
	v3 =	vld [tilespmem:s15+$0xFFFFFEE0]  }
0x2a1: {  	v18 =	vld [tilespmem:s15+$0xFFFFFEA0];
	v15 =	vadd.s32 v7, v37;
	v54 =	vadd.f32 v26, v35;
	[tilespmem:v27+s23+$0x0] =	vst.idx.msk $0xffff, v55  }
0x2a2: {  	v53 =	vadd.f32 v32, v35;
	v26 =	vadd.s32 v20, v39;
	v27 =	vld [tilespmem:s15+$0xFFFFFF60];
	[tilespmem:v31+s23+$0x0] =	vst.idx.msk $0xffff, v61  }
0x2a3: {  	v57 =	vld [tilespmem:s15+$0xFFFFFFA0];
	v19 =	vadd.s32 v16, v41;
	[tilespmem:v62+s23+$0x0] =	vst.idx.msk $0xffff, v54;
	v0 =	vadd.f32 v0, v34  }
0x2a4: {  	v59 =	vadd.s32 v28, v42;
	v5 =	vadd.f32 v60, v35;
	v60 =	vld [tilespmem:s15+$0xFFFFFFE0];
	[tilespmem:v11+s23+$0x0] =	vst.idx.msk $0xffff, v53  }
0x2a5: {  	[tilespmem:v2+s23+$0x0] =	vst.idx.msk $0xffff, v0;
	v0 =	vadd.f32 v3, v34;
	v2 =	vadd.s32 v30, v43;
	v3 =	vld [tilespmem:s15+$0x20]  }
0x2a6: {  	v62 =	vadd.s32 v14, v44;
	v11 =	vld [tilespmem:s15+$0x60];
	v58 =	vadd.f32 v18, v34;
	[tilespmem:v15+s23+$0x0] =	vst.idx.msk $0xffff, v5  }
0x2a7: {  	v14 =	vadd.s32 v8, v45;
	v15 =	vld [tilespmem:s15+$0xA0];
	[tilespmem:v26+s23+$0x0] =	vst.idx.msk $0xffff, v0;
	v0 =	vadd.f32 v27, v34  }
0x2a8: {  	v18 =	vadd.f32 v57, v34;
	[tilespmem:v19+s23+$0x0] =	vst.idx.msk $0xffff, v58;
	v19 =	vadd.s32 v12, v46;
	v23 =	vld [tilespmem:s15+$0xE0]  }
0x2a9: {  	v26 =	vadd.s32 v16, v47;
	v27 =	vld [tilespmem:s15+$0x120];
	[tilespmem:v59+s23+$0x0] =	vst.idx.msk $0xffff, v0;
	v0 =	vadd.f32 v60, v34  }
0x2aa: {  	v31 =	vld [tilespmem:s15+$0x160];
	[tilespmem:v2+s23+$0x0] =	vst.idx.msk $0xffff, v18;
	v2 =	vadd.f32 v3, v34;
	v3 =	vadd.s32 v20, v48  }
0x2ab: {  	v57 =	vadd.s32 v24, v49;
	v58 =	vld [tilespmem:s15+$0x1A0];
	[tilespmem:v62+s23+$0x0] =	vst.idx.msk $0xffff, v0;
	v0 =	vadd.f32 v11, v34  }
0x2ac: {  	v59 =	vadd.f32 v15, v34;
	v60 =	vadd.s32 v28, v50;
	[tilespmem:v14+s23+$0x0] =	vst.idx.msk $0xffff, v2;
	v2 =	vld [tilespmem:s15+$0xFFFFFE20]  }
0x2ad: {  	v61 =	vadd.f32 v23, v34;
	v62 =	vadd.s32 v30, v51;
	[tilespmem:v19+s23+$0x0] =	vst.idx.msk $0xffff, v0;
	v0 =	vld [tilespmem:s15+$0xFFFFFE70]  }
0x2ae: {  	v12 =	vld [tilespmem:s15+$0xFFFFFEB0];
	v11 =	vadd.s32 v8, v37;
	[tilespmem:v26+s23+$0x0] =	vst.idx.msk $0xffff, v59;
	v6 =	vadd.f32 v27, v34  }
0x2af: {  	v4 =	vadd.f32 v31, v34;
	v14 =	vld [tilespmem:s15+$0xFFFFFEF0];
	[tilespmem:v3+s23+$0x0] =	vst.idx.msk $0xffff, v61;
	v3 =	vadd.s32 v13, v38  }
0x2b0: {  	v16 =	vld [tilespmem:s15+$0xFFFFFF30];
	v15 =	vadd.s32 v17, v41;
	v18 =	vadd.f32 v58, v34;
	[tilespmem:v57+s23+$0x0] =	vst.idx.msk $0xffff, v6  }
0x2b1: {  	v20 =	vld [tilespmem:s15+$0xFFFFFF70];
	v19 =	vadd.s32 v21, v39;
	[tilespmem:v60+s23+$0x0] =	vst.idx.msk $0xffff, v4;
	v2 =	vadd.f32 v2, v34  }
0x2b2: {  	v23 =	vadd.s32 v25, v40;
	v24 =	vld [tilespmem:s15+$0xFFFFFFB0];
	[tilespmem:v62+s23+$0x0] =	vst.idx.msk $0xffff, v18;
	v0 =	vadd.f32 v0, v33  }
0x2b3: {  	v26 =	vadd.s32 v29, v42;
	v27 =	vld [tilespmem:s15+$0xFFFFFFF0];
	[tilespmem:v11+s23+$0x0] =	vst.idx.msk $0xffff, v2;
	v2 =	vadd.f32 v12, v33  }
0x2b4: {  	v28 =	vld [tilespmem:s15+$0x30];
	[tilespmem:v3+s23+$0x0] =	vst.idx.msk $0xffff, v0;
	v0 =	vadd.f32 v14, v33;
	v3 =	vadd.s32 v22, v43  }
0x2b5: {  	v30 =	vadd.s32 v10, v44;
	v31 =	vld [tilespmem:s15+$0x70];
	[tilespmem:v15+s23+$0x0] =	vst.idx.msk $0xffff, v2;
	v2 =	vadd.f32 v16, v33  }
0x2b6: {  	v44 =	vadd.s32 v9, v45;
	v45 =	vld [tilespmem:s15+$0xB0];
	[tilespmem:v19+s23+$0x0] =	vst.idx.msk $0xffff, v0;
	v0 =	vadd.f32 v20, v33  }
0x2b7: {  	v46 =	vadd.s32 v13, v46;
	v52 =	vld [tilespmem:s15+$0xF0];
	[tilespmem:v23+s23+$0x0] =	vst.idx.msk $0xffff, v2;
	v2 =	vadd.f32 v24, v33  }
0x2b8: {  	v53 =	vadd.s32 v17, v47;
	v54 =	vld [tilespmem:s15+$0x130];
	[tilespmem:v26+s23+$0x0] =	vst.idx.msk $0xffff, v0;
	v0 =	vadd.f32 v27, v33  }
0x2b9: {  	v55 =	vld [tilespmem:s15+$0x170];
	[tilespmem:v3+s23+$0x0] =	vst.idx.msk $0xffff, v2;
	v2 =	vadd.f32 v28, v33;
	v3 =	vadd.s32 v21, v48  }
0x2ba: {  	v56 =	vadd.s32 v25, v49;
	v57 =	vld [tilespmem:s15+$0x1B0];
	[tilespmem:v30+s23+$0x0] =	vst.idx.msk $0xffff, v0;
	v0 =	vadd.f32 v31, v33  }
0x2bb: {  	v59 =	vadd.s32 v29, v50;
	v58 =	vadd.f32 v45, v33;
	[tilespmem:v44+s23+$0x0] =	vst.idx.msk $0xffff, v2;
	v2 =	vld [tilespmem:s15+$0xFFFFFE30]  }
0x2bc: {  	v60 =	vadd.s32 v22, v51;
	[tilespmem:v46+s23+$0x0] =	vst.idx.msk $0xffff, v0;
	v0 =	vadd.f32 v52, v33  }
0x2bd: {  	v61 =	vadd.s32 v9, v37;
	[tilespmem:v53+s23+$0x0] =	vst.idx.msk $0xffff, v58;
	v62 =	vadd.f32 v54, v33  }
0x2be: {  	[tilespmem:v3+s23+$0x0] =	vst.idx.msk $0xffff, v0;
	v0 =	vadd.f32 v55, v33  }
0x2bf: {  	s14 =	sshll.u32 s14, $0x12;
	[tilespmem:v56+s23+$0x0] =	vst.idx.msk $0xffff, v62;
	v3 =	vadd.f32 v57, v33  }
0x2c0: {  	s14 =	sor.u32 s4, s14;
	[tilespmem:v59+s23+$0x0] =	vst.idx.msk $0xffff, v0;
	v0 =	vadd.f32 v2, v33  }
0x2c1: {  	s14 =	sshrl.u32 s14, $0x3;
	[tilespmem:v60+s23+$0x0] =	vst.idx.msk $0xffff, v3  }
0x2c2: {  	s6 =	simm.s32 $0x13800;
	s15 =	sadd.s32 s1, s14;
	[tilespmem:v61+s23+$0x0] =	vst.idx.msk $0xffff, v0  }
0x2c3: {  	[hbm4b:s15+s3] =	stream.linear.scatter [tilespmem:s6], [sflag:$0x6], $0x80, $0x38;
	[tilespmem:$0x19E00] =	vst v63  }
0x2c4: {  	s7 =	simm.s32 $0x13888;
	s16 =	sadd.s32 $0x10, s15  }
0x2c5: {  	[hbm4b:s16+s3] =	stream.linear.scatter [tilespmem:s7], [sflag:$0x6], $0x80, $0x38;
	[tilespmem:$0x19E00] =	vst v63  }
0x2c6: {  	s17 =	simm.s32 $0x13910;
	s18 =	sadd.s32 $0x20, s15  }
0x2c7: {  	[hbm4b:s18+s3] =	stream.linear.scatter [tilespmem:s17], [sflag:$0x6], $0x80, $0x38;
	[tilespmem:$0x19E00] =	vst v63  }
0x2c8: {  	s6 =	simm.s32 $0x13998;
	s7 =	sadd.s32 $0x30, s15  }
0x2c9: {  	[hbm4b:s7+s3] =	stream.linear.scatter [tilespmem:s6], [sflag:$0x6], $0x80, $0x38;
	[tilespmem:$0x19E00] =	vst v63  }
0x2ca: {  	s17 =	simm.s32 $0x13A20;
	s18 =	sadd.s32 $0x40, s15  }
0x2cb: {  	[hbm4b:s18+s3] =	stream.linear.scatter [tilespmem:s17], [sflag:$0x6], $0x80, $0x38;
	[tilespmem:$0x19E00] =	vst v63  }
0x2cc: {  	s14 =	simm.s32 $0x440;
	s6 =	simm.s32 $0x13AA8;
	s7 =	sadd.s32 $0x50, s15  }
0x2cd: {  	[hbm4b:s7+s3] =	stream.linear.scatter [tilespmem:s6], [sflag:$0x6], $0x80, $0x38;
	[tilespmem:$0x19E00] =	vst v63  }
0x2ce: {  	s16 =	simm.s32 $0x2200;
	s17 =	simm.s32 $0x13B30;
	s18 =	sadd.s32 $0x60, s15  }
0x2cf: {  	[hbm4b:s18+s3] =	stream.linear.scatter [tilespmem:s17], [sflag:$0x6], $0x80, $0x38;
	[tilespmem:$0x19E00] =	vst v63  }
0x2d0: {  	s17 =	simm.s32 $0x13BB8;
	s18 =	sadd.s32 $0x70, s15;
	s15 =	sadd.s32 $0x1000, s15  }
.LBB2_9:
0x2d1: {  	[hbm4b:s18+s3] =	stream.linear.scatter [tilespmem:s17], [sflag:$0x6], $0x80, $0x38;
	[tilespmem:$0x19E00] =	vst v63  }
0x2d2: {  	s17 =	smov.u32 s14;
	s14 =	smov.u32 s16  }
0x2d3: {  	s6 =	sadd.s32 $0x1100, s16;
	s14 =	sshra.s32 s14, $0x2;
	s18 =	sadd.s32 $0x13800, s17  }
0x2d4: {  	[hbm4b:s15+s3] =	stream.linear.scatter [tilespmem:s18], [sflag:$0x6], $0x80, $0x38;
	[tilespmem:$0x19E00] =	vst v63  }
0x2d5: {  	p1 =	sne.s32 s16, $0x7700;
	s16 =	sadd.s32 $0x13888, s17;
	s18 =	sadd.s32 $0x10, s15  }
0x2d6: {  	[hbm4b:s18+s3] =	stream.linear.scatter [tilespmem:s16], [sflag:$0x6], $0x80, $0x38;
	[tilespmem:$0x19E00] =	vst v63  }
0x2d7: {  	s16 =	sadd.s32 $0x13910, s17;
	s18 =	sadd.s32 $0x20, s15  }
0x2d8: {  	[hbm4b:s18+s3] =	stream.linear.scatter [tilespmem:s16], [sflag:$0x6], $0x80, $0x38;
	[tilespmem:$0x19E00] =	vst v63  }
0x2d9: {  	s16 =	sadd.s32 $0x13998, s17;
	s18 =	sadd.s32 $0x30, s15  }
0x2da: {  	[hbm4b:s18+s3] =	stream.linear.scatter [tilespmem:s16], [sflag:$0x6], $0x80, $0x38;
	[tilespmem:$0x19E00] =	vst v63  }
0x2db: {  	s16 =	sadd.s32 $0x13A20, s17;
	s18 =	sadd.s32 $0x40, s15  }
0x2dc: {  	[hbm4b:s18+s3] =	stream.linear.scatter [tilespmem:s16], [sflag:$0x6], $0x80, $0x38;
	[tilespmem:$0x19E00] =	vst v63  }
.Ltmp5:
0x2dd: {  	s16 =	sadd.s32 $0x13AA8, s17;
	s18 =	sadd.s32 $0x50, s15;
	(pc) =	sbr.rel @p1 .LBB2_9-.Ltmp5, $4  }
0x2de: {  	[hbm4b:s18+s3] =	stream.linear.scatter [tilespmem:s16], [sflag:$0x6], $0x80, $0x38;
	[tilespmem:$0x19E00] =	vst v63  }
0x2df: {  	s16 =	sadd.s32 $0x13B30, s17;
	s18 =	sadd.s32 $0x60, s15;
	s17 =	sadd.s32 $0x13BB8, s17  }
0x2e0: {  	[hbm4b:s18+s3] =	stream.linear.scatter [tilespmem:s16], [sflag:$0x6], $0x80, $0x38;
	[tilespmem:$0x19E00] =	vst v63  }
0x2e1: {  	s18 =	sadd.s32 $0x70, s15;
	s15 =	sadd.s32 $0x1000, s15;
	s16 =	smov.u32 s6  }
0x2e2: {  	[hbm4b:s18+s3] =	stream.linear.scatter [tilespmem:s17], [sflag:$0x6], $0x80, $0x38;
	[tilespmem:$0x19E00] =	vst v63  }
0x2e3: {  	s6 =	sadd.s32 $0x13800, s14  }
0x2e4: {  	[hbm4b:s15+s3] =	stream.linear.scatter [tilespmem:s6], [sflag:$0x6], $0x80, $0x38;
	[tilespmem:$0x19E00] =	vst v63  }
0x2e5: {  	s17 =	sadd.s32 $0x13888, s14;
	s16 =	sadd.s32 $0x10, s15  }
0x2e6: {  	[hbm4b:s16+s3] =	stream.linear.scatter [tilespmem:s17], [sflag:$0x6], $0x80, $0x38;
	[tilespmem:$0x19E00] =	vst v63  }
0x2e7: {  	s18 =	sadd.s32 $0x13910, s14;
	s7 =	sadd.s32 $0x20, s15  }
0x2e8: {  	[hbm4b:s7+s3] =	stream.linear.scatter [tilespmem:s18], [sflag:$0x6], $0x80, $0x38;
	[tilespmem:$0x19E00] =	vst v63  }
0x2e9: {  	s16 =	sadd.s32 $0x13998, s14;
	s17 =	sadd.s32 $0x30, s15  }
0x2ea: {  	[hbm4b:s17+s3] =	stream.linear.scatter [tilespmem:s16], [sflag:$0x6], $0x80, $0x38;
	[tilespmem:$0x19E00] =	vst v63  }
0x2eb: {  	s6 =	simm.s32 @!p0 $0x6;
	s18 =	sadd.s32 $0x13A20, s14;
	s7 =	sadd.s32 $0x40, s15  }
0x2ec: {  	[hbm4b:s7+s3] =	stream.linear.scatter [tilespmem:s18], [sflag:$0x6], $0x80, $0x38;
	[tilespmem:$0x19E00] =	vst v63  }
0x2ed: {  	s16 =	sadd.s32 $0x13AA8, s14;
	s17 =	sadd.s32 $0x50, s15;
	s18 =	sadd.s32 $0x13B30, s14  }
0x2ee: {  	[hbm4b:s17+s3] =	stream.linear.scatter [tilespmem:s16], [sflag:$0x6], $0x80, $0x38;
	[tilespmem:$0x19E00] =	vst v63  }
0x2ef: {  	s17 =	sadd.s32 $0x13BB8, s14;
	s14 =	simm.s32 $0x1;
	s16 =	simm.s32 $0x3  }
0x2f0: {  	s7 =	sadd.s32 $0x60, s15;
	v2 =	vmov s14;
	v4 =	vmov s16;
	s14 =	simm.s32 $0x7;
	s16 =	simm.s32 $0x9  }
0x2f1: {  	[hbm4b:s7+s3] =	stream.linear.scatter [tilespmem:s18], [sflag:$0x6], $0x80, $0x38;
	[tilespmem:$0x19E00] =	vst v63  }
0x2f2: {  	s18 =	sadd.s32 $0x70, s15;
	s7 =	simm.s32 $0x0;
	s15 =	simm.s32 $0x2  }
0x2f3: {  	[hbm4b:s18+s3] =	stream.linear.scatter [tilespmem:s17], [sflag:$0x6], $0x80, $0x38;
	[tilespmem:$0x19E00] =	vst v63  }
0x2f4: {  	v36 =	vmov s16;
	s16 =	sadd.s32 @!p0 $0x280, s12;
	v3 =	vmov s15;
	s15 =	simm.s32 $0x8;
	_ =	swait.ge @!p0 [sflag:s6], $0x2000  }
0x2f5: {  	v34 =	vmov s14;
	s14 =	simm.s32 $0xD;
	v35 =	vmov s15;
	s15 =	sand.u32 @!p0 $0xFE80, s16;
	[sflag:s6] =	ssyncset.done @!p0 $0x0  }
0x2f6: {  	v2 =	vshrl.u32 v2, $0x3;
	v4 =	vshrl.u32 v4, $0x3;
	s16 =	simm.s32 @!p0 $0x80;
	[sflag:s6] =	ssyncadd.s32 @!p0 $0xFFFFE000;
	s6 =	simm.s32 @!p0 $0xB600  }
0x2f7: {  	v0 =	vmov s7;
	v40 =	vmov s14;
	v43 =	vshrl.u32 v34, $0x3;
	[tilespmem:s6], [sflag:$0x2] =	stream.indirect.gather @!p0 [hbm4b:s5+s16], $0x40, s15, s16, $0xb8;
	[tilespmem:$0x19E00] =	vst v63  }
0x2f8: {  	s7 =	simm.s32 $0x6;
	v45 =	vshrl.u32 v36, $0x3;
	v2 =	vshll.u32 v2, v1;
	v4 =	vshll.u32 v4, v1;
	_ =	swait.ge [sflag:s24], $0x2000  }
0x2f9: {  	s14 =	sor.u32 $0x2, s11;
	v0 =	vshrl.u32 v0, $0x3;
	v33 =	vmov s7;
	v3 =	vshrl.u32 v3, $0x3;
	v32 =	vld [tilespmem:$0x1FFC0]  }
0x2fa: {  	s17 =	simm.s32 $0x4;
	s18 =	simm.s32 $0x5;
	s7 =	simm.s32 $0xC;
	v54 =	vshll.u32 v45, v1;
	v50 =	vbroadcast v2, $0x0;
	v49 =	vbroadcast v4, $0x0;
	v13 =	vld [tilespmem:$0x1FE60]  }
0x2fb: {  	v5 =	vmov s17;
	v6 =	vmov s18;
	s17 =	simm.s32 $0xA;
	s18 =	simm.s32 $0xB;
	v39 =	vmov s7;
	s7 =	simm.s32 $0xF;
	v11 =	vld [tilespmem:$0x1FEA0]  }
0x2fc: {  	v0 =	vshll.u32 v0, v1;
	v37 =	vmov s17;
	v38 =	vmov s18;
	s17 =	simm.s32 $0xE;
	s18 =	sshll.u32 s14, $0x6;
	[sflag:s24] =	ssyncset.done $0x0;
	v10 =	vld [tilespmem:$0x1FEE0]  }
0x2fd: {  	v42 =	vshrl.u32 v33, $0x3;
	v60 =	vmov s7;
	v41 =	vmov s17;
	s6 =	sand.u32 $0x3FFFFFC0, s18;
	v8 =	vld [tilespmem:$0x1FF20];
	[sflag:s24] =	ssyncadd.s32 $0xFFFFE000  }
0x2fe: {  	v46 =	vshrl.u32 v37, $0x3;
	v37 =	vbroadcast v0, $0x0;
	v61 =	vshrl.u32 v60, $0x3;
	s15 =	simm.s32 $0xD800;
	v36 =	vld [tilespmem:s6+$0x6400]  }
0x2ff: {  	v0 =	vshrl.u32 v40, $0x3;
	v40 =	vshrl.u32 v41, $0x3;
	v41 =	vshll.u32 v61, v1;
	v60 =	vld [tilespmem:s15+$0xFFFFFE00]  }
0x300: {  	v44 =	vshrl.u32 v35, $0x3;
	v3 =	vshll.u32 v3, v1;
	v53 =	vbroadcast v41, $0x0;
	v62 =	vld [tilespmem:s15+$0x1C0]  }
0x301: {  	v39 =	vshrl.u32 v39, $0x3;
	v55 =	vshll.u32 v46, v1;
	v46 =	vadd.s32 v63, v37;
	v35 =	vld [tilespmem:s6+$0x6410]  }
0x302: {  	v5 =	vshrl.u32 v5, $0x3;
	v2 =	vshll.u32 v39, v1;
	v45 =	vld [tilespmem:s15+$0xFFFFFE40];
	v39 =	vadd.s32 v32, v53  }
0x303: {  	v6 =	vshrl.u32 v6, $0x3;
	v51 =	vbroadcast v3, $0x0;
	v5 =	vshll.u32 v5, v1;
	v48 =	vld [tilespmem:s15+$0xFFFFFE80]  }
0x304: {  	v47 =	vbroadcast v5, $0x0;
	v34 =	vld [tilespmem:s6+$0x6420];
	v3 =	vadd.s32 v13, v50;
	v58 =	vadd.f32 v60, v36  }
0x305: {  	v4 =	vshll.u32 v40, v1;
	v33 =	vld [tilespmem:s6+$0x6430];
	v40 =	vadd.s32 v11, v51;
	v5 =	vadd.f32 v62, v36  }
0x306: {  	v6 =	vshll.u32 v6, v1;
	v56 =	vld [tilespmem:s15+$0xFFFFFEC0];
	[tilespmem:v46+s25+$0x0] =	vst.idx.msk $0xffff, v58  }
0x307: {  	v52 =	vshll.u32 v44, v1;
	v44 =	vbroadcast v6, $0x0;
	v57 =	vld [tilespmem:s15+$0xFFFFFF00];
	v6 =	vadd.f32 v45, v36;
	[tilespmem:v39+s25+$0x0] =	vst.idx.msk $0xffff, v5  }
0x308: {  	v5 =	vadd.f32 v48, v36;
	v12 =	vld [tilespmem:$0x1FF60]  }
0x309: {  	v60 =	vld [tilespmem:s15+$0xFFFFFF40];
	[tilespmem:v3+s25+$0x0] =	vst.idx.msk $0xffff, v6  }
0x30a: {  	v9 =	vld [tilespmem:$0x1FFA0];
	[tilespmem:v40+s25+$0x0] =	vst.idx.msk $0xffff, v5  }
0x30b: {  	v43 =	vshll.u32 v43, v1;
	v42 =	vshll.u32 v42, v1;
	v59 =	vadd.s32 v10, v49;
	v7 =	vld [tilespmem:$0x1FE00]  }
0x30c: {  	v61 =	vadd.s32 v8, v47;
	v45 =	vbroadcast v52, $0x0;
	v48 =	vbroadcast v43, $0x0;
	v43 =	vld [tilespmem:s15+$0x0]  }
0x30d: {  	v38 =	vshrl.u32 v38, $0x3;
	v41 =	vbroadcast v42, $0x0;
	v62 =	vld [tilespmem:s15+$0xFFFFFF80];
	v39 =	vadd.s32 v12, v44  }
0x30e: {  	v46 =	vbroadcast v54, $0x0;
	v54 =	vadd.s32 v63, v45;
	v58 =	vld [tilespmem:s15+$0x1D0];
	v3 =	vadd.f32 v56, v36  }
0x30f: {  	v38 =	vshll.u32 v38, v1;
	v56 =	vld [tilespmem:s15+$0xFFFFFFC0];
	v5 =	vadd.f32 v57, v36;
	v6 =	vadd.s32 v9, v41  }
0x310: {  	[tilespmem:v59+s25+$0x0] =	vst.idx.msk $0xffff, v3;
	v3 =	vadd.f32 v60, v36;
	v59 =	vld [tilespmem:s15+$0x40];
	v52 =	vadd.s32 v7, v53  }
0x311: {  	v57 =	vadd.s32 v32, v48;
	v40 =	vbroadcast v2, $0x0;
	[tilespmem:v61+s25+$0x0] =	vst.idx.msk $0xffff, v5;
	v2 =	vadd.f32 v43, v36  }
0x312: {  	v42 =	vbroadcast v55, $0x0;
	v60 =	vld [tilespmem:s15+$0x80];
	v5 =	vadd.f32 v62, v36;
	[tilespmem:v39+s25+$0x0] =	vst.idx.msk $0xffff, v3;
	v3 =	vadd.s32 v13, v46  }
0x313: {  	v0 =	vshll.u32 v0, v1;
	v55 =	vld [tilespmem:s15+$0xC0];
	v58 =	vadd.f32 v58, v35;
	[tilespmem:v54+s25+$0x0] =	vst.idx.msk $0xffff, v2;
	v39 =	vbroadcast v38, $0x0  }
0x314: {  	[tilespmem:v6+s25+$0x0] =	vst.idx.msk $0xffff, v5;
	v5 =	vadd.f32 v56, v36;
	v6 =	vadd.s32 v11, v42;
	v56 =	vld [tilespmem:s15+$0x100]  }
0x315: {  	v62 =	vld [tilespmem:s15+$0x140];
	v38 =	vbroadcast v0, $0x0;
	v0 =	vadd.f32 v59, v36;
	v61 =	vadd.s32 v10, v39;
	[tilespmem:v52+s25+$0x0] =	vst.idx.msk $0xffff, v58  }
0x316: {  	v43 =	vbroadcast v4, $0x0;
	v4 =	vld [tilespmem:s15+$0xFFFFFE50];
	[tilespmem:v57+s25+$0x0] =	vst.idx.msk $0xffff, v5;
	v5 =	vadd.s32 v8, v40  }
0x317: {  	v2 =	vadd.f32 v60, v36;
	v54 =	vadd.s32 v12, v38;
	v52 =	vld [tilespmem:s15+$0x1E0];
	[tilespmem:v3+s25+$0x0] =	vst.idx.msk $0xffff, v0  }
0x318: {  	v0 =	vadd.f32 v55, v36;
	v8 =	vld [tilespmem:$0x1FE10]  }
0x319: {  	v57 =	vld [tilespmem:s15+$0x180];
	[tilespmem:v6+s25+$0x0] =	vst.idx.msk $0xffff, v2;
	v2 =	vadd.f32 v56, v36  }
0x31a: {  	v11 =	vld [tilespmem:$0x1FE70];
	[tilespmem:v61+s25+$0x0] =	vst.idx.msk $0xffff, v0;
	v0 =	vadd.f32 v62, v36  }
0x31b: {  	v10 =	vld [tilespmem:$0x1FEB0];
	[tilespmem:v5+s25+$0x0] =	vst.idx.msk $0xffff, v2  }
0x31c: {  	v12 =	vld [tilespmem:$0x1FEF0];
	[tilespmem:v54+s25+$0x0] =	vst.idx.msk $0xffff, v0  }
0x31d: {  	v23 =	vld [tilespmem:$0x1FF30];
	v3 =	vadd.s32 v8, v53  }
0x31e: {  	v55 =	vld [tilespmem:s15+$0xFFFFFE90];
	v6 =	vadd.s32 v9, v43  }
0x31f: {  	v58 =	vld [tilespmem:s15+$0xFFFFFED0];
	v56 =	vadd.s32 v11, v50  }
0x320: {  	v60 =	vld [tilespmem:s15+$0xFFFFFF10];
	v2 =	vadd.f32 v52, v34;
	v59 =	vadd.s32 v10, v51  }
0x321: {  	v0 =	vadd.f32 v57, v36;
	v5 =	vadd.s32 v12, v49  }
0x322: {  	v4 =	vadd.f32 v4, v35;
	v54 =	vadd.s32 v23, v47;
	[tilespmem:v3+s25+$0x0] =	vst.idx.msk $0xffff, v2  }
0x323: {  	v2 =	vadd.f32 v55, v35;
	v13 =	vld [tilespmem:$0x1FF70];
	[tilespmem:v6+s25+$0x0] =	vst.idx.msk $0xffff, v0  }
0x324: {  	v61 =	vld [tilespmem:s15+$0xFFFFFF50];
	[tilespmem:v56+s25+$0x0] =	vst.idx.msk $0xffff, v4;
	v4 =	vadd.f32 v58, v35  }
0x325: {  	v31 =	vld [tilespmem:$0x1FFB0];
	[tilespmem:v59+s25+$0x0] =	vst.idx.msk $0xffff, v2;
	v2 =	vadd.f32 v60, v35  }
0x326: {  	v9 =	vld [tilespmem:$0x1FFF0];
	[tilespmem:v5+s25+$0x0] =	vst.idx.msk $0xffff, v4  }
0x327: {  	v62 =	vld [tilespmem:s15+$0xFFFFFF90];
	[tilespmem:v54+s25+$0x0] =	vst.idx.msk $0xffff, v2  }
0x328: {  	v5 =	vadd.s32 v7, v48;
	v7 =	vld [tilespmem:$0x1FE30]  }
0x329: {  	v0 =	vld [tilespmem:s15+$0x1F0];
	v3 =	vadd.s32 v13, v44  }
0x32a: {  	v55 =	vld [tilespmem:s15+$0xFFFFFFD0];
	v6 =	vadd.s32 v31, v41  }
0x32b: {  	v56 =	vld [tilespmem:s15+$0x10];
	v53 =	vadd.s32 v9, v53  }
0x32c: {  	v4 =	vadd.f32 v61, v35;
	v61 =	vld [tilespmem:s15+$0x50]  }
0x32d: {  	v60 =	vld [tilespmem:s15+$0x90];
	v2 =	vadd.f32 v62, v35;
	v62 =	vadd.s32 v7, v45  }
0x32e: {  	v0 =	vadd.f32 v0, v33;
	[tilespmem:v3+s25+$0x0] =	vst.idx.msk $0xffff, v4;
	v3 =	vadd.s32 v11, v46  }
0x32f: {  	v4 =	vld [tilespmem:s15+$0xD0];
	[tilespmem:v6+s25+$0x0] =	vst.idx.msk $0xffff, v2;
	v2 =	vadd.f32 v55, v35;
	v6 =	vadd.s32 v10, v42  }
0x330: {  	v56 =	vadd.f32 v56, v35;
	v55 =	vld [tilespmem:s15+$0x110];
	[tilespmem:v53+s25+$0x0] =	vst.idx.msk $0xffff, v0  }
0x331: {  	v58 =	vadd.s32 v12, v39;
	v0 =	vadd.f32 v61, v35;
	[tilespmem:v5+s25+$0x0] =	vst.idx.msk $0xffff, v2  }
0x332: {  	v52 =	vld [tilespmem:s15+$0xFFFFFE10];
	v61 =	vadd.f32 v60, v35;
	v2 =	vadd.s32 v23, v40;
	[tilespmem:v62+s25+$0x0] =	vst.idx.msk $0xffff, v56  }
0x333: {  	v59 =	vld [tilespmem:s15+$0x150];
	[tilespmem:v3+s25+$0x0] =	vst.idx.msk $0xffff, v0  }
0x334: {  	v5 =	vld [tilespmem:s15+$0x190];
	v0 =	vadd.f32 v4, v35;
	[tilespmem:v6+s25+$0x0] =	vst.idx.msk $0xffff, v61  }
0x335: {  	v62 =	vadd.s32 v13, v38;
	v6 =	vadd.f32 v55, v35;
	v12 =	vld [tilespmem:$0x1FE80]  }
0x336: {  	v60 =	vld [tilespmem:s15+$0xFFFFFE60];
	v3 =	vadd.s32 v31, v43;
	[tilespmem:v58+s25+$0x0] =	vst.idx.msk $0xffff, v0  }
0x337: {  	v4 =	vadd.s32 v7, v37;
	v16 =	vld [tilespmem:$0x1FEC0];
	[tilespmem:v2+s25+$0x0] =	vst.idx.msk $0xffff, v6  }
0x338: {  	v0 =	vadd.f32 v59, v35;
	v20 =	vld [tilespmem:$0x1FF00]  }
0x339: {  	v57 =	vld [tilespmem:s15+$0xFFFFFEA0];
	v2 =	vadd.f32 v5, v35  }
0x33a: {  	v55 =	vld [tilespmem:s15+$0xFFFFFEE0];
	v5 =	vadd.f32 v52, v35;
	[tilespmem:v62+s25+$0x0] =	vst.idx.msk $0xffff, v0;
	v53 =	vadd.s32 v12, v50  }
0x33b: {  	v24 =	vld [tilespmem:$0x1FF40];
	[tilespmem:v3+s25+$0x0] =	vst.idx.msk $0xffff, v2  }
0x33c: {  	v61 =	vld [tilespmem:s15+$0xFFFFFF60];
	[tilespmem:v4+s25+$0x0] =	vst.idx.msk $0xffff, v5;
	v58 =	vadd.s32 v16, v51  }
0x33d: {  	v0 =	vadd.f32 v60, v34;
	v28 =	vld [tilespmem:$0x1FF80];
	v6 =	vadd.s32 v20, v49  }
0x33e: {  	v59 =	vld [tilespmem:s15+$0xFFFFFF20]  }
0x33f: {  	v60 =	vld [tilespmem:s15+$0xFFFFFFA0];
	v2 =	vadd.f32 v57, v34;
	[tilespmem:v53+s25+$0x0] =	vst.idx.msk $0xffff, v0  }
0x340: {  	v0 =	vadd.f32 v55, v34;
	v30 =	vld [tilespmem:$0x1FFD0]  }
0x341: {  	v4 =	vld [tilespmem:s15+$0xFFFFFFE0];
	v62 =	vadd.s32 v24, v47;
	[tilespmem:v58+s25+$0x0] =	vst.idx.msk $0xffff, v2  }
0x342: {  	v57 =	vld [tilespmem:s15+$0x60];
	v3 =	vadd.s32 v28, v44;
	[tilespmem:v6+s25+$0x0] =	vst.idx.msk $0xffff, v0  }
0x343: {  	v55 =	vadd.s32 v8, v48;
	v8 =	vld [tilespmem:$0x1FE40]  }
0x344: {  	v53 =	vld [tilespmem:s15+$0x20];
	v2 =	vadd.f32 v59, v34  }
0x345: {  	v58 =	vld [tilespmem:s15+$0xFFFFFE20];
	v0 =	vadd.f32 v61, v34;
	v5 =	vadd.s32 v30, v41  }
0x346: {  	v52 =	vld [tilespmem:s15+$0xFFFFFE70];
	[tilespmem:v62+s25+$0x0] =	vst.idx.msk $0xffff, v2;
	v2 =	vadd.f32 v60, v34  }
0x347: {  	v62 =	vadd.s32 v12, v46;
	v60 =	vld [tilespmem:s15+$0xE0];
	[tilespmem:v3+s25+$0x0] =	vst.idx.msk $0xffff, v0;
	v0 =	vadd.f32 v4, v34  }
0x348: {  	v61 =	vld [tilespmem:s15+$0xA0];
	v6 =	vadd.s32 v8, v45  }
0x349: {  	v59 =	vld [tilespmem:s15+$0xFFFFFEB0];
	[tilespmem:v55+s25+$0x0] =	vst.idx.msk $0xffff, v0  }
0x34a: {  	v3 =	vld [tilespmem:s15+$0x120];
	v0 =	vadd.f32 v57, v34;
	[tilespmem:v5+s25+$0x0] =	vst.idx.msk $0xffff, v2;
	v5 =	vadd.s32 v16, v42  }
0x34b: {  	v4 =	vld [tilespmem:s15+$0x160];
	v2 =	vadd.f32 v53, v34  }
0x34c: {  	v55 =	vadd.s32 v20, v39;
	[tilespmem:v62+s25+$0x0] =	vst.idx.msk $0xffff, v0;
	v0 =	vadd.f32 v60, v34;
	v60 =	vld [tilespmem:s15+$0xFFFFFEF0]  }
0x34d: {  	v53 =	vld [tilespmem:s15+$0x1A0];
	[tilespmem:v6+s25+$0x0] =	vst.idx.msk $0xffff, v2;
	v2 =	vadd.f32 v61, v34  }
0x34e: {  	v57 =	vadd.s32 v24, v40;
	v13 =	vld [tilespmem:$0x1FE90]  }
0x34f: {  	v6 =	vadd.s32 v28, v38;
	v62 =	vld [tilespmem:s15+$0x30];
	[tilespmem:v5+s25+$0x0] =	vst.idx.msk $0xffff, v2  }
0x350: {  	s16 =	simm.s32 $0x10;
	v54 =	vadd.s32 v30, v43;
	v17 =	vld [tilespmem:$0x1FED0]  }
0x351: {  	v3 =	vadd.f32 v3, v34;
	v2 =	vmov s16;
	[tilespmem:v55+s25+$0x0] =	vst.idx.msk $0xffff, v0;
	v55 =	vld [tilespmem:s15+$0xFFFFFF70]  }
0x352: {  	v4 =	vadd.f32 v4, v34;
	v0 =	vshrl.u32 v2, $0x3;
	v2 =	vadd.f32 v58, v34;
	v58 =	vld [tilespmem:s15+$0xFFFFFFF0]  }
0x353: {  	v53 =	vadd.f32 v53, v34;
	v21 =	vld [tilespmem:$0x1FF10];
	[tilespmem:v57+s25+$0x0] =	vst.idx.msk $0xffff, v3  }
0x354: {  	v25 =	vld [tilespmem:$0x1FF50];
	[tilespmem:v6+s25+$0x0] =	vst.idx.msk $0xffff, v4  }
0x355: {  	v56 =	vadd.s32 v8, v37;
	v29 =	vld [tilespmem:$0x1FF90];
	[tilespmem:v54+s25+$0x0] =	vst.idx.msk $0xffff, v53  }
0x356: {  	s17 =	simm.s32 $0x11;
	v48 =	vadd.s32 v9, v48;
	v52 =	vadd.f32 v52, v33;
	v50 =	vadd.s32 v13, v50;
	v22 =	vld [tilespmem:$0x1FFE0]  }
0x357: {  	v61 =	vadd.f32 v60, v33;
	v3 =	vmov s17;
	v5 =	vadd.s32 v17, v51;
	v51 =	vld [tilespmem:s15+$0xFFFFFF30]  }
0x358: {  	v0 =	vshll.u32 v0, v1;
	v60 =	vadd.f32 v55, v33;
	v55 =	vld [tilespmem:s15+$0xB0];
	v49 =	vadd.s32 v21, v49  }
0x359: {  	s18 =	simm.s32 $0x12;
	v57 =	vld [tilespmem:s15+$0xFFFFFFB0];
	v6 =	vadd.f32 v59, v33;
	v46 =	vadd.s32 v13, v46;
	v47 =	vadd.s32 v25, v47  }
0x35a: {  	s7 =	simm.s32 $0x13;
	v4 =	vmov s18;
	[tilespmem:v56+s25+$0x0] =	vst.idx.msk $0xffff, v2;
	v56 =	vld [tilespmem:s15+$0x70];
	v42 =	vadd.s32 v17, v42;
	v39 =	vadd.s32 v21, v39  }
0x35b: {  	s16 =	simm.s32 $0x14;
	v53 =	vmov s7;
	v59 =	vld [tilespmem:s15+$0x170];
	[tilespmem:v50+s25+$0x0] =	vst.idx.msk $0xffff, v52;
	v40 =	vadd.s32 v25, v40;
	v44 =	vadd.s32 v29, v44  }
0x35c: {  	s7 =	simm.s32 $0x17;
	v2 =	vmov s16;
	v9 =	vld [tilespmem:$0x1FE50];
	v38 =	vadd.s32 v29, v38;
	v51 =	vadd.f32 v51, v33;
	[tilespmem:v5+s25+$0x0] =	vst.idx.msk $0xffff, v6  }
0x35d: {  	s17 =	simm.s32 $0x15;
	v54 =	vmov s7;
	v50 =	vld [tilespmem:s15+$0x1B0];
	v41 =	vadd.s32 v22, v41;
	v55 =	vadd.f32 v55, v33;
	[tilespmem:v49+s25+$0x0] =	vst.idx.msk $0xffff, v61  }
0x35e: {  	s18 =	simm.s32 $0x16;
	v52 =	vmov s17;
	v43 =	vadd.s32 v22, v43;
	v6 =	vadd.f32 v57, v33;
	[tilespmem:v47+s25+$0x0] =	vst.idx.msk $0xffff, v51  }
0x35f: {  	s16 =	simm.s32 $0x18;
	s7 =	simm.s32 $0x1B;
	v5 =	vmov s18;
	v57 =	vld [tilespmem:s15+$0xF0];
	v49 =	vadd.f32 v58, v33;
	v61 =	vadd.f32 v56, v33;
	[tilespmem:v42+s25+$0x0] =	vst.idx.msk $0xffff, v55  }
0x360: {  	s17 =	simm.s32 $0x19;
	v56 =	vmov s7;
	v47 =	vmov s16;
	v51 =	vadd.f32 v62, v33;
	[tilespmem:v44+s25+$0x0] =	vst.idx.msk $0xffff, v60  }
0x361: {  	v58 =	vld [tilespmem:s15+$0x130];
	v62 =	vadd.f32 v59, v33;
	v45 =	vadd.s32 v9, v45;
	v60 =	vmov s17;
	[tilespmem:v48+s25+$0x0] =	vst.idx.msk $0xffff, v49  }
0x362: {  	v37 =	vadd.s32 v9, v37;
	v44 =	vshrl.u32 v3, $0x3;
	v3 =	vadd.f32 v50, v33;
	[tilespmem:v41+s25+$0x0] =	vst.idx.msk $0xffff, v6;
	v41 =	vld [tilespmem:s15+$0xFFFFFE30]  }
0x363: {  	s18 =	simm.s32 $0x1A;
	[tilespmem:v46+s25+$0x0] =	vst.idx.msk $0xffff, v61;
	v50 =	vshrl.u32 v4, $0x3;
	v46 =	vshrl.u32 v54, $0x3;
	v47 =	vshrl.u32 v47, $0x3  }
0x364: {  	s16 =	simm.s32 $0x1C;
	v6 =	vmov s18;
	s18 =	simm.s32 $0x1E;
	[tilespmem:v38+s25+$0x0] =	vst.idx.msk $0xffff, v62;
	v38 =	vshrl.u32 v60, $0x3;
	v48 =	vadd.f32 v57, v33  }
0x365: {  	s17 =	simm.s32 $0x1D;
	v57 =	vmov s16;
	v61 =	vmov s18;
	[tilespmem:v43+s25+$0x0] =	vst.idx.msk $0xffff, v3;
	v42 =	vshrl.u32 v6, $0x3  }
0x366: {  	v43 =	vshrl.u32 v56, $0x3;
	v49 =	vadd.f32 v58, v33;
	v58 =	vmov s17;
	[tilespmem:v39+s25+$0x0] =	vst.idx.msk $0xffff, v48  }
0x367: {  	v48 =	vshrl.u32 v52, $0x3;
	v39 =	vshrl.u32 v58, $0x3;
	[tilespmem:v45+s25+$0x0] =	vst.idx.msk $0xffff, v51;
	v4 =	vadd.f32 v41, v33  }
0x368: {  	v45 =	vshrl.u32 v53, $0x3;
	[tilespmem:v40+s25+$0x0] =	vst.idx.msk $0xffff, v49;
	v51 =	vshrl.u32 v2, $0x3;
	v49 =	vshrl.u32 v5, $0x3  }
0x369: {  	s16 =	simm.s32 $0x20;
	s17 =	simm.s32 $0x1F;
	v40 =	vshrl.u32 v61, $0x3;
	v41 =	vshrl.u32 v57, $0x3;
	[tilespmem:v37+s25+$0x0] =	vst.idx.msk $0xffff, v4;
	v37 =	vbroadcast v0, $0x0  }
.LBB2_11:
0x36a: {  	v27 =	vld [tilespmem:$0x1FE60]  }
0x36b: {  	v10 =	vld [tilespmem:$0x1FEA0]  }
0x36c: {  	v15 =	vld [tilespmem:$0x1FEE0]  }
0x36d: {  	v26 =	vld [tilespmem:$0x1FF20]  }
0x36e: {  	v0 =	vshll.u32 v44, v1;
	v3 =	vmov s17;
	v19 =	vld [tilespmem:$0x1FF60]  }
0x36f: {  	v2 =	vshll.u32 v50, v1;
	v4 =	vshll.u32 v45, v1;
	v18 =	vld [tilespmem:$0x1FFA0];
	v3 =	vshrl.u32 v3, $0x3  }
0x370: {  	v5 =	vshll.u32 v51, v1;
	v6 =	vshll.u32 v48, v1;
	s15 =	sadd.s32 $0x400, s15;
	v14 =	vld [tilespmem:$0x1FE00];
	v3 =	vshll.u32 v3, v1  }
0x371: {  	v44 =	vshll.u32 v49, v1;
	v45 =	vshll.u32 v46, v1;
	v61 =	vld [tilespmem:s15+$0x1C0];
	v52 =	vbroadcast v3, $0x0  }
0x372: {  	v46 =	vshll.u32 v47, v1;
	v53 =	vshll.u32 v42, v1;
	v54 =	vshll.u32 v43, v1;
	v3 =	vld [tilespmem:s15+$0xFFFFFE00]  }
0x373: {  	v43 =	vld [tilespmem:s15+$0xFFFFFE40];
	v50 =	vbroadcast v0, $0x0;
	v0 =	vshll.u32 v41, v1;
	v41 =	vadd.s32 v32, v52  }
0x374: {  	v55 =	vadd.s32 v63, v37;
	v56 =	vld [tilespmem:s15+$0xFFFFFE80];
	v51 =	vbroadcast v2, $0x0;
	v2 =	vshll.u32 v39, v1  }
0x375: {  	v58 =	vld [tilespmem:s15+$0xFFFFFEC0];
	v49 =	vbroadcast v4, $0x0;
	v4 =	vshll.u32 v40, v1;
	v57 =	vadd.s32 v27, v50  }
0x376: {  	v59 =	vld [tilespmem:s15+$0xFFFFFF00];
	v47 =	vbroadcast v5, $0x0;
	v40 =	vadd.s32 v10, v51;
	v5 =	vadd.f32 v61, v36  }
0x377: {  	v42 =	vbroadcast v6, $0x0;
	v60 =	vadd.s32 v15, v49;
	v61 =	vld [tilespmem:s15+$0xFFFFFF40];
	v3 =	vadd.f32 v3, v36  }
0x378: {  	v62 =	vld [tilespmem:s15+$0xFFFFFF80];
	v39 =	vbroadcast v44, $0x0;
	v6 =	vadd.f32 v43, v36;
	v43 =	vadd.s32 v26, v47;
	[tilespmem:v41+s25+$0x0] =	vst.idx.msk $0xffff, v5  }
0x379: {  	[tilespmem:v55+s25+$0x0] =	vst.idx.msk $0xffff, v3;
	v3 =	vadd.f32 v56, v36;
	v5 =	vadd.s32 v19, v42;
	v56 =	vld [tilespmem:s15+$0xFFFFFFC0]  }
0x37a: {  	[tilespmem:v57+s25+$0x0] =	vst.idx.msk $0xffff, v6;
	v6 =	vadd.f32 v58, v36;
	v55 =	vadd.s32 v18, v39;
	v57 =	vld [tilespmem:s15+$0x0]  }
0x37b: {  	v41 =	vld [tilespmem:s15+$0x1D0];
	[tilespmem:v40+s25+$0x0] =	vst.idx.msk $0xffff, v3;
	v3 =	vadd.f32 v59, v36  }
0x37c: {  	[tilespmem:v60+s25+$0x0] =	vst.idx.msk $0xffff, v6;
	v6 =	vadd.f32 v61, v36;
	v59 =	vld [tilespmem:s15+$0x40]  }
0x37d: {  	v38 =	vshll.u32 v38, v1;
	v44 =	vbroadcast v46, $0x0;
	v61 =	vld [tilespmem:s15+$0x80];
	[tilespmem:v43+s25+$0x0] =	vst.idx.msk $0xffff, v3;
	v3 =	vadd.f32 v62, v36  }
0x37e: {  	v48 =	vbroadcast v45, $0x0;
	v45 =	vbroadcast v38, $0x0;
	v46 =	vadd.s32 v14, v52;
	[tilespmem:v5+s25+$0x0] =	vst.idx.msk $0xffff, v6;
	v6 =	vld [tilespmem:s15+$0xC0]  }
0x37f: {  	v60 =	vadd.s32 v63, v44;
	v40 =	vbroadcast v54, $0x0;
	v43 =	vbroadcast v53, $0x0;
	[tilespmem:v55+s25+$0x0] =	vst.idx.msk $0xffff, v3;
	v55 =	vld [tilespmem:s15+$0x100]  }
0x380: {  	v62 =	vadd.f32 v41, v35;
	v41 =	vbroadcast v0, $0x0;
	v0 =	vadd.f32 v57, v36;
	v57 =	vld [tilespmem:s15+$0x140]  }
0x381: {  	v58 =	vadd.s32 v32, v48;
	v54 =	vadd.s32 v10, v43;
	v10 =	vld [tilespmem:$0x1FEB0]  }
0x382: {  	v5 =	vadd.s32 v27, v45;
	v3 =	vadd.f32 v56, v36;
	v56 =	vadd.s32 v15, v40;
	v15 =	vld [tilespmem:$0x1FEF0]  }
0x383: {  	v38 =	vbroadcast v2, $0x0;
	v2 =	vadd.f32 v59, v36;
	v59 =	vld [tilespmem:s15+$0x180]  }
0x384: {  	[tilespmem:v60+s25+$0x0] =	vst.idx.msk $0xffff, v0;
	v0 =	vadd.f32 v61, v36;
	v61 =	vld [tilespmem:$0x1FE10]  }
0x385: {  	[tilespmem:v46+s25+$0x0] =	vst.idx.msk $0xffff, v62;
	v46 =	vbroadcast v4, $0x0;
	v4 =	vld [tilespmem:s15+$0xFFFFFE50]  }
0x386: {  	[tilespmem:v58+s25+$0x0] =	vst.idx.msk $0xffff, v3;
	v3 =	vadd.s32 v26, v41;
	v53 =	vld [tilespmem:s15+$0x1E0]  }
0x387: {  	v58 =	vadd.s32 v19, v38;
	v60 =	vld [tilespmem:s15+$0xFFFFFED0];
	[tilespmem:v5+s25+$0x0] =	vst.idx.msk $0xffff, v2;
	v2 =	vadd.f32 v6, v36  }
0x388: {  	v6 =	vld [tilespmem:s15+$0xFFFFFE90];
	[tilespmem:v54+s25+$0x0] =	vst.idx.msk $0xffff, v0;
	v0 =	vadd.f32 v55, v36;
	v55 =	vadd.s32 v11, v50  }
0x389: {  	v54 =	vadd.s32 v18, v46;
	v18 =	vld [tilespmem:$0x1FF70];
	v5 =	vadd.s32 v61, v52  }
0x38a: {  	v62 =	vld [tilespmem:s15+$0xFFFFFF10];
	[tilespmem:v56+s25+$0x0] =	vst.idx.msk $0xffff, v2;
	v2 =	vadd.f32 v57, v36;
	v56 =	vadd.s32 v10, v51  }
0x38b: {  	[tilespmem:v3+s25+$0x0] =	vst.idx.msk $0xffff, v0;
	v4 =	vadd.f32 v4, v35;
	v0 =	vadd.f32 v53, v34;
	v53 =	vld [tilespmem:s15+$0xFFFFFF50]  }
0x38c: {  	v3 =	vadd.s32 v15, v49;
	[tilespmem:v58+s25+$0x0] =	vst.idx.msk $0xffff, v2;
	v2 =	vadd.f32 v59, v36;
	v59 =	vld [tilespmem:s15+$0xFFFFFF90]  }
0x38d: {  	v58 =	vadd.s32 v23, v47;
	[tilespmem:v55+s25+$0x0] =	vst.idx.msk $0xffff, v4;
	v4 =	vadd.f32 v60, v35;
	v60 =	vld [tilespmem:$0x1FFF0]  }
0x38e: {  	v55 =	vld [tilespmem:s15+$0x10];
	[tilespmem:v5+s25+$0x0] =	vst.idx.msk $0xffff, v0;
	v0 =	vadd.f32 v6, v35;
	v5 =	vadd.s32 v18, v42  }
0x38f: {  	[tilespmem:v54+s25+$0x0] =	vst.idx.msk $0xffff, v2;
	v54 =	vld [tilespmem:s15+$0xFFFFFFD0];
	v6 =	vadd.s32 v31, v39  }
0x390: {  	v2 =	vld [tilespmem:s15+$0x1F0];
	[tilespmem:v56+s25+$0x0] =	vst.idx.msk $0xffff, v0;
	v0 =	vadd.f32 v62, v35;
	v56 =	vadd.s32 v7, v44  }
0x391: {  	[tilespmem:v3+s25+$0x0] =	vst.idx.msk $0xffff, v4;
	v4 =	vadd.s32 v14, v48;
	v3 =	vadd.f32 v53, v35;
	v53 =	vld [tilespmem:s15+$0x50]  }
0x392: {  	v52 =	vadd.s32 v60, v52;
	[tilespmem:v58+s25+$0x0] =	vst.idx.msk $0xffff, v0;
	v0 =	vadd.f32 v59, v35  }
0x393: {  	v62 =	vld [tilespmem:s15+$0x90];
	v55 =	vadd.f32 v55, v35;
	[tilespmem:v5+s25+$0x0] =	vst.idx.msk $0xffff, v3;
	v3 =	vadd.s32 v11, v45  }
0x394: {  	v5 =	vld [tilespmem:s15+$0xD0];
	[tilespmem:v6+s25+$0x0] =	vst.idx.msk $0xffff, v0;
	v0 =	vadd.f32 v54, v35  }
0x395: {  	v2 =	vadd.f32 v2, v33;
	v6 =	vadd.s32 v10, v43;
	v54 =	vld [tilespmem:s15+$0x110];
	[tilespmem:v56+s25+$0x0] =	vst.idx.msk $0xffff, v55  }
0x396: {  	v58 =	vadd.s32 v15, v40;
	v59 =	vld [tilespmem:s15+$0x150];
	[tilespmem:v4+s25+$0x0] =	vst.idx.msk $0xffff, v0;
	v0 =	vadd.f32 v53, v35  }
0x397: {  	v55 =	vadd.s32 v18, v38;
	[tilespmem:v52+s25+$0x0] =	vst.idx.msk $0xffff, v2;
	v2 =	vadd.s32 v23, v41;
	v4 =	vld [tilespmem:s15+$0x190]  }
0x398: {  	v56 =	vadd.s32 v8, v37;
	v52 =	vld [tilespmem:s15+$0xFFFFFE10];
	v53 =	vadd.f32 v62, v35;
	[tilespmem:v3+s25+$0x0] =	vst.idx.msk $0xffff, v0  }
0x399: {  	v62 =	vld [tilespmem:s15+$0xFFFFFE60];
	v0 =	vadd.f32 v5, v35;
	v3 =	vadd.s32 v31, v46;
	v5 =	vadd.s32 v7, v37  }
0x39a: {  	v37 =	vadd.s32 v9, v37;
	[tilespmem:v6+s25+$0x0] =	vst.idx.msk $0xffff, v53;
	v6 =	vadd.f32 v54, v35  }
0x39b: {  	v57 =	vld [tilespmem:s15+$0xFFFFFEA0];
	v53 =	vadd.s32 v12, v50;
	[tilespmem:v58+s25+$0x0] =	vst.idx.msk $0xffff, v0;
	v0 =	vadd.f32 v59, v35  }
0x39c: {  	v54 =	vld [tilespmem:s15+$0xFFFFFEE0];
	v58 =	vadd.s32 v16, v51;
	[tilespmem:v2+s25+$0x0] =	vst.idx.msk $0xffff, v6;
	v2 =	vadd.f32 v4, v35  }
0x39d: {  	v59 =	vld [tilespmem:s15+$0xFFFFFF20];
	v4 =	vadd.f32 v52, v35;
	v6 =	vadd.s32 v20, v49;
	[tilespmem:v55+s25+$0x0] =	vst.idx.msk $0xffff, v0  }
0x39e: {  	v52 =	vld [tilespmem:s15+$0xFFFFFF60];
	v49 =	vadd.s32 v21, v49;
	v0 =	vadd.f32 v62, v34;
	[tilespmem:v3+s25+$0x0] =	vst.idx.msk $0xffff, v2  }
0x39f: {  	v55 =	vadd.s32 v24, v47;
	v47 =	vadd.s32 v25, v47;
	[tilespmem:v5+s25+$0x0] =	vst.idx.msk $0xffff, v4  }
0x3a0: {  	v62 =	vld [tilespmem:s15+$0xFFFFFFA0];
	v2 =	vadd.f32 v57, v34;
	v3 =	vadd.s32 v28, v42;
	v5 =	vadd.s32 v30, v39  }
0x3a1: {  	v4 =	vld [tilespmem:s15+$0xFFFFFFE0];
	v42 =	vadd.s32 v29, v42;
	[tilespmem:v53+s25+$0x0] =	vst.idx.msk $0xffff, v0;
	v0 =	vadd.f32 v54, v34  }
0x3a2: {  	v53 =	vld [tilespmem:s15+$0x20];
	v54 =	vadd.s32 v61, v48;
	[tilespmem:v58+s25+$0x0] =	vst.idx.msk $0xffff, v2;
	v2 =	vadd.f32 v59, v34  }
0x3a3: {  	v57 =	vld [tilespmem:s15+$0x60];
	v48 =	vadd.s32 v60, v48;
	[tilespmem:v6+s25+$0x0] =	vst.idx.msk $0xffff, v0;
	v0 =	vadd.f32 v52, v34  }
0x3a4: {  	v58 =	vld [tilespmem:s15+$0xFFFFFE20];
	v6 =	vadd.s32 v8, v44;
	v44 =	vadd.s32 v9, v44;
	[tilespmem:v55+s25+$0x0] =	vst.idx.msk $0xffff, v2  }
0x3a5: {  	v61 =	vld [tilespmem:s15+$0xA0];
	v2 =	vadd.f32 v62, v34;
	v55 =	vadd.s32 v12, v45;
	v45 =	vadd.s32 v13, v45  }
0x3a6: {  	v62 =	vld [tilespmem:s15+$0xE0];
	[tilespmem:v3+s25+$0x0] =	vst.idx.msk $0xffff, v0;
	v0 =	vadd.f32 v4, v34;
	v3 =	vadd.s32 v16, v43  }
0x3a7: {  	v4 =	vld [tilespmem:s15+$0x120];
	[tilespmem:v5+s25+$0x0] =	vst.idx.msk $0xffff, v2;
	v2 =	vadd.f32 v53, v34;
	v5 =	vadd.s32 v20, v40  }
0x3a8: {  	v53 =	vld [tilespmem:s15+$0x160];
	[tilespmem:v54+s25+$0x0] =	vst.idx.msk $0xffff, v0;
	v0 =	vadd.f32 v57, v34;
	v54 =	vadd.s32 v24, v41  }
0x3a9: {  	v57 =	vld [tilespmem:s15+$0x1A0];
	v58 =	vadd.f32 v58, v34;
	v41 =	vadd.s32 v25, v41;
	[tilespmem:v6+s25+$0x0] =	vst.idx.msk $0xffff, v2  }
0x3aa: {  	v2 =	vadd.f32 v61, v34;
	v6 =	vadd.s32 v28, v38;
	v61 =	vld [tilespmem:s15+$0xFFFFFE70];
	[tilespmem:v55+s25+$0x0] =	vst.idx.msk $0xffff, v0  }
0x3ab: {  	v0 =	vadd.f32 v62, v34;
	v55 =	vadd.s32 v30, v46;
	v62 =	vld [tilespmem:s15+$0xFFFFFEB0];
	[tilespmem:v56+s25+$0x0] =	vst.idx.msk $0xffff, v58  }
0x3ac: {  	[tilespmem:v3+s25+$0x0] =	vst.idx.msk $0xffff, v2;
	v2 =	vadd.f32 v4, v34;
	v3 =	vadd.s32 v13, v50;
	v4 =	vld [tilespmem:s15+$0xFFFFFEF0]  }
0x3ad: {  	v50 =	vadd.s32 v17, v51;
	v51 =	vld [tilespmem:s15+$0xFFFFFF30];
	[tilespmem:v5+s25+$0x0] =	vst.idx.msk $0xffff, v0;
	v0 =	vadd.f32 v53, v34  }
0x3ae: {  	s7 =	sadd.s32 $0x3, s16;
	v38 =	vadd.s32 v29, v38;
	[tilespmem:v54+s25+$0x0] =	vst.idx.msk $0xffff, v2;
	v2 =	vadd.f32 v57, v34;
	v54 =	vld [tilespmem:s15+$0xFFFFFF70]  }
0x3af: {  	v56 =	vmov s7;
	v5 =	vmov s16;
	[tilespmem:v6+s25+$0x0] =	vst.idx.msk $0xffff, v0;
	v6 =	vadd.f32 v61, v33;
	v61 =	vld [tilespmem:s15+$0xFFFFFFB0]  }
0x3b0: {  	s6 =	sadd.s32 $0x1, s16;
	v46 =	vadd.s32 v22, v46;
	v5 =	vshrl.u32 v5, $0x3;
	[tilespmem:v55+s25+$0x0] =	vst.idx.msk $0xffff, v2;
	v62 =	vadd.f32 v62, v33;
	v55 =	vld [tilespmem:s15+$0xFFFFFFF0]  }
0x3b1: {  	s18 =	sadd.s32 $0x2, s16;
	v0 =	vmov s6;
	[tilespmem:v3+s25+$0x0] =	vst.idx.msk $0xffff, v6;
	v3 =	vadd.f32 v4, v33;
	v4 =	vadd.s32 v22, v39;
	v6 =	vld [tilespmem:s15+$0x30]  }
0x3b2: {  	s17 =	sadd.s32 $0x4, s16;
	v5 =	vshll.u32 v5, v1;
	v2 =	vmov s18;
	s18 =	sadd.s32 $0x5, s16;
	v59 =	vadd.f32 v51, v33;
	v51 =	vld [tilespmem:s15+$0x70];
	[tilespmem:v50+s25+$0x0] =	vst.idx.msk $0xffff, v62  }
0x3b3: {  	v60 =	vld [tilespmem:s15+$0xB0];
	v39 =	vmov s17;
	v53 =	vmov s18;
	s17 =	sadd.s32 $0x7, s16;
	[tilespmem:v49+s25+$0x0] =	vst.idx.msk $0xffff, v3;
	v3 =	vadd.f32 v54, v33  }
0x3b4: {  	s7 =	sadd.s32 $0x6, s16;
	v52 =	vmov s17;
	v50 =	vshrl.u32 v2, $0x3;
	[tilespmem:v47+s25+$0x0] =	vst.idx.msk $0xffff, v59;
	v47 =	vld [tilespmem:s15+$0x1B0];
	v61 =	vadd.f32 v61, v33  }
0x3b5: {  	v62 =	vld [tilespmem:s15+$0xF0];
	s17 =	sadd.s32 $0xA, s16;
	v54 =	vmov s7;
	s7 =	sadd.s32 $0x9, s16;
	[tilespmem:v42+s25+$0x0] =	vst.idx.msk $0xffff, v3;
	v3 =	vadd.f32 v55, v33;
	v42 =	vadd.s32 v17, v43  }
0x3b6: {  	s18 =	sadd.s32 $0x8, s16;
	v58 =	vmov s17;
	v57 =	vmov s7;
	v43 =	vld [tilespmem:s15+$0x130];
	[tilespmem:v4+s25+$0x0] =	vst.idx.msk $0xffff, v61;
	v4 =	vadd.f32 v6, v33  }
0x3b7: {  	v55 =	vmov s18;
	s18 =	sadd.s32 $0xB, s16;
	v6 =	vadd.s32 v21, v40;
	v40 =	vld [tilespmem:s15+$0x170];
	[tilespmem:v48+s25+$0x0] =	vst.idx.msk $0xffff, v3;
	v3 =	vadd.f32 v51, v33  }
0x3b8: {  	s17 =	sadd.s32 $0xD, s16;
	v49 =	vshrl.u32 v54, $0x3;
	v59 =	vmov s18;
	v48 =	vld [tilespmem:s15+$0xFFFFFE30];
	[tilespmem:v44+s25+$0x0] =	vst.idx.msk $0xffff, v4;
	v4 =	vadd.f32 v60, v33  }
0x3b9: {  	v61 =	vmov s17;
	v44 =	vshrl.u32 v0, $0x3;
	v0 =	vadd.f32 v47, v33;
	[tilespmem:v45+s25+$0x0] =	vst.idx.msk $0xffff, v3  }
0x3ba: {  	p1 =	slt.u32 s16, $0x70;
	s7 =	sadd.s32 $0xC, s16;
	v51 =	vshrl.u32 v39, $0x3;
	v39 =	vshrl.u32 v61, $0x3;
	v3 =	vadd.f32 v62, v33;
	[tilespmem:v42+s25+$0x0] =	vst.idx.msk $0xffff, v4  }
.Ltmp6:
0x3bb: {  	s18 =	sadd.s32 $0xE, s16;
	v60 =	vmov s7;
	v47 =	vshrl.u32 v55, $0x3;
	v4 =	vadd.f32 v43, v33;
	[tilespmem:v46+s25+$0x0] =	vst.idx.msk $0xffff, v0;
	(pc) =	sbr.rel @p1 .LBB2_11-.Ltmp6, $4  }
0x3bc: {  	v62 =	vmov s18;
	v45 =	vshrl.u32 v56, $0x3;
	[tilespmem:v6+s25+$0x0] =	vst.idx.msk $0xffff, v3;
	v3 =	vadd.f32 v40, v33  }
0x3bd: {  	v46 =	vshrl.u32 v52, $0x3;
	v42 =	vshrl.u32 v58, $0x3;
	[tilespmem:v41+s25+$0x0] =	vst.idx.msk $0xffff, v4;
	v2 =	vadd.f32 v48, v33  }
0x3be: {  	v43 =	vshrl.u32 v59, $0x3;
	v40 =	vshrl.u32 v62, $0x3;
	v48 =	vshrl.u32 v53, $0x3;
	[tilespmem:v38+s25+$0x0] =	vst.idx.msk $0xffff, v3  }
0x3bf: {  	s17 =	sadd.s32 $0xF, s16;
	s16 =	sadd.s32 $0x10, s16;
	v41 =	vshrl.u32 v60, $0x3;
	v38 =	vshrl.u32 v57, $0x3;
	[tilespmem:v37+s25+$0x0] =	vst.idx.msk $0xffff, v2;
	v37 =	vbroadcast v5, $0x0  }
0x3c0: {  	v3 =	vmov s17  }
0x3c1: {  	v26 =	vld [tilespmem:$0x1FE60];
	v3 =	vshrl.u32 v3, $0x3  }
0x3c2: {  	s15 =	sadd.s32 $0x400, s15;
	v10 =	vld [tilespmem:$0x1FEA0];
	v3 =	vshll.u32 v3, v1  }
0x3c3: {  	v15 =	vld [tilespmem:s15+$0x1C0];
	v3 =	vbroadcast v3, $0x0  }
0x3c4: {  	v0 =	vshll.u32 v44, v1;
	v62 =	vshll.u32 v49, v1;
	v18 =	vld [tilespmem:s15+$0xFFFFFE00]  }
0x3c5: {  	v49 =	vshll.u32 v38, v1;
	v19 =	vld [tilespmem:s15+$0xFFFFFE40];
	v38 =	vbroadcast v0, $0x0;
	v52 =	vadd.s32 v32, v3  }
0x3c6: {  	v2 =	vshll.u32 v50, v1;
	v53 =	vadd.s32 v63, v37;
	v54 =	vld [tilespmem:s15+$0xFFFFFE80]  }
0x3c7: {  	v0 =	vshll.u32 v41, v1;
	v41 =	vbroadcast v2, $0x0;
	v56 =	vld [tilespmem:s15+$0xFFFFFEC0];
	v55 =	vadd.s32 v26, v38  }
0x3c8: {  	v27 =	vadd.f32 v15, v36;
	v15 =	vld [tilespmem:$0x1FEE0]  }
0x3c9: {  	v58 =	vld [tilespmem:s15+$0xFFFFFF00];
	v57 =	vadd.s32 v10, v41;
	v60 =	vadd.f32 v18, v36  }
0x3ca: {  	v4 =	vshll.u32 v45, v1;
	v59 =	vld [tilespmem:s15+$0xFFFFFF40];
	v61 =	vadd.f32 v19, v36;
	[tilespmem:v52+s25+$0x0] =	vst.idx.msk $0xffff, v27  }
0x3cb: {  	v5 =	vshll.u32 v51, v1;
	v2 =	vshll.u32 v39, v1;
	v39 =	vbroadcast v4, $0x0;
	v14 =	vld [tilespmem:$0x1FF20];
	[tilespmem:v53+s25+$0x0] =	vst.idx.msk $0xffff, v60  }
0x3cc: {  	v51 =	vshll.u32 v43, v1;
	v43 =	vbroadcast v62, $0x0;
	v62 =	vadd.f32 v54, v36;
	v19 =	vld [tilespmem:$0x1FF60];
	[tilespmem:v55+s25+$0x0] =	vst.idx.msk $0xffff, v61  }
0x3cd: {  	v6 =	vshll.u32 v48, v1;
	v48 =	vadd.s32 v15, v39;
	v18 =	vld [tilespmem:$0x1FFA0]  }
0x3ce: {  	v45 =	vshll.u32 v46, v1;
	v4 =	vshll.u32 v40, v1;
	v40 =	vbroadcast v5, $0x0;
	v52 =	vld [tilespmem:s15+$0xFFFFFF80];
	[tilespmem:v57+s25+$0x0] =	vst.idx.msk $0xffff, v62  }
0x3cf: {  	v46 =	vshll.u32 v47, v1;
	v50 =	vshll.u32 v42, v1;
	v42 =	vbroadcast v6, $0x0;
	v62 =	vld [tilespmem:$0x1FE00]  }
0x3d0: {  	v44 =	vbroadcast v45, $0x0;
	v27 =	vadd.f32 v56, v36;
	v5 =	vadd.s32 v14, v40  }
0x3d1: {  	v45 =	vbroadcast v46, $0x0;
	v47 =	vadd.f32 v58, v36;
	v57 =	vld [tilespmem:s15+$0x0];
	v53 =	vadd.s32 v19, v42  }
0x3d2: {  	v46 =	vbroadcast v49, $0x0;
	v54 =	vld [tilespmem:s15+$0x1D0];
	[tilespmem:v48+s25+$0x0] =	vst.idx.msk $0xffff, v27;
	v27 =	vadd.f32 v59, v36;
	v55 =	vadd.s32 v18, v43  }
0x3d3: {  	v60 =	vld [tilespmem:s15+$0x40];
	v59 =	vadd.s32 v32, v44;
	v32 =	vadd.f32 v52, v36;
	v52 =	vadd.s32 v63, v45  }
0x3d4: {  	v56 =	vld [tilespmem:s15+$0xFFFFFFC0];
	v58 =	vadd.s32 v62, v3  }
0x3d5: {  	v6 =	vadd.s32 v26, v46;
	v61 =	vld [tilespmem:s15+$0x80];
	[tilespmem:v5+s25+$0x0] =	vst.idx.msk $0xffff, v47;
	v47 =	vbroadcast v50, $0x0  }
0x3d6: {  	v49 =	vbroadcast v0, $0x0;
	v48 =	vbroadcast v51, $0x0;
	v0 =	vadd.f32 v57, v36;
	[tilespmem:v53+s25+$0x0] =	vst.idx.msk $0xffff, v27;
	v53 =	vld [tilespmem:s15+$0xC0]  }
0x3d7: {  	v27 =	vadd.f32 v54, v35;
	[tilespmem:v55+s25+$0x0] =	vst.idx.msk $0xffff, v32;
	v54 =	vadd.s32 v10, v47;
	v55 =	vld [tilespmem:s15+$0x100]  }
0x3d8: {  	v26 =	vadd.s32 v15, v48;
	v50 =	vbroadcast v2, $0x0;
	v2 =	vadd.f32 v60, v36;
	[tilespmem:v52+s25+$0x0] =	vst.idx.msk $0xffff, v0  }
0x3d9: {  	v32 =	vadd.f32 v56, v36;
	[tilespmem:v58+s25+$0x0] =	vst.idx.msk $0xffff, v27;
	v27 =	vadd.s32 v14, v49  }
0x3da: {  	v0 =	vadd.f32 v61, v36;
	[tilespmem:v6+s25+$0x0] =	vst.idx.msk $0xffff, v2  }
0x3db: {  	[tilespmem:v59+s25+$0x0] =	vst.idx.msk $0xffff, v32;
	v10 =	vadd.f32 v53, v36  }
0x3dc: {  	v32 =	vadd.s32 v19, v50;
	v14 =	vld [tilespmem:$0x1FE10];
	[tilespmem:v54+s25+$0x0] =	vst.idx.msk $0xffff, v0;
	v19 =	vadd.f32 v55, v36  }
0x3dd: {  	v57 =	vld [tilespmem:s15+$0x140];
	[tilespmem:v26+s25+$0x0] =	vst.idx.msk $0xffff, v10  }
0x3de: {  	v60 =	vld [tilespmem:s15+$0x180];
	[tilespmem:v27+s25+$0x0] =	vst.idx.msk $0xffff, v19  }
0x3df: {  	v51 =	vbroadcast v4, $0x0;
	v15 =	vld [tilespmem:$0x1FEB0]  }
0x3e0: {  	v58 =	vld [tilespmem:s15+$0x1E0]  }
0x3e1: {  	v2 =	vld [tilespmem:s15+$0xFFFFFE50];
	v54 =	vadd.s32 v18, v51  }
0x3e2: {  	v61 =	vadd.f32 v57, v36;
	v0 =	vld [tilespmem:s15+$0xFFFFFE90];
	v6 =	vadd.s32 v14, v3  }
0x3e3: {  	v4 =	vadd.s32 v11, v38  }
0x3e4: {  	[tilespmem:v32+s25+$0x0] =	vst.idx.msk $0xffff, v61;
	v32 =	vadd.f32 v60, v36;
	v5 =	vadd.s32 v15, v41  }
0x3e5: {  	v10 =	vld [tilespmem:s15+$0xFFFFFF10];
	v27 =	vadd.f32 v58, v34  }
0x3e6: {  	v2 =	vadd.f32 v2, v35;
	v18 =	vld [tilespmem:$0x1FEF0];
	[tilespmem:v54+s25+$0x0] =	vst.idx.msk $0xffff, v32  }
0x3e7: {  	v26 =	vld [tilespmem:s15+$0xFFFFFED0];
	v0 =	vadd.f32 v0, v35;
	[tilespmem:v6+s25+$0x0] =	vst.idx.msk $0xffff, v27  }
0x3e8: {  	v19 =	vld [tilespmem:$0x1FF70];
	[tilespmem:v4+s25+$0x0] =	vst.idx.msk $0xffff, v2  }
0x3e9: {  	v61 =	vld [tilespmem:s15+$0xFFFFFF90];
	v6 =	vadd.s32 v23, v40;
	[tilespmem:v5+s25+$0x0] =	vst.idx.msk $0xffff, v0  }
0x3ea: {  	v0 =	vadd.f32 v10, v35;
	v10 =	vld [tilespmem:$0x1FFF0]  }
0x3eb: {  	v60 =	vld [tilespmem:s15+$0xFFFFFF50];
	v52 =	vadd.s32 v18, v39  }
0x3ec: {  	v27 =	vld [tilespmem:s15+$0x10];
	v4 =	vadd.s32 v31, v43  }
0x3ed: {  	v54 =	vld [tilespmem:s15+$0x1F0];
	v2 =	vadd.f32 v26, v35;
	v36 =	vadd.s32 v19, v42  }
0x3ee: {  	v26 =	vld [tilespmem:s15+$0xFFFFFFD0];
	[tilespmem:v6+s25+$0x0] =	vst.idx.msk $0xffff, v0;
	v0 =	vadd.f32 v61, v35;
	v61 =	vadd.s32 v7, v45  }
0x3ef: {  	v32 =	vadd.s32 v62, v44;
	v62 =	vld [tilespmem:s15+$0x90];
	v3 =	vadd.s32 v10, v3  }
0x3f0: {  	[tilespmem:v52+s25+$0x0] =	vst.idx.msk $0xffff, v2;
	v2 =	vadd.f32 v60, v35;
	v60 =	vld [tilespmem:s15+$0x50]  }
0x3f1: {  	v15 =	vadd.s32 v15, v47;
	v5 =	vadd.f32 v27, v35;
	[tilespmem:v4+s25+$0x0] =	vst.idx.msk $0xffff, v0  }
0x3f2: {  	v54 =	vadd.f32 v54, v33;
	[tilespmem:v36+s25+$0x0] =	vst.idx.msk $0xffff, v2;
	v2 =	vadd.s32 v11, v46;
	v11 =	vld [tilespmem:s15+$0xD0]  }
0x3f3: {  	v55 =	vld [tilespmem:s15+$0x110];
	v0 =	vadd.f32 v26, v35;
	[tilespmem:v61+s25+$0x0] =	vst.idx.msk $0xffff, v5  }
0x3f4: {  	v26 =	vld [tilespmem:s15+$0x150];
	v61 =	vadd.f32 v62, v35;
	[tilespmem:v3+s25+$0x0] =	vst.idx.msk $0xffff, v54;
	v3 =	vadd.s32 v18, v48  }
0x3f5: {  	v27 =	vadd.s32 v23, v49;
	[tilespmem:v32+s25+$0x0] =	vst.idx.msk $0xffff, v0;
	v0 =	vadd.f32 v60, v35;
	v60 =	vld [tilespmem:s15+$0xFFFFFE10]  }
0x3f6: {  	v32 =	vld [tilespmem:s15+$0x190];
	v62 =	vadd.s32 v19, v50;
	[tilespmem:v15+s25+$0x0] =	vst.idx.msk $0xffff, v61  }
0x3f7: {  	v15 =	vadd.s32 v7, v37;
	[tilespmem:v2+s25+$0x0] =	vst.idx.msk $0xffff, v0;
	v0 =	vld [tilespmem:s15+$0xFFFFFE60];
	v2 =	vadd.f32 v11, v35  }
0x3f8: {  	v55 =	vadd.f32 v55, v35;
	v23 =	vld [tilespmem:s15+$0xFFFFFF20];
	v11 =	vadd.s32 v31, v51  }
0x3f9: {  	v54 =	vadd.f32 v26, v35;
	[tilespmem:v3+s25+$0x0] =	vst.idx.msk $0xffff, v2;
	v2 =	vadd.s32 v12, v38;
	v3 =	vld [tilespmem:s15+$0xFFFFFEE0]  }
0x3fa: {  	[tilespmem:v27+s25+$0x0] =	vst.idx.msk $0xffff, v55;
	v18 =	vld [tilespmem:s15+$0xFFFFFEA0];
	v5 =	vadd.f32 v60, v35;
	v31 =	vadd.s32 v24, v40  }
0x3fb: {  	v27 =	vld [tilespmem:s15+$0xFFFFFF60];
	v53 =	vadd.f32 v32, v35;
	v26 =	vadd.s32 v20, v39;
	[tilespmem:v62+s25+$0x0] =	vst.idx.msk $0xffff, v54  }
0x3fc: {  	v57 =	vld [tilespmem:s15+$0xFFFFFFA0];
	v19 =	vadd.s32 v16, v41;
	[tilespmem:v15+s25+$0x0] =	vst.idx.msk $0xffff, v5;
	v0 =	vadd.f32 v0, v34  }
0x3fd: {  	v59 =	vadd.s32 v28, v42;
	v61 =	vadd.f32 v23, v34;
	v60 =	vld [tilespmem:s15+$0xFFFFFFE0];
	[tilespmem:v11+s25+$0x0] =	vst.idx.msk $0xffff, v53  }
0x3fe: {  	[tilespmem:v2+s25+$0x0] =	vst.idx.msk $0xffff, v0;
	v0 =	vadd.f32 v3, v34;
	v2 =	vadd.s32 v30, v43;
	v3 =	vld [tilespmem:s15+$0x20]  }
0x3ff: {  	v62 =	vadd.s32 v14, v44;
	v58 =	vadd.f32 v18, v34;
	v11 =	vld [tilespmem:s15+$0x60];
	[tilespmem:v31+s25+$0x0] =	vst.idx.msk $0xffff, v61  }
0x400: {  	v14 =	vadd.s32 v8, v45;
	v15 =	vld [tilespmem:s15+$0xA0];
	[tilespmem:v26+s25+$0x0] =	vst.idx.msk $0xffff, v0;
	v0 =	vadd.f32 v27, v34  }
0x401: {  	v18 =	vadd.f32 v57, v34;
	v23 =	vld [tilespmem:s15+$0xE0];
	[tilespmem:v19+s25+$0x0] =	vst.idx.msk $0xffff, v58;
	v19 =	vadd.s32 v12, v46  }
0x402: {  	v26 =	vadd.s32 v16, v47;
	v27 =	vld [tilespmem:s15+$0x120];
	[tilespmem:v59+s25+$0x0] =	vst.idx.msk $0xffff, v0;
	v0 =	vadd.f32 v60, v34  }
0x403: {  	v31 =	vld [tilespmem:s15+$0x160];
	[tilespmem:v2+s25+$0x0] =	vst.idx.msk $0xffff, v18;
	v2 =	vadd.f32 v3, v34;
	v3 =	vadd.s32 v20, v48  }
0x404: {  	v57 =	vadd.s32 v24, v49;
	v58 =	vld [tilespmem:s15+$0x1A0];
	[tilespmem:v62+s25+$0x0] =	vst.idx.msk $0xffff, v0;
	v0 =	vadd.f32 v11, v34  }
0x405: {  	v59 =	vadd.f32 v15, v34;
	v60 =	vadd.s32 v28, v50;
	[tilespmem:v14+s25+$0x0] =	vst.idx.msk $0xffff, v2;
	v2 =	vld [tilespmem:s15+$0xFFFFFE20]  }
0x406: {  	v61 =	vadd.f32 v23, v34;
	v62 =	vadd.s32 v30, v51;
	[tilespmem:v19+s25+$0x0] =	vst.idx.msk $0xffff, v0;
	v0 =	vld [tilespmem:s15+$0xFFFFFE70]  }
0x407: {  	v12 =	vld [tilespmem:s15+$0xFFFFFEB0];
	v11 =	vadd.s32 v8, v37;
	[tilespmem:v26+s25+$0x0] =	vst.idx.msk $0xffff, v59;
	v6 =	vadd.f32 v27, v34  }
0x408: {  	v4 =	vadd.f32 v31, v34;
	v14 =	vld [tilespmem:s15+$0xFFFFFEF0];
	[tilespmem:v3+s25+$0x0] =	vst.idx.msk $0xffff, v61;
	v3 =	vadd.s32 v13, v38  }
0x409: {  	v16 =	vld [tilespmem:s15+$0xFFFFFF30];
	v15 =	vadd.s32 v17, v41;
	v18 =	vadd.f32 v58, v34;
	[tilespmem:v57+s25+$0x0] =	vst.idx.msk $0xffff, v6  }
0x40a: {  	v20 =	vld [tilespmem:s15+$0xFFFFFF70];
	v19 =	vadd.s32 v21, v39;
	[tilespmem:v60+s25+$0x0] =	vst.idx.msk $0xffff, v4;
	v2 =	vadd.f32 v2, v34  }
0x40b: {  	v23 =	vadd.s32 v25, v40;
	v24 =	vld [tilespmem:s15+$0xFFFFFFB0];
	[tilespmem:v62+s25+$0x0] =	vst.idx.msk $0xffff, v18;
	v0 =	vadd.f32 v0, v33  }
0x40c: {  	v26 =	vadd.s32 v29, v42;
	v27 =	vld [tilespmem:s15+$0xFFFFFFF0];
	[tilespmem:v11+s25+$0x0] =	vst.idx.msk $0xffff, v2;
	v2 =	vadd.f32 v12, v33  }
0x40d: {  	v28 =	vld [tilespmem:s15+$0x30];
	[tilespmem:v3+s25+$0x0] =	vst.idx.msk $0xffff, v0;
	v0 =	vadd.f32 v14, v33;
	v3 =	vadd.s32 v22, v43  }
0x40e: {  	v30 =	vadd.s32 v10, v44;
	v31 =	vld [tilespmem:s15+$0x70];
	[tilespmem:v15+s25+$0x0] =	vst.idx.msk $0xffff, v2;
	v2 =	vadd.f32 v16, v33  }
0x40f: {  	v44 =	vadd.s32 v9, v45;
	v45 =	vld [tilespmem:s15+$0xB0];
	[tilespmem:v19+s25+$0x0] =	vst.idx.msk $0xffff, v0;
	v0 =	vadd.f32 v20, v33  }
0x410: {  	v46 =	vadd.s32 v13, v46;
	v52 =	vld [tilespmem:s15+$0xF0];
	[tilespmem:v23+s25+$0x0] =	vst.idx.msk $0xffff, v2;
	v2 =	vadd.f32 v24, v33  }
0x411: {  	v53 =	vadd.s32 v17, v47;
	v54 =	vld [tilespmem:s15+$0x130];
	[tilespmem:v26+s25+$0x0] =	vst.idx.msk $0xffff, v0;
	v0 =	vadd.f32 v27, v33  }
0x412: {  	v55 =	vld [tilespmem:s15+$0x170];
	[tilespmem:v3+s25+$0x0] =	vst.idx.msk $0xffff, v2;
	v2 =	vadd.f32 v28, v33;
	v3 =	vadd.s32 v21, v48  }
0x413: {  	v56 =	vadd.s32 v25, v49;
	v57 =	vld [tilespmem:s15+$0x1B0];
	[tilespmem:v30+s25+$0x0] =	vst.idx.msk $0xffff, v0;
	v0 =	vadd.f32 v31, v33  }
0x414: {  	v59 =	vadd.s32 v29, v50;
	v58 =	vadd.f32 v45, v33;
	[tilespmem:v44+s25+$0x0] =	vst.idx.msk $0xffff, v2;
	v2 =	vld [tilespmem:s15+$0xFFFFFE30]  }
0x415: {  	v60 =	vadd.s32 v22, v51;
	[tilespmem:v46+s25+$0x0] =	vst.idx.msk $0xffff, v0;
	v0 =	vadd.f32 v52, v33  }
0x416: {  	v61 =	vadd.s32 v9, v37;
	[tilespmem:v53+s25+$0x0] =	vst.idx.msk $0xffff, v58;
	v62 =	vadd.f32 v54, v33  }
0x417: {  	[tilespmem:v3+s25+$0x0] =	vst.idx.msk $0xffff, v0;
	v0 =	vadd.f32 v55, v33  }
0x418: {  	s6 =	sshll.u32 s14, $0x12;
	[tilespmem:v56+s25+$0x0] =	vst.idx.msk $0xffff, v62;
	v3 =	vadd.f32 v57, v33  }
0x419: {  	s6 =	sor.u32 s4, s6;
	[tilespmem:v59+s25+$0x0] =	vst.idx.msk $0xffff, v0;
	v0 =	vadd.f32 v2, v33  }
0x41a: {  	s6 =	sshrl.u32 s6, $0x3;
	[tilespmem:v60+s25+$0x0] =	vst.idx.msk $0xffff, v3  }
0x41b: {  	s6 =	sadd.s32 s1, s6;
	s15 =	simm.s32 $0x15A00;
	[tilespmem:v61+s25+$0x0] =	vst.idx.msk $0xffff, v0  }
0x41c: {  	[hbm4b:s6+s3] =	stream.linear.scatter [tilespmem:s15], [sflag:$0x7], $0x80, $0x38;
	[tilespmem:$0x19E00] =	vst v63  }
0x41d: {  	s16 =	simm.s32 $0x15A88;
	s17 =	sadd.s32 $0x10, s6  }
0x41e: {  	[hbm4b:s17+s3] =	stream.linear.scatter [tilespmem:s16], [sflag:$0x7], $0x80, $0x38;
	[tilespmem:$0x19E00] =	vst v63  }
0x41f: {  	s18 =	simm.s32 $0x15B10;
	s7 =	sadd.s32 $0x20, s6  }
0x420: {  	[hbm4b:s7+s3] =	stream.linear.scatter [tilespmem:s18], [sflag:$0x7], $0x80, $0x38;
	[tilespmem:$0x19E00] =	vst v63  }
0x421: {  	s16 =	simm.s32 $0x15B98;
	s17 =	sadd.s32 $0x30, s6  }
0x422: {  	[hbm4b:s17+s3] =	stream.linear.scatter [tilespmem:s16], [sflag:$0x7], $0x80, $0x38;
	[tilespmem:$0x19E00] =	vst v63  }
0x423: {  	s18 =	simm.s32 $0x15C20;
	s7 =	sadd.s32 $0x40, s6  }
0x424: {  	[hbm4b:s7+s3] =	stream.linear.scatter [tilespmem:s18], [sflag:$0x7], $0x80, $0x38;
	[tilespmem:$0x19E00] =	vst v63  }
0x425: {  	s14 =	simm.s32 $0x440;
	s15 =	simm.s32 $0x15CA8;
	s16 =	sadd.s32 $0x50, s6  }
0x426: {  	[hbm4b:s16+s3] =	stream.linear.scatter [tilespmem:s15], [sflag:$0x7], $0x80, $0x38;
	[tilespmem:$0x19E00] =	vst v63  }
0x427: {  	s17 =	simm.s32 $0x15D30;
	s18 =	sadd.s32 $0x60, s6;
	s16 =	simm.s32 $0x2200  }
0x428: {  	[hbm4b:s18+s3] =	stream.linear.scatter [tilespmem:s17], [sflag:$0x7], $0x80, $0x38;
	[tilespmem:$0x19E00] =	vst v63  }
0x429: {  	s15 =	sadd.s32 $0x1000, s6;
	s17 =	simm.s32 $0x15DB8;
	s18 =	sadd.s32 $0x70, s6  }
.LBB2_13:
0x42a: {  	[hbm4b:s18+s3] =	stream.linear.scatter [tilespmem:s17], [sflag:$0x7], $0x80, $0x38;
	[tilespmem:$0x19E00] =	vst v63  }
0x42b: {  	s6 =	smov.u32 s14;
	s14 =	smov.u32 s16  }
0x42c: {  	s7 =	sadd.s32 $0x1100, s16;
	s14 =	sshra.s32 s14, $0x2;
	s17 =	sadd.s32 $0x15A00, s6  }
0x42d: {  	[hbm4b:s15+s3] =	stream.linear.scatter [tilespmem:s17], [sflag:$0x7], $0x80, $0x38;
	[tilespmem:$0x19E00] =	vst v63  }
0x42e: {  	p1 =	sne.s32 s16, $0x7700;
	s16 =	sadd.s32 $0x15A88, s6;
	s17 =	sadd.s32 $0x10, s15  }
0x42f: {  	[hbm4b:s17+s3] =	stream.linear.scatter [tilespmem:s16], [sflag:$0x7], $0x80, $0x38;
	[tilespmem:$0x19E00] =	vst v63  }
0x430: {  	s16 =	sadd.s32 $0x15B10, s6;
	s17 =	sadd.s32 $0x20, s15  }
0x431: {  	[hbm4b:s17+s3] =	stream.linear.scatter [tilespmem:s16], [sflag:$0x7], $0x80, $0x38;
	[tilespmem:$0x19E00] =	vst v63  }
0x432: {  	s16 =	sadd.s32 $0x15B98, s6;
	s17 =	sadd.s32 $0x30, s15  }
0x433: {  	[hbm4b:s17+s3] =	stream.linear.scatter [tilespmem:s16], [sflag:$0x7], $0x80, $0x38;
	[tilespmem:$0x19E00] =	vst v63  }
0x434: {  	s16 =	sadd.s32 $0x15C20, s6;
	s17 =	sadd.s32 $0x40, s15  }
0x435: {  	[hbm4b:s17+s3] =	stream.linear.scatter [tilespmem:s16], [sflag:$0x7], $0x80, $0x38;
	[tilespmem:$0x19E00] =	vst v63  }
.Ltmp7:
0x436: {  	s16 =	sadd.s32 $0x15CA8, s6;
	s17 =	sadd.s32 $0x50, s15;
	(pc) =	sbr.rel @p1 .LBB2_13-.Ltmp7, $4  }
0x437: {  	[hbm4b:s17+s3] =	stream.linear.scatter [tilespmem:s16], [sflag:$0x7], $0x80, $0x38;
	[tilespmem:$0x19E00] =	vst v63  }
0x438: {  	s18 =	sadd.s32 $0x70, s15;
	s16 =	sadd.s32 $0x15D30, s6;
	s17 =	sadd.s32 $0x60, s15  }
0x439: {  	[hbm4b:s17+s3] =	stream.linear.scatter [tilespmem:s16], [sflag:$0x7], $0x80, $0x38;
	[tilespmem:$0x19E00] =	vst v63  }
0x43a: {  	s15 =	sadd.s32 $0x1000, s15;
	s17 =	sadd.s32 $0x15DB8, s6;
	s16 =	smov.u32 s7  }
0x43b: {  	[hbm4b:s18+s3] =	stream.linear.scatter [tilespmem:s17], [sflag:$0x7], $0x80, $0x38;
	[tilespmem:$0x19E00] =	vst v63  }
0x43c: {  	s6 =	sadd.s32 $0x15A00, s14  }
0x43d: {  	[hbm4b:s15+s3] =	stream.linear.scatter [tilespmem:s6], [sflag:$0x7], $0x80, $0x38;
	[tilespmem:$0x19E00] =	vst v63  }
0x43e: {  	s16 =	sadd.s32 $0x15A88, s14;
	s7 =	sadd.s32 $0x10, s15;
	s12 =	sadd.s32 @!p0 $0x300, s12  }
0x43f: {  	[hbm4b:s7+s3] =	stream.linear.scatter [tilespmem:s16], [sflag:$0x7], $0x80, $0x38;
	[tilespmem:$0x19E00] =	vst v63  }
0x440: {  	s17 =	sadd.s32 $0x15B10, s14;
	s18 =	sadd.s32 $0x20, s15;
	s12 =	sand.u32 @!p0 $0xFF00, s12  }
0x441: {  	[hbm4b:s18+s3] =	stream.linear.scatter [tilespmem:s17], [sflag:$0x7], $0x80, $0x38;
	[tilespmem:$0x19E00] =	vst v63  }
0x442: {  	s6 =	simm.s32 @!p0 $0x7;
	s7 =	sadd.s32 $0x15B98, s14;
	s16 =	sadd.s32 $0x30, s15  }
0x443: {  	[hbm4b:s16+s3] =	stream.linear.scatter [tilespmem:s7], [sflag:$0x7], $0x80, $0x38;
	[tilespmem:$0x19E00] =	vst v63  }
0x444: {  	s17 =	sadd.s32 $0x15C20, s14;
	s18 =	sadd.s32 $0x40, s15;
	s7 =	sadd.s32 $0x15CA8, s14  }
0x445: {  	[hbm4b:s18+s3] =	stream.linear.scatter [tilespmem:s17], [sflag:$0x7], $0x80, $0x38;
	[tilespmem:$0x19E00] =	vst v63  }
0x446: {  	s16 =	sadd.s32 $0x50, s15;
	s17 =	sadd.s32 $0x15D30, s14;
	s18 =	sadd.s32 $0x60, s15  }
0x447: {  	[hbm4b:s16+s3] =	stream.linear.scatter [tilespmem:s7], [sflag:$0x7], $0x80, $0x38;
	[tilespmem:$0x19E00] =	vst v63  }
0x448: {  	s16 =	sadd.s32 $0x15DB8, s14;
	s7 =	simm.s32 $0x1;
	s14 =	simm.s32 $0x2  }
0x449: {  	[hbm4b:s18+s3] =	stream.linear.scatter [tilespmem:s17], [sflag:$0x7], $0x80, $0x38;
	[tilespmem:$0x19E00] =	vst v63  }
0x44a: {  	v2 =	vmov s7;
	v3 =	vmov s14;
	s7 =	simm.s32 $0x7;
	s14 =	simm.s32 $0x8;
	s17 =	sadd.s32 $0x70, s15  }
0x44b: {  	[hbm4b:s17+s3] =	stream.linear.scatter [tilespmem:s16], [sflag:$0x7], $0x80, $0x38;
	[tilespmem:$0x19E00] =	vst v63  }
0x44c: {  	s18 =	simm.s32 $0x0;
	s15 =	simm.s32 $0x3;
	_ =	swait.ge @!p0 [sflag:s6], $0x2000  }
0x44d: {  	v34 =	vmov s7;
	v35 =	vmov s14;
	s7 =	simm.s32 $0xD;
	v4 =	vmov s15;
	s15 =	simm.s32 $0x9;
	[sflag:s6] =	ssyncset.done @!p0 $0x0  }
0x44e: {  	s14 =	simm.s32 @!p0 $0x80;
	v2 =	vshrl.u32 v2, $0x3;
	v3 =	vshrl.u32 v3, $0x3;
	v36 =	vmov s15;
	s15 =	simm.s32 @!p0 $0xD600;
	[sflag:s6] =	ssyncadd.s32 @!p0 $0xFFFFE000  }
0x44f: {  	v0 =	vmov s18;
	v40 =	vmov s7;
	v43 =	vshrl.u32 v34, $0x3;
	[tilespmem:s15], [sflag:$0x3] =	stream.indirect.gather @!p0 [hbm4b:s5+s14], $0x40, s12, s14, $0xb8;
	[tilespmem:$0x19E00] =	vst v63  }
0x450: {  	s18 =	simm.s32 $0x6;
	v44 =	vshrl.u32 v35, $0x3;
	v2 =	vshll.u32 v2, v1;
	v3 =	vshll.u32 v3, v1;
	_ =	swait.ge [sflag:s26], $0x2000  }
0x451: {  	v0 =	vshrl.u32 v0, $0x3;
	s16 =	simm.s32 $0x4;
	v33 =	vmov s18;
	v4 =	vshrl.u32 v4, $0x3;
	v32 =	vld [tilespmem:$0x1FFC0]  }
0x452: {  	s17 =	simm.s32 $0x5;
	s18 =	simm.s32 $0xC;
	v50 =	vbroadcast v2, $0x0;
	v51 =	vbroadcast v3, $0x0;
	v5 =	vmov s16;
	s16 =	simm.s32 $0xA;
	v13 =	vld [tilespmem:$0x1FE60]  }
0x453: {  	v6 =	vmov s17;
	s17 =	simm.s32 $0xB;
	v39 =	vmov s18;
	v0 =	vshll.u32 v0, v1;
	s18 =	simm.s32 $0xF;
	s12 =	sor.u32 $0x3, s11;
	v11 =	vld [tilespmem:$0x1FEA0]  }
0x454: {  	v42 =	vshrl.u32 v33, $0x3;
	v37 =	vmov s16;
	v38 =	vmov s17;
	s16 =	simm.s32 $0xE;
	s17 =	sshll.u32 s12, $0x6;
	[sflag:s26] =	ssyncset.done $0x0;
	v10 =	vld [tilespmem:$0x1FEE0]  }
0x455: {  	v45 =	vshrl.u32 v36, $0x3;
	v60 =	vmov s18;
	v41 =	vmov s16;
	s6 =	sand.u32 $0x3FFFFFC0, s17;
	v8 =	vld [tilespmem:$0x1FF20];
	[sflag:s26] =	ssyncadd.s32 $0xFFFFE000  }
0x456: {  	v46 =	vshrl.u32 v37, $0x3;
	v37 =	vbroadcast v0, $0x0;
	v61 =	vshrl.u32 v60, $0x3;
	s14 =	simm.s32 $0xF800;
	v36 =	vld [tilespmem:s6+$0x6400]  }
0x457: {  	v0 =	vshrl.u32 v40, $0x3;
	v40 =	vshrl.u32 v41, $0x3;
	v41 =	vshll.u32 v61, v1;
	v60 =	vld [tilespmem:s14+$0xFFFFFE00]  }
0x458: {  	v4 =	vshll.u32 v4, v1;
	v5 =	vshrl.u32 v5, $0x3;
	v53 =	vbroadcast v41, $0x0;
	v62 =	vld [tilespmem:s14+$0x1C0]  }
0x459: {  	v39 =	vshrl.u32 v39, $0x3;
	v55 =	vshll.u32 v46, v1;
	v46 =	vadd.s32 v63, v37;
	v35 =	vld [tilespmem:s6+$0x6410]  }
0x45a: {  	v54 =	vshll.u32 v45, v1;
	v2 =	vshll.u32 v39, v1;
	v45 =	vld [tilespmem:s14+$0xFFFFFE40];
	v39 =	vadd.s32 v32, v53  }
0x45b: {  	v6 =	vshrl.u32 v6, $0x3;
	v49 =	vbroadcast v4, $0x0;
	v5 =	vshll.u32 v5, v1;
	v48 =	vld [tilespmem:s14+$0xFFFFFE80]  }
0x45c: {  	v47 =	vbroadcast v5, $0x0;
	v34 =	vld [tilespmem:s6+$0x6420];
	v3 =	vadd.s32 v13, v50;
	v58 =	vadd.f32 v60, v36  }
0x45d: {  	v4 =	vshll.u32 v40, v1;
	v33 =	vld [tilespmem:s6+$0x6430];
	v40 =	vadd.s32 v11, v51;
	v5 =	vadd.f32 v62, v36  }
0x45e: {  	v6 =	vshll.u32 v6, v1;
	v56 =	vld [tilespmem:s14+$0xFFFFFEC0];
	[tilespmem:v46+s28+$0x0] =	vst.idx.msk $0xffff, v58  }
0x45f: {  	v52 =	vshll.u32 v44, v1;
	v44 =	vbroadcast v6, $0x0;
	v57 =	vld [tilespmem:s14+$0xFFFFFF00];
	v6 =	vadd.f32 v45, v36;
	[tilespmem:v39+s28+$0x0] =	vst.idx.msk $0xffff, v5  }
0x460: {  	v5 =	vadd.f32 v48, v36;
	v12 =	vld [tilespmem:$0x1FF60]  }
0x461: {  	v60 =	vld [tilespmem:s14+$0xFFFFFF40];
	[tilespmem:v3+s28+$0x0] =	vst.idx.msk $0xffff, v6  }
0x462: {  	v9 =	vld [tilespmem:$0x1FFA0];
	[tilespmem:v40+s28+$0x0] =	vst.idx.msk $0xffff, v5  }
0x463: {  	v43 =	vshll.u32 v43, v1;
	v42 =	vshll.u32 v42, v1;
	v59 =	vadd.s32 v10, v49;
	v7 =	vld [tilespmem:$0x1FE00]  }
0x464: {  	v61 =	vadd.s32 v8, v47;
	v45 =	vbroadcast v52, $0x0;
	v48 =	vbroadcast v43, $0x0;
	v43 =	vld [tilespmem:s14+$0x0]  }
0x465: {  	v38 =	vshrl.u32 v38, $0x3;
	v41 =	vbroadcast v42, $0x0;
	v62 =	vld [tilespmem:s14+$0xFFFFFF80];
	v39 =	vadd.s32 v12, v44  }
0x466: {  	v46 =	vbroadcast v54, $0x0;
	v54 =	vadd.s32 v63, v45;
	v58 =	vld [tilespmem:s14+$0x1D0];
	v3 =	vadd.f32 v56, v36  }
0x467: {  	v38 =	vshll.u32 v38, v1;
	v56 =	vld [tilespmem:s14+$0xFFFFFFC0];
	v5 =	vadd.f32 v57, v36;
	v6 =	vadd.s32 v9, v41  }
0x468: {  	[tilespmem:v59+s28+$0x0] =	vst.idx.msk $0xffff, v3;
	v3 =	vadd.f32 v60, v36;
	v59 =	vld [tilespmem:s14+$0x40];
	v52 =	vadd.s32 v7, v53  }
0x469: {  	v57 =	vadd.s32 v32, v48;
	v40 =	vbroadcast v2, $0x0;
	[tilespmem:v61+s28+$0x0] =	vst.idx.msk $0xffff, v5;
	v2 =	vadd.f32 v43, v36  }
0x46a: {  	v42 =	vbroadcast v55, $0x0;
	v60 =	vld [tilespmem:s14+$0x80];
	v5 =	vadd.f32 v62, v36;
	[tilespmem:v39+s28+$0x0] =	vst.idx.msk $0xffff, v3;
	v3 =	vadd.s32 v13, v46  }
0x46b: {  	v0 =	vshll.u32 v0, v1;
	v55 =	vld [tilespmem:s14+$0xC0];
	v58 =	vadd.f32 v58, v35;
	[tilespmem:v54+s28+$0x0] =	vst.idx.msk $0xffff, v2;
	v39 =	vbroadcast v38, $0x0  }
0x46c: {  	[tilespmem:v6+s28+$0x0] =	vst.idx.msk $0xffff, v5;
	v5 =	vadd.f32 v56, v36;
	v6 =	vadd.s32 v11, v42;
	v56 =	vld [tilespmem:s14+$0x100]  }
0x46d: {  	v62 =	vld [tilespmem:s14+$0x140];
	v38 =	vbroadcast v0, $0x0;
	v0 =	vadd.f32 v59, v36;
	v61 =	vadd.s32 v10, v39;
	[tilespmem:v52+s28+$0x0] =	vst.idx.msk $0xffff, v58  }
0x46e: {  	v43 =	vbroadcast v4, $0x0;
	v4 =	vld [tilespmem:s14+$0xFFFFFE50];
	[tilespmem:v57+s28+$0x0] =	vst.idx.msk $0xffff, v5;
	v5 =	vadd.s32 v8, v40  }
0x46f: {  	v2 =	vadd.f32 v60, v36;
	v54 =	vadd.s32 v12, v38;
	v52 =	vld [tilespmem:s14+$0x1E0];
	[tilespmem:v3+s28+$0x0] =	vst.idx.msk $0xffff, v0  }
0x470: {  	v0 =	vadd.f32 v55, v36;
	v8 =	vld [tilespmem:$0x1FE10]  }
0x471: {  	v57 =	vld [tilespmem:s14+$0x180];
	[tilespmem:v6+s28+$0x0] =	vst.idx.msk $0xffff, v2;
	v2 =	vadd.f32 v56, v36  }
0x472: {  	v11 =	vld [tilespmem:$0x1FE70];
	[tilespmem:v61+s28+$0x0] =	vst.idx.msk $0xffff, v0;
	v0 =	vadd.f32 v62, v36  }
0x473: {  	v10 =	vld [tilespmem:$0x1FEB0];
	[tilespmem:v5+s28+$0x0] =	vst.idx.msk $0xffff, v2  }
0x474: {  	v12 =	vld [tilespmem:$0x1FEF0];
	[tilespmem:v54+s28+$0x0] =	vst.idx.msk $0xffff, v0  }
0x475: {  	v23 =	vld [tilespmem:$0x1FF30];
	v3 =	vadd.s32 v8, v53  }
0x476: {  	v55 =	vld [tilespmem:s14+$0xFFFFFE90];
	v6 =	vadd.s32 v9, v43  }
0x477: {  	v58 =	vld [tilespmem:s14+$0xFFFFFED0];
	v56 =	vadd.s32 v11, v50  }
0x478: {  	v60 =	vld [tilespmem:s14+$0xFFFFFF10];
	v2 =	vadd.f32 v52, v34;
	v59 =	vadd.s32 v10, v51  }
0x479: {  	v0 =	vadd.f32 v57, v36;
	v5 =	vadd.s32 v12, v49  }
0x47a: {  	v4 =	vadd.f32 v4, v35;
	v54 =	vadd.s32 v23, v47;
	[tilespmem:v3+s28+$0x0] =	vst.idx.msk $0xffff, v2  }
0x47b: {  	v2 =	vadd.f32 v55, v35;
	v13 =	vld [tilespmem:$0x1FF70];
	[tilespmem:v6+s28+$0x0] =	vst.idx.msk $0xffff, v0  }
0x47c: {  	v61 =	vld [tilespmem:s14+$0xFFFFFF50];
	[tilespmem:v56+s28+$0x0] =	vst.idx.msk $0xffff, v4;
	v4 =	vadd.f32 v58, v35  }
0x47d: {  	v31 =	vld [tilespmem:$0x1FFB0];
	[tilespmem:v59+s28+$0x0] =	vst.idx.msk $0xffff, v2;
	v2 =	vadd.f32 v60, v35  }
0x47e: {  	v9 =	vld [tilespmem:$0x1FFF0];
	[tilespmem:v5+s28+$0x0] =	vst.idx.msk $0xffff, v4  }
0x47f: {  	v62 =	vld [tilespmem:s14+$0xFFFFFF90];
	[tilespmem:v54+s28+$0x0] =	vst.idx.msk $0xffff, v2  }
0x480: {  	v5 =	vadd.s32 v7, v48;
	v7 =	vld [tilespmem:$0x1FE30]  }
0x481: {  	v0 =	vld [tilespmem:s14+$0x1F0];
	v3 =	vadd.s32 v13, v44  }
0x482: {  	v55 =	vld [tilespmem:s14+$0xFFFFFFD0];
	v6 =	vadd.s32 v31, v41  }
0x483: {  	v56 =	vld [tilespmem:s14+$0x10];
	v53 =	vadd.s32 v9, v53  }
0x484: {  	v4 =	vadd.f32 v61, v35;
	v61 =	vld [tilespmem:s14+$0x50]  }
0x485: {  	v60 =	vld [tilespmem:s14+$0x90];
	v2 =	vadd.f32 v62, v35;
	v62 =	vadd.s32 v7, v45  }
0x486: {  	v0 =	vadd.f32 v0, v33;
	[tilespmem:v3+s28+$0x0] =	vst.idx.msk $0xffff, v4;
	v3 =	vadd.s32 v11, v46  }
0x487: {  	v4 =	vld [tilespmem:s14+$0xD0];
	[tilespmem:v6+s28+$0x0] =	vst.idx.msk $0xffff, v2;
	v2 =	vadd.f32 v55, v35;
	v6 =	vadd.s32 v10, v42  }
0x488: {  	v56 =	vadd.f32 v56, v35;
	v55 =	vld [tilespmem:s14+$0x110];
	[tilespmem:v53+s28+$0x0] =	vst.idx.msk $0xffff, v0  }
0x489: {  	v58 =	vadd.s32 v12, v39;
	v0 =	vadd.f32 v61, v35;
	[tilespmem:v5+s28+$0x0] =	vst.idx.msk $0xffff, v2  }
0x48a: {  	v52 =	vld [tilespmem:s14+$0xFFFFFE10];
	v61 =	vadd.f32 v60, v35;
	v2 =	vadd.s32 v23, v40;
	[tilespmem:v62+s28+$0x0] =	vst.idx.msk $0xffff, v56  }
0x48b: {  	v59 =	vld [tilespmem:s14+$0x150];
	[tilespmem:v3+s28+$0x0] =	vst.idx.msk $0xffff, v0  }
0x48c: {  	v5 =	vld [tilespmem:s14+$0x190];
	v0 =	vadd.f32 v4, v35;
	[tilespmem:v6+s28+$0x0] =	vst.idx.msk $0xffff, v61  }
0x48d: {  	v62 =	vadd.s32 v13, v38;
	v6 =	vadd.f32 v55, v35;
	v12 =	vld [tilespmem:$0x1FE80]  }
0x48e: {  	v60 =	vld [tilespmem:s14+$0xFFFFFE60];
	v3 =	vadd.s32 v31, v43;
	[tilespmem:v58+s28+$0x0] =	vst.idx.msk $0xffff, v0  }
0x48f: {  	v4 =	vadd.s32 v7, v37;
	v16 =	vld [tilespmem:$0x1FEC0];
	[tilespmem:v2+s28+$0x0] =	vst.idx.msk $0xffff, v6  }
0x490: {  	v0 =	vadd.f32 v59, v35;
	v20 =	vld [tilespmem:$0x1FF00]  }
0x491: {  	v57 =	vld [tilespmem:s14+$0xFFFFFEA0];
	v2 =	vadd.f32 v5, v35  }
0x492: {  	v55 =	vld [tilespmem:s14+$0xFFFFFEE0];
	v5 =	vadd.f32 v52, v35;
	[tilespmem:v62+s28+$0x0] =	vst.idx.msk $0xffff, v0;
	v53 =	vadd.s32 v12, v50  }
0x493: {  	v24 =	vld [tilespmem:$0x1FF40];
	[tilespmem:v3+s28+$0x0] =	vst.idx.msk $0xffff, v2  }
0x494: {  	v61 =	vld [tilespmem:s14+$0xFFFFFF60];
	[tilespmem:v4+s28+$0x0] =	vst.idx.msk $0xffff, v5;
	v58 =	vadd.s32 v16, v51  }
0x495: {  	v0 =	vadd.f32 v60, v34;
	v28 =	vld [tilespmem:$0x1FF80];
	v6 =	vadd.s32 v20, v49  }
0x496: {  	v59 =	vld [tilespmem:s14+$0xFFFFFF20]  }
0x497: {  	v60 =	vld [tilespmem:s14+$0xFFFFFFA0];
	v2 =	vadd.f32 v57, v34;
	[tilespmem:v53+s28+$0x0] =	vst.idx.msk $0xffff, v0  }
0x498: {  	v0 =	vadd.f32 v55, v34;
	v30 =	vld [tilespmem:$0x1FFD0]  }
0x499: {  	v4 =	vld [tilespmem:s14+$0xFFFFFFE0];
	v62 =	vadd.s32 v24, v47;
	[tilespmem:v58+s28+$0x0] =	vst.idx.msk $0xffff, v2  }
0x49a: {  	v57 =	vld [tilespmem:s14+$0x60];
	v3 =	vadd.s32 v28, v44;
	[tilespmem:v6+s28+$0x0] =	vst.idx.msk $0xffff, v0  }
0x49b: {  	v55 =	vadd.s32 v8, v48;
	v8 =	vld [tilespmem:$0x1FE40]  }
0x49c: {  	v53 =	vld [tilespmem:s14+$0x20];
	v2 =	vadd.f32 v59, v34  }
0x49d: {  	v58 =	vld [tilespmem:s14+$0xFFFFFE20];
	v0 =	vadd.f32 v61, v34;
	v5 =	vadd.s32 v30, v41  }
0x49e: {  	v52 =	vld [tilespmem:s14+$0xFFFFFE70];
	[tilespmem:v62+s28+$0x0] =	vst.idx.msk $0xffff, v2;
	v2 =	vadd.f32 v60, v34  }
0x49f: {  	v62 =	vadd.s32 v12, v46;
	v60 =	vld [tilespmem:s14+$0xE0];
	[tilespmem:v3+s28+$0x0] =	vst.idx.msk $0xffff, v0;
	v0 =	vadd.f32 v4, v34  }
0x4a0: {  	v61 =	vld [tilespmem:s14+$0xA0];
	v6 =	vadd.s32 v8, v45  }
0x4a1: {  	v59 =	vld [tilespmem:s14+$0xFFFFFEB0];
	[tilespmem:v55+s28+$0x0] =	vst.idx.msk $0xffff, v0  }
0x4a2: {  	v3 =	vld [tilespmem:s14+$0x120];
	v0 =	vadd.f32 v57, v34;
	[tilespmem:v5+s28+$0x0] =	vst.idx.msk $0xffff, v2;
	v5 =	vadd.s32 v16, v42  }
0x4a3: {  	v4 =	vld [tilespmem:s14+$0x160];
	v2 =	vadd.f32 v53, v34  }
0x4a4: {  	v55 =	vadd.s32 v20, v39;
	[tilespmem:v62+s28+$0x0] =	vst.idx.msk $0xffff, v0;
	v0 =	vadd.f32 v60, v34;
	v60 =	vld [tilespmem:s14+$0xFFFFFEF0]  }
0x4a5: {  	v53 =	vld [tilespmem:s14+$0x1A0];
	[tilespmem:v6+s28+$0x0] =	vst.idx.msk $0xffff, v2;
	v2 =	vadd.f32 v61, v34  }
0x4a6: {  	v57 =	vadd.s32 v24, v40;
	v13 =	vld [tilespmem:$0x1FE90]  }
0x4a7: {  	v6 =	vadd.s32 v28, v38;
	v62 =	vld [tilespmem:s14+$0x30];
	[tilespmem:v5+s28+$0x0] =	vst.idx.msk $0xffff, v2  }
0x4a8: {  	s7 =	simm.s32 $0x10;
	v54 =	vadd.s32 v30, v43;
	v17 =	vld [tilespmem:$0x1FED0]  }
0x4a9: {  	v3 =	vadd.f32 v3, v34;
	v2 =	vmov s7;
	[tilespmem:v55+s28+$0x0] =	vst.idx.msk $0xffff, v0;
	v55 =	vld [tilespmem:s14+$0xFFFFFF70]  }
0x4aa: {  	v4 =	vadd.f32 v4, v34;
	v0 =	vshrl.u32 v2, $0x3;
	v2 =	vadd.f32 v58, v34;
	v58 =	vld [tilespmem:s14+$0xFFFFFFF0]  }
0x4ab: {  	v53 =	vadd.f32 v53, v34;
	v21 =	vld [tilespmem:$0x1FF10];
	[tilespmem:v57+s28+$0x0] =	vst.idx.msk $0xffff, v3  }
0x4ac: {  	v25 =	vld [tilespmem:$0x1FF50];
	[tilespmem:v6+s28+$0x0] =	vst.idx.msk $0xffff, v4  }
0x4ad: {  	v56 =	vadd.s32 v8, v37;
	v29 =	vld [tilespmem:$0x1FF90];
	[tilespmem:v54+s28+$0x0] =	vst.idx.msk $0xffff, v53  }
0x4ae: {  	s15 =	simm.s32 $0x11;
	v48 =	vadd.s32 v9, v48;
	v52 =	vadd.f32 v52, v33;
	v50 =	vadd.s32 v13, v50;
	v22 =	vld [tilespmem:$0x1FFE0]  }
0x4af: {  	v61 =	vadd.f32 v60, v33;
	v3 =	vmov s15;
	v5 =	vadd.s32 v17, v51;
	v51 =	vld [tilespmem:s14+$0xFFFFFF30]  }
0x4b0: {  	v0 =	vshll.u32 v0, v1;
	v60 =	vadd.f32 v55, v33;
	v55 =	vld [tilespmem:s14+$0xB0];
	v49 =	vadd.s32 v21, v49  }
0x4b1: {  	s16 =	simm.s32 $0x12;
	v57 =	vld [tilespmem:s14+$0xFFFFFFB0];
	v6 =	vadd.f32 v59, v33;
	v46 =	vadd.s32 v13, v46;
	v47 =	vadd.s32 v25, v47  }
0x4b2: {  	s17 =	simm.s32 $0x13;
	v4 =	vmov s16;
	[tilespmem:v56+s28+$0x0] =	vst.idx.msk $0xffff, v2;
	v56 =	vld [tilespmem:s14+$0x70];
	v42 =	vadd.s32 v17, v42;
	v39 =	vadd.s32 v21, v39  }
0x4b3: {  	s16 =	simm.s32 $0x17;
	v53 =	vmov s17;
	v59 =	vld [tilespmem:s14+$0x170];
	[tilespmem:v50+s28+$0x0] =	vst.idx.msk $0xffff, v52;
	v40 =	vadd.s32 v25, v40;
	v44 =	vadd.s32 v29, v44  }
0x4b4: {  	s18 =	simm.s32 $0x14;
	v54 =	vmov s16;
	v9 =	vld [tilespmem:$0x1FE50];
	v38 =	vadd.s32 v29, v38;
	v51 =	vadd.f32 v51, v33;
	[tilespmem:v5+s28+$0x0] =	vst.idx.msk $0xffff, v6  }
0x4b5: {  	s7 =	simm.s32 $0x15;
	v2 =	vmov s18;
	v50 =	vld [tilespmem:s14+$0x1B0];
	v41 =	vadd.s32 v22, v41;
	v55 =	vadd.f32 v55, v33;
	[tilespmem:v49+s28+$0x0] =	vst.idx.msk $0xffff, v61  }
0x4b6: {  	s15 =	simm.s32 $0x16;
	v52 =	vmov s7;
	v43 =	vadd.s32 v22, v43;
	v6 =	vadd.f32 v57, v33;
	[tilespmem:v47+s28+$0x0] =	vst.idx.msk $0xffff, v51  }
0x4b7: {  	s17 =	simm.s32 $0x18;
	v5 =	vmov s15;
	v57 =	vld [tilespmem:s14+$0xF0];
	s15 =	simm.s32 $0x1B;
	v49 =	vadd.f32 v58, v33;
	v61 =	vadd.f32 v56, v33;
	[tilespmem:v42+s28+$0x0] =	vst.idx.msk $0xffff, v55  }
0x4b8: {  	s18 =	simm.s32 $0x19;
	v56 =	vmov s15;
	v47 =	vmov s17;
	v51 =	vadd.f32 v62, v33;
	[tilespmem:v44+s28+$0x0] =	vst.idx.msk $0xffff, v60  }
0x4b9: {  	v58 =	vld [tilespmem:s14+$0x130];
	v62 =	vadd.f32 v59, v33;
	v45 =	vadd.s32 v9, v45;
	v60 =	vmov s18;
	[tilespmem:v48+s28+$0x0] =	vst.idx.msk $0xffff, v49  }
0x4ba: {  	v37 =	vadd.s32 v9, v37;
	v44 =	vshrl.u32 v3, $0x3;
	v3 =	vadd.f32 v50, v33;
	[tilespmem:v41+s28+$0x0] =	vst.idx.msk $0xffff, v6;
	v41 =	vld [tilespmem:s14+$0xFFFFFE30]  }
0x4bb: {  	s7 =	simm.s32 $0x1A;
	s18 =	simm.s32 $0x1E;
	[tilespmem:v46+s28+$0x0] =	vst.idx.msk $0xffff, v61;
	v50 =	vshrl.u32 v4, $0x3;
	v46 =	vshrl.u32 v54, $0x3;
	v47 =	vshrl.u32 v47, $0x3  }
0x4bc: {  	s16 =	simm.s32 $0x1C;
	v6 =	vmov s7;
	v61 =	vmov s18;
	[tilespmem:v38+s28+$0x0] =	vst.idx.msk $0xffff, v62;
	v48 =	vadd.f32 v57, v33  }
0x4bd: {  	s17 =	simm.s32 $0x1D;
	v38 =	vshrl.u32 v60, $0x3;
	v57 =	vmov s16;
	[tilespmem:v43+s28+$0x0] =	vst.idx.msk $0xffff, v3;
	v42 =	vshrl.u32 v6, $0x3  }
0x4be: {  	v43 =	vshrl.u32 v56, $0x3;
	v49 =	vadd.f32 v58, v33;
	v58 =	vmov s17;
	[tilespmem:v39+s28+$0x0] =	vst.idx.msk $0xffff, v48  }
0x4bf: {  	v48 =	vshrl.u32 v52, $0x3;
	v39 =	vshrl.u32 v58, $0x3;
	[tilespmem:v45+s28+$0x0] =	vst.idx.msk $0xffff, v51;
	v4 =	vadd.f32 v41, v33  }
0x4c0: {  	v45 =	vshrl.u32 v53, $0x3;
	[tilespmem:v40+s28+$0x0] =	vst.idx.msk $0xffff, v49;
	v51 =	vshrl.u32 v2, $0x3;
	v49 =	vshrl.u32 v5, $0x3  }
0x4c1: {  	s15 =	simm.s32 $0x20;
	s16 =	simm.s32 $0x1F;
	v40 =	vshrl.u32 v61, $0x3;
	v41 =	vshrl.u32 v57, $0x3;
	[tilespmem:v37+s28+$0x0] =	vst.idx.msk $0xffff, v4;
	v37 =	vbroadcast v0, $0x0  }
.LBB2_15:
0x4c2: {  	v27 =	vld [tilespmem:$0x1FE60]  }
0x4c3: {  	v10 =	vld [tilespmem:$0x1FEA0]  }
0x4c4: {  	v15 =	vld [tilespmem:$0x1FEE0]  }
0x4c5: {  	v26 =	vld [tilespmem:$0x1FF20]  }
0x4c6: {  	v0 =	vshll.u32 v44, v1;
	v3 =	vmov s16;
	v19 =	vld [tilespmem:$0x1FF60]  }
0x4c7: {  	v2 =	vshll.u32 v50, v1;
	v4 =	vshll.u32 v45, v1;
	v18 =	vld [tilespmem:$0x1FFA0];
	v3 =	vshrl.u32 v3, $0x3  }
0x4c8: {  	v5 =	vshll.u32 v51, v1;
	v6 =	vshll.u32 v48, v1;
	s14 =	sadd.s32 $0x400, s14;
	v14 =	vld [tilespmem:$0x1FE00];
	v3 =	vshll.u32 v3, v1  }
0x4c9: {  	v44 =	vshll.u32 v49, v1;
	v45 =	vshll.u32 v46, v1;
	v61 =	vld [tilespmem:s14+$0x1C0];
	v52 =	vbroadcast v3, $0x0  }
0x4ca: {  	v46 =	vshll.u32 v47, v1;
	v53 =	vshll.u32 v42, v1;
	v54 =	vshll.u32 v43, v1;
	v3 =	vld [tilespmem:s14+$0xFFFFFE00]  }
0x4cb: {  	v43 =	vld [tilespmem:s14+$0xFFFFFE40];
	v50 =	vbroadcast v0, $0x0;
	v0 =	vshll.u32 v41, v1;
	v41 =	vadd.s32 v32, v52  }
0x4cc: {  	v55 =	vadd.s32 v63, v37;
	v56 =	vld [tilespmem:s14+$0xFFFFFE80];
	v51 =	vbroadcast v2, $0x0;
	v2 =	vshll.u32 v39, v1  }
0x4cd: {  	v58 =	vld [tilespmem:s14+$0xFFFFFEC0];
	v49 =	vbroadcast v4, $0x0;
	v4 =	vshll.u32 v40, v1;
	v57 =	vadd.s32 v27, v50  }
0x4ce: {  	v59 =	vld [tilespmem:s14+$0xFFFFFF00];
	v47 =	vbroadcast v5, $0x0;
	v40 =	vadd.s32 v10, v51;
	v5 =	vadd.f32 v61, v36  }
0x4cf: {  	v42 =	vbroadcast v6, $0x0;
	v60 =	vadd.s32 v15, v49;
	v61 =	vld [tilespmem:s14+$0xFFFFFF40];
	v3 =	vadd.f32 v3, v36  }
0x4d0: {  	v62 =	vld [tilespmem:s14+$0xFFFFFF80];
	v39 =	vbroadcast v44, $0x0;
	v6 =	vadd.f32 v43, v36;
	v43 =	vadd.s32 v26, v47;
	[tilespmem:v41+s28+$0x0] =	vst.idx.msk $0xffff, v5  }
0x4d1: {  	[tilespmem:v55+s28+$0x0] =	vst.idx.msk $0xffff, v3;
	v3 =	vadd.f32 v56, v36;
	v5 =	vadd.s32 v19, v42;
	v56 =	vld [tilespmem:s14+$0xFFFFFFC0]  }
0x4d2: {  	[tilespmem:v57+s28+$0x0] =	vst.idx.msk $0xffff, v6;
	v6 =	vadd.f32 v58, v36;
	v55 =	vadd.s32 v18, v39;
	v57 =	vld [tilespmem:s14+$0x0]  }
0x4d3: {  	v41 =	vld [tilespmem:s14+$0x1D0];
	[tilespmem:v40+s28+$0x0] =	vst.idx.msk $0xffff, v3;
	v3 =	vadd.f32 v59, v36  }
0x4d4: {  	[tilespmem:v60+s28+$0x0] =	vst.idx.msk $0xffff, v6;
	v6 =	vadd.f32 v61, v36;
	v59 =	vld [tilespmem:s14+$0x40]  }
0x4d5: {  	v38 =	vshll.u32 v38, v1;
	v44 =	vbroadcast v46, $0x0;
	v61 =	vld [tilespmem:s14+$0x80];
	[tilespmem:v43+s28+$0x0] =	vst.idx.msk $0xffff, v3;
	v3 =	vadd.f32 v62, v36  }
0x4d6: {  	v48 =	vbroadcast v45, $0x0;
	v45 =	vbroadcast v38, $0x0;
	v46 =	vadd.s32 v14, v52;
	[tilespmem:v5+s28+$0x0] =	vst.idx.msk $0xffff, v6;
	v6 =	vld [tilespmem:s14+$0xC0]  }
0x4d7: {  	v60 =	vadd.s32 v63, v44;
	v40 =	vbroadcast v54, $0x0;
	v43 =	vbroadcast v53, $0x0;
	[tilespmem:v55+s28+$0x0] =	vst.idx.msk $0xffff, v3;
	v55 =	vld [tilespmem:s14+$0x100]  }
0x4d8: {  	v62 =	vadd.f32 v41, v35;
	v41 =	vbroadcast v0, $0x0;
	v0 =	vadd.f32 v57, v36;
	v57 =	vld [tilespmem:s14+$0x140]  }
0x4d9: {  	v58 =	vadd.s32 v32, v48;
	v54 =	vadd.s32 v10, v43;
	v10 =	vld [tilespmem:$0x1FEB0]  }
0x4da: {  	v5 =	vadd.s32 v27, v45;
	v3 =	vadd.f32 v56, v36;
	v56 =	vadd.s32 v15, v40;
	v15 =	vld [tilespmem:$0x1FEF0]  }
0x4db: {  	v38 =	vbroadcast v2, $0x0;
	v2 =	vadd.f32 v59, v36;
	v59 =	vld [tilespmem:s14+$0x180]  }
0x4dc: {  	[tilespmem:v60+s28+$0x0] =	vst.idx.msk $0xffff, v0;
	v0 =	vadd.f32 v61, v36;
	v61 =	vld [tilespmem:$0x1FE10]  }
0x4dd: {  	[tilespmem:v46+s28+$0x0] =	vst.idx.msk $0xffff, v62;
	v46 =	vbroadcast v4, $0x0;
	v4 =	vld [tilespmem:s14+$0xFFFFFE50]  }
0x4de: {  	[tilespmem:v58+s28+$0x0] =	vst.idx.msk $0xffff, v3;
	v3 =	vadd.s32 v26, v41;
	v53 =	vld [tilespmem:s14+$0x1E0]  }
0x4df: {  	v58 =	vadd.s32 v19, v38;
	v60 =	vld [tilespmem:s14+$0xFFFFFED0];
	[tilespmem:v5+s28+$0x0] =	vst.idx.msk $0xffff, v2;
	v2 =	vadd.f32 v6, v36  }
0x4e0: {  	v6 =	vld [tilespmem:s14+$0xFFFFFE90];
	[tilespmem:v54+s28+$0x0] =	vst.idx.msk $0xffff, v0;
	v0 =	vadd.f32 v55, v36;
	v55 =	vadd.s32 v11, v50  }
0x4e1: {  	v54 =	vadd.s32 v18, v46;
	v18 =	vld [tilespmem:$0x1FF70];
	v5 =	vadd.s32 v61, v52  }
0x4e2: {  	v62 =	vld [tilespmem:s14+$0xFFFFFF10];
	[tilespmem:v56+s28+$0x0] =	vst.idx.msk $0xffff, v2;
	v2 =	vadd.f32 v57, v36;
	v56 =	vadd.s32 v10, v51  }
0x4e3: {  	[tilespmem:v3+s28+$0x0] =	vst.idx.msk $0xffff, v0;
	v4 =	vadd.f32 v4, v35;
	v0 =	vadd.f32 v53, v34;
	v53 =	vld [tilespmem:s14+$0xFFFFFF50]  }
0x4e4: {  	v3 =	vadd.s32 v15, v49;
	[tilespmem:v58+s28+$0x0] =	vst.idx.msk $0xffff, v2;
	v2 =	vadd.f32 v59, v36;
	v59 =	vld [tilespmem:s14+$0xFFFFFF90]  }
0x4e5: {  	v58 =	vadd.s32 v23, v47;
	[tilespmem:v55+s28+$0x0] =	vst.idx.msk $0xffff, v4;
	v4 =	vadd.f32 v60, v35;
	v60 =	vld [tilespmem:$0x1FFF0]  }
0x4e6: {  	v55 =	vld [tilespmem:s14+$0x10];
	[tilespmem:v5+s28+$0x0] =	vst.idx.msk $0xffff, v0;
	v0 =	vadd.f32 v6, v35;
	v5 =	vadd.s32 v18, v42  }
0x4e7: {  	[tilespmem:v54+s28+$0x0] =	vst.idx.msk $0xffff, v2;
	v54 =	vld [tilespmem:s14+$0xFFFFFFD0];
	v6 =	vadd.s32 v31, v39  }
0x4e8: {  	v2 =	vld [tilespmem:s14+$0x1F0];
	[tilespmem:v56+s28+$0x0] =	vst.idx.msk $0xffff, v0;
	v0 =	vadd.f32 v62, v35;
	v56 =	vadd.s32 v7, v44  }
0x4e9: {  	[tilespmem:v3+s28+$0x0] =	vst.idx.msk $0xffff, v4;
	v4 =	vadd.s32 v14, v48;
	v3 =	vadd.f32 v53, v35;
	v53 =	vld [tilespmem:s14+$0x50]  }
0x4ea: {  	v52 =	vadd.s32 v60, v52;
	[tilespmem:v58+s28+$0x0] =	vst.idx.msk $0xffff, v0;
	v0 =	vadd.f32 v59, v35  }
0x4eb: {  	v62 =	vld [tilespmem:s14+$0x90];
	v55 =	vadd.f32 v55, v35;
	[tilespmem:v5+s28+$0x0] =	vst.idx.msk $0xffff, v3;
	v3 =	vadd.s32 v11, v45  }
0x4ec: {  	v5 =	vld [tilespmem:s14+$0xD0];
	[tilespmem:v6+s28+$0x0] =	vst.idx.msk $0xffff, v0;
	v0 =	vadd.f32 v54, v35  }
0x4ed: {  	v2 =	vadd.f32 v2, v33;
	v6 =	vadd.s32 v10, v43;
	v54 =	vld [tilespmem:s14+$0x110];
	[tilespmem:v56+s28+$0x0] =	vst.idx.msk $0xffff, v55  }
0x4ee: {  	v58 =	vadd.s32 v15, v40;
	v59 =	vld [tilespmem:s14+$0x150];
	[tilespmem:v4+s28+$0x0] =	vst.idx.msk $0xffff, v0;
	v0 =	vadd.f32 v53, v35  }
0x4ef: {  	v55 =	vadd.s32 v18, v38;
	[tilespmem:v52+s28+$0x0] =	vst.idx.msk $0xffff, v2;
	v2 =	vadd.s32 v23, v41;
	v4 =	vld [tilespmem:s14+$0x190]  }
0x4f0: {  	v56 =	vadd.s32 v8, v37;
	v52 =	vld [tilespmem:s14+$0xFFFFFE10];
	v53 =	vadd.f32 v62, v35;
	[tilespmem:v3+s28+$0x0] =	vst.idx.msk $0xffff, v0  }
0x4f1: {  	v62 =	vld [tilespmem:s14+$0xFFFFFE60];
	v0 =	vadd.f32 v5, v35;
	v3 =	vadd.s32 v31, v46;
	v5 =	vadd.s32 v7, v37  }
0x4f2: {  	v37 =	vadd.s32 v9, v37;
	[tilespmem:v6+s28+$0x0] =	vst.idx.msk $0xffff, v53;
	v6 =	vadd.f32 v54, v35  }
0x4f3: {  	v57 =	vld [tilespmem:s14+$0xFFFFFEA0];
	v53 =	vadd.s32 v12, v50;
	[tilespmem:v58+s28+$0x0] =	vst.idx.msk $0xffff, v0;
	v0 =	vadd.f32 v59, v35  }
0x4f4: {  	v54 =	vld [tilespmem:s14+$0xFFFFFEE0];
	v58 =	vadd.s32 v16, v51;
	[tilespmem:v2+s28+$0x0] =	vst.idx.msk $0xffff, v6;
	v2 =	vadd.f32 v4, v35  }
0x4f5: {  	v59 =	vld [tilespmem:s14+$0xFFFFFF20];
	v4 =	vadd.f32 v52, v35;
	v6 =	vadd.s32 v20, v49;
	[tilespmem:v55+s28+$0x0] =	vst.idx.msk $0xffff, v0  }
0x4f6: {  	v52 =	vld [tilespmem:s14+$0xFFFFFF60];
	v49 =	vadd.s32 v21, v49;
	v0 =	vadd.f32 v62, v34;
	[tilespmem:v3+s28+$0x0] =	vst.idx.msk $0xffff, v2  }
0x4f7: {  	v55 =	vadd.s32 v24, v47;
	v47 =	vadd.s32 v25, v47;
	[tilespmem:v5+s28+$0x0] =	vst.idx.msk $0xffff, v4  }
0x4f8: {  	v62 =	vld [tilespmem:s14+$0xFFFFFFA0];
	v2 =	vadd.f32 v57, v34;
	v3 =	vadd.s32 v28, v42;
	v5 =	vadd.s32 v30, v39  }
0x4f9: {  	v4 =	vld [tilespmem:s14+$0xFFFFFFE0];
	v42 =	vadd.s32 v29, v42;
	[tilespmem:v53+s28+$0x0] =	vst.idx.msk $0xffff, v0;
	v0 =	vadd.f32 v54, v34  }
0x4fa: {  	v53 =	vld [tilespmem:s14+$0x20];
	v54 =	vadd.s32 v61, v48;
	[tilespmem:v58+s28+$0x0] =	vst.idx.msk $0xffff, v2;
	v2 =	vadd.f32 v59, v34  }
0x4fb: {  	v57 =	vld [tilespmem:s14+$0x60];
	v48 =	vadd.s32 v60, v48;
	[tilespmem:v6+s28+$0x0] =	vst.idx.msk $0xffff, v0;
	v0 =	vadd.f32 v52, v34  }
0x4fc: {  	v58 =	vld [tilespmem:s14+$0xFFFFFE20];
	v6 =	vadd.s32 v8, v44;
	v44 =	vadd.s32 v9, v44;
	[tilespmem:v55+s28+$0x0] =	vst.idx.msk $0xffff, v2  }
0x4fd: {  	v61 =	vld [tilespmem:s14+$0xA0];
	v2 =	vadd.f32 v62, v34;
	v55 =	vadd.s32 v12, v45;
	v45 =	vadd.s32 v13, v45  }
0x4fe: {  	v62 =	vld [tilespmem:s14+$0xE0];
	[tilespmem:v3+s28+$0x0] =	vst.idx.msk $0xffff, v0;
	v0 =	vadd.f32 v4, v34;
	v3 =	vadd.s32 v16, v43  }
0x4ff: {  	v4 =	vld [tilespmem:s14+$0x120];
	[tilespmem:v5+s28+$0x0] =	vst.idx.msk $0xffff, v2;
	v2 =	vadd.f32 v53, v34;
	v5 =	vadd.s32 v20, v40  }
0x500: {  	v53 =	vld [tilespmem:s14+$0x160];
	[tilespmem:v54+s28+$0x0] =	vst.idx.msk $0xffff, v0;
	v0 =	vadd.f32 v57, v34;
	v54 =	vadd.s32 v24, v41  }
0x501: {  	v57 =	vld [tilespmem:s14+$0x1A0];
	v58 =	vadd.f32 v58, v34;
	v41 =	vadd.s32 v25, v41;
	[tilespmem:v6+s28+$0x0] =	vst.idx.msk $0xffff, v2  }
0x502: {  	v2 =	vadd.f32 v61, v34;
	v6 =	vadd.s32 v28, v38;
	v61 =	vld [tilespmem:s14+$0xFFFFFE70];
	[tilespmem:v55+s28+$0x0] =	vst.idx.msk $0xffff, v0  }
0x503: {  	v0 =	vadd.f32 v62, v34;
	v55 =	vadd.s32 v30, v46;
	v62 =	vld [tilespmem:s14+$0xFFFFFEB0];
	[tilespmem:v56+s28+$0x0] =	vst.idx.msk $0xffff, v58  }
0x504: {  	[tilespmem:v3+s28+$0x0] =	vst.idx.msk $0xffff, v2;
	v2 =	vadd.f32 v4, v34;
	v3 =	vadd.s32 v13, v50;
	v4 =	vld [tilespmem:s14+$0xFFFFFEF0]  }
0x505: {  	v50 =	vadd.s32 v17, v51;
	v51 =	vld [tilespmem:s14+$0xFFFFFF30];
	[tilespmem:v5+s28+$0x0] =	vst.idx.msk $0xffff, v0;
	v0 =	vadd.f32 v53, v34  }
0x506: {  	s16 =	sadd.s32 $0x3, s15;
	v38 =	vadd.s32 v29, v38;
	[tilespmem:v54+s28+$0x0] =	vst.idx.msk $0xffff, v2;
	v2 =	vadd.f32 v57, v34;
	v54 =	vld [tilespmem:s14+$0xFFFFFF70]  }
0x507: {  	v56 =	vmov s16;
	s16 =	sadd.s32 $0x7, s15;
	v46 =	vadd.s32 v22, v46;
	[tilespmem:v6+s28+$0x0] =	vst.idx.msk $0xffff, v0;
	v6 =	vadd.f32 v61, v33;
	v61 =	vld [tilespmem:s14+$0xFFFFFFB0]  }
0x508: {  	s18 =	sadd.s32 $0x5, s15;
	v52 =	vmov s16;
	v5 =	vmov s15;
	[tilespmem:v55+s28+$0x0] =	vst.idx.msk $0xffff, v2;
	v62 =	vadd.f32 v62, v33;
	v55 =	vld [tilespmem:s14+$0xFFFFFFF0]  }
0x509: {  	v53 =	vmov s18;
	s18 =	sadd.s32 $0x9, s15;
	[tilespmem:v3+s28+$0x0] =	vst.idx.msk $0xffff, v6;
	v3 =	vadd.f32 v4, v33;
	v4 =	vadd.s32 v22, v39;
	v6 =	vld [tilespmem:s14+$0x30]  }
0x50a: {  	s6 =	sadd.s32 $0x1, s15;
	v5 =	vshrl.u32 v5, $0x3;
	v57 =	vmov s18;
	v59 =	vadd.f32 v51, v33;
	v51 =	vld [tilespmem:s14+$0x70];
	[tilespmem:v50+s28+$0x0] =	vst.idx.msk $0xffff, v62  }
0x50b: {  	s7 =	sadd.s32 $0x2, s15;
	s17 =	sadd.s32 $0x4, s15;
	v60 =	vld [tilespmem:s14+$0xB0];
	v0 =	vmov s6;
	v5 =	vshll.u32 v5, v1;
	[tilespmem:v49+s28+$0x0] =	vst.idx.msk $0xffff, v3;
	v3 =	vadd.f32 v54, v33  }
0x50c: {  	v2 =	vmov s7;
	v39 =	vmov s17;
	[tilespmem:v47+s28+$0x0] =	vst.idx.msk $0xffff, v59;
	v47 =	vld [tilespmem:s14+$0x1B0];
	v61 =	vadd.f32 v61, v33  }
0x50d: {  	s16 =	sadd.s32 $0xB, s15;
	s7 =	sadd.s32 $0x6, s15;
	v62 =	vld [tilespmem:s14+$0xF0];
	v50 =	vshrl.u32 v2, $0x3;
	[tilespmem:v42+s28+$0x0] =	vst.idx.msk $0xffff, v3;
	v3 =	vadd.f32 v55, v33;
	v42 =	vadd.s32 v17, v43  }
0x50e: {  	v54 =	vmov s7;
	s7 =	sadd.s32 $0xA, s15;
	v59 =	vmov s16;
	v43 =	vld [tilespmem:s14+$0x130];
	[tilespmem:v4+s28+$0x0] =	vst.idx.msk $0xffff, v61;
	v4 =	vadd.f32 v6, v33  }
0x50f: {  	s17 =	sadd.s32 $0x8, s15;
	v58 =	vmov s7;
	v6 =	vadd.s32 v21, v40;
	v40 =	vld [tilespmem:s14+$0x170];
	[tilespmem:v48+s28+$0x0] =	vst.idx.msk $0xffff, v3;
	v3 =	vadd.f32 v51, v33  }
0x510: {  	s18 =	sadd.s32 $0xD, s15;
	v49 =	vshrl.u32 v54, $0x3;
	v55 =	vmov s17;
	v48 =	vld [tilespmem:s14+$0xFFFFFE30];
	[tilespmem:v44+s28+$0x0] =	vst.idx.msk $0xffff, v4;
	v4 =	vadd.f32 v60, v33  }
0x511: {  	v61 =	vmov s18;
	v44 =	vshrl.u32 v0, $0x3;
	v0 =	vadd.f32 v47, v33;
	[tilespmem:v45+s28+$0x0] =	vst.idx.msk $0xffff, v3  }
0x512: {  	p1 =	slt.u32 s15, $0x70;
	s17 =	sadd.s32 $0xC, s15;
	v51 =	vshrl.u32 v39, $0x3;
	v39 =	vshrl.u32 v61, $0x3;
	v3 =	vadd.f32 v62, v33;
	[tilespmem:v42+s28+$0x0] =	vst.idx.msk $0xffff, v4  }
.Ltmp8:
0x513: {  	s7 =	sadd.s32 $0xE, s15;
	v60 =	vmov s17;
	v47 =	vshrl.u32 v55, $0x3;
	v4 =	vadd.f32 v43, v33;
	[tilespmem:v46+s28+$0x0] =	vst.idx.msk $0xffff, v0;
	(pc) =	sbr.rel @p1 .LBB2_15-.Ltmp8, $4  }
0x514: {  	v62 =	vmov s7;
	v45 =	vshrl.u32 v56, $0x3;
	[tilespmem:v6+s28+$0x0] =	vst.idx.msk $0xffff, v3;
	v3 =	vadd.f32 v40, v33  }
0x515: {  	v46 =	vshrl.u32 v52, $0x3;
	v42 =	vshrl.u32 v58, $0x3;
	[tilespmem:v41+s28+$0x0] =	vst.idx.msk $0xffff, v4;
	v2 =	vadd.f32 v48, v33  }
0x516: {  	v43 =	vshrl.u32 v59, $0x3;
	v40 =	vshrl.u32 v62, $0x3;
	v48 =	vshrl.u32 v53, $0x3;
	[tilespmem:v38+s28+$0x0] =	vst.idx.msk $0xffff, v3  }
0x517: {  	s16 =	sadd.s32 $0xF, s15;
	s15 =	sadd.s32 $0x10, s15;
	v41 =	vshrl.u32 v60, $0x3;
	v38 =	vshrl.u32 v57, $0x3;
	[tilespmem:v37+s28+$0x0] =	vst.idx.msk $0xffff, v2;
	v37 =	vbroadcast v5, $0x0  }
0x518: {  	v3 =	vmov s16  }
0x519: {  	v26 =	vld [tilespmem:$0x1FE60];
	v3 =	vshrl.u32 v3, $0x3  }
0x51a: {  	s14 =	sadd.s32 $0x400, s14;
	v10 =	vld [tilespmem:$0x1FEA0];
	v3 =	vshll.u32 v3, v1  }
0x51b: {  	v15 =	vld [tilespmem:s14+$0x1C0];
	v3 =	vbroadcast v3, $0x0  }
0x51c: {  	v0 =	vshll.u32 v44, v1;
	v62 =	vshll.u32 v49, v1;
	v18 =	vld [tilespmem:s14+$0xFFFFFE00]  }
0x51d: {  	v49 =	vshll.u32 v38, v1;
	v19 =	vld [tilespmem:s14+$0xFFFFFE40];
	v38 =	vbroadcast v0, $0x0;
	v52 =	vadd.s32 v32, v3  }
0x51e: {  	v2 =	vshll.u32 v50, v1;
	v53 =	vadd.s32 v63, v37;
	v54 =	vld [tilespmem:s14+$0xFFFFFE80]  }
0x51f: {  	v0 =	vshll.u32 v41, v1;
	v41 =	vbroadcast v2, $0x0;
	v56 =	vld [tilespmem:s14+$0xFFFFFEC0];
	v55 =	vadd.s32 v26, v38  }
0x520: {  	v27 =	vadd.f32 v15, v36;
	v15 =	vld [tilespmem:$0x1FEE0]  }
0x521: {  	v58 =	vld [tilespmem:s14+$0xFFFFFF00];
	v57 =	vadd.s32 v10, v41;
	v60 =	vadd.f32 v18, v36  }
0x522: {  	v4 =	vshll.u32 v45, v1;
	v59 =	vld [tilespmem:s14+$0xFFFFFF40];
	v61 =	vadd.f32 v19, v36;
	[tilespmem:v52+s28+$0x0] =	vst.idx.msk $0xffff, v27  }
0x523: {  	v5 =	vshll.u32 v51, v1;
	v2 =	vshll.u32 v39, v1;
	v39 =	vbroadcast v4, $0x0;
	v14 =	vld [tilespmem:$0x1FF20];
	[tilespmem:v53+s28+$0x0] =	vst.idx.msk $0xffff, v60  }
0x524: {  	v51 =	vshll.u32 v43, v1;
	v43 =	vbroadcast v62, $0x0;
	v62 =	vadd.f32 v54, v36;
	v19 =	vld [tilespmem:$0x1FF60];
	[tilespmem:v55+s28+$0x0] =	vst.idx.msk $0xffff, v61  }
0x525: {  	v6 =	vshll.u32 v48, v1;
	v48 =	vadd.s32 v15, v39;
	v18 =	vld [tilespmem:$0x1FFA0]  }
0x526: {  	v45 =	vshll.u32 v46, v1;
	v4 =	vshll.u32 v40, v1;
	v40 =	vbroadcast v5, $0x0;
	v52 =	vld [tilespmem:s14+$0xFFFFFF80];
	[tilespmem:v57+s28+$0x0] =	vst.idx.msk $0xffff, v62  }
0x527: {  	v46 =	vshll.u32 v47, v1;
	v50 =	vshll.u32 v42, v1;
	v42 =	vbroadcast v6, $0x0;
	v62 =	vld [tilespmem:$0x1FE00]  }
0x528: {  	v44 =	vbroadcast v45, $0x0;
	v27 =	vadd.f32 v56, v36;
	v5 =	vadd.s32 v14, v40  }
0x529: {  	v45 =	vbroadcast v46, $0x0;
	v47 =	vadd.f32 v58, v36;
	v57 =	vld [tilespmem:s14+$0x0];
	v53 =	vadd.s32 v19, v42  }
0x52a: {  	v46 =	vbroadcast v49, $0x0;
	v54 =	vld [tilespmem:s14+$0x1D0];
	[tilespmem:v48+s28+$0x0] =	vst.idx.msk $0xffff, v27;
	v27 =	vadd.f32 v59, v36;
	v55 =	vadd.s32 v18, v43  }
0x52b: {  	v60 =	vld [tilespmem:s14+$0x40];
	v59 =	vadd.s32 v32, v44;
	v32 =	vadd.f32 v52, v36;
	v52 =	vadd.s32 v63, v45  }
0x52c: {  	v56 =	vld [tilespmem:s14+$0xFFFFFFC0];
	v58 =	vadd.s32 v62, v3  }
0x52d: {  	v6 =	vadd.s32 v26, v46;
	v61 =	vld [tilespmem:s14+$0x80];
	[tilespmem:v5+s28+$0x0] =	vst.idx.msk $0xffff, v47;
	v47 =	vbroadcast v50, $0x0  }
0x52e: {  	v49 =	vbroadcast v0, $0x0;
	v48 =	vbroadcast v51, $0x0;
	v0 =	vadd.f32 v57, v36;
	[tilespmem:v53+s28+$0x0] =	vst.idx.msk $0xffff, v27;
	v53 =	vld [tilespmem:s14+$0xC0]  }
0x52f: {  	v27 =	vadd.f32 v54, v35;
	[tilespmem:v55+s28+$0x0] =	vst.idx.msk $0xffff, v32;
	v54 =	vadd.s32 v10, v47;
	v55 =	vld [tilespmem:s14+$0x100]  }
0x530: {  	v26 =	vadd.s32 v15, v48;
	v50 =	vbroadcast v2, $0x0;
	v2 =	vadd.f32 v60, v36;
	[tilespmem:v52+s28+$0x0] =	vst.idx.msk $0xffff, v0  }
0x531: {  	v32 =	vadd.f32 v56, v36;
	[tilespmem:v58+s28+$0x0] =	vst.idx.msk $0xffff, v27;
	v27 =	vadd.s32 v14, v49  }
0x532: {  	v0 =	vadd.f32 v61, v36;
	[tilespmem:v6+s28+$0x0] =	vst.idx.msk $0xffff, v2  }
0x533: {  	[tilespmem:v59+s28+$0x0] =	vst.idx.msk $0xffff, v32;
	v10 =	vadd.f32 v53, v36  }
0x534: {  	v32 =	vadd.s32 v19, v50;
	v14 =	vld [tilespmem:$0x1FE10];
	[tilespmem:v54+s28+$0x0] =	vst.idx.msk $0xffff, v0;
	v19 =	vadd.f32 v55, v36  }
0x535: {  	v57 =	vld [tilespmem:s14+$0x140];
	[tilespmem:v26+s28+$0x0] =	vst.idx.msk $0xffff, v10  }
0x536: {  	v60 =	vld [tilespmem:s14+$0x180];
	[tilespmem:v27+s28+$0x0] =	vst.idx.msk $0xffff, v19  }
0x537: {  	v51 =	vbroadcast v4, $0x0;
	v15 =	vld [tilespmem:$0x1FEB0]  }
0x538: {  	v58 =	vld [tilespmem:s14+$0x1E0]  }
0x539: {  	v2 =	vld [tilespmem:s14+$0xFFFFFE50];
	v54 =	vadd.s32 v18, v51  }
0x53a: {  	v61 =	vadd.f32 v57, v36;
	v0 =	vld [tilespmem:s14+$0xFFFFFE90];
	v6 =	vadd.s32 v14, v3  }
0x53b: {  	v4 =	vadd.s32 v11, v38  }
0x53c: {  	[tilespmem:v32+s28+$0x0] =	vst.idx.msk $0xffff, v61;
	v32 =	vadd.f32 v60, v36;
	v5 =	vadd.s32 v15, v41  }
0x53d: {  	v10 =	vld [tilespmem:s14+$0xFFFFFF10];
	v27 =	vadd.f32 v58, v34  }
0x53e: {  	v2 =	vadd.f32 v2, v35;
	v18 =	vld [tilespmem:$0x1FEF0];
	[tilespmem:v54+s28+$0x0] =	vst.idx.msk $0xffff, v32  }
0x53f: {  	v26 =	vld [tilespmem:s14+$0xFFFFFED0];
	v0 =	vadd.f32 v0, v35;
	[tilespmem:v6+s28+$0x0] =	vst.idx.msk $0xffff, v27  }
0x540: {  	v19 =	vld [tilespmem:$0x1FF70];
	[tilespmem:v4+s28+$0x0] =	vst.idx.msk $0xffff, v2  }
0x541: {  	v61 =	vld [tilespmem:s14+$0xFFFFFF90];
	v6 =	vadd.s32 v23, v40;
	[tilespmem:v5+s28+$0x0] =	vst.idx.msk $0xffff, v0  }
0x542: {  	v0 =	vadd.f32 v10, v35;
	v10 =	vld [tilespmem:$0x1FFF0]  }
0x543: {  	v60 =	vld [tilespmem:s14+$0xFFFFFF50];
	v52 =	vadd.s32 v18, v39  }
0x544: {  	v27 =	vld [tilespmem:s14+$0x10];
	v4 =	vadd.s32 v31, v43  }
0x545: {  	v54 =	vld [tilespmem:s14+$0x1F0];
	v2 =	vadd.f32 v26, v35;
	v36 =	vadd.s32 v19, v42  }
0x546: {  	v26 =	vld [tilespmem:s14+$0xFFFFFFD0];
	[tilespmem:v6+s28+$0x0] =	vst.idx.msk $0xffff, v0;
	v0 =	vadd.f32 v61, v35;
	v61 =	vadd.s32 v7, v45  }
0x547: {  	v32 =	vadd.s32 v62, v44;
	v62 =	vld [tilespmem:s14+$0x90];
	v3 =	vadd.s32 v10, v3  }
0x548: {  	[tilespmem:v52+s28+$0x0] =	vst.idx.msk $0xffff, v2;
	v2 =	vadd.f32 v60, v35;
	v60 =	vld [tilespmem:s14+$0x50]  }
0x549: {  	v15 =	vadd.s32 v15, v47;
	v5 =	vadd.f32 v27, v35;
	[tilespmem:v4+s28+$0x0] =	vst.idx.msk $0xffff, v0  }
0x54a: {  	v54 =	vadd.f32 v54, v33;
	[tilespmem:v36+s28+$0x0] =	vst.idx.msk $0xffff, v2;
	v2 =	vadd.s32 v11, v46;
	v11 =	vld [tilespmem:s14+$0xD0]  }
0x54b: {  	v55 =	vld [tilespmem:s14+$0x110];
	v0 =	vadd.f32 v26, v35;
	[tilespmem:v61+s28+$0x0] =	vst.idx.msk $0xffff, v5  }
0x54c: {  	v26 =	vld [tilespmem:s14+$0x150];
	v61 =	vadd.f32 v62, v35;
	[tilespmem:v3+s28+$0x0] =	vst.idx.msk $0xffff, v54;
	v3 =	vadd.s32 v18, v48  }
0x54d: {  	v27 =	vadd.s32 v23, v49;
	[tilespmem:v32+s28+$0x0] =	vst.idx.msk $0xffff, v0;
	v0 =	vadd.f32 v60, v35;
	v60 =	vld [tilespmem:s14+$0xFFFFFE10]  }
0x54e: {  	v32 =	vld [tilespmem:s14+$0x190];
	v62 =	vadd.s32 v19, v50;
	[tilespmem:v15+s28+$0x0] =	vst.idx.msk $0xffff, v61  }
0x54f: {  	v15 =	vadd.s32 v7, v37;
	[tilespmem:v2+s28+$0x0] =	vst.idx.msk $0xffff, v0;
	v0 =	vld [tilespmem:s14+$0xFFFFFE60];
	v2 =	vadd.f32 v11, v35  }
0x550: {  	v55 =	vadd.f32 v55, v35;
	v23 =	vld [tilespmem:s14+$0xFFFFFF20];
	v11 =	vadd.s32 v31, v51  }
0x551: {  	v54 =	vadd.f32 v26, v35;
	[tilespmem:v3+s28+$0x0] =	vst.idx.msk $0xffff, v2;
	v2 =	vadd.s32 v12, v38;
	v3 =	vld [tilespmem:s14+$0xFFFFFEE0]  }
0x552: {  	[tilespmem:v27+s28+$0x0] =	vst.idx.msk $0xffff, v55;
	v18 =	vld [tilespmem:s14+$0xFFFFFEA0];
	v5 =	vadd.f32 v60, v35;
	v31 =	vadd.s32 v24, v40  }
0x553: {  	v27 =	vld [tilespmem:s14+$0xFFFFFF60];
	v53 =	vadd.f32 v32, v35;
	v26 =	vadd.s32 v20, v39;
	[tilespmem:v62+s28+$0x0] =	vst.idx.msk $0xffff, v54  }
0x554: {  	v57 =	vld [tilespmem:s14+$0xFFFFFFA0];
	v19 =	vadd.s32 v16, v41;
	[tilespmem:v15+s28+$0x0] =	vst.idx.msk $0xffff, v5;
	v0 =	vadd.f32 v0, v34  }
0x555: {  	v59 =	vadd.s32 v28, v42;
	v61 =	vadd.f32 v23, v34;
	v60 =	vld [tilespmem:s14+$0xFFFFFFE0];
	[tilespmem:v11+s28+$0x0] =	vst.idx.msk $0xffff, v53  }
0x556: {  	[tilespmem:v2+s28+$0x0] =	vst.idx.msk $0xffff, v0;
	v0 =	vadd.f32 v3, v34;
	v2 =	vadd.s32 v30, v43;
	v3 =	vld [tilespmem:s14+$0x20]  }
0x557: {  	v62 =	vadd.s32 v14, v44;
	v58 =	vadd.f32 v18, v34;
	v11 =	vld [tilespmem:s14+$0x60];
	[tilespmem:v31+s28+$0x0] =	vst.idx.msk $0xffff, v61  }
0x558: {  	v14 =	vadd.s32 v8, v45;
	v15 =	vld [tilespmem:s14+$0xA0];
	[tilespmem:v26+s28+$0x0] =	vst.idx.msk $0xffff, v0;
	v0 =	vadd.f32 v27, v34  }
0x559: {  	v18 =	vadd.f32 v57, v34;
	v23 =	vld [tilespmem:s14+$0xE0];
	[tilespmem:v19+s28+$0x0] =	vst.idx.msk $0xffff, v58;
	v19 =	vadd.s32 v12, v46  }
0x55a: {  	v26 =	vadd.s32 v16, v47;
	v27 =	vld [tilespmem:s14+$0x120];
	[tilespmem:v59+s28+$0x0] =	vst.idx.msk $0xffff, v0;
	v0 =	vadd.f32 v60, v34  }
0x55b: {  	v31 =	vld [tilespmem:s14+$0x160];
	[tilespmem:v2+s28+$0x0] =	vst.idx.msk $0xffff, v18;
	v2 =	vadd.f32 v3, v34;
	v3 =	vadd.s32 v20, v48  }
0x55c: {  	v57 =	vadd.s32 v24, v49;
	v58 =	vld [tilespmem:s14+$0x1A0];
	[tilespmem:v62+s28+$0x0] =	vst.idx.msk $0xffff, v0;
	v0 =	vadd.f32 v11, v34  }
0x55d: {  	v59 =	vadd.f32 v15, v34;
	v60 =	vadd.s32 v28, v50;
	[tilespmem:v14+s28+$0x0] =	vst.idx.msk $0xffff, v2;
	v2 =	vld [tilespmem:s14+$0xFFFFFE20]  }
0x55e: {  	v61 =	vadd.f32 v23, v34;
	v62 =	vadd.s32 v30, v51;
	[tilespmem:v19+s28+$0x0] =	vst.idx.msk $0xffff, v0;
	v0 =	vld [tilespmem:s14+$0xFFFFFE70]  }
0x55f: {  	v12 =	vld [tilespmem:s14+$0xFFFFFEB0];
	v11 =	vadd.s32 v8, v37;
	[tilespmem:v26+s28+$0x0] =	vst.idx.msk $0xffff, v59;
	v6 =	vadd.f32 v27, v34  }
0x560: {  	v4 =	vadd.f32 v31, v34;
	v14 =	vld [tilespmem:s14+$0xFFFFFEF0];
	[tilespmem:v3+s28+$0x0] =	vst.idx.msk $0xffff, v61;
	v3 =	vadd.s32 v13, v38  }
0x561: {  	v16 =	vld [tilespmem:s14+$0xFFFFFF30];
	v15 =	vadd.s32 v17, v41;
	v18 =	vadd.f32 v58, v34;
	[tilespmem:v57+s28+$0x0] =	vst.idx.msk $0xffff, v6  }
0x562: {  	v20 =	vld [tilespmem:s14+$0xFFFFFF70];
	v19 =	vadd.s32 v21, v39;
	[tilespmem:v60+s28+$0x0] =	vst.idx.msk $0xffff, v4;
	v2 =	vadd.f32 v2, v34  }
0x563: {  	v23 =	vadd.s32 v25, v40;
	v24 =	vld [tilespmem:s14+$0xFFFFFFB0];
	[tilespmem:v62+s28+$0x0] =	vst.idx.msk $0xffff, v18;
	v0 =	vadd.f32 v0, v33  }
0x564: {  	v26 =	vadd.s32 v29, v42;
	v27 =	vld [tilespmem:s14+$0xFFFFFFF0];
	[tilespmem:v11+s28+$0x0] =	vst.idx.msk $0xffff, v2;
	v2 =	vadd.f32 v12, v33  }
0x565: {  	v28 =	vld [tilespmem:s14+$0x30];
	[tilespmem:v3+s28+$0x0] =	vst.idx.msk $0xffff, v0;
	v0 =	vadd.f32 v14, v33;
	v3 =	vadd.s32 v22, v43  }
0x566: {  	v30 =	vadd.s32 v10, v44;
	v31 =	vld [tilespmem:s14+$0x70];
	[tilespmem:v15+s28+$0x0] =	vst.idx.msk $0xffff, v2;
	v2 =	vadd.f32 v16, v33  }
0x567: {  	v44 =	vadd.s32 v9, v45;
	v45 =	vld [tilespmem:s14+$0xB0];
	[tilespmem:v19+s28+$0x0] =	vst.idx.msk $0xffff, v0;
	v0 =	vadd.f32 v20, v33  }
0x568: {  	v46 =	vadd.s32 v13, v46;
	v52 =	vld [tilespmem:s14+$0xF0];
	[tilespmem:v23+s28+$0x0] =	vst.idx.msk $0xffff, v2;
	v2 =	vadd.f32 v24, v33  }
0x569: {  	v53 =	vadd.s32 v17, v47;
	v54 =	vld [tilespmem:s14+$0x130];
	[tilespmem:v26+s28+$0x0] =	vst.idx.msk $0xffff, v0;
	v0 =	vadd.f32 v27, v33  }
0x56a: {  	v55 =	vld [tilespmem:s14+$0x170];
	[tilespmem:v3+s28+$0x0] =	vst.idx.msk $0xffff, v2;
	v2 =	vadd.f32 v28, v33;
	v3 =	vadd.s32 v21, v48  }
0x56b: {  	v56 =	vadd.s32 v25, v49;
	v57 =	vld [tilespmem:s14+$0x1B0];
	[tilespmem:v30+s28+$0x0] =	vst.idx.msk $0xffff, v0;
	v0 =	vadd.f32 v31, v33  }
0x56c: {  	v59 =	vadd.s32 v29, v50;
	v58 =	vadd.f32 v45, v33;
	[tilespmem:v44+s28+$0x0] =	vst.idx.msk $0xffff, v2;
	v2 =	vld [tilespmem:s14+$0xFFFFFE30]  }
0x56d: {  	v60 =	vadd.s32 v22, v51;
	[tilespmem:v46+s28+$0x0] =	vst.idx.msk $0xffff, v0;
	v0 =	vadd.f32 v52, v33  }
0x56e: {  	v61 =	vadd.s32 v9, v37;
	[tilespmem:v53+s28+$0x0] =	vst.idx.msk $0xffff, v58;
	v62 =	vadd.f32 v54, v33  }
0x56f: {  	[tilespmem:v3+s28+$0x0] =	vst.idx.msk $0xffff, v0;
	v0 =	vadd.f32 v55, v33  }
0x570: {  	s6 =	sshll.u32 s12, $0x12;
	[tilespmem:v56+s28+$0x0] =	vst.idx.msk $0xffff, v62;
	v3 =	vadd.f32 v57, v33  }
0x571: {  	s6 =	sor.u32 s4, s6;
	[tilespmem:v59+s28+$0x0] =	vst.idx.msk $0xffff, v0;
	v0 =	vadd.f32 v2, v33  }
0x572: {  	s6 =	sshrl.u32 s6, $0x3;
	[tilespmem:v60+s28+$0x0] =	vst.idx.msk $0xffff, v3  }
0x573: {  	s7 =	simm.s32 $0x17C00;
	s6 =	sadd.s32 s1, s6;
	[tilespmem:v61+s28+$0x0] =	vst.idx.msk $0xffff, v0  }
0x574: {  	[hbm4b:s6+s3] =	stream.linear.scatter [tilespmem:s7], [sflag:$0x8], $0x80, $0x38;
	[tilespmem:$0x19E00] =	vst v63  }
0x575: {  	s12 =	simm.s32 $0x17C88;
	s14 =	sadd.s32 $0x10, s6  }
0x576: {  	[hbm4b:s14+s3] =	stream.linear.scatter [tilespmem:s12], [sflag:$0x8], $0x80, $0x38;
	[tilespmem:$0x19E00] =	vst v63  }
0x577: {  	s15 =	simm.s32 $0x17D10;
	s16 =	sadd.s32 $0x20, s6  }
0x578: {  	[hbm4b:s16+s3] =	stream.linear.scatter [tilespmem:s15], [sflag:$0x8], $0x80, $0x38;
	[tilespmem:$0x19E00] =	vst v63  }
0x579: {  	s17 =	simm.s32 $0x17D98;
	s18 =	sadd.s32 $0x30, s6  }
0x57a: {  	[hbm4b:s18+s3] =	stream.linear.scatter [tilespmem:s17], [sflag:$0x8], $0x80, $0x38;
	[tilespmem:$0x19E00] =	vst v63  }
0x57b: {  	s12 =	simm.s32 $0x17E20;
	s14 =	sadd.s32 $0x40, s6  }
0x57c: {  	[hbm4b:s14+s3] =	stream.linear.scatter [tilespmem:s12], [sflag:$0x8], $0x80, $0x38;
	[tilespmem:$0x19E00] =	vst v63  }
0x57d: {  	s15 =	simm.s32 $0x17EA8;
	s16 =	sadd.s32 $0x50, s6;
	s17 =	simm.s32 $0x17F30  }
0x57e: {  	[hbm4b:s16+s3] =	stream.linear.scatter [tilespmem:s15], [sflag:$0x8], $0x80, $0x38;
	[tilespmem:$0x19E00] =	vst v63  }
0x57f: {  	s18 =	sadd.s32 $0x60, s6;
	s12 =	simm.s32 $0x440;
	s14 =	sadd.s32 $0x1000, s6  }
0x580: {  	[hbm4b:s18+s3] =	stream.linear.scatter [tilespmem:s17], [sflag:$0x8], $0x80, $0x38;
	[tilespmem:$0x19E00] =	vst v63  }
0x581: {  	s15 =	simm.s32 $0x2200;
	s16 =	simm.s32 $0x17FB8;
	s17 =	sadd.s32 $0x70, s6  }
.LBB2_17:
0x582: {  	[hbm4b:s17+s3] =	stream.linear.scatter [tilespmem:s16], [sflag:$0x8], $0x80, $0x38;
	[tilespmem:$0x19E00] =	vst v63  }
0x583: {  	s6 =	smov.u32 s12;
	s7 =	smov.u32 s15  }
0x584: {  	s12 =	sshra.s32 s7, $0x2;
	s7 =	sadd.s32 $0x1100, s15;
	s16 =	sadd.s32 $0x17C00, s6  }
0x585: {  	[hbm4b:s14+s3] =	stream.linear.scatter [tilespmem:s16], [sflag:$0x8], $0x80, $0x38;
	[tilespmem:$0x19E00] =	vst v63  }
0x586: {  	p1 =	sne.s32 s15, $0x7700;
	s15 =	sadd.s32 $0x17C88, s6;
	s16 =	sadd.s32 $0x10, s14  }
0x587: {  	[hbm4b:s16+s3] =	stream.linear.scatter [tilespmem:s15], [sflag:$0x8], $0x80, $0x38;
	[tilespmem:$0x19E00] =	vst v63  }
0x588: {  	s15 =	sadd.s32 $0x17D10, s6;
	s16 =	sadd.s32 $0x20, s14  }
0x589: {  	[hbm4b:s16+s3] =	stream.linear.scatter [tilespmem:s15], [sflag:$0x8], $0x80, $0x38;
	[tilespmem:$0x19E00] =	vst v63  }
0x58a: {  	s15 =	sadd.s32 $0x17D98, s6;
	s16 =	sadd.s32 $0x30, s14  }
0x58b: {  	[hbm4b:s16+s3] =	stream.linear.scatter [tilespmem:s15], [sflag:$0x8], $0x80, $0x38;
	[tilespmem:$0x19E00] =	vst v63  }
0x58c: {  	s15 =	sadd.s32 $0x17E20, s6;
	s16 =	sadd.s32 $0x40, s14  }
0x58d: {  	[hbm4b:s16+s3] =	stream.linear.scatter [tilespmem:s15], [sflag:$0x8], $0x80, $0x38;
	[tilespmem:$0x19E00] =	vst v63  }
.Ltmp9:
0x58e: {  	s15 =	sadd.s32 $0x17EA8, s6;
	s16 =	sadd.s32 $0x50, s14;
	(pc) =	sbr.rel @p1 .LBB2_17-.Ltmp9, $4  }
0x58f: {  	[hbm4b:s16+s3] =	stream.linear.scatter [tilespmem:s15], [sflag:$0x8], $0x80, $0x38;
	[tilespmem:$0x19E00] =	vst v63  }
0x590: {  	s17 =	sadd.s32 $0x70, s14;
	s15 =	sadd.s32 $0x17F30, s6;
	s16 =	sadd.s32 $0x60, s14  }
0x591: {  	[hbm4b:s16+s3] =	stream.linear.scatter [tilespmem:s15], [sflag:$0x8], $0x80, $0x38;
	[tilespmem:$0x19E00] =	vst v63  }
0x592: {  	s14 =	sadd.s32 $0x1000, s14;
	s16 =	sadd.s32 $0x17FB8, s6;
	s15 =	smov.u32 s7  }
0x593: {  	[hbm4b:s17+s3] =	stream.linear.scatter [tilespmem:s16], [sflag:$0x8], $0x80, $0x38;
	[tilespmem:$0x19E00] =	vst v63  }
0x594: {  	s6 =	sadd.s32 $0x17C00, s12  }
0x595: {  	[hbm4b:s14+s3] =	stream.linear.scatter [tilespmem:s6], [sflag:$0x8], $0x80, $0x38;
	[tilespmem:$0x19E00] =	vst v63  }
0x596: {  	s18 =	sadd.s32 $0x17C88, s12;
	s7 =	sadd.s32 $0x10, s14  }
0x597: {  	[hbm4b:s7+s3] =	stream.linear.scatter [tilespmem:s18], [sflag:$0x8], $0x80, $0x38;
	[tilespmem:$0x19E00] =	vst v63  }
0x598: {  	s15 =	sadd.s32 $0x17D10, s12;
	s16 =	sadd.s32 $0x20, s14  }
0x599: {  	[hbm4b:s16+s3] =	stream.linear.scatter [tilespmem:s15], [sflag:$0x8], $0x80, $0x38;
	[tilespmem:$0x19E00] =	vst v63  }
0x59a: {  	s17 =	sadd.s32 $0x17D98, s12;
	s18 =	sadd.s32 $0x30, s14  }
0x59b: {  	[hbm4b:s18+s3] =	stream.linear.scatter [tilespmem:s17], [sflag:$0x8], $0x80, $0x38;
	[tilespmem:$0x19E00] =	vst v63  }
0x59c: {  	s15 =	sadd.s32 $0x17E20, s12;
	s16 =	sadd.s32 $0x40, s14  }
0x59d: {  	[hbm4b:s16+s3] =	stream.linear.scatter [tilespmem:s15], [sflag:$0x8], $0x80, $0x38;
	[tilespmem:$0x19E00] =	vst v63  }
0x59e: {  	s17 =	sadd.s32 $0x17EA8, s12;
	s18 =	sadd.s32 $0x50, s14  }
0x59f: {  	[hbm4b:s18+s3] =	stream.linear.scatter [tilespmem:s17], [sflag:$0x8], $0x80, $0x38;
	[tilespmem:$0x19E00] =	vst v63  }
.Ltmp10:
0x5a0: {  	_ = 	snop;
	(pc) =	sbr.rel @p0 .LBB2_20-.Ltmp10, $4  }
0x5a1: {  	s15 =	sadd.s32 $0x17F30, s12;
	s16 =	sadd.s32 $0x60, s14  }
0x5a2: {  	[hbm4b:s16+s3] =	stream.linear.scatter [tilespmem:s15], [sflag:$0x8], $0x80, $0x38;
	[tilespmem:$0x19E00] =	vst v63  }
0x5a3: {  	s17 =	sadd.s32 $0x17FB8, s12;
	s18 =	sadd.s32 $0x70, s14  }
0x5a4: {  	[hbm4b:s18+s3] =	stream.linear.scatter [tilespmem:s17], [sflag:$0x8], $0x80, $0x38;
	[tilespmem:$0x19E00] =	vst v63  }
0x5a5: {  	_ =	swait.ge [sflag:s0], $0x2000  }
0x5a6: {  	v8 =	vld [tilespmem:$0x1FE40]  }
0x5a7: {  	v10 =	vld [tilespmem:$0x1FE50]  }
0x5a8: {  	v11 =	vld [tilespmem:$0x1FE60]  }
0x5a9: {  	v13 =	vld [tilespmem:$0x1FE70]  }
0x5aa: {  	v12 =	vld [tilespmem:$0x1FE80]  }
0x5ab: {  	v14 =	vld [tilespmem:$0x1FE90]  }
0x5ac: {  	v7 =	vld [tilespmem:$0x1FEA0]  }
0x5ad: {  	v16 =	vld [tilespmem:$0x1FEB0]  }
0x5ae: {  	v17 =	vld [tilespmem:$0x1FED0]  }
0x5af: {  	v18 =	vld [tilespmem:$0x1FEE0]  }
0x5b0: {  	v19 =	vld [tilespmem:$0x1FEF0]  }
0x5b1: {  	v20 =	vld [tilespmem:$0x1FF00]  }
0x5b2: {  	v21 =	vld [tilespmem:$0x1FF10]  }
0x5b3: {  	v22 =	vld [tilespmem:$0x1FF20]  }
0x5b4: {  	v23 =	vld [tilespmem:$0x1FF30]  }
0x5b5: {  	v24 =	vld [tilespmem:$0x1FF40]  }
0x5b6: {  	v25 =	vld [tilespmem:$0x1FF50]  }
0x5b7: {  	v26 =	vld [tilespmem:$0x1FF60]  }
0x5b8: {  	v27 =	vld [tilespmem:$0x1FF70]  }
0x5b9: {  	v28 =	vld [tilespmem:$0x1FF80]  }
0x5ba: {  	v30 =	vld [tilespmem:$0x1FF90]  }
0x5bb: {  	v31 =	vld [tilespmem:$0x1FFA0]  }
.Ltmp11:
0x5bc: {  	v0 =	vld [tilespmem:$0x1FFB0];
	(pc) =	sbr.rel .LBB2_2-.Ltmp11, $4  }
0x5bd: {  	s6 =	sshll.u32 s11, $0x7;
	v15 =	vld [tilespmem:$0x1FFC0]  }
0x5be: {  	[sflag:s0] =	ssyncset.done $0x0;
	s6 =	sadd.s32 $0x380, s6;
	v6 =	vld [tilespmem:$0x1FFD0]  }
0x5bf: {  	s9 =	sadd.s32 $0x1, s9;
	v32 =	vld [tilespmem:$0x1FFE0];
	[sflag:s0] =	ssyncadd.s32 $0xFFFFE000;
	s6 =	sand.u32 $0xFF80, s6  }
0x5c0: {  	v9 =	vld [tilespmem:$0x1FFF0];
	[tilespmem:s19], [sflag:$0x4] =	stream.indirect.gather [hbm4b:s5+s13], $0x40, s6, s13, $0xb8  }
.LBB2_21:
0x5c1: {  	_ =	sfence.sel $0x180000  }
0x5c2: {  	[bflag:$0x0] =	sbarrier.arrive $0xFFFF  }
0x5c3: {  	_ =	strace $0x90000047  }
0x5c4: {  	s0 =	stileid.u32;
	[bflag:$0x2] =	sbarrier.arrive $0xFFFF  }
0x5c5: {  	p0 =	sne.s32 s0, $0x0;
	s0 =	rddreg [dreg:$0x3]  }
0x5c6: {  	s0 =	sadd.s32 @!p0 $0x100000, s0  }
0x5c7: {  	[sflag:s0] =	ssyncadd.tile.s32 @!p0 $0x1;
	_ =	shalt  }
.Lfunc_end2:
_tile_overlayer_lowered:
.L_overlay_start_2:
0x5c8: {  	(tag) =	ssettag $0x2  }
0x5c9: {  	s0 =	rddreg [dreg:$0x0];
	s2 =	stileid.u32  }
0x5ca: {  	s1 =	rddreg [dreg:$0x1];
	p0 =	sne.s32 s2, $0x0  }
0x5cb: {  	s3 =	rddreg [dreg:$0x2];
	[bflag:$0x3] =	sbarrier.arrive $0xFFFF;
	s2 =	simm.s32 @!p0 $0x1C09  }
0x5cc: {  	[timem:s3], [sflag:s2] =	dma.local @!p0 [hbm:s0], s1  }
0x5cd: {  	s0 =	simm.s32 @!p0 $0x9  }
0x5ce: {  	_ =	swait.ge @!p0 [sflag:s0], s1  }
0x5cf: {  	s1 =	ssub.s32 @!p0 $0x0, s1;
	[sflag:s0] =	ssyncset.done @!p0 $0x0  }
0x5d0: {  	[sflag:s0] =	ssyncadd.s32 @!p0 s1  }
0x5d1: {  	[bflag:$0x3] =	sbarrier.arrive $0xFFFF  }
0x5d2: {  	_ =	shalt  }

</sc_bundles>
